<compile_context>
chip_gen: v7x
topology: tpu7x:2x2x1
jax: 0.10.2.dev20260603
libtpu: 0.0.44.dev20260713+nightly
codegen_flags: <defaults>
</compile_context>

<pallas_src>
import functools

import jax
import jax.numpy as jnp
from jax import lax
from jax.experimental import pallas as pl
from jax.experimental.pallas import tpu as pltpu
from jax.experimental.pallas import tpu_sc as plsc

NB = 8
NP = 4 * NB - 1
BOUND = 3.0
MIN_W = 0.001
MIN_H = 0.001
MIN_D = 0.001
MIN_L = 0.025
EPS = 1e-6
LN2 = 0.6931471805599453
SQRT2 = 1.4142135623730951

NC = 2
NS = 16
L = 16
NW = NC * NS

SUB = 8
LANES = 128

R_SC = 2048
TC_B = 2048


def _log_full(x):
    xi = plsc.bitcast(x, jnp.int32)
    e = (jnp.right_shift(xi, 23) & 0xFF) - 127
    m = plsc.bitcast((xi & 0x007FFFFF) | 0x3F800000, jnp.float32)
    big = m > SQRT2
    m = jnp.where(big, 0.5 * m, m)
    e = jnp.where(big, e + 1, e)
    z = (m - 1.0) / (m + 1.0)
    z2 = z * z
    p = 1.0 / 3.0 + z2 * (0.2 + z2 * (1.0 / 7.0 + z2 * (1.0 / 9.0)))
    return e.astype(jnp.float32) * LN2 + (2.0 * z) * (1.0 + z2 * p)


def _log1p_small(u):
    z = u / (u + 2.0)
    z2 = z * z
    p = 1.0 / 3.0 + z2 * (0.2 + z2 * (1.0 / 7.0 + z2 * (1.0 / 9.0)))
    return (2.0 * z) * (1.0 + z2 * p)


def _softplus_sc(x):
    return jnp.maximum(x, 0.0) + _log1p_small(jnp.exp(-jnp.abs(x)))


def _sqrt_nr(r):
    yi = 0x5F3759DF - jnp.right_shift(plsc.bitcast(r, jnp.int32), 1)
    y = plsc.bitcast(yi, jnp.float32)
    y = y * (1.5 - 0.5 * r * y * y)
    y = y * (1.5 - 0.5 * r * y * y)
    y = y * (1.5 - 0.5 * r * y * y)
    return r * y


def _softplus_tc(x):
    return jnp.maximum(x, 0.0) + jnp.log1p(jnp.exp(-jnp.abs(x)))


def _spline_math(x, p, ln, sqrt, softplus):

    def knots(v, mn):
        e = [jnp.exp(v[k]) for k in range(NB)]
        s = e[0]
        for k in range(1, NB):
            s = s + e[k]
        ci = (1.0 - mn * NB) / s
        widths = [mn + ci * e[k] for k in range(NB)]
        cum = widths[0]
        K = [jnp.full_like(x, -BOUND), 6.0 * cum - BOUND]
        for k in range(1, NB - 1):
            cum = cum + widths[k]
            K.append(6.0 * cum - BOUND)
        K.append(jnp.full_like(x, BOUND))
        return K

    Kw = knots(p[0:8], MIN_W)
    Kh = knots(p[8:16], MIN_H)
    dr = p[16:23]
    lr = p[23:31]

    b = [Kw[j] + EPS <= x for j in range(1, 8)]

    def sel8(v, lo=1, hi=8):
        r = v[lo - 1]
        for j in range(lo, hi):
            r = jnp.where(b[j - 1], v[j], r)
        return r

    Kw_s = sel8(Kw[0:8])
    W_s = sel8(Kw[1:9]) - Kw_s
    ya = sel8(Kh[0:8])
    yb = sel8(Kh[1:9])
    H_s = yb - ya
    dr_lo = sel8([dr[0]] + dr, lo=2)
    dr_hi = sel8(dr + [dr[6]], hi=7)
    D_s = jnp.where(b[0], MIN_D + softplus(dr_lo), 1.0 - MIN_D)
    Dp1_s = jnp.where(b[6], 1.0 - MIN_D, MIN_D + softplus(dr_hi))
    lam = (1.0 - 2.0 * MIN_L) / (1.0 + jnp.exp(-sel8(lr))) + MIN_L

    rW = 1.0 / W_s
    wb = sqrt(D_s / Dp1_s)
    lwb = lam * wb
    wc = (lam * D_s + (wb - lwb) * Dp1_s) * W_s / H_s
    l1 = 1.0 - lam
    yc = (lwb * yb + l1 * ya) / (l1 + lwb)
    theta = (x - Kw_s) * rW
    ind = theta <= lam
    ltheta = lam - theta
    wcyc = wc * yc
    wcyctheta = wcyc * theta
    num = jnp.where(ind, wcyctheta + ya * ltheta,
                    (wcyc - wcyctheta) - (wb * yb) * ltheta)
    wctheta = wc * theta
    den = jnp.where(ind, wctheta + ltheta, (wc - wctheta) - wb * ltheta)
    out = num / den
    dnum = wc * jnp.where(ind, lam * (yc - ya), (wb - lwb) * (yb - yc)) * rW
    lad = ln(dnum / (den * den))
    outside = (x < -BOUND) | (x > BOUND)
    out = jnp.where(outside, x, out)
    lad = jnp.where(outside, 0.0, lad)
    return out, lad


def _spline_group(x, p):
    return _spline_math(x, p, _log_full, _sqrt_nr, _softplus_sc)


@jax.jit
def _sc_spline(x2, p3):
    nc, nr = x2.shape
    n_rb = R_SC // LANES
    per_w = (nc // SUB) * n_rb // NW
    mesh = plsc.VectorSubcoreMesh(core_axis_name="c", subcore_axis_name="s")

    @functools.partial(
        pl.kernel,
        mesh=mesh,
        compiler_params=pltpu.CompilerParams(needs_layout_passes=False),
        out_type=(
            jax.ShapeDtypeStruct((nc, R_SC), jnp.float32),
            jax.ShapeDtypeStruct((nc, R_SC), jnp.float32),
        ),
        scratch_types=[
            pltpu.VMEM((NP, SUB, LANES), jnp.float32),
            pltpu.VMEM((NP, SUB, LANES), jnp.float32),
            pltpu.VMEM((SUB, LANES), jnp.float32),
            pltpu.VMEM((SUB, LANES), jnp.float32),
            pltpu.VMEM((SUB, LANES), jnp.float32),
            pltpu.VMEM((SUB, LANES), jnp.float32),
            pltpu.VMEM((SUB, LANES), jnp.float32),
            pltpu.VMEM((SUB, LANES), jnp.float32),
            pltpu.SemaphoreType.DMA,
            pltpu.SemaphoreType.DMA,
            pltpu.SemaphoreType.DMA,
            pltpu.SemaphoreType.DMA,
            pltpu.SemaphoreType.DMA,
            pltpu.SemaphoreType.DMA,
            pltpu.SemaphoreType.DMA,
            pltpu.SemaphoreType.DMA,
        ],
    )
    def k(x_hbm, p_hbm, out_hbm, lad_hbm,
          pv0, pv1, xv0, xv1, ov0, lv0, ov1, lv1,
          isem0, isem1, xsem0, xsem1, osem0, osem1, lsem0, lsem1):
        wid = lax.axis_index("s") * NC + lax.axis_index("c")
        base = wid * per_w

        def slices(i):
            ch = base + i
            c0 = (ch // n_rb) * SUB
            r0 = (ch % n_rb) * LANES
            return pl.ds(c0, SUB), pl.ds(r0, LANES)

        def fire_in(i, pv, xv, isem, xsem):
            cs, rs = slices(i)
            pltpu.async_copy(p_hbm.at[:, cs, rs], pv, isem)
            pltpu.async_copy(x_hbm.at[cs, rs], xv, xsem)

        def wait_in(pv, xv, isem, xsem):
            pltpu.make_async_copy(p_hbm.at[:, pl.ds(0, SUB), pl.ds(0, LANES)],
                                  pv, isem).wait()
            pltpu.make_async_copy(x_hbm.at[pl.ds(0, SUB), pl.ds(0, LANES)],
                                  xv, xsem).wait()

        def fire_out(i, ov, lv, osem, lsem):
            cs, rs = slices(i)
            pltpu.async_copy(ov, out_hbm.at[cs, rs], osem)
            pltpu.async_copy(lv, lad_hbm.at[cs, rs], lsem)

        def wait_out(ov, lv, osem, lsem):
            pltpu.make_async_copy(out_hbm.at[pl.ds(0, SUB), pl.ds(0, LANES)],
                                  ov, osem).wait()
            pltpu.make_async_copy(lad_hbm.at[pl.ds(0, SUB), pl.ds(0, LANES)],
                                  lv, lsem).wait()

        def compute(pv, xv, ov, lv):
            def do_group(ci, gi):
                p = [pv[kk, ci, pl.ds(gi * L, L)] for kk in range(NP)]
                xg = xv[ci, pl.ds(gi * L, L)]
                o, lad = _spline_group(xg, p)
                ov[ci, pl.ds(gi * L, L)] = o
                lv[ci, pl.ds(gi * L, L)] = lad

            def group_body(gg, carry2):
                ci = gg // (LANES // (2 * L))
                gi = gg % (LANES // (2 * L))
                do_group(ci, 2 * gi)
                do_group(ci, 2 * gi + 1)
                return carry2

            lax.fori_loop(0, SUB * LANES // (2 * L), group_body, 0)

        fire_in(0, pv0, xv0, isem0, xsem0)

        def pipe_body(t, carry):
            fire_in(2 * t + 1, pv1, xv1, isem1, xsem1)
            wait_in(pv0, xv0, isem0, xsem0)

            @pl.when(t > 0)
            def _():
                wait_out(ov0, lv0, osem0, lsem0)

            compute(pv0, xv0, ov0, lv0)
            fire_out(2 * t, ov0, lv0, osem0, lsem0)

            @pl.when(2 * t + 2 < per_w)
            def _():
                fire_in(2 * t + 2, pv0, xv0, isem0, xsem0)

            wait_in(pv1, xv1, isem1, xsem1)

            @pl.when(t > 0)
            def _():
                wait_out(ov1, lv1, osem1, lsem1)

            compute(pv1, xv1, ov1, lv1)
            fire_out(2 * t + 1, ov1, lv1, osem1, lsem1)
            return carry

        lax.fori_loop(0, per_w // 2, pipe_body, 0)
        if per_w % 2 == 1:
            wait_in(pv0, xv0, isem0, xsem0)
            if per_w > 1:
                wait_out(ov0, lv0, osem0, lsem0)
            compute(pv0, xv0, ov0, lv0)
            fire_out(per_w - 1, ov0, lv0, osem0, lsem0)
        wait_out(ov0, lv0, osem0, lsem0)
        wait_out(ov1, lv1, osem1, lsem1)

    return k(x2, p3)


def _tc_body(x_ref, p_ref, out_ref, lad_ref):
    x = x_ref[...]
    p = [p_ref[kk] for kk in range(NP)]
    o, lad = _spline_math(x, p, jnp.log, jnp.sqrt, _softplus_tc)
    out_ref[...] = o
    lad_ref[...] = lad


@jax.jit
def _tc_spline(x2, p3):
    nc, nr = x2.shape
    grid = ((nr - R_SC) // TC_B,)
    off = R_SC // TC_B
    return pl.pallas_call(
        _tc_body,
        grid=grid,
        in_specs=[
            pl.BlockSpec((nc, TC_B), lambda i: (0, i + off)),
            pl.BlockSpec((NP, nc, TC_B), lambda i: (0, 0, i + off)),
        ],
        out_specs=[
            pl.BlockSpec((nc, TC_B), lambda i: (0, i + off)),
            pl.BlockSpec((nc, TC_B), lambda i: (0, i + off)),
        ],
        out_shape=[
            jax.ShapeDtypeStruct((nc, nr), jnp.float32),
            jax.ShapeDtypeStruct((nc, nr), jnp.float32),
        ],
    )(x2, p3)


def kernel(inputs, params_unnorm):
    x2 = jnp.transpose(inputs)
    p3 = jnp.transpose(params_unnorm, (2, 1, 0))
    out_sc, lad_sc = _sc_spline(x2, p3)
    out_tc, lad_tc = _tc_spline(x2, p3)
    out = lax.dynamic_update_slice(out_tc, out_sc, (0, 0))
    lad = lax.dynamic_update_slice(lad_tc, lad_sc, (0, 0))
    return jnp.transpose(out), jnp.transpose(lad)

# --- scband reference (transcript-rebuilt; emitter-appended) ---
"""Pipeline reference for scband-linear-rational-spline-6133213298950 (READ-ONLY COPY).

The authoritative reference and input builder live on the scoring server;
editing this copy changes nothing except your own understanding.
"""

import jax, jax.numpy as jnp
import numpy as np

NUM_BINS = 8
BOUND = 3.0
MIN_BIN_WIDTH = 0.001
MIN_BIN_HEIGHT = 0.001
MIN_DERIVATIVE = 0.001
MIN_LAMBDA = 0.025
EPS = 1e-06


def _calculate_knots(lengths, lower, upper):
    knots = jnp.cumsum(lengths, axis=-1) * (upper - lower) + lower
    pad = [(0, 0)] * (knots.ndim - 1) + [(1, 0)]
    knots = jnp.pad(knots, pad, constant_values=lower)
    knots = knots.at[..., -1].set(upper)
    lengths = jnp.diff(knots, axis=-1)
    return lengths, knots


def _select_bins(x, idx):
    idx = jnp.clip(idx, 0, x.shape[-1] - 1)
    return jnp.take_along_axis(x, idx, axis=-1).squeeze(-1)


def _spline_forward(inputs, params_unnorm):
    nb = NUM_BINS
    w, h, d, l = jnp.split(params_unnorm, [nb, 2 * nb, 3 * nb - 1], axis=-1)
    w = jax.nn.softmax(w, axis=-1)
    h = jax.nn.softmax(h, axis=-1)
    d = jax.nn.softplus(d)
    l = jax.nn.sigmoid(l)
    widths = MIN_BIN_WIDTH + (1.0 - MIN_BIN_WIDTH * nb) * w
    heights = MIN_BIN_HEIGHT + (1.0 - MIN_BIN_HEIGHT * nb) * h
    derivatives = MIN_DERIVATIVE + d
    lambdas = (1.0 - 2.0 * MIN_LAMBDA) * l + MIN_LAMBDA
    widths, cumwidths = _calculate_knots(widths, -BOUND, BOUND)
    heights, cumheights = _calculate_knots(heights, -BOUND, BOUND)
    dpad = [(0, 0)] * (derivatives.ndim - 1) + [(1, 1)]
    derivatives = jnp.pad(derivatives, dpad, constant_values=1.0 - MIN_DERIVATIVE)
    # searchsorted(right=True) - 1  ==  count(sorted <= value) - 1
    bin_idx = jnp.sum((cumwidths + EPS) <= inputs[..., None], axis=-1, keepdims=True) - 1
    input_widths = _select_bins(widths, bin_idx)
    input_heights = _select_bins(heights, bin_idx)
    input_delta = input_heights / input_widths
    input_cumwidths = _select_bins(cumwidths, bin_idx)
    input_cumheights = _select_bins(cumheights, bin_idx)
    input_derivatives = _select_bins(derivatives, bin_idx)
    input_derivatives_plus_one = _select_bins(derivatives[..., 1:], bin_idx)
    input_lambdas = _select_bins(lambdas, bin_idx)
    wb = jnp.sqrt(input_derivatives / input_derivatives_plus_one)
    lwa = input_lambdas
    lwb = input_lambdas * wb
    wc = (lwa * input_derivatives + (wb - lwb) * input_derivatives_plus_one) / input_delta
    ya = input_cumheights
    yb = input_heights + input_cumheights
    l1 = 1.0 - input_lambdas
    yc = (lwb * yb + l1 * ya) / (l1 + lwb)
    waya = ya
    wbyb = wb * yb
    wcyc = wc * yc
    theta = (inputs - input_cumwidths) / input_widths
    indicator = theta <= input_lambdas
    ltheta = input_lambdas - theta
    wcyctheta = wcyc * theta
    numerator = jnp.where(indicator, wcyctheta + waya * ltheta, (wcyc - wcyctheta) - wbyb * ltheta)
    wctheta = wc * theta
    denominator = jnp.where(indicator, wctheta + ltheta, (wc - wctheta) - wb * ltheta)
    outputs = numerator / denominator
    derivative_numerator = wc * jnp.where(indicator, input_lambdas * (yc - ya), (wb - lwb) * (yb - yc)) / input_widths
    logabsdet = jnp.log(derivative_numerator) - 2.0 * jnp.log(jnp.abs(denominator))
    outside = jnp.logical_or(inputs < -BOUND, inputs > BOUND)
    outputs = jnp.where(outside, inputs, outputs)
    logabsdet = jnp.where(outside, 0.0, logabsdet)
    return outputs, logabsdet


def setup_inputs(seed: int = 0) -> dict:
    key = jax.random.key(seed)
    k1, k2 = jax.random.split(key)
    inputs = jax.random.normal(k1, (16384, 64), dtype=jnp.float32)
    params_unnorm = jax.random.normal(k2, (16384, 64, 4 * NUM_BINS - 1), dtype=jnp.float32)
    return {"inputs": inputs, "params_unnorm": params_unnorm}


def reference(inputs, params_unnorm):
    return _spline_forward(inputs, params_unnorm)

if __name__ == "__main__":
    import jax
    _d = setup_inputs()
    print(jax.jit(kernel)(*tuple(_d.values())))

</pallas_src>

<mosaic_0001>
#map = affine_map<(d0, d1) -> (0, 0)>
#map1 = affine_map<(d0, d1) -> (0, 0, 0)>
module attributes {stable_mosaic.version = 14 : i64} {
  func.func @k(%arg0: i32, %arg1: i32, %arg2: memref<64x16384xf32, #tpu.memory_space<hbm>>, %arg3: memref<31x64x16384xf32, #tpu.memory_space<hbm>>, %arg4: memref<64x2048xf32, #tpu.memory_space<hbm>>, %arg5: memref<64x2048xf32, #tpu.memory_space<hbm>>, %arg6: memref<31x8x128xf32, #tpu.memory_space<vmem>>, %arg7: memref<31x8x128xf32, #tpu.memory_space<vmem>>, %arg8: memref<8x128xf32, #tpu.memory_space<vmem>>, %arg9: memref<8x128xf32, #tpu.memory_space<vmem>>, %arg10: memref<8x128xf32, #tpu.memory_space<vmem>>, %arg11: memref<8x128xf32, #tpu.memory_space<vmem>>, %arg12: memref<8x128xf32, #tpu.memory_space<vmem>>, %arg13: memref<8x128xf32, #tpu.memory_space<vmem>>, %arg14: memref<!tpu.dma_semaphore, #tpu.memory_space<semaphore_mem>>, %arg15: memref<!tpu.dma_semaphore, #tpu.memory_space<semaphore_mem>>, %arg16: memref<!tpu.dma_semaphore, #tpu.memory_space<semaphore_mem>>, %arg17: memref<!tpu.dma_semaphore, #tpu.memory_space<semaphore_mem>>, %arg18: memref<!tpu.dma_semaphore, #tpu.memory_space<semaphore_mem>>, %arg19: memref<!tpu.dma_semaphore, #tpu.memory_space<semaphore_mem>>, %arg20: memref<!tpu.dma_semaphore, #tpu.memory_space<semaphore_mem>>, %arg21: memref<!tpu.dma_semaphore, #tpu.memory_space<semaphore_mem>>) attributes {dimension_semantics = [#tpu.dimension_semantics<core_parallel>, #tpu.dimension_semantics<subcore_parallel>], iteration_bounds = array<i64: 2, 16>, scalar_prefetch = 0 : i64, scratch_operands = 16 : i64, tpu.core_type = #tpu.core_type<sc_vector_subcore>, window_params = [{transform_indices = #map}, {transform_indices = #map1}, {transform_indices = #map}, {transform_indices = #map}]} {
    %mul3A = arith.constant 2 : i32
    %mul3A_0 = arith.muli %arg1, %mul3A : i32
    %add3A = arith.addi %mul3A_0, %arg0 : i32
    %mul3A_1 = arith.constant 4 : i32
    %mul3A_2 = arith.muli %add3A, %mul3A_1 : i32
    %add3A_3 = arith.constant 0 : i32
    %add3A_4 = arith.addi %mul3A_2, %add3A_3 : i32
    %jit3A = arith.constant 16 : i32
    %div3A = arith.divsi %add3A_4, %jit3A : i32
    %sign3A = arith.constant 0 : i32
    %sign3A_5 = arith.cmpi sgt, %add3A_4, %sign3A : i32
    %sign3A_6 = arith.extui %sign3A_5 : i1 to i32
    %sign3A_7 = arith.constant 0 : i32
    %sign3A_8 = arith.cmpi slt, %add3A_4, %sign3A_7 : i32
    %sign3A_9 = arith.extui %sign3A_8 : i1 to i32
    %sign3A_10 = arith.subi %sign3A_6, %sign3A_9 : i32
    %sign3A_11 = arith.constant 0 : i32
    %sign3A_12 = arith.cmpi sgt, %jit3A, %sign3A_11 : i32
    %sign3A_13 = arith.extui %sign3A_12 : i1 to i32
    %sign3A_14 = arith.constant 0 : i32
    %sign3A_15 = arith.cmpi slt, %jit3A, %sign3A_14 : i32
    %sign3A_16 = arith.extui %sign3A_15 : i1 to i32
    %sign3A_17 = arith.subi %sign3A_13, %sign3A_16 : i32
    %ne3A = arith.cmpi ne, %sign3A_10, %sign3A_17 : i32
    %rem3A = arith.remsi %add3A_4, %jit3A : i32
    %ne3A_18 = arith.constant 0 : i32
    %ne3A_19 = arith.cmpi ne, %rem3A, %ne3A_18 : i32
    %and3A = arith.andi %ne3A, %ne3A_19 : i1
    %sub3A = arith.constant 1 : i32
    %sub3A_20 = arith.subi %div3A, %sub3A : i32
    %select_n3A = arith.select %and3A, %sub3A_20, %div3A : i32
    %mul3A_21 = arith.constant 8 : i32
    %mul3A_22 = arith.muli %select_n3A, %mul3A_21 : i32
    %jit3A_23 = arith.constant 16 : i32
    %eq3A = arith.constant 0 : i32
    %eq3A_24 = arith.cmpi eq, %jit3A_23, %eq3A : i32
    %jit3A_25 = arith.constant 1 : i32
    %select_n3A_26 = arith.select %eq3A_24, %jit3A_25, %jit3A_23 : i32
    %rem3A_27 = arith.remsi %add3A_4, %select_n3A_26 : i32
    %ne3A_28 = arith.constant 0 : i32
    %ne3A_29 = arith.cmpi ne, %rem3A_27, %ne3A_28 : i32
    %lt3A = arith.constant 0 : i32
    %lt3A_30 = arith.cmpi slt, %rem3A_27, %lt3A : i32
    %lt3A_31 = arith.constant 0 : i32
    %lt3A_32 = arith.cmpi slt, %select_n3A_26, %lt3A_31 : i32
    %ne3A_33 = arith.xori %lt3A_30, %lt3A_32 : i1
    %and3A_34 = arith.andi %ne3A_33, %ne3A_29 : i1
    %add3A_35 = arith.addi %rem3A_27, %select_n3A_26 : i32
    %select_n3A_36 = arith.select %and3A_34, %add3A_35, %rem3A_27 : i32
    %mul3A_37 = arith.constant 128 : i32
    %mul3A_38 = arith.muli %select_n3A_36, %mul3A_37 : i32
    %dma_start3A = arith.constant 0 : i32
    %dma_start3A_39 = tpu.memref_slice %arg3[%dma_start3A, %mul3A_22, %mul3A_38] : memref<31x64x16384xf32, #tpu.memory_space<hbm>> -> memref<31x8x128xf32, #tpu.memory_space<hbm>>
    %dma_start3A_40 = arith.constant 0 : i32
    %dma_start3A_41 = tpu.memref_slice %arg3[%dma_start3A_40, %mul3A_22, %mul3A_38] : memref<31x64x16384xf32, #tpu.memory_space<hbm>> -> memref<31x8x128xf32, #tpu.memory_space<hbm>>
    tpu.enqueue_dma source(%dma_start3A_41 : memref<31x8x128xf32, #tpu.memory_space<hbm>>) target(%arg6 : memref<31x8x128xf32, #tpu.memory_space<vmem>>) target_semaphore(%arg14 : memref<!tpu.dma_semaphore, #tpu.memory_space<semaphore_mem>>)
    %dma_start3A_42 = tpu.memref_slice %arg2[%mul3A_22, %mul3A_38] : memref<64x16384xf32, #tpu.memory_space<hbm>> -> memref<8x128xf32, #tpu.memory_space<hbm>>
    %dma_start3A_43 = tpu.memref_slice %arg2[%mul3A_22, %mul3A_38] : memref<64x16384xf32, #tpu.memory_space<hbm>> -> memref<8x128xf32, #tpu.memory_space<hbm>>
    tpu.enqueue_dma source(%dma_start3A_43 : memref<8x128xf32, #tpu.memory_space<hbm>>) target(%arg8 : memref<8x128xf32, #tpu.memory_space<vmem>>) target_semaphore(%arg16 : memref<!tpu.dma_semaphore, #tpu.memory_space<semaphore_mem>>)
    %scan3A = arith.constant 0 : i32
    %scan3A_44 = arith.constant 0 : i32
    %scan3A_45 = arith.constant 2 : i32
    %scan3A_46 = arith.addi %scan3A_44, %scan3A_45 : i32
    %scan3A_47 = arith.constant 1 : i32
    scf.for %scan3A_72 = %scan3A_44 to %scan3A_46 step %scan3A_47  : i32 {
      %mul3A_73 = arith.constant 2 : i32
      %mul3A_74 = arith.muli %mul3A_73, %scan3A_72 : i32
      %add3A_75 = arith.constant 1 : i32
      %add3A_76 = arith.addi %mul3A_74, %add3A_75 : i32
      %add3A_77 = arith.addi %mul3A_2, %add3A_76 : i32
      %jit3A_78 = arith.constant 16 : i32
      %div3A_79 = arith.divsi %add3A_77, %jit3A_78 : i32
      %sign3A_80 = arith.constant 0 : i32
      %sign3A_81 = arith.cmpi sgt, %add3A_77, %sign3A_80 : i32
      %sign3A_82 = arith.extui %sign3A_81 : i1 to i32
      %sign3A_83 = arith.constant 0 : i32
      %sign3A_84 = arith.cmpi slt, %add3A_77, %sign3A_83 : i32
      %sign3A_85 = arith.extui %sign3A_84 : i1 to i32
      %sign3A_86 = arith.subi %sign3A_82, %sign3A_85 : i32
      %sign3A_87 = arith.constant 0 : i32
      %sign3A_88 = arith.cmpi sgt, %jit3A_78, %sign3A_87 : i32
      %sign3A_89 = arith.extui %sign3A_88 : i1 to i32
      %sign3A_90 = arith.constant 0 : i32
      %sign3A_91 = arith.cmpi slt, %jit3A_78, %sign3A_90 : i32
      %sign3A_92 = arith.extui %sign3A_91 : i1 to i32
      %sign3A_93 = arith.subi %sign3A_89, %sign3A_92 : i32
      %ne3A_94 = arith.cmpi ne, %sign3A_86, %sign3A_93 : i32
      %rem3A_95 = arith.remsi %add3A_77, %jit3A_78 : i32
      %ne3A_96 = arith.constant 0 : i32
      %ne3A_97 = arith.cmpi ne, %rem3A_95, %ne3A_96 : i32
      %and3A_98 = arith.andi %ne3A_94, %ne3A_97 : i1
      %sub3A_99 = arith.constant 1 : i32
      %sub3A_100 = arith.subi %div3A_79, %sub3A_99 : i32
      %select_n3A_101 = arith.select %and3A_98, %sub3A_100, %div3A_79 : i32
      %mul3A_102 = arith.constant 8 : i32
      %mul3A_103 = arith.muli %select_n3A_101, %mul3A_102 : i32
      %jit3A_104 = arith.constant 16 : i32
      %eq3A_105 = arith.constant 0 : i32
      %eq3A_106 = arith.cmpi eq, %jit3A_104, %eq3A_105 : i32
      %jit3A_107 = arith.constant 1 : i32
      %select_n3A_108 = arith.select %eq3A_106, %jit3A_107, %jit3A_104 : i32
      %rem3A_109 = arith.remsi %add3A_77, %select_n3A_108 : i32
      %ne3A_110 = arith.constant 0 : i32
      %ne3A_111 = arith.cmpi ne, %rem3A_109, %ne3A_110 : i32
      %lt3A_112 = arith.constant 0 : i32
      %lt3A_113 = arith.cmpi slt, %rem3A_109, %lt3A_112 : i32
      %lt3A_114 = arith.constant 0 : i32
      %lt3A_115 = arith.cmpi slt, %select_n3A_108, %lt3A_114 : i32
      %ne3A_116 = arith.xori %lt3A_113, %lt3A_115 : i1
      %and3A_117 = arith.andi %ne3A_116, %ne3A_111 : i1
      %add3A_118 = arith.addi %rem3A_109, %select_n3A_108 : i32
      %select_n3A_119 = arith.select %and3A_117, %add3A_118, %rem3A_109 : i32
      %mul3A_120 = arith.constant 128 : i32
      %mul3A_121 = arith.muli %select_n3A_119, %mul3A_120 : i32
      %dma_start3A_122 = arith.constant 0 : i32
      %dma_start3A_123 = tpu.memref_slice %arg3[%dma_start3A_122, %mul3A_103, %mul3A_121] : memref<31x64x16384xf32, #tpu.memory_space<hbm>> -> memref<31x8x128xf32, #tpu.memory_space<hbm>>
      %dma_start3A_124 = arith.constant 0 : i32
      %dma_start3A_125 = tpu.memref_slice %arg3[%dma_start3A_124, %mul3A_103, %mul3A_121] : memref<31x64x16384xf32, #tpu.memory_space<hbm>> -> memref<31x8x128xf32, #tpu.memory_space<hbm>>
      tpu.enqueue_dma source(%dma_start3A_125 : memref<31x8x128xf32, #tpu.memory_space<hbm>>) target(%arg7 : memref<31x8x128xf32, #tpu.memory_space<vmem>>) target_semaphore(%arg15 : memref<!tpu.dma_semaphore, #tpu.memory_space<semaphore_mem>>)
      %dma_start3A_126 = tpu.memref_slice %arg2[%mul3A_103, %mul3A_121] : memref<64x16384xf32, #tpu.memory_space<hbm>> -> memref<8x128xf32, #tpu.memory_space<hbm>>
      %dma_start3A_127 = tpu.memref_slice %arg2[%mul3A_103, %mul3A_121] : memref<64x16384xf32, #tpu.memory_space<hbm>> -> memref<8x128xf32, #tpu.memory_space<hbm>>
      tpu.enqueue_dma source(%dma_start3A_127 : memref<8x128xf32, #tpu.memory_space<hbm>>) target(%arg9 : memref<8x128xf32, #tpu.memory_space<vmem>>) target_semaphore(%arg17 : memref<!tpu.dma_semaphore, #tpu.memory_space<semaphore_mem>>)
      %dma_wait3A_128 = arith.constant 0 : i32
      %dma_wait3A_129 = arith.constant 0 : i32
      %dma_wait3A_130 = arith.constant 0 : i32
      %dma_wait3A_131 = tpu.memref_slice %arg3[%dma_wait3A_128, %dma_wait3A_129, %dma_wait3A_130] : memref<31x64x16384xf32, #tpu.memory_space<hbm>> -> memref<31x8x128xf32, #tpu.memory_space<hbm>>
      %dma_wait3A_132 = arith.constant 0 : i32
      %dma_wait3A_133 = arith.constant 0 : i32
      %dma_wait3A_134 = arith.constant 0 : i32
      %dma_wait3A_135 = tpu.memref_slice %arg3[%dma_wait3A_132, %dma_wait3A_133, %dma_wait3A_134] : memref<31x64x16384xf32, #tpu.memory_space<hbm>> -> memref<31x8x128xf32, #tpu.memory_space<hbm>>
      tpu.wait_dma2 semaphore(%arg14 : memref<!tpu.dma_semaphore, #tpu.memory_space<semaphore_mem>>) src(%dma_wait3A_135 : memref<31x8x128xf32, #tpu.memory_space<hbm>>) dst(%arg6 : memref<31x8x128xf32, #tpu.memory_space<vmem>>)
      %dma_wait3A_136 = arith.constant 0 : i32
      %dma_wait3A_137 = arith.constant 0 : i32
      %dma_wait3A_138 = tpu.memref_slice %arg2[%dma_wait3A_136, %dma_wait3A_137] : memref<64x16384xf32, #tpu.memory_space<hbm>> -> memref<8x128xf32, #tpu.memory_space<hbm>>
      %dma_wait3A_139 = arith.constant 0 : i32
      %dma_wait3A_140 = arith.constant 0 : i32
      %dma_wait3A_141 = tpu.memref_slice %arg2[%dma_wait3A_139, %dma_wait3A_140] : memref<64x16384xf32, #tpu.memory_space<hbm>> -> memref<8x128xf32, #tpu.memory_space<hbm>>
      tpu.wait_dma2 semaphore(%arg16 : memref<!tpu.dma_semaphore, #tpu.memory_space<semaphore_mem>>) src(%dma_wait3A_141 : memref<8x128xf32, #tpu.memory_space<hbm>>) dst(%arg8 : memref<8x128xf32, #tpu.memory_space<vmem>>)
      %gt3A = arith.constant 0 : i32
      %gt3A_142 = arith.cmpi sgt, %scan3A_72, %gt3A : i32
      %convert_element_type3A = arith.extui %gt3A_142 : i1 to i32
      %cond3A = arith.constant 0 : i32
      %cond3A_143 = arith.cmpi ne, %convert_element_type3A, %cond3A : i32
      scf.if %cond3A_143 {
        %dma_wait3A_288 = arith.constant 0 : i32
        %dma_wait3A_289 = arith.constant 0 : i32
        %dma_wait3A_290 = tpu.memref_slice %arg4[%dma_wait3A_288, %dma_wait3A_289] : memref<64x2048xf32, #tpu.memory_space<hbm>> -> memref<8x128xf32, #tpu.memory_space<hbm>>
        %dma_wait3A_291 = arith.constant 0 : i32
        %dma_wait3A_292 = arith.constant 0 : i32
        %dma_wait3A_293 = tpu.memref_slice %arg4[%dma_wait3A_291, %dma_wait3A_292] : memref<64x2048xf32, #tpu.memory_space<hbm>> -> memref<8x128xf32, #tpu.memory_space<hbm>>
        tpu.wait_dma2 semaphore(%arg18 : memref<!tpu.dma_semaphore, #tpu.memory_space<semaphore_mem>>) src(%dma_wait3A_293 : memref<8x128xf32, #tpu.memory_space<hbm>>) dst(%arg10 : memref<8x128xf32, #tpu.memory_space<vmem>>)
        %dma_wait3A_294 = arith.constant 0 : i32
        %dma_wait3A_295 = arith.constant 0 : i32
        %dma_wait3A_296 = tpu.memref_slice %arg5[%dma_wait3A_294, %dma_wait3A_295] : memref<64x2048xf32, #tpu.memory_space<hbm>> -> memref<8x128xf32, #tpu.memory_space<hbm>>
        %dma_wait3A_297 = arith.constant 0 : i32
        %dma_wait3A_298 = arith.constant 0 : i32
        %dma_wait3A_299 = tpu.memref_slice %arg5[%dma_wait3A_297, %dma_wait3A_298] : memref<64x2048xf32, #tpu.memory_space<hbm>> -> memref<8x128xf32, #tpu.memory_space<hbm>>
        tpu.wait_dma2 semaphore(%arg20 : memref<!tpu.dma_semaphore, #tpu.memory_space<semaphore_mem>>) src(%dma_wait3A_299 : memref<8x128xf32, #tpu.memory_space<hbm>>) dst(%arg11 : memref<8x128xf32, #tpu.memory_space<vmem>>)
      } else {
      }
      %scan3A_144 = arith.constant 0 : i32
      %scan3A_145 = arith.constant 0 : i32
      %scan3A_146 = arith.constant 32 : i32
      %scan3A_147 = arith.addi %scan3A_145, %scan3A_146 : i32
      %scan3A_148 = arith.constant 1 : i32
      scf.for %scan3A_288 = %scan3A_145 to %scan3A_147 step %scan3A_148  : i32 {
        %jit3A_289 = arith.constant 4 : i32
        %div3A_290 = arith.divsi %scan3A_288, %jit3A_289 : i32
        %sign3A_291 = arith.constant 0 : i32
        %sign3A_292 = arith.cmpi sgt, %scan3A_288, %sign3A_291 : i32
        %sign3A_293 = arith.extui %sign3A_292 : i1 to i32
        %sign3A_294 = arith.constant 0 : i32
        %sign3A_295 = arith.cmpi slt, %scan3A_288, %sign3A_294 : i32
        %sign3A_296 = arith.extui %sign3A_295 : i1 to i32
        %sign3A_297 = arith.subi %sign3A_293, %sign3A_296 : i32
        %sign3A_298 = arith.constant 0 : i32
        %sign3A_299 = arith.cmpi sgt, %jit3A_289, %sign3A_298 : i32
        %sign3A_300 = arith.extui %sign3A_299 : i1 to i32
        %sign3A_301 = arith.constant 0 : i32
        %sign3A_302 = arith.cmpi slt, %jit3A_289, %sign3A_301 : i32
        %sign3A_303 = arith.extui %sign3A_302 : i1 to i32
        %sign3A_304 = arith.subi %sign3A_300, %sign3A_303 : i32
        %ne3A_305 = arith.cmpi ne, %sign3A_297, %sign3A_304 : i32
        %rem3A_306 = arith.remsi %scan3A_288, %jit3A_289 : i32
        %ne3A_307 = arith.constant 0 : i32
        %ne3A_308 = arith.cmpi ne, %rem3A_306, %ne3A_307 : i32
        %and3A_309 = arith.andi %ne3A_305, %ne3A_308 : i1
        %sub3A_310 = arith.constant 1 : i32
        %sub3A_311 = arith.subi %div3A_290, %sub3A_310 : i32
        %select_n3A_312 = arith.select %and3A_309, %sub3A_311, %div3A_290 : i32
        %jit3A_313 = arith.constant 4 : i32
        %eq3A_314 = arith.constant 0 : i32
        %eq3A_315 = arith.cmpi eq, %jit3A_313, %eq3A_314 : i32
        %jit3A_316 = arith.constant 1 : i32
        %select_n3A_317 = arith.select %eq3A_315, %jit3A_316, %jit3A_313 : i32
        %rem3A_318 = arith.remsi %scan3A_288, %select_n3A_317 : i32
        %ne3A_319 = arith.constant 0 : i32
        %ne3A_320 = arith.cmpi ne, %rem3A_318, %ne3A_319 : i32
        %lt3A_321 = arith.constant 0 : i32
        %lt3A_322 = arith.cmpi slt, %rem3A_318, %lt3A_321 : i32
        %lt3A_323 = arith.constant 0 : i32
        %lt3A_324 = arith.cmpi slt, %select_n3A_317, %lt3A_323 : i32
        %ne3A_325 = arith.xori %lt3A_322, %lt3A_324 : i1
        %and3A_326 = arith.andi %ne3A_325, %ne3A_320 : i1
        %add3A_327 = arith.addi %rem3A_318, %select_n3A_317 : i32
        %select_n3A_328 = arith.select %and3A_326, %add3A_327, %rem3A_318 : i32
        %mul3A_329 = arith.constant 2 : i32
        %mul3A_330 = arith.muli %mul3A_329, %select_n3A_328 : i32
        %mul3A_331 = arith.constant 16 : i32
        %mul3A_332 = arith.muli %mul3A_330, %mul3A_331 : i32
        %get3A = arith.constant 0 : i32
        %get3A_333 = arith.index_cast %get3A : i32 to index
        %get3A_334 = arith.index_cast %select_n3A_312 : i32 to index
        %get3A_335 = arith.index_cast %mul3A_332 : i32 to index
        %get3A_336 = tpu.vector_load %arg6[%get3A_333, %get3A_334, %get3A_335] {strides = array<i32>} : memref<31x8x128xf32, #tpu.memory_space<vmem>>, vector<16xf32>,
        %mul3A_337 = arith.constant 16 : i32
        %mul3A_338 = arith.muli %mul3A_330, %mul3A_337 : i32
        %get3A_339 = arith.constant 1 : i32
        %get3A_340 = arith.index_cast %get3A_339 : i32 to index
        %get3A_341 = arith.index_cast %select_n3A_312 : i32 to index
        %get3A_342 = arith.index_cast %mul3A_338 : i32 to index
        %get3A_343 = tpu.vector_load %arg6[%get3A_340, %get3A_341, %get3A_342] {strides = array<i32>} : memref<31x8x128xf32, #tpu.memory_space<vmem>>, vector<16xf32>,
        %mul3A_344 = arith.constant 16 : i32
        %mul3A_345 = arith.muli %mul3A_330, %mul3A_344 : i32
        %get3A_346 = arith.constant 2 : i32
        %get3A_347 = arith.index_cast %get3A_346 : i32 to index
        %get3A_348 = arith.index_cast %select_n3A_312 : i32 to index
        %get3A_349 = arith.index_cast %mul3A_345 : i32 to index
        %get3A_350 = tpu.vector_load %arg6[%get3A_347, %get3A_348, %get3A_349] {strides = array<i32>} : memref<31x8x128xf32, #tpu.memory_space<vmem>>, vector<16xf32>,
        %mul3A_351 = arith.constant 16 : i32
        %mul3A_352 = arith.muli %mul3A_330, %mul3A_351 : i32
        %get3A_353 = arith.constant 3 : i32
        %get3A_354 = arith.index_cast %get3A_353 : i32 to index
        %get3A_355 = arith.index_cast %select_n3A_312 : i32 to index
        %get3A_356 = arith.index_cast %mul3A_352 : i32 to index
        %get3A_357 = tpu.vector_load %arg6[%get3A_354, %get3A_355, %get3A_356] {strides = array<i32>} : memref<31x8x128xf32, #tpu.memory_space<vmem>>, vector<16xf32>,
        %mul3A_358 = arith.constant 16 : i32
        %mul3A_359 = arith.muli %mul3A_330, %mul3A_358 : i32
        %get3A_360 = arith.constant 4 : i32
        %get3A_361 = arith.index_cast %get3A_360 : i32 to index
        %get3A_362 = arith.index_cast %select_n3A_312 : i32 to index
        %get3A_363 = arith.index_cast %mul3A_359 : i32 to index
        %get3A_364 = tpu.vector_load %arg6[%get3A_361, %get3A_362, %get3A_363] {strides = array<i32>} : memref<31x8x128xf32, #tpu.memory_space<vmem>>, vector<16xf32>,
        %mul3A_365 = arith.constant 16 : i32
        %mul3A_366 = arith.muli %mul3A_330, %mul3A_365 : i32
        %get3A_367 = arith.constant 5 : i32
        %get3A_368 = arith.index_cast %get3A_367 : i32 to index
        %get3A_369 = arith.index_cast %select_n3A_312 : i32 to index
        %get3A_370 = arith.index_cast %mul3A_366 : i32 to index
        %get3A_371 = tpu.vector_load %arg6[%get3A_368, %get3A_369, %get3A_370] {strides = array<i32>} : memref<31x8x128xf32, #tpu.memory_space<vmem>>, vector<16xf32>,
        %mul3A_372 = arith.constant 16 : i32
        %mul3A_373 = arith.muli %mul3A_330, %mul3A_372 : i32
        %get3A_374 = arith.constant 6 : i32
        %get3A_375 = arith.index_cast %get3A_374 : i32 to index
        %get3A_376 = arith.index_cast %select_n3A_312 : i32 to index
        %get3A_377 = arith.index_cast %mul3A_373 : i32 to index
        %get3A_378 = tpu.vector_load %arg6[%get3A_375, %get3A_376, %get3A_377] {strides = array<i32>} : memref<31x8x128xf32, #tpu.memory_space<vmem>>, vector<16xf32>,
        %mul3A_379 = arith.constant 16 : i32
        %mul3A_380 = arith.muli %mul3A_330, %mul3A_379 : i32
        %get3A_381 = arith.constant 7 : i32
        %get3A_382 = arith.index_cast %get3A_381 : i32 to index
        %get3A_383 = arith.index_cast %select_n3A_312 : i32 to index
        %get3A_384 = arith.index_cast %mul3A_380 : i32 to index
        %get3A_385 = tpu.vector_load %arg6[%get3A_382, %get3A_383, %get3A_384] {strides = array<i32>} : memref<31x8x128xf32, #tpu.memory_space<vmem>>, vector<16xf32>,
        %mul3A_386 = arith.constant 16 : i32
        %mul3A_387 = arith.muli %mul3A_330, %mul3A_386 : i32
        %get3A_388 = arith.constant 8 : i32
        %get3A_389 = arith.index_cast %get3A_388 : i32 to index
        %get3A_390 = arith.index_cast %select_n3A_312 : i32 to index
        %get3A_391 = arith.index_cast %mul3A_387 : i32 to index
        %get3A_392 = tpu.vector_load %arg6[%get3A_389, %get3A_390, %get3A_391] {strides = array<i32>} : memref<31x8x128xf32, #tpu.memory_space<vmem>>, vector<16xf32>,
        %mul3A_393 = arith.constant 16 : i32
        %mul3A_394 = arith.muli %mul3A_330, %mul3A_393 : i32
        %get3A_395 = arith.constant 9 : i32
        %get3A_396 = arith.index_cast %get3A_395 : i32 to index
        %get3A_397 = arith.index_cast %select_n3A_312 : i32 to index
        %get3A_398 = arith.index_cast %mul3A_394 : i32 to index
        %get3A_399 = tpu.vector_load %arg6[%get3A_396, %get3A_397, %get3A_398] {strides = array<i32>} : memref<31x8x128xf32, #tpu.memory_space<vmem>>, vector<16xf32>,
        %mul3A_400 = arith.constant 16 : i32
        %mul3A_401 = arith.muli %mul3A_330, %mul3A_400 : i32
        %get3A_402 = arith.constant 10 : i32
        %get3A_403 = arith.index_cast %get3A_402 : i32 to index
        %get3A_404 = arith.index_cast %select_n3A_312 : i32 to index
        %get3A_405 = arith.index_cast %mul3A_401 : i32 to index
        %get3A_406 = tpu.vector_load %arg6[%get3A_403, %get3A_404, %get3A_405] {strides = array<i32>} : memref<31x8x128xf32, #tpu.memory_space<vmem>>, vector<16xf32>,
        %mul3A_407 = arith.constant 16 : i32
        %mul3A_408 = arith.muli %mul3A_330, %mul3A_407 : i32
        %get3A_409 = arith.constant 11 : i32
        %get3A_410 = arith.index_cast %get3A_409 : i32 to index
        %get3A_411 = arith.index_cast %select_n3A_312 : i32 to index
        %get3A_412 = arith.index_cast %mul3A_408 : i32 to index
        %get3A_413 = tpu.vector_load %arg6[%get3A_410, %get3A_411, %get3A_412] {strides = array<i32>} : memref<31x8x128xf32, #tpu.memory_space<vmem>>, vector<16xf32>,
        %mul3A_414 = arith.constant 16 : i32
        %mul3A_415 = arith.muli %mul3A_330, %mul3A_414 : i32
        %get3A_416 = arith.constant 12 : i32
        %get3A_417 = arith.index_cast %get3A_416 : i32 to index
        %get3A_418 = arith.index_cast %select_n3A_312 : i32 to index
        %get3A_419 = arith.index_cast %mul3A_415 : i32 to index
        %get3A_420 = tpu.vector_load %arg6[%get3A_417, %get3A_418, %get3A_419] {strides = array<i32>} : memref<31x8x128xf32, #tpu.memory_space<vmem>>, vector<16xf32>,
        %mul3A_421 = arith.constant 16 : i32
        %mul3A_422 = arith.muli %mul3A_330, %mul3A_421 : i32
        %get3A_423 = arith.constant 13 : i32
        %get3A_424 = arith.index_cast %get3A_423 : i32 to index
        %get3A_425 = arith.index_cast %select_n3A_312 : i32 to index
        %get3A_426 = arith.index_cast %mul3A_422 : i32 to index
        %get3A_427 = tpu.vector_load %arg6[%get3A_424, %get3A_425, %get3A_426] {strides = array<i32>} : memref<31x8x128xf32, #tpu.memory_space<vmem>>, vector<16xf32>,
        %mul3A_428 = arith.constant 16 : i32
        %mul3A_429 = arith.muli %mul3A_330, %mul3A_428 : i32
        %get3A_430 = arith.constant 14 : i32
        %get3A_431 = arith.index_cast %get3A_430 : i32 to index
        %get3A_432 = arith.index_cast %select_n3A_312 : i32 to index
        %get3A_433 = arith.index_cast %mul3A_429 : i32 to index
        %get3A_434 = tpu.vector_load %arg6[%get3A_431, %get3A_432, %get3A_433] {strides = array<i32>} : memref<31x8x128xf32, #tpu.memory_space<vmem>>, vector<16xf32>,
        %mul3A_435 = arith.constant 16 : i32
        %mul3A_436 = arith.muli %mul3A_330, %mul3A_435 : i32
        %get3A_437 = arith.constant 15 : i32
        %get3A_438 = arith.index_cast %get3A_437 : i32 to index
        %get3A_439 = arith.index_cast %select_n3A_312 : i32 to index
        %get3A_440 = arith.index_cast %mul3A_436 : i32 to index
        %get3A_441 = tpu.vector_load %arg6[%get3A_438, %get3A_439, %get3A_440] {strides = array<i32>} : memref<31x8x128xf32, #tpu.memory_space<vmem>>, vector<16xf32>,
        %mul3A_442 = arith.constant 16 : i32
        %mul3A_443 = arith.muli %mul3A_330, %mul3A_442 : i32
        %get3A_444 = arith.constant 16 : i32
        %get3A_445 = arith.index_cast %get3A_444 : i32 to index
        %get3A_446 = arith.index_cast %select_n3A_312 : i32 to index
        %get3A_447 = arith.index_cast %mul3A_443 : i32 to index
        %get3A_448 = tpu.vector_load %arg6[%get3A_445, %get3A_446, %get3A_447] {strides = array<i32>} : memref<31x8x128xf32, #tpu.memory_space<vmem>>, vector<16xf32>,
        %mul3A_449 = arith.constant 16 : i32
        %mul3A_450 = arith.muli %mul3A_330, %mul3A_449 : i32
        %get3A_451 = arith.constant 17 : i32
        %get3A_452 = arith.index_cast %get3A_451 : i32 to index
        %get3A_453 = arith.index_cast %select_n3A_312 : i32 to index
        %get3A_454 = arith.index_cast %mul3A_450 : i32 to index
        %get3A_455 = tpu.vector_load %arg6[%get3A_452, %get3A_453, %get3A_454] {strides = array<i32>} : memref<31x8x128xf32, #tpu.memory_space<vmem>>, vector<16xf32>,
        %mul3A_456 = arith.constant 16 : i32
        %mul3A_457 = arith.muli %mul3A_330, %mul3A_456 : i32
        %get3A_458 = arith.constant 18 : i32
        %get3A_459 = arith.index_cast %get3A_458 : i32 to index
        %get3A_460 = arith.index_cast %select_n3A_312 : i32 to index
        %get3A_461 = arith.index_cast %mul3A_457 : i32 to index
        %get3A_462 = tpu.vector_load %arg6[%get3A_459, %get3A_460, %get3A_461] {strides = array<i32>} : memref<31x8x128xf32, #tpu.memory_space<vmem>>, vector<16xf32>,
        %mul3A_463 = arith.constant 16 : i32
        %mul3A_464 = arith.muli %mul3A_330, %mul3A_463 : i32
        %get3A_465 = arith.constant 19 : i32
        %get3A_466 = arith.index_cast %get3A_465 : i32 to index
        %get3A_467 = arith.index_cast %select_n3A_312 : i32 to index
        %get3A_468 = arith.index_cast %mul3A_464 : i32 to index
        %get3A_469 = tpu.vector_load %arg6[%get3A_466, %get3A_467, %get3A_468] {strides = array<i32>} : memref<31x8x128xf32, #tpu.memory_space<vmem>>, vector<16xf32>,
        %mul3A_470 = arith.constant 16 : i32
        %mul3A_471 = arith.muli %mul3A_330, %mul3A_470 : i32
        %get3A_472 = arith.constant 20 : i32
        %get3A_473 = arith.index_cast %get3A_472 : i32 to index
        %get3A_474 = arith.index_cast %select_n3A_312 : i32 to index
        %get3A_475 = arith.index_cast %mul3A_471 : i32 to index
        %get3A_476 = tpu.vector_load %arg6[%get3A_473, %get3A_474, %get3A_475] {strides = array<i32>} : memref<31x8x128xf32, #tpu.memory_space<vmem>>, vector<16xf32>,
        %mul3A_477 = arith.constant 16 : i32
        %mul3A_478 = arith.muli %mul3A_330, %mul3A_477 : i32
        %get3A_479 = arith.constant 21 : i32
        %get3A_480 = arith.index_cast %get3A_479 : i32 to index
        %get3A_481 = arith.index_cast %select_n3A_312 : i32 to index
        %get3A_482 = arith.index_cast %mul3A_478 : i32 to index
        %get3A_483 = tpu.vector_load %arg6[%get3A_480, %get3A_481, %get3A_482] {strides = array<i32>} : memref<31x8x128xf32, #tpu.memory_space<vmem>>, vector<16xf32>,
        %mul3A_484 = arith.constant 16 : i32
        %mul3A_485 = arith.muli %mul3A_330, %mul3A_484 : i32
        %get3A_486 = arith.constant 22 : i32
        %get3A_487 = arith.index_cast %get3A_486 : i32 to index
        %get3A_488 = arith.index_cast %select_n3A_312 : i32 to index
        %get3A_489 = arith.index_cast %mul3A_485 : i32 to index
        %get3A_490 = tpu.vector_load %arg6[%get3A_487, %get3A_488, %get3A_489] {strides = array<i32>} : memref<31x8x128xf32, #tpu.memory_space<vmem>>, vector<16xf32>,
        %mul3A_491 = arith.constant 16 : i32
        %mul3A_492 = arith.muli %mul3A_330, %mul3A_491 : i32
        %get3A_493 = arith.constant 23 : i32
        %get3A_494 = arith.index_cast %get3A_493 : i32 to index
        %get3A_495 = arith.index_cast %select_n3A_312 : i32 to index
        %get3A_496 = arith.index_cast %mul3A_492 : i32 to index
        %get3A_497 = tpu.vector_load %arg6[%get3A_494, %get3A_495, %get3A_496] {strides = array<i32>} : memref<31x8x128xf32, #tpu.memory_space<vmem>>, vector<16xf32>,
        %mul3A_498 = arith.constant 16 : i32
        %mul3A_499 = arith.muli %mul3A_330, %mul3A_498 : i32
        %get3A_500 = arith.constant 24 : i32
        %get3A_501 = arith.index_cast %get3A_500 : i32 to index
        %get3A_502 = arith.index_cast %select_n3A_312 : i32 to index
        %get3A_503 = arith.index_cast %mul3A_499 : i32 to index
        %get3A_504 = tpu.vector_load %arg6[%get3A_501, %get3A_502, %get3A_503] {strides = array<i32>} : memref<31x8x128xf32, #tpu.memory_space<vmem>>, vector<16xf32>,
        %mul3A_505 = arith.constant 16 : i32
        %mul3A_506 = arith.muli %mul3A_330, %mul3A_505 : i32
        %get3A_507 = arith.constant 25 : i32
        %get3A_508 = arith.index_cast %get3A_507 : i32 to index
        %get3A_509 = arith.index_cast %select_n3A_312 : i32 to index
        %get3A_510 = arith.index_cast %mul3A_506 : i32 to index
        %get3A_511 = tpu.vector_load %arg6[%get3A_508, %get3A_509, %get3A_510] {strides = array<i32>} : memref<31x8x128xf32, #tpu.memory_space<vmem>>, vector<16xf32>,
        %mul3A_512 = arith.constant 16 : i32
        %mul3A_513 = arith.muli %mul3A_330, %mul3A_512 : i32
        %get3A_514 = arith.constant 26 : i32
        %get3A_515 = arith.index_cast %get3A_514 : i32 to index
        %get3A_516 = arith.index_cast %select_n3A_312 : i32 to index
        %get3A_517 = arith.index_cast %mul3A_513 : i32 to index
        %get3A_518 = tpu.vector_load %arg6[%get3A_515, %get3A_516, %get3A_517] {strides = array<i32>} : memref<31x8x128xf32, #tpu.memory_space<vmem>>, vector<16xf32>,
        %mul3A_519 = arith.constant 16 : i32
        %mul3A_520 = arith.muli %mul3A_330, %mul3A_519 : i32
        %get3A_521 = arith.constant 27 : i32
        %get3A_522 = arith.index_cast %get3A_521 : i32 to index
        %get3A_523 = arith.index_cast %select_n3A_312 : i32 to index
        %get3A_524 = arith.index_cast %mul3A_520 : i32 to index
        %get3A_525 = tpu.vector_load %arg6[%get3A_522, %get3A_523, %get3A_524] {strides = array<i32>} : memref<31x8x128xf32, #tpu.memory_space<vmem>>, vector<16xf32>,
        %mul3A_526 = arith.constant 16 : i32
        %mul3A_527 = arith.muli %mul3A_330, %mul3A_526 : i32
        %get3A_528 = arith.constant 28 : i32
        %get3A_529 = arith.index_cast %get3A_528 : i32 to index
        %get3A_530 = arith.index_cast %select_n3A_312 : i32 to index
        %get3A_531 = arith.index_cast %mul3A_527 : i32 to index
        %get3A_532 = tpu.vector_load %arg6[%get3A_529, %get3A_530, %get3A_531] {strides = array<i32>} : memref<31x8x128xf32, #tpu.memory_space<vmem>>, vector<16xf32>,
        %mul3A_533 = arith.constant 16 : i32
        %mul3A_534 = arith.muli %mul3A_330, %mul3A_533 : i32
        %get3A_535 = arith.constant 29 : i32
        %get3A_536 = arith.index_cast %get3A_535 : i32 to index
        %get3A_537 = arith.index_cast %select_n3A_312 : i32 to index
        %get3A_538 = arith.index_cast %mul3A_534 : i32 to index
        %get3A_539 = tpu.vector_load %arg6[%get3A_536, %get3A_537, %get3A_538] {strides = array<i32>} : memref<31x8x128xf32, #tpu.memory_space<vmem>>, vector<16xf32>,
        %mul3A_540 = arith.constant 16 : i32
        %mul3A_541 = arith.muli %mul3A_330, %mul3A_540 : i32
        %get3A_542 = arith.constant 30 : i32
        %get3A_543 = arith.index_cast %get3A_542 : i32 to index
        %get3A_544 = arith.index_cast %select_n3A_312 : i32 to index
        %get3A_545 = arith.index_cast %mul3A_541 : i32 to index
        %get3A_546 = tpu.vector_load %arg6[%get3A_543, %get3A_544, %get3A_545] {strides = array<i32>} : memref<31x8x128xf32, #tpu.memory_space<vmem>>, vector<16xf32>,
        %mul3A_547 = arith.constant 16 : i32
        %mul3A_548 = arith.muli %mul3A_330, %mul3A_547 : i32
        %get3A_549 = arith.index_cast %select_n3A_312 : i32 to index
        %get3A_550 = arith.index_cast %mul3A_548 : i32 to index
        %get3A_551 = tpu.vector_load %arg8[%get3A_549, %get3A_550] {strides = array<i32>} : memref<8x128xf32, #tpu.memory_space<vmem>>, vector<16xf32>,
        %exp3A = math.exp %get3A_336 : vector<16xf32>
        %exp3A_552 = math.exp %get3A_343 : vector<16xf32>
        %exp3A_553 = math.exp %get3A_350 : vector<16xf32>
        %exp3A_554 = math.exp %get3A_357 : vector<16xf32>
        %exp3A_555 = math.exp %get3A_364 : vector<16xf32>
        %exp3A_556 = math.exp %get3A_371 : vector<16xf32>
        %exp3A_557 = math.exp %get3A_378 : vector<16xf32>
        %exp3A_558 = math.exp %get3A_385 : vector<16xf32>
        %add3A_559 = arith.addf %exp3A, %exp3A_552 : vector<16xf32>
        %add3A_560 = arith.addf %add3A_559, %exp3A_553 : vector<16xf32>
        %add3A_561 = arith.addf %add3A_560, %exp3A_554 : vector<16xf32>
        %add3A_562 = arith.addf %add3A_561, %exp3A_555 : vector<16xf32>
        %add3A_563 = arith.addf %add3A_562, %exp3A_556 : vector<16xf32>
        %add3A_564 = arith.addf %add3A_563, %exp3A_557 : vector<16xf32>
        %add3A_565 = arith.addf %add3A_564, %exp3A_558 : vector<16xf32>
        %div3A_566 = arith.constant 0.991999983 : f32
        %div3A_567 = vector.broadcast %div3A_566 : f32 to vector<16xf32>
        %div3A_568 = arith.divf %div3A_567, %add3A_565 : vector<16xf32>
        %mul3A_569 = arith.mulf %div3A_568, %exp3A : vector<16xf32>
        %add3A_570 = arith.constant 1.000000e-03 : f32
        %add3A_571 = vector.broadcast %add3A_570 : f32 to vector<16xf32>
        %add3A_572 = arith.addf %add3A_571, %mul3A_569 : vector<16xf32>
        %mul3A_573 = arith.mulf %div3A_568, %exp3A_552 : vector<16xf32>
        %add3A_574 = arith.constant 1.000000e-03 : f32
        %add3A_575 = vector.broadcast %add3A_574 : f32 to vector<16xf32>
        %add3A_576 = arith.addf %add3A_575, %mul3A_573 : vector<16xf32>
        %mul3A_577 = arith.mulf %div3A_568, %exp3A_553 : vector<16xf32>
        %add3A_578 = arith.constant 1.000000e-03 : f32
        %add3A_579 = vector.broadcast %add3A_578 : f32 to vector<16xf32>
        %add3A_580 = arith.addf %add3A_579, %mul3A_577 : vector<16xf32>
        %mul3A_581 = arith.mulf %div3A_568, %exp3A_554 : vector<16xf32>
        %add3A_582 = arith.constant 1.000000e-03 : f32
        %add3A_583 = vector.broadcast %add3A_582 : f32 to vector<16xf32>
        %add3A_584 = arith.addf %add3A_583, %mul3A_581 : vector<16xf32>
        %mul3A_585 = arith.mulf %div3A_568, %exp3A_555 : vector<16xf32>
        %add3A_586 = arith.constant 1.000000e-03 : f32
        %add3A_587 = vector.broadcast %add3A_586 : f32 to vector<16xf32>
        %add3A_588 = arith.addf %add3A_587, %mul3A_585 : vector<16xf32>
        %mul3A_589 = arith.mulf %div3A_568, %exp3A_556 : vector<16xf32>
        %add3A_590 = arith.constant 1.000000e-03 : f32
        %add3A_591 = vector.broadcast %add3A_590 : f32 to vector<16xf32>
        %add3A_592 = arith.addf %add3A_591, %mul3A_589 : vector<16xf32>
        %mul3A_593 = arith.mulf %div3A_568, %exp3A_557 : vector<16xf32>
        %add3A_594 = arith.constant 1.000000e-03 : f32
        %add3A_595 = vector.broadcast %add3A_594 : f32 to vector<16xf32>
        %add3A_596 = arith.addf %add3A_595, %mul3A_593 : vector<16xf32>
        %mul3A_597 = arith.mulf %div3A_568, %exp3A_558 : vector<16xf32>
        %add3A_598 = arith.constant 1.000000e-03 : f32
        %add3A_599 = vector.broadcast %add3A_598 : f32 to vector<16xf32>
        %add3A_600 = arith.addf %add3A_599, %mul3A_597 : vector<16xf32>
        %broadcast_in_dim3A = arith.constant -3.000000e+00 : f32
        %broadcast_in_dim3A_601 = vector.broadcast %broadcast_in_dim3A : f32 to vector<16xf32>
        %mul3A_602 = arith.constant 6.000000e+00 : f32
        %mul3A_603 = vector.broadcast %mul3A_602 : f32 to vector<16xf32>
        %mul3A_604 = arith.mulf %mul3A_603, %add3A_572 : vector<16xf32>
        %sub3A_605 = arith.constant 3.000000e+00 : f32
        %sub3A_606 = vector.broadcast %sub3A_605 : f32 to vector<16xf32>
        %sub3A_607 = arith.subf %mul3A_604, %sub3A_606 : vector<16xf32>
        %add3A_608 = arith.addf %add3A_572, %add3A_576 : vector<16xf32>
        %mul3A_609 = arith.constant 6.000000e+00 : f32
        %mul3A_610 = vector.broadcast %mul3A_609 : f32 to vector<16xf32>
        %mul3A_611 = arith.mulf %mul3A_610, %add3A_608 : vector<16xf32>
        %sub3A_612 = arith.constant 3.000000e+00 : f32
        %sub3A_613 = vector.broadcast %sub3A_612 : f32 to vector<16xf32>
        %sub3A_614 = arith.subf %mul3A_611, %sub3A_613 : vector<16xf32>
        %add3A_615 = arith.addf %add3A_608, %add3A_580 : vector<16xf32>
        %mul3A_616 = arith.constant 6.000000e+00 : f32
        %mul3A_617 = vector.broadcast %mul3A_616 : f32 to vector<16xf32>
        %mul3A_618 = arith.mulf %mul3A_617, %add3A_615 : vector<16xf32>
        %sub3A_619 = arith.constant 3.000000e+00 : f32
        %sub3A_620 = vector.broadcast %sub3A_619 : f32 to vector<16xf32>
        %sub3A_621 = arith.subf %mul3A_618, %sub3A_620 : vector<16xf32>
        %add3A_622 = arith.addf %add3A_615, %add3A_584 : vector<16xf32>
        %mul3A_623 = arith.constant 6.000000e+00 : f32
        %mul3A_624 = vector.broadcast %mul3A_623 : f32 to vector<16xf32>
        %mul3A_625 = arith.mulf %mul3A_624, %add3A_622 : vector<16xf32>
        %sub3A_626 = arith.constant 3.000000e+00 : f32
        %sub3A_627 = vector.broadcast %sub3A_626 : f32 to vector<16xf32>
        %sub3A_628 = arith.subf %mul3A_625, %sub3A_627 : vector<16xf32>
        %add3A_629 = arith.addf %add3A_622, %add3A_588 : vector<16xf32>
        %mul3A_630 = arith.constant 6.000000e+00 : f32
        %mul3A_631 = vector.broadcast %mul3A_630 : f32 to vector<16xf32>
        %mul3A_632 = arith.mulf %mul3A_631, %add3A_629 : vector<16xf32>
        %sub3A_633 = arith.constant 3.000000e+00 : f32
        %sub3A_634 = vector.broadcast %sub3A_633 : f32 to vector<16xf32>
        %sub3A_635 = arith.subf %mul3A_632, %sub3A_634 : vector<16xf32>
        %add3A_636 = arith.addf %add3A_629, %add3A_592 : vector<16xf32>
        %mul3A_637 = arith.constant 6.000000e+00 : f32
        %mul3A_638 = vector.broadcast %mul3A_637 : f32 to vector<16xf32>
        %mul3A_639 = arith.mulf %mul3A_638, %add3A_636 : vector<16xf32>
        %sub3A_640 = arith.constant 3.000000e+00 : f32
        %sub3A_641 = vector.broadcast %sub3A_640 : f32 to vector<16xf32>
        %sub3A_642 = arith.subf %mul3A_639, %sub3A_641 : vector<16xf32>
        %add3A_643 = arith.addf %add3A_636, %add3A_596 : vector<16xf32>
        %mul3A_644 = arith.constant 6.000000e+00 : f32
        %mul3A_645 = vector.broadcast %mul3A_644 : f32 to vector<16xf32>
        %mul3A_646 = arith.mulf %mul3A_645, %add3A_643 : vector<16xf32>
        %sub3A_647 = arith.constant 3.000000e+00 : f32
        %sub3A_648 = vector.broadcast %sub3A_647 : f32 to vector<16xf32>
        %sub3A_649 = arith.subf %mul3A_646, %sub3A_648 : vector<16xf32>
        %broadcast_in_dim3A_650 = arith.constant 3.000000e+00 : f32
        %broadcast_in_dim3A_651 = vector.broadcast %broadcast_in_dim3A_650 : f32 to vector<16xf32>
        %exp3A_652 = math.exp %get3A_392 : vector<16xf32>
        %exp3A_653 = math.exp %get3A_399 : vector<16xf32>
        %exp3A_654 = math.exp %get3A_406 : vector<16xf32>
        %exp3A_655 = math.exp %get3A_413 : vector<16xf32>
        %exp3A_656 = math.exp %get3A_420 : vector<16xf32>
        %exp3A_657 = math.exp %get3A_427 : vector<16xf32>
        %exp3A_658 = math.exp %get3A_434 : vector<16xf32>
        %exp3A_659 = math.exp %get3A_441 : vector<16xf32>
        %add3A_660 = arith.addf %exp3A_652, %exp3A_653 : vector<16xf32>
        %add3A_661 = arith.addf %add3A_660, %exp3A_654 : vector<16xf32>
        %add3A_662 = arith.addf %add3A_661, %exp3A_655 : vector<16xf32>
        %add3A_663 = arith.addf %add3A_662, %exp3A_656 : vector<16xf32>
        %add3A_664 = arith.addf %add3A_663, %exp3A_657 : vector<16xf32>
        %add3A_665 = arith.addf %add3A_664, %exp3A_658 : vector<16xf32>
        %add3A_666 = arith.addf %add3A_665, %exp3A_659 : vector<16xf32>
        %div3A_667 = arith.constant 0.991999983 : f32
        %div3A_668 = vector.broadcast %div3A_667 : f32 to vector<16xf32>
        %div3A_669 = arith.divf %div3A_668, %add3A_666 : vector<16xf32>
        %mul3A_670 = arith.mulf %div3A_669, %exp3A_652 : vector<16xf32>
        %add3A_671 = arith.constant 1.000000e-03 : f32
        %add3A_672 = vector.broadcast %add3A_671 : f32 to vector<16xf32>
        %add3A_673 = arith.addf %add3A_672, %mul3A_670 : vector<16xf32>
        %mul3A_674 = arith.mulf %div3A_669, %exp3A_653 : vector<16xf32>
        %add3A_675 = arith.constant 1.000000e-03 : f32
        %add3A_676 = vector.broadcast %add3A_675 : f32 to vector<16xf32>
        %add3A_677 = arith.addf %add3A_676, %mul3A_674 : vector<16xf32>
        %mul3A_678 = arith.mulf %div3A_669, %exp3A_654 : vector<16xf32>
        %add3A_679 = arith.constant 1.000000e-03 : f32
        %add3A_680 = vector.broadcast %add3A_679 : f32 to vector<16xf32>
        %add3A_681 = arith.addf %add3A_680, %mul3A_678 : vector<16xf32>
        %mul3A_682 = arith.mulf %div3A_669, %exp3A_655 : vector<16xf32>
        %add3A_683 = arith.constant 1.000000e-03 : f32
        %add3A_684 = vector.broadcast %add3A_683 : f32 to vector<16xf32>
        %add3A_685 = arith.addf %add3A_684, %mul3A_682 : vector<16xf32>
        %mul3A_686 = arith.mulf %div3A_669, %exp3A_656 : vector<16xf32>
        %add3A_687 = arith.constant 1.000000e-03 : f32
        %add3A_688 = vector.broadcast %add3A_687 : f32 to vector<16xf32>
        %add3A_689 = arith.addf %add3A_688, %mul3A_686 : vector<16xf32>
        %mul3A_690 = arith.mulf %div3A_669, %exp3A_657 : vector<16xf32>
        %add3A_691 = arith.constant 1.000000e-03 : f32
        %add3A_692 = vector.broadcast %add3A_691 : f32 to vector<16xf32>
        %add3A_693 = arith.addf %add3A_692, %mul3A_690 : vector<16xf32>
        %mul3A_694 = arith.mulf %div3A_669, %exp3A_658 : vector<16xf32>
        %add3A_695 = arith.constant 1.000000e-03 : f32
        %add3A_696 = vector.broadcast %add3A_695 : f32 to vector<16xf32>
        %add3A_697 = arith.addf %add3A_696, %mul3A_694 : vector<16xf32>
        %mul3A_698 = arith.mulf %div3A_669, %exp3A_659 : vector<16xf32>
        %add3A_699 = arith.constant 1.000000e-03 : f32
        %add3A_700 = vector.broadcast %add3A_699 : f32 to vector<16xf32>
        %add3A_701 = arith.addf %add3A_700, %mul3A_698 : vector<16xf32>
        %broadcast_in_dim3A_702 = arith.constant -3.000000e+00 : f32
        %broadcast_in_dim3A_703 = vector.broadcast %broadcast_in_dim3A_702 : f32 to vector<16xf32>
        %mul3A_704 = arith.constant 6.000000e+00 : f32
        %mul3A_705 = vector.broadcast %mul3A_704 : f32 to vector<16xf32>
        %mul3A_706 = arith.mulf %mul3A_705, %add3A_673 : vector<16xf32>
        %sub3A_707 = arith.constant 3.000000e+00 : f32
        %sub3A_708 = vector.broadcast %sub3A_707 : f32 to vector<16xf32>
        %sub3A_709 = arith.subf %mul3A_706, %sub3A_708 : vector<16xf32>
        %add3A_710 = arith.addf %add3A_673, %add3A_677 : vector<16xf32>
        %mul3A_711 = arith.constant 6.000000e+00 : f32
        %mul3A_712 = vector.broadcast %mul3A_711 : f32 to vector<16xf32>
        %mul3A_713 = arith.mulf %mul3A_712, %add3A_710 : vector<16xf32>
        %sub3A_714 = arith.constant 3.000000e+00 : f32
        %sub3A_715 = vector.broadcast %sub3A_714 : f32 to vector<16xf32>
        %sub3A_716 = arith.subf %mul3A_713, %sub3A_715 : vector<16xf32>
        %add3A_717 = arith.addf %add3A_710, %add3A_681 : vector<16xf32>
        %mul3A_718 = arith.constant 6.000000e+00 : f32
        %mul3A_719 = vector.broadcast %mul3A_718 : f32 to vector<16xf32>
        %mul3A_720 = arith.mulf %mul3A_719, %add3A_717 : vector<16xf32>
        %sub3A_721 = arith.constant 3.000000e+00 : f32
        %sub3A_722 = vector.broadcast %sub3A_721 : f32 to vector<16xf32>
        %sub3A_723 = arith.subf %mul3A_720, %sub3A_722 : vector<16xf32>
        %add3A_724 = arith.addf %add3A_717, %add3A_685 : vector<16xf32>
        %mul3A_725 = arith.constant 6.000000e+00 : f32
        %mul3A_726 = vector.broadcast %mul3A_725 : f32 to vector<16xf32>
        %mul3A_727 = arith.mulf %mul3A_726, %add3A_724 : vector<16xf32>
        %sub3A_728 = arith.constant 3.000000e+00 : f32
        %sub3A_729 = vector.broadcast %sub3A_728 : f32 to vector<16xf32>
        %sub3A_730 = arith.subf %mul3A_727, %sub3A_729 : vector<16xf32>
        %add3A_731 = arith.addf %add3A_724, %add3A_689 : vector<16xf32>
        %mul3A_732 = arith.constant 6.000000e+00 : f32
        %mul3A_733 = vector.broadcast %mul3A_732 : f32 to vector<16xf32>
        %mul3A_734 = arith.mulf %mul3A_733, %add3A_731 : vector<16xf32>
        %sub3A_735 = arith.constant 3.000000e+00 : f32
        %sub3A_736 = vector.broadcast %sub3A_735 : f32 to vector<16xf32>
        %sub3A_737 = arith.subf %mul3A_734, %sub3A_736 : vector<16xf32>
        %add3A_738 = arith.addf %add3A_731, %add3A_693 : vector<16xf32>
        %mul3A_739 = arith.constant 6.000000e+00 : f32
        %mul3A_740 = vector.broadcast %mul3A_739 : f32 to vector<16xf32>
        %mul3A_741 = arith.mulf %mul3A_740, %add3A_738 : vector<16xf32>
        %sub3A_742 = arith.constant 3.000000e+00 : f32
        %sub3A_743 = vector.broadcast %sub3A_742 : f32 to vector<16xf32>
        %sub3A_744 = arith.subf %mul3A_741, %sub3A_743 : vector<16xf32>
        %add3A_745 = arith.addf %add3A_738, %add3A_697 : vector<16xf32>
        %mul3A_746 = arith.constant 6.000000e+00 : f32
        %mul3A_747 = vector.broadcast %mul3A_746 : f32 to vector<16xf32>
        %mul3A_748 = arith.mulf %mul3A_747, %add3A_745 : vector<16xf32>
        %sub3A_749 = arith.constant 3.000000e+00 : f32
        %sub3A_750 = vector.broadcast %sub3A_749 : f32 to vector<16xf32>
        %sub3A_751 = arith.subf %mul3A_748, %sub3A_750 : vector<16xf32>
        %broadcast_in_dim3A_752 = arith.constant 3.000000e+00 : f32
        %broadcast_in_dim3A_753 = vector.broadcast %broadcast_in_dim3A_752 : f32 to vector<16xf32>
        %add3A_754 = arith.constant 9.99999997E-7 : f32
        %add3A_755 = vector.broadcast %add3A_754 : f32 to vector<16xf32>
        %add3A_756 = arith.addf %sub3A_607, %add3A_755 : vector<16xf32>
        %le3A = arith.cmpf ole, %add3A_756, %get3A_551 : vector<16xf32>
        %add3A_757 = arith.constant 9.99999997E-7 : f32
        %add3A_758 = vector.broadcast %add3A_757 : f32 to vector<16xf32>
        %add3A_759 = arith.addf %sub3A_614, %add3A_758 : vector<16xf32>
        %le3A_760 = arith.cmpf ole, %add3A_759, %get3A_551 : vector<16xf32>
        %add3A_761 = arith.constant 9.99999997E-7 : f32
        %add3A_762 = vector.broadcast %add3A_761 : f32 to vector<16xf32>
        %add3A_763 = arith.addf %sub3A_621, %add3A_762 : vector<16xf32>
        %le3A_764 = arith.cmpf ole, %add3A_763, %get3A_551 : vector<16xf32>
        %add3A_765 = arith.constant 9.99999997E-7 : f32
        %add3A_766 = vector.broadcast %add3A_765 : f32 to vector<16xf32>
        %add3A_767 = arith.addf %sub3A_628, %add3A_766 : vector<16xf32>
        %le3A_768 = arith.cmpf ole, %add3A_767, %get3A_551 : vector<16xf32>
        %add3A_769 = arith.constant 9.99999997E-7 : f32
        %add3A_770 = vector.broadcast %add3A_769 : f32 to vector<16xf32>
        %add3A_771 = arith.addf %sub3A_635, %add3A_770 : vector<16xf32>
        %le3A_772 = arith.cmpf ole, %add3A_771, %get3A_551 : vector<16xf32>
        %add3A_773 = arith.constant 9.99999997E-7 : f32
        %add3A_774 = vector.broadcast %add3A_773 : f32 to vector<16xf32>
        %add3A_775 = arith.addf %sub3A_642, %add3A_774 : vector<16xf32>
        %le3A_776 = arith.cmpf ole, %add3A_775, %get3A_551 : vector<16xf32>
        %add3A_777 = arith.constant 9.99999997E-7 : f32
        %add3A_778 = vector.broadcast %add3A_777 : f32 to vector<16xf32>
        %add3A_779 = arith.addf %sub3A_649, %add3A_778 : vector<16xf32>
        %le3A_780 = arith.cmpf ole, %add3A_779, %get3A_551 : vector<16xf32>
        %select_n3A_781 = arith.select %le3A, %sub3A_607, %broadcast_in_dim3A_601 : vector<16xi1>, vector<16xf32>
        %select_n3A_782 = arith.select %le3A_760, %sub3A_614, %select_n3A_781 : vector<16xi1>, vector<16xf32>
        %select_n3A_783 = arith.select %le3A_764, %sub3A_621, %select_n3A_782 : vector<16xi1>, vector<16xf32>
        %select_n3A_784 = arith.select %le3A_768, %sub3A_628, %select_n3A_783 : vector<16xi1>, vector<16xf32>
        %select_n3A_785 = arith.select %le3A_772, %sub3A_635, %select_n3A_784 : vector<16xi1>, vector<16xf32>
        %select_n3A_786 = arith.select %le3A_776, %sub3A_642, %select_n3A_785 : vector<16xi1>, vector<16xf32>
        %select_n3A_787 = arith.select %le3A_780, %sub3A_649, %select_n3A_786 : vector<16xi1>, vector<16xf32>
        %select_n3A_788 = arith.select %le3A, %sub3A_614, %sub3A_607 : vector<16xi1>, vector<16xf32>
        %select_n3A_789 = arith.select %le3A_760, %sub3A_621, %select_n3A_788 : vector<16xi1>, vector<16xf32>
        %select_n3A_790 = arith.select %le3A_764, %sub3A_628, %select_n3A_789 : vector<16xi1>, vector<16xf32>
        %select_n3A_791 = arith.select %le3A_768, %sub3A_635, %select_n3A_790 : vector<16xi1>, vector<16xf32>
        %select_n3A_792 = arith.select %le3A_772, %sub3A_642, %select_n3A_791 : vector<16xi1>, vector<16xf32>
        %select_n3A_793 = arith.select %le3A_776, %sub3A_649, %select_n3A_792 : vector<16xi1>, vector<16xf32>
        %select_n3A_794 = arith.select %le3A_780, %broadcast_in_dim3A_651, %select_n3A_793 : vector<16xi1>, vector<16xf32>
        %sub3A_795 = arith.subf %select_n3A_794, %select_n3A_787 : vector<16xf32>
        %select_n3A_796 = arith.select %le3A, %sub3A_709, %broadcast_in_dim3A_703 : vector<16xi1>, vector<16xf32>
        %select_n3A_797 = arith.select %le3A_760, %sub3A_716, %select_n3A_796 : vector<16xi1>, vector<16xf32>
        %select_n3A_798 = arith.select %le3A_764, %sub3A_723, %select_n3A_797 : vector<16xi1>, vector<16xf32>
        %select_n3A_799 = arith.select %le3A_768, %sub3A_730, %select_n3A_798 : vector<16xi1>, vector<16xf32>
        %select_n3A_800 = arith.select %le3A_772, %sub3A_737, %select_n3A_799 : vector<16xi1>, vector<16xf32>
        %select_n3A_801 = arith.select %le3A_776, %sub3A_744, %select_n3A_800 : vector<16xi1>, vector<16xf32>
        %select_n3A_802 = arith.select %le3A_780, %sub3A_751, %select_n3A_801 : vector<16xi1>, vector<16xf32>
        %select_n3A_803 = arith.select %le3A, %sub3A_716, %sub3A_709 : vector<16xi1>, vector<16xf32>
        %select_n3A_804 = arith.select %le3A_760, %sub3A_723, %select_n3A_803 : vector<16xi1>, vector<16xf32>
        %select_n3A_805 = arith.select %le3A_764, %sub3A_730, %select_n3A_804 : vector<16xi1>, vector<16xf32>
        %select_n3A_806 = arith.select %le3A_768, %sub3A_737, %select_n3A_805 : vector<16xi1>, vector<16xf32>
        %select_n3A_807 = arith.select %le3A_772, %sub3A_744, %select_n3A_806 : vector<16xi1>, vector<16xf32>
        %select_n3A_808 = arith.select %le3A_776, %sub3A_751, %select_n3A_807 : vector<16xi1>, vector<16xf32>
        %select_n3A_809 = arith.select %le3A_780, %broadcast_in_dim3A_753, %select_n3A_808 : vector<16xi1>, vector<16xf32>
        %sub3A_810 = arith.subf %select_n3A_809, %select_n3A_802 : vector<16xf32>
        %select_n3A_811 = arith.select %le3A_760, %get3A_455, %get3A_448 : vector<16xi1>, vector<16xf32>
        %select_n3A_812 = arith.select %le3A_764, %get3A_462, %select_n3A_811 : vector<16xi1>, vector<16xf32>
        %select_n3A_813 = arith.select %le3A_768, %get3A_469, %select_n3A_812 : vector<16xi1>, vector<16xf32>
        %select_n3A_814 = arith.select %le3A_772, %get3A_476, %select_n3A_813 : vector<16xi1>, vector<16xf32>
        %select_n3A_815 = arith.select %le3A_776, %get3A_483, %select_n3A_814 : vector<16xi1>, vector<16xf32>
        %select_n3A_816 = arith.select %le3A_780, %get3A_490, %select_n3A_815 : vector<16xi1>, vector<16xf32>
        %select_n3A_817 = arith.select %le3A, %get3A_455, %get3A_448 : vector<16xi1>, vector<16xf32>
        %select_n3A_818 = arith.select %le3A_760, %get3A_462, %select_n3A_817 : vector<16xi1>, vector<16xf32>
        %select_n3A_819 = arith.select %le3A_764, %get3A_469, %select_n3A_818 : vector<16xi1>, vector<16xf32>
        %select_n3A_820 = arith.select %le3A_768, %get3A_476, %select_n3A_819 : vector<16xi1>, vector<16xf32>
        %select_n3A_821 = arith.select %le3A_772, %get3A_483, %select_n3A_820 : vector<16xi1>, vector<16xf32>
        %select_n3A_822 = arith.select %le3A_776, %get3A_490, %select_n3A_821 : vector<16xi1>, vector<16xf32>
        %max3A = arith.constant 0.000000e+00 : f32
        %max3A_823 = vector.broadcast %max3A : f32 to vector<16xf32>
        %max3A_824 = arith.maximumf %select_n3A_816, %max3A_823 : vector<16xf32>
        %abs3A = math.absf %select_n3A_816 : vector<16xf32>
        %neg3A = arith.constant 0.000000e+00 : f32
        %neg3A_825 = vector.broadcast %neg3A : f32 to vector<16xf32>
        %neg3A_826 = arith.subf %neg3A_825, %abs3A : vector<16xf32>
        %exp3A_827 = math.exp %neg3A_826 : vector<16xf32>
        %add3A_828 = arith.constant 2.000000e+00 : f32
        %add3A_829 = vector.broadcast %add3A_828 : f32 to vector<16xf32>
        %add3A_830 = arith.addf %exp3A_827, %add3A_829 : vector<16xf32>
        %div3A_831 = arith.divf %exp3A_827, %add3A_830 : vector<16xf32>
        %mul3A_832 = arith.mulf %div3A_831, %div3A_831 : vector<16xf32>
        %mul3A_833 = arith.constant 0.111111112 : f32
        %mul3A_834 = vector.broadcast %mul3A_833 : f32 to vector<16xf32>
        %mul3A_835 = arith.mulf %mul3A_832, %mul3A_834 : vector<16xf32>
        %add3A_836 = arith.constant 0.142857149 : f32
        %add3A_837 = vector.broadcast %add3A_836 : f32 to vector<16xf32>
        %add3A_838 = arith.addf %add3A_837, %mul3A_835 : vector<16xf32>
        %mul3A_839 = arith.mulf %mul3A_832, %add3A_838 : vector<16xf32>
        %add3A_840 = arith.constant 2.000000e-01 : f32
        %add3A_841 = vector.broadcast %add3A_840 : f32 to vector<16xf32>
        %add3A_842 = arith.addf %add3A_841, %mul3A_839 : vector<16xf32>
        %mul3A_843 = arith.mulf %mul3A_832, %add3A_842 : vector<16xf32>
        %add3A_844 = arith.constant 0.333333343 : f32
        %add3A_845 = vector.broadcast %add3A_844 : f32 to vector<16xf32>
        %add3A_846 = arith.addf %add3A_845, %mul3A_843 : vector<16xf32>
        %mul3A_847 = arith.constant 2.000000e+00 : f32
        %mul3A_848 = vector.broadcast %mul3A_847 : f32 to vector<16xf32>
        %mul3A_849 = arith.mulf %mul3A_848, %div3A_831 : vector<16xf32>
        %mul3A_850 = arith.mulf %mul3A_832, %add3A_846 : vector<16xf32>
        %add3A_851 = arith.constant 1.000000e+00 : f32
        %add3A_852 = vector.broadcast %add3A_851 : f32 to vector<16xf32>
        %add3A_853 = arith.addf %add3A_852, %mul3A_850 : vector<16xf32>
        %mul3A_854 = arith.mulf %mul3A_849, %add3A_853 : vector<16xf32>
        %add3A_855 = arith.addf %max3A_824, %mul3A_854 : vector<16xf32>
        %add3A_856 = arith.constant 1.000000e-03 : f32
        %add3A_857 = vector.broadcast %add3A_856 : f32 to vector<16xf32>
        %add3A_858 = arith.addf %add3A_857, %add3A_855 : vector<16xf32>
        %jit3A_859 = arith.constant 9.990000e-01 : f32
        %broadcast_in_dim3A_860 = vector.broadcast %jit3A_859 : f32 to vector<16xf32>
        %select_n3A_861 = arith.select %le3A, %add3A_858, %broadcast_in_dim3A_860 : vector<16xi1>, vector<16xf32>
        %max3A_862 = arith.constant 0.000000e+00 : f32
        %max3A_863 = vector.broadcast %max3A_862 : f32 to vector<16xf32>
        %max3A_864 = arith.maximumf %select_n3A_822, %max3A_863 : vector<16xf32>
        %abs3A_865 = math.absf %select_n3A_822 : vector<16xf32>
        %neg3A_866 = arith.constant 0.000000e+00 : f32
        %neg3A_867 = vector.broadcast %neg3A_866 : f32 to vector<16xf32>
        %neg3A_868 = arith.subf %neg3A_867, %abs3A_865 : vector<16xf32>
        %exp3A_869 = math.exp %neg3A_868 : vector<16xf32>
        %add3A_870 = arith.constant 2.000000e+00 : f32
        %add3A_871 = vector.broadcast %add3A_870 : f32 to vector<16xf32>
        %add3A_872 = arith.addf %exp3A_869, %add3A_871 : vector<16xf32>
        %div3A_873 = arith.divf %exp3A_869, %add3A_872 : vector<16xf32>
        %mul3A_874 = arith.mulf %div3A_873, %div3A_873 : vector<16xf32>
        %mul3A_875 = arith.constant 0.111111112 : f32
        %mul3A_876 = vector.broadcast %mul3A_875 : f32 to vector<16xf32>
        %mul3A_877 = arith.mulf %mul3A_874, %mul3A_876 : vector<16xf32>
        %add3A_878 = arith.constant 0.142857149 : f32
        %add3A_879 = vector.broadcast %add3A_878 : f32 to vector<16xf32>
        %add3A_880 = arith.addf %add3A_879, %mul3A_877 : vector<16xf32>
        %mul3A_881 = arith.mulf %mul3A_874, %add3A_880 : vector<16xf32>
        %add3A_882 = arith.constant 2.000000e-01 : f32
        %add3A_883 = vector.broadcast %add3A_882 : f32 to vector<16xf32>
        %add3A_884 = arith.addf %add3A_883, %mul3A_881 : vector<16xf32>
        %mul3A_885 = arith.mulf %mul3A_874, %add3A_884 : vector<16xf32>
        %add3A_886 = arith.constant 0.333333343 : f32
        %add3A_887 = vector.broadcast %add3A_886 : f32 to vector<16xf32>
        %add3A_888 = arith.addf %add3A_887, %mul3A_885 : vector<16xf32>
        %mul3A_889 = arith.constant 2.000000e+00 : f32
        %mul3A_890 = vector.broadcast %mul3A_889 : f32 to vector<16xf32>
        %mul3A_891 = arith.mulf %mul3A_890, %div3A_873 : vector<16xf32>
        %mul3A_892 = arith.mulf %mul3A_874, %add3A_888 : vector<16xf32>
        %add3A_893 = arith.constant 1.000000e+00 : f32
        %add3A_894 = vector.broadcast %add3A_893 : f32 to vector<16xf32>
        %add3A_895 = arith.addf %add3A_894, %mul3A_892 : vector<16xf32>
        %mul3A_896 = arith.mulf %mul3A_891, %add3A_895 : vector<16xf32>
        %add3A_897 = arith.addf %max3A_864, %mul3A_896 : vector<16xf32>
        %add3A_898 = arith.constant 1.000000e-03 : f32
        %add3A_899 = vector.broadcast %add3A_898 : f32 to vector<16xf32>
        %add3A_900 = arith.addf %add3A_899, %add3A_897 : vector<16xf32>
        %jit3A_901 = arith.constant 9.990000e-01 : f32
        %broadcast_in_dim3A_902 = vector.broadcast %jit3A_901 : f32 to vector<16xf32>
        %select_n3A_903 = arith.select %le3A_780, %broadcast_in_dim3A_902, %add3A_900 : vector<16xi1>, vector<16xf32>
        %select_n3A_904 = arith.select %le3A, %get3A_504, %get3A_497 : vector<16xi1>, vector<16xf32>
        %select_n3A_905 = arith.select %le3A_760, %get3A_511, %select_n3A_904 : vector<16xi1>, vector<16xf32>
        %select_n3A_906 = arith.select %le3A_764, %get3A_518, %select_n3A_905 : vector<16xi1>, vector<16xf32>
        %select_n3A_907 = arith.select %le3A_768, %get3A_525, %select_n3A_906 : vector<16xi1>, vector<16xf32>
        %select_n3A_908 = arith.select %le3A_772, %get3A_532, %select_n3A_907 : vector<16xi1>, vector<16xf32>
        %select_n3A_909 = arith.select %le3A_776, %get3A_539, %select_n3A_908 : vector<16xi1>, vector<16xf32>
        %select_n3A_910 = arith.select %le3A_780, %get3A_546, %select_n3A_909 : vector<16xi1>, vector<16xf32>
        %neg3A_911 = arith.constant 0.000000e+00 : f32
        %neg3A_912 = vector.broadcast %neg3A_911 : f32 to vector<16xf32>
        %neg3A_913 = arith.subf %neg3A_912, %select_n3A_910 : vector<16xf32>
        %exp3A_914 = math.exp %neg3A_913 : vector<16xf32>
        %add3A_915 = arith.constant 1.000000e+00 : f32
        %add3A_916 = vector.broadcast %add3A_915 : f32 to vector<16xf32>
        %add3A_917 = arith.addf %add3A_916, %exp3A_914 : vector<16xf32>
        %div3A_918 = arith.constant 0.949999988 : f32
        %div3A_919 = vector.broadcast %div3A_918 : f32 to vector<16xf32>
        %div3A_920 = arith.divf %div3A_919, %add3A_917 : vector<16xf32>
        %add3A_921 = arith.constant 2.500000e-02 : f32
        %add3A_922 = vector.broadcast %add3A_921 : f32 to vector<16xf32>
        %add3A_923 = arith.addf %div3A_920, %add3A_922 : vector<16xf32>
        %div3A_924 = arith.constant 1.000000e+00 : f32
        %div3A_925 = vector.broadcast %div3A_924 : f32 to vector<16xf32>
        %div3A_926 = arith.divf %div3A_925, %sub3A_795 : vector<16xf32>
        %div3A_927 = arith.divf %select_n3A_861, %select_n3A_903 : vector<16xf32>
        %bitcast3A = vector.bitcast %div3A_927 : vector<16xf32> to vector<16xi32>
        %shift_right_arithmetic3A = arith.constant 1 : i32
        %shift_right_arithmetic3A_928 = vector.broadcast %shift_right_arithmetic3A : i32 to vector<16xi32>
        %shift_right_arithmetic3A_929 = arith.shrsi %bitcast3A, %shift_right_arithmetic3A_928 : vector<16xi32>
        %sub3A_930 = arith.constant 1597463007 : i32
        %sub3A_931 = vector.broadcast %sub3A_930 : i32 to vector<16xi32>
        %sub3A_932 = arith.subi %sub3A_931, %shift_right_arithmetic3A_929 : vector<16xi32>
        %bitcast3A_933 = vector.bitcast %sub3A_932 : vector<16xi32> to vector<16xf32>
        %mul3A_934 = arith.constant 5.000000e-01 : f32
        %mul3A_935 = vector.broadcast %mul3A_934 : f32 to vector<16xf32>
        %mul3A_936 = arith.mulf %mul3A_935, %div3A_927 : vector<16xf32>
        %mul3A_937 = arith.mulf %mul3A_936, %bitcast3A_933 : vector<16xf32>
        %mul3A_938 = arith.mulf %mul3A_937, %bitcast3A_933 : vector<16xf32>
        %sub3A_939 = arith.constant 1.500000e+00 : f32
        %sub3A_940 = vector.broadcast %sub3A_939 : f32 to vector<16xf32>
        %sub3A_941 = arith.subf %sub3A_940, %mul3A_938 : vector<16xf32>
        %mul3A_942 = arith.mulf %bitcast3A_933, %sub3A_941 : vector<16xf32>
        %mul3A_943 = arith.constant 5.000000e-01 : f32
        %mul3A_944 = vector.broadcast %mul3A_943 : f32 to vector<16xf32>
        %mul3A_945 = arith.mulf %mul3A_944, %div3A_927 : vector<16xf32>
        %mul3A_946 = arith.mulf %mul3A_945, %mul3A_942 : vector<16xf32>
        %mul3A_947 = arith.mulf %mul3A_946, %mul3A_942 : vector<16xf32>
        %sub3A_948 = arith.constant 1.500000e+00 : f32
        %sub3A_949 = vector.broadcast %sub3A_948 : f32 to vector<16xf32>
        %sub3A_950 = arith.subf %sub3A_949, %mul3A_947 : vector<16xf32>
        %mul3A_951 = arith.mulf %mul3A_942, %sub3A_950 : vector<16xf32>
        %mul3A_952 = arith.constant 5.000000e-01 : f32
        %mul3A_953 = vector.broadcast %mul3A_952 : f32 to vector<16xf32>
        %mul3A_954 = arith.mulf %mul3A_953, %div3A_927 : vector<16xf32>
        %mul3A_955 = arith.mulf %mul3A_954, %mul3A_951 : vector<16xf32>
        %mul3A_956 = arith.mulf %mul3A_955, %mul3A_951 : vector<16xf32>
        %sub3A_957 = arith.constant 1.500000e+00 : f32
        %sub3A_958 = vector.broadcast %sub3A_957 : f32 to vector<16xf32>
        %sub3A_959 = arith.subf %sub3A_958, %mul3A_956 : vector<16xf32>
        %mul3A_960 = arith.mulf %mul3A_951, %sub3A_959 : vector<16xf32>
        %mul3A_961 = arith.mulf %div3A_927, %mul3A_960 : vector<16xf32>
        %mul3A_962 = arith.mulf %add3A_923, %mul3A_961 : vector<16xf32>
        %mul3A_963 = arith.mulf %add3A_923, %select_n3A_861 : vector<16xf32>
        %sub3A_964 = arith.subf %mul3A_961, %mul3A_962 : vector<16xf32>
        %mul3A_965 = arith.mulf %sub3A_964, %select_n3A_903 : vector<16xf32>
        %add3A_966 = arith.addf %mul3A_963, %mul3A_965 : vector<16xf32>
        %mul3A_967 = arith.mulf %add3A_966, %sub3A_795 : vector<16xf32>
        %div3A_968 = arith.divf %mul3A_967, %sub3A_810 : vector<16xf32>
        %sub3A_969 = arith.constant 1.000000e+00 : f32
        %sub3A_970 = vector.broadcast %sub3A_969 : f32 to vector<16xf32>
        %sub3A_971 = arith.subf %sub3A_970, %add3A_923 : vector<16xf32>
        %mul3A_972 = arith.mulf %mul3A_962, %select_n3A_809 : vector<16xf32>
        %mul3A_973 = arith.mulf %sub3A_971, %select_n3A_802 : vector<16xf32>
        %add3A_974 = arith.addf %mul3A_972, %mul3A_973 : vector<16xf32>
        %add3A_975 = arith.addf %sub3A_971, %mul3A_962 : vector<16xf32>
        %div3A_976 = arith.divf %add3A_974, %add3A_975 : vector<16xf32>
        %sub3A_977 = arith.subf %get3A_551, %select_n3A_787 : vector<16xf32>
        %mul3A_978 = arith.mulf %sub3A_977, %div3A_926 : vector<16xf32>
        %le3A_979 = arith.cmpf ole, %mul3A_978, %add3A_923 : vector<16xf32>
        %sub3A_980 = arith.subf %add3A_923, %mul3A_978 : vector<16xf32>
        %mul3A_981 = arith.mulf %div3A_968, %div3A_976 : vector<16xf32>
        %mul3A_982 = arith.mulf %mul3A_981, %mul3A_978 : vector<16xf32>
        %mul3A_983 = arith.mulf %select_n3A_802, %sub3A_980 : vector<16xf32>
        %add3A_984 = arith.addf %mul3A_982, %mul3A_983 : vector<16xf32>
        %sub3A_985 = arith.subf %mul3A_981, %mul3A_982 : vector<16xf32>
        %mul3A_986 = arith.mulf %mul3A_961, %select_n3A_809 : vector<16xf32>
        %mul3A_987 = arith.mulf %mul3A_986, %sub3A_980 : vector<16xf32>
        %sub3A_988 = arith.subf %sub3A_985, %mul3A_987 : vector<16xf32>
        %select_n3A_989 = arith.select %le3A_979, %add3A_984, %sub3A_988 : vector<16xi1>, vector<16xf32>
        %mul3A_990 = arith.mulf %div3A_968, %mul3A_978 : vector<16xf32>
        %add3A_991 = arith.addf %mul3A_990, %sub3A_980 : vector<16xf32>
        %sub3A_992 = arith.subf %div3A_968, %mul3A_990 : vector<16xf32>
        %mul3A_993 = arith.mulf %mul3A_961, %sub3A_980 : vector<16xf32>
        %sub3A_994 = arith.subf %sub3A_992, %mul3A_993 : vector<16xf32>
        %select_n3A_995 = arith.select %le3A_979, %add3A_991, %sub3A_994 : vector<16xi1>, vector<16xf32>
        %div3A_996 = arith.divf %select_n3A_989, %select_n3A_995 : vector<16xf32>
        %sub3A_997 = arith.subf %div3A_976, %select_n3A_802 : vector<16xf32>
        %mul3A_998 = arith.mulf %add3A_923, %sub3A_997 : vector<16xf32>
        %sub3A_999 = arith.subf %mul3A_961, %mul3A_962 : vector<16xf32>
        %sub3A_1000 = arith.subf %select_n3A_809, %div3A_976 : vector<16xf32>
        %mul3A_1001 = arith.mulf %sub3A_999, %sub3A_1000 : vector<16xf32>
        %select_n3A_1002 = arith.select %le3A_979, %mul3A_998, %mul3A_1001 : vector<16xi1>, vector<16xf32>
        %mul3A_1003 = arith.mulf %div3A_968, %select_n3A_1002 : vector<16xf32>
        %mul3A_1004 = arith.mulf %mul3A_1003, %div3A_926 : vector<16xf32>
        %mul3A_1005 = arith.mulf %select_n3A_995, %select_n3A_995 : vector<16xf32>
        %div3A_1006 = arith.divf %mul3A_1004, %mul3A_1005 : vector<16xf32>
        %bitcast3A_1007 = vector.bitcast %div3A_1006 : vector<16xf32> to vector<16xi32>
        %shift_right_arithmetic3A_1008 = arith.constant 23 : i32
        %shift_right_arithmetic3A_1009 = vector.broadcast %shift_right_arithmetic3A_1008 : i32 to vector<16xi32>
        %shift_right_arithmetic3A_1010 = arith.shrsi %bitcast3A_1007, %shift_right_arithmetic3A_1009 : vector<16xi32>
        %and3A_1011 = arith.constant 255 : i32
        %and3A_1012 = vector.broadcast %and3A_1011 : i32 to vector<16xi32>
        %and3A_1013 = arith.andi %shift_right_arithmetic3A_1010, %and3A_1012 : vector<16xi32>
        %sub3A_1014 = arith.constant 127 : i32
        %sub3A_1015 = vector.broadcast %sub3A_1014 : i32 to vector<16xi32>
        %sub3A_1016 = arith.subi %and3A_1013, %sub3A_1015 : vector<16xi32>
        %and3A_1017 = arith.constant 8388607 : i32
        %and3A_1018 = vector.broadcast %and3A_1017 : i32 to vector<16xi32>
        %and3A_1019 = arith.andi %bitcast3A_1007, %and3A_1018 : vector<16xi32>
        %or3A = arith.constant 1065353216 : i32
        %or3A_1020 = vector.broadcast %or3A : i32 to vector<16xi32>
        %or3A_1021 = arith.ori %and3A_1019, %or3A_1020 : vector<16xi32>
        %bitcast3A_1022 = vector.bitcast %or3A_1021 : vector<16xi32> to vector<16xf32>
        %gt3A_1023 = arith.constant 1.41421354 : f32
        %gt3A_1024 = vector.broadcast %gt3A_1023 : f32 to vector<16xf32>
        %gt3A_1025 = arith.cmpf ogt, %bitcast3A_1022, %gt3A_1024 : vector<16xf32>
        %mul3A_1026 = arith.constant 5.000000e-01 : f32
        %mul3A_1027 = vector.broadcast %mul3A_1026 : f32 to vector<16xf32>
        %mul3A_1028 = arith.mulf %mul3A_1027, %bitcast3A_1022 : vector<16xf32>
        %select_n3A_1029 = arith.select %gt3A_1025, %mul3A_1028, %bitcast3A_1022 : vector<16xi1>, vector<16xf32>
        %add3A_1030 = arith.constant 1 : i32
        %add3A_1031 = vector.broadcast %add3A_1030 : i32 to vector<16xi32>
        %add3A_1032 = arith.addi %sub3A_1016, %add3A_1031 : vector<16xi32>
        %select_n3A_1033 = arith.select %gt3A_1025, %add3A_1032, %sub3A_1016 : vector<16xi1>, vector<16xi32>
        %sub3A_1034 = arith.constant 1.000000e+00 : f32
        %sub3A_1035 = vector.broadcast %sub3A_1034 : f32 to vector<16xf32>
        %sub3A_1036 = arith.subf %select_n3A_1029, %sub3A_1035 : vector<16xf32>
        %add3A_1037 = arith.constant 1.000000e+00 : f32
        %add3A_1038 = vector.broadcast %add3A_1037 : f32 to vector<16xf32>
        %add3A_1039 = arith.addf %select_n3A_1029, %add3A_1038 : vector<16xf32>
        %div3A_1040 = arith.divf %sub3A_1036, %add3A_1039 : vector<16xf32>
        %mul3A_1041 = arith.mulf %div3A_1040, %div3A_1040 : vector<16xf32>
        %mul3A_1042 = arith.constant 0.111111112 : f32
        %mul3A_1043 = vector.broadcast %mul3A_1042 : f32 to vector<16xf32>
        %mul3A_1044 = arith.mulf %mul3A_1041, %mul3A_1043 : vector<16xf32>
        %add3A_1045 = arith.constant 0.142857149 : f32
        %add3A_1046 = vector.broadcast %add3A_1045 : f32 to vector<16xf32>
        %add3A_1047 = arith.addf %add3A_1046, %mul3A_1044 : vector<16xf32>
        %mul3A_1048 = arith.mulf %mul3A_1041, %add3A_1047 : vector<16xf32>
        %add3A_1049 = arith.constant 2.000000e-01 : f32
        %add3A_1050 = vector.broadcast %add3A_1049 : f32 to vector<16xf32>
        %add3A_1051 = arith.addf %add3A_1050, %mul3A_1048 : vector<16xf32>
        %mul3A_1052 = arith.mulf %mul3A_1041, %add3A_1051 : vector<16xf32>
        %add3A_1053 = arith.constant 0.333333343 : f32
        %add3A_1054 = vector.broadcast %add3A_1053 : f32 to vector<16xf32>
        %add3A_1055 = arith.addf %add3A_1054, %mul3A_1052 : vector<16xf32>
        %convert_element_type3A_1056 = arith.sitofp %select_n3A_1033 : vector<16xi32> to vector<16xf32>
        %mul3A_1057 = arith.constant 0.693147182 : f32
        %mul3A_1058 = vector.broadcast %mul3A_1057 : f32 to vector<16xf32>
        %mul3A_1059 = arith.mulf %convert_element_type3A_1056, %mul3A_1058 : vector<16xf32>
        %mul3A_1060 = arith.constant 2.000000e+00 : f32
        %mul3A_1061 = vector.broadcast %mul3A_1060 : f32 to vector<16xf32>
        %mul3A_1062 = arith.mulf %mul3A_1061, %div3A_1040 : vector<16xf32>
        %mul3A_1063 = arith.mulf %mul3A_1041, %add3A_1055 : vector<16xf32>
        %add3A_1064 = arith.constant 1.000000e+00 : f32
        %add3A_1065 = vector.broadcast %add3A_1064 : f32 to vector<16xf32>
        %add3A_1066 = arith.addf %add3A_1065, %mul3A_1063 : vector<16xf32>
        %mul3A_1067 = arith.mulf %mul3A_1062, %add3A_1066 : vector<16xf32>
        %add3A_1068 = arith.addf %mul3A_1059, %mul3A_1067 : vector<16xf32>
        %lt3A_1069 = arith.constant -3.000000e+00 : f32
        %lt3A_1070 = vector.broadcast %lt3A_1069 : f32 to vector<16xf32>
        %lt3A_1071 = arith.cmpf olt, %get3A_551, %lt3A_1070 : vector<16xf32>
        %gt3A_1072 = arith.constant 3.000000e+00 : f32
        %gt3A_1073 = vector.broadcast %gt3A_1072 : f32 to vector<16xf32>
        %gt3A_1074 = arith.cmpf ogt, %get3A_551, %gt3A_1073 : vector<16xf32>
        %or3A_1075 = arith.ori %lt3A_1071, %gt3A_1074 : vector<16xi1>
        %select_n3A_1076 = arith.select %or3A_1075, %get3A_551, %div3A_996 : vector<16xi1>, vector<16xf32>
        %jit3A_1077 = arith.constant 0.000000e+00 : f32
        %broadcast_in_dim3A_1078 = vector.broadcast %jit3A_1077 : f32 to vector<16xf32>
        %select_n3A_1079 = arith.select %or3A_1075, %broadcast_in_dim3A_1078, %add3A_1068 : vector<16xi1>, vector<16xf32>
        %mul3A_1080 = arith.constant 16 : i32
        %mul3A_1081 = arith.muli %mul3A_330, %mul3A_1080 : i32
        %swap3A = arith.index_cast %select_n3A_312 : i32 to index
        %swap3A_1082 = arith.index_cast %mul3A_1081 : i32 to index
        %swap3A_1083 = tpu.vector_load %arg10[%swap3A, %swap3A_1082] {strides = array<i32>} : memref<8x128xf32, #tpu.memory_space<vmem>>, vector<16xf32>,
        tpu.vector_store %arg10[%swap3A, %swap3A_1082], %select_n3A_1076 {strides = array<i32>} : memref<8x128xf32, #tpu.memory_space<vmem>>, vector<16xf32>,
        %mul3A_1084 = arith.constant 16 : i32
        %mul3A_1085 = arith.muli %mul3A_330, %mul3A_1084 : i32
        %swap3A_1086 = arith.index_cast %select_n3A_312 : i32 to index
        %swap3A_1087 = arith.index_cast %mul3A_1085 : i32 to index
        %swap3A_1088 = tpu.vector_load %arg11[%swap3A_1086, %swap3A_1087] {strides = array<i32>} : memref<8x128xf32, #tpu.memory_space<vmem>>, vector<16xf32>,
        tpu.vector_store %arg11[%swap3A_1086, %swap3A_1087], %select_n3A_1079 {strides = array<i32>} : memref<8x128xf32, #tpu.memory_space<vmem>>, vector<16xf32>,
        %mul3A_1089 = arith.constant 2 : i32
        %mul3A_1090 = arith.muli %mul3A_1089, %select_n3A_328 : i32
        %add3A_1091 = arith.constant 1 : i32
        %add3A_1092 = arith.addi %mul3A_1090, %add3A_1091 : i32
        %mul3A_1093 = arith.constant 16 : i32
        %mul3A_1094 = arith.muli %add3A_1092, %mul3A_1093 : i32
        %get3A_1095 = arith.constant 0 : i32
        %get3A_1096 = arith.index_cast %get3A_1095 : i32 to index
        %get3A_1097 = arith.index_cast %select_n3A_312 : i32 to index
        %get3A_1098 = arith.index_cast %mul3A_1094 : i32 to index
        %get3A_1099 = tpu.vector_load %arg6[%get3A_1096, %get3A_1097, %get3A_1098] {strides = array<i32>} : memref<31x8x128xf32, #tpu.memory_space<vmem>>, vector<16xf32>,
        %mul3A_1100 = arith.constant 16 : i32
        %mul3A_1101 = arith.muli %add3A_1092, %mul3A_1100 : i32
        %get3A_1102 = arith.constant 1 : i32
        %get3A_1103 = arith.index_cast %get3A_1102 : i32 to index
        %get3A_1104 = arith.index_cast %select_n3A_312 : i32 to index
        %get3A_1105 = arith.index_cast %mul3A_1101 : i32 to index
        %get3A_1106 = tpu.vector_load %arg6[%get3A_1103, %get3A_1104, %get3A_1105] {strides = array<i32>} : memref<31x8x128xf32, #tpu.memory_space<vmem>>, vector<16xf32>,
        %mul3A_1107 = arith.constant 16 : i32
        %mul3A_1108 = arith.muli %add3A_1092, %mul3A_1107 : i32
        %get3A_1109 = arith.constant 2 : i32
        %get3A_1110 = arith.index_cast %get3A_1109 : i32 to index
        %get3A_1111 = arith.index_cast %select_n3A_312 : i32 to index
        %get3A_1112 = arith.index_cast %mul3A_1108 : i32 to index
        %get3A_1113 = tpu.vector_load %arg6[%get3A_1110, %get3A_1111, %get3A_1112] {strides = array<i32>} : memref<31x8x128xf32, #tpu.memory_space<vmem>>, vector<16xf32>,
        %mul3A_1114 = arith.constant 16 : i32
        %mul3A_1115 = arith.muli %add3A_1092, %mul3A_1114 : i32
        %get3A_1116 = arith.constant 3 : i32
        %get3A_1117 = arith.index_cast %get3A_1116 : i32 to index
        %get3A_1118 = arith.index_cast %select_n3A_312 : i32 to index
        %get3A_1119 = arith.index_cast %mul3A_1115 : i32 to index
        %get3A_1120 = tpu.vector_load %arg6[%get3A_1117, %get3A_1118, %get3A_1119] {strides = array<i32>} : memref<31x8x128xf32, #tpu.memory_space<vmem>>, vector<16xf32>,
        %mul3A_1121 = arith.constant 16 : i32
        %mul3A_1122 = arith.muli %add3A_1092, %mul3A_1121 : i32
        %get3A_1123 = arith.constant 4 : i32
        %get3A_1124 = arith.index_cast %get3A_1123 : i32 to index
        %get3A_1125 = arith.index_cast %select_n3A_312 : i32 to index
        %get3A_1126 = arith.index_cast %mul3A_1122 : i32 to index
        %get3A_1127 = tpu.vector_load %arg6[%get3A_1124, %get3A_1125, %get3A_1126] {strides = array<i32>} : memref<31x8x128xf32, #tpu.memory_space<vmem>>, vector<16xf32>,
        %mul3A_1128 = arith.constant 16 : i32
        %mul3A_1129 = arith.muli %add3A_1092, %mul3A_1128 : i32
        %get3A_1130 = arith.constant 5 : i32
        %get3A_1131 = arith.index_cast %get3A_1130 : i32 to index
        %get3A_1132 = arith.index_cast %select_n3A_312 : i32 to index
        %get3A_1133 = arith.index_cast %mul3A_1129 : i32 to index
        %get3A_1134 = tpu.vector_load %arg6[%get3A_1131, %get3A_1132, %get3A_1133] {strides = array<i32>} : memref<31x8x128xf32, #tpu.memory_space<vmem>>, vector<16xf32>,
        %mul3A_1135 = arith.constant 16 : i32
        %mul3A_1136 = arith.muli %add3A_1092, %mul3A_1135 : i32
        %get3A_1137 = arith.constant 6 : i32
        %get3A_1138 = arith.index_cast %get3A_1137 : i32 to index
        %get3A_1139 = arith.index_cast %select_n3A_312 : i32 to index
        %get3A_1140 = arith.index_cast %mul3A_1136 : i32 to index
        %get3A_1141 = tpu.vector_load %arg6[%get3A_1138, %get3A_1139, %get3A_1140] {strides = array<i32>} : memref<31x8x128xf32, #tpu.memory_space<vmem>>, vector<16xf32>,
        %mul3A_1142 = arith.constant 16 : i32
        %mul3A_1143 = arith.muli %add3A_1092, %mul3A_1142 : i32
        %get3A_1144 = arith.constant 7 : i32
        %get3A_1145 = arith.index_cast %get3A_1144 : i32 to index
        %get3A_1146 = arith.index_cast %select_n3A_312 : i32 to index
        %get3A_1147 = arith.index_cast %mul3A_1143 : i32 to index
        %get3A_1148 = tpu.vector_load %arg6[%get3A_1145, %get3A_1146, %get3A_1147] {strides = array<i32>} : memref<31x8x128xf32, #tpu.memory_space<vmem>>, vector<16xf32>,
        %mul3A_1149 = arith.constant 16 : i32
        %mul3A_1150 = arith.muli %add3A_1092, %mul3A_1149 : i32
        %get3A_1151 = arith.constant 8 : i32
        %get3A_1152 = arith.index_cast %get3A_1151 : i32 to index
        %get3A_1153 = arith.index_cast %select_n3A_312 : i32 to index
        %get3A_1154 = arith.index_cast %mul3A_1150 : i32 to index
        %get3A_1155 = tpu.vector_load %arg6[%get3A_1152, %get3A_1153, %get3A_1154] {strides = array<i32>} : memref<31x8x128xf32, #tpu.memory_space<vmem>>, vector<16xf32>,
        %mul3A_1156 = arith.constant 16 : i32
        %mul3A_1157 = arith.muli %add3A_1092, %mul3A_1156 : i32
        %get3A_1158 = arith.constant 9 : i32
        %get3A_1159 = arith.index_cast %get3A_1158 : i32 to index
        %get3A_1160 = arith.index_cast %select_n3A_312 : i32 to index
        %get3A_1161 = arith.index_cast %mul3A_1157 : i32 to index
        %get3A_1162 = tpu.vector_load %arg6[%get3A_1159, %get3A_1160, %get3A_1161] {strides = array<i32>} : memref<31x8x128xf32, #tpu.memory_space<vmem>>, vector<16xf32>,
        %mul3A_1163 = arith.constant 16 : i32
        %mul3A_1164 = arith.muli %add3A_1092, %mul3A_1163 : i32
        %get3A_1165 = arith.constant 10 : i32
        %get3A_1166 = arith.index_cast %get3A_1165 : i32 to index
        %get3A_1167 = arith.index_cast %select_n3A_312 : i32 to index
        %get3A_1168 = arith.index_cast %mul3A_1164 : i32 to index
        %get3A_1169 = tpu.vector_load %arg6[%get3A_1166, %get3A_1167, %get3A_1168] {strides = array<i32>} : memref<31x8x128xf32, #tpu.memory_space<vmem>>, vector<16xf32>,
        %mul3A_1170 = arith.constant 16 : i32
        %mul3A_1171 = arith.muli %add3A_1092, %mul3A_1170 : i32
        %get3A_1172 = arith.constant 11 : i32
        %get3A_1173 = arith.index_cast %get3A_1172 : i32 to index
        %get3A_1174 = arith.index_cast %select_n3A_312 : i32 to index
        %get3A_1175 = arith.index_cast %mul3A_1171 : i32 to index
        %get3A_1176 = tpu.vector_load %arg6[%get3A_1173, %get3A_1174, %get3A_1175] {strides = array<i32>} : memref<31x8x128xf32, #tpu.memory_space<vmem>>, vector<16xf32>,
        %mul3A_1177 = arith.constant 16 : i32
        %mul3A_1178 = arith.muli %add3A_1092, %mul3A_1177 : i32
        %get3A_1179 = arith.constant 12 : i32
        %get3A_1180 = arith.index_cast %get3A_1179 : i32 to index
        %get3A_1181 = arith.index_cast %select_n3A_312 : i32 to index
        %get3A_1182 = arith.index_cast %mul3A_1178 : i32 to index
        %get3A_1183 = tpu.vector_load %arg6[%get3A_1180, %get3A_1181, %get3A_1182] {strides = array<i32>} : memref<31x8x128xf32, #tpu.memory_space<vmem>>, vector<16xf32>,
        %mul3A_1184 = arith.constant 16 : i32
        %mul3A_1185 = arith.muli %add3A_1092, %mul3A_1184 : i32
        %get3A_1186 = arith.constant 13 : i32
        %get3A_1187 = arith.index_cast %get3A_1186 : i32 to index
        %get3A_1188 = arith.index_cast %select_n3A_312 : i32 to index
        %get3A_1189 = arith.index_cast %mul3A_1185 : i32 to index
        %get3A_1190 = tpu.vector_load %arg6[%get3A_1187, %get3A_1188, %get3A_1189] {strides = array<i32>} : memref<31x8x128xf32, #tpu.memory_space<vmem>>, vector<16xf32>,
        %mul3A_1191 = arith.constant 16 : i32
        %mul3A_1192 = arith.muli %add3A_1092, %mul3A_1191 : i32
        %get3A_1193 = arith.constant 14 : i32
        %get3A_1194 = arith.index_cast %get3A_1193 : i32 to index
        %get3A_1195 = arith.index_cast %select_n3A_312 : i32 to index
        %get3A_1196 = arith.index_cast %mul3A_1192 : i32 to index
        %get3A_1197 = tpu.vector_load %arg6[%get3A_1194, %get3A_1195, %get3A_1196] {strides = array<i32>} : memref<31x8x128xf32, #tpu.memory_space<vmem>>, vector<16xf32>,
        %mul3A_1198 = arith.constant 16 : i32
        %mul3A_1199 = arith.muli %add3A_1092, %mul3A_1198 : i32
        %get3A_1200 = arith.constant 15 : i32
        %get3A_1201 = arith.index_cast %get3A_1200 : i32 to index
        %get3A_1202 = arith.index_cast %select_n3A_312 : i32 to index
        %get3A_1203 = arith.index_cast %mul3A_1199 : i32 to index
        %get3A_1204 = tpu.vector_load %arg6[%get3A_1201, %get3A_1202, %get3A_1203] {strides = array<i32>} : memref<31x8x128xf32, #tpu.memory_space<vmem>>, vector<16xf32>,
        %mul3A_1205 = arith.constant 16 : i32
        %mul3A_1206 = arith.muli %add3A_1092, %mul3A_1205 : i32
        %get3A_1207 = arith.constant 16 : i32
        %get3A_1208 = arith.index_cast %get3A_1207 : i32 to index
        %get3A_1209 = arith.index_cast %select_n3A_312 : i32 to index
        %get3A_1210 = arith.index_cast %mul3A_1206 : i32 to index
        %get3A_1211 = tpu.vector_load %arg6[%get3A_1208, %get3A_1209, %get3A_1210] {strides = array<i32>} : memref<31x8x128xf32, #tpu.memory_space<vmem>>, vector<16xf32>,
        %mul3A_1212 = arith.constant 16 : i32
        %mul3A_1213 = arith.muli %add3A_1092, %mul3A_1212 : i32
        %get3A_1214 = arith.constant 17 : i32
        %get3A_1215 = arith.index_cast %get3A_1214 : i32 to index
        %get3A_1216 = arith.index_cast %select_n3A_312 : i32 to index
        %get3A_1217 = arith.index_cast %mul3A_1213 : i32 to index
        %get3A_1218 = tpu.vector_load %arg6[%get3A_1215, %get3A_1216, %get3A_1217] {strides = array<i32>} : memref<31x8x128xf32, #tpu.memory_space<vmem>>, vector<16xf32>,
        %mul3A_1219 = arith.constant 16 : i32
        %mul3A_1220 = arith.muli %add3A_1092, %mul3A_1219 : i32
        %get3A_1221 = arith.constant 18 : i32
        %get3A_1222 = arith.index_cast %get3A_1221 : i32 to index
        %get3A_1223 = arith.index_cast %select_n3A_312 : i32 to index
        %get3A_1224 = arith.index_cast %mul3A_1220 : i32 to index
        %get3A_1225 = tpu.vector_load %arg6[%get3A_1222, %get3A_1223, %get3A_1224] {strides = array<i32>} : memref<31x8x128xf32, #tpu.memory_space<vmem>>, vector<16xf32>,
        %mul3A_1226 = arith.constant 16 : i32
        %mul3A_1227 = arith.muli %add3A_1092, %mul3A_1226 : i32
        %get3A_1228 = arith.constant 19 : i32
        %get3A_1229 = arith.index_cast %get3A_1228 : i32 to index
        %get3A_1230 = arith.index_cast %select_n3A_312 : i32 to index
        %get3A_1231 = arith.index_cast %mul3A_1227 : i32 to index
        %get3A_1232 = tpu.vector_load %arg6[%get3A_1229, %get3A_1230, %get3A_1231] {strides = array<i32>} : memref<31x8x128xf32, #tpu.memory_space<vmem>>, vector<16xf32>,
        %mul3A_1233 = arith.constant 16 : i32
        %mul3A_1234 = arith.muli %add3A_1092, %mul3A_1233 : i32
        %get3A_1235 = arith.constant 20 : i32
        %get3A_1236 = arith.index_cast %get3A_1235 : i32 to index
        %get3A_1237 = arith.index_cast %select_n3A_312 : i32 to index
        %get3A_1238 = arith.index_cast %mul3A_1234 : i32 to index
        %get3A_1239 = tpu.vector_load %arg6[%get3A_1236, %get3A_1237, %get3A_1238] {strides = array<i32>} : memref<31x8x128xf32, #tpu.memory_space<vmem>>, vector<16xf32>,
        %mul3A_1240 = arith.constant 16 : i32
        %mul3A_1241 = arith.muli %add3A_1092, %mul3A_1240 : i32
        %get3A_1242 = arith.constant 21 : i32
        %get3A_1243 = arith.index_cast %get3A_1242 : i32 to index
        %get3A_1244 = arith.index_cast %select_n3A_312 : i32 to index
        %get3A_1245 = arith.index_cast %mul3A_1241 : i32 to index
        %get3A_1246 = tpu.vector_load %arg6[%get3A_1243, %get3A_1244, %get3A_1245] {strides = array<i32>} : memref<31x8x128xf32, #tpu.memory_space<vmem>>, vector<16xf32>,
        %mul3A_1247 = arith.constant 16 : i32
        %mul3A_1248 = arith.muli %add3A_1092, %mul3A_1247 : i32
        %get3A_1249 = arith.constant 22 : i32
        %get3A_1250 = arith.index_cast %get3A_1249 : i32 to index
        %get3A_1251 = arith.index_cast %select_n3A_312 : i32 to index
        %get3A_1252 = arith.index_cast %mul3A_1248 : i32 to index
        %get3A_1253 = tpu.vector_load %arg6[%get3A_1250, %get3A_1251, %get3A_1252] {strides = array<i32>} : memref<31x8x128xf32, #tpu.memory_space<vmem>>, vector<16xf32>,
        %mul3A_1254 = arith.constant 16 : i32
        %mul3A_1255 = arith.muli %add3A_1092, %mul3A_1254 : i32
        %get3A_1256 = arith.constant 23 : i32
        %get3A_1257 = arith.index_cast %get3A_1256 : i32 to index
        %get3A_1258 = arith.index_cast %select_n3A_312 : i32 to index
        %get3A_1259 = arith.index_cast %mul3A_1255 : i32 to index
        %get3A_1260 = tpu.vector_load %arg6[%get3A_1257, %get3A_1258, %get3A_1259] {strides = array<i32>} : memref<31x8x128xf32, #tpu.memory_space<vmem>>, vector<16xf32>,
        %mul3A_1261 = arith.constant 16 : i32
        %mul3A_1262 = arith.muli %add3A_1092, %mul3A_1261 : i32
        %get3A_1263 = arith.constant 24 : i32
        %get3A_1264 = arith.index_cast %get3A_1263 : i32 to index
        %get3A_1265 = arith.index_cast %select_n3A_312 : i32 to index
        %get3A_1266 = arith.index_cast %mul3A_1262 : i32 to index
        %get3A_1267 = tpu.vector_load %arg6[%get3A_1264, %get3A_1265, %get3A_1266] {strides = array<i32>} : memref<31x8x128xf32, #tpu.memory_space<vmem>>, vector<16xf32>,
        %mul3A_1268 = arith.constant 16 : i32
        %mul3A_1269 = arith.muli %add3A_1092, %mul3A_1268 : i32
        %get3A_1270 = arith.constant 25 : i32
        %get3A_1271 = arith.index_cast %get3A_1270 : i32 to index
        %get3A_1272 = arith.index_cast %select_n3A_312 : i32 to index
        %get3A_1273 = arith.index_cast %mul3A_1269 : i32 to index
        %get3A_1274 = tpu.vector_load %arg6[%get3A_1271, %get3A_1272, %get3A_1273] {strides = array<i32>} : memref<31x8x128xf32, #tpu.memory_space<vmem>>, vector<16xf32>,
        %mul3A_1275 = arith.constant 16 : i32
        %mul3A_1276 = arith.muli %add3A_1092, %mul3A_1275 : i32
        %get3A_1277 = arith.constant 26 : i32
        %get3A_1278 = arith.index_cast %get3A_1277 : i32 to index
        %get3A_1279 = arith.index_cast %select_n3A_312 : i32 to index
        %get3A_1280 = arith.index_cast %mul3A_1276 : i32 to index
        %get3A_1281 = tpu.vector_load %arg6[%get3A_1278, %get3A_1279, %get3A_1280] {strides = array<i32>} : memref<31x8x128xf32, #tpu.memory_space<vmem>>, vector<16xf32>,
        %mul3A_1282 = arith.constant 16 : i32
        %mul3A_1283 = arith.muli %add3A_1092, %mul3A_1282 : i32
        %get3A_1284 = arith.constant 27 : i32
        %get3A_1285 = arith.index_cast %get3A_1284 : i32 to index
        %get3A_1286 = arith.index_cast %select_n3A_312 : i32 to index
        %get3A_1287 = arith.index_cast %mul3A_1283 : i32 to index
        %get3A_1288 = tpu.vector_load %arg6[%get3A_1285, %get3A_1286, %get3A_1287] {strides = array<i32>} : memref<31x8x128xf32, #tpu.memory_space<vmem>>, vector<16xf32>,
        %mul3A_1289 = arith.constant 16 : i32
        %mul3A_1290 = arith.muli %add3A_1092, %mul3A_1289 : i32
        %get3A_1291 = arith.constant 28 : i32
        %get3A_1292 = arith.index_cast %get3A_1291 : i32 to index
        %get3A_1293 = arith.index_cast %select_n3A_312 : i32 to index
        %get3A_1294 = arith.index_cast %mul3A_1290 : i32 to index
        %get3A_1295 = tpu.vector_load %arg6[%get3A_1292, %get3A_1293, %get3A_1294] {strides = array<i32>} : memref<31x8x128xf32, #tpu.memory_space<vmem>>, vector<16xf32>,
        %mul3A_1296 = arith.constant 16 : i32
        %mul3A_1297 = arith.muli %add3A_1092, %mul3A_1296 : i32
        %get3A_1298 = arith.constant 29 : i32
        %get3A_1299 = arith.index_cast %get3A_1298 : i32 to index
        %get3A_1300 = arith.index_cast %select_n3A_312 : i32 to index
        %get3A_1301 = arith.index_cast %mul3A_1297 : i32 to index
        %get3A_1302 = tpu.vector_load %arg6[%get3A_1299, %get3A_1300, %get3A_1301] {strides = array<i32>} : memref<31x8x128xf32, #tpu.memory_space<vmem>>, vector<16xf32>,
        %mul3A_1303 = arith.constant 16 : i32
        %mul3A_1304 = arith.muli %add3A_1092, %mul3A_1303 : i32
        %get3A_1305 = arith.constant 30 : i32
        %get3A_1306 = arith.index_cast %get3A_1305 : i32 to index
        %get3A_1307 = arith.index_cast %select_n3A_312 : i32 to index
        %get3A_1308 = arith.index_cast %mul3A_1304 : i32 to index
        %get3A_1309 = tpu.vector_load %arg6[%get3A_1306, %get3A_1307, %get3A_1308] {strides = array<i32>} : memref<31x8x128xf32, #tpu.memory_space<vmem>>, vector<16xf32>,
        %mul3A_1310 = arith.constant 16 : i32
        %mul3A_1311 = arith.muli %add3A_1092, %mul3A_1310 : i32
        %get3A_1312 = arith.index_cast %select_n3A_312 : i32 to index
        %get3A_1313 = arith.index_cast %mul3A_1311 : i32 to index
        %get3A_1314 = tpu.vector_load %arg8[%get3A_1312, %get3A_1313] {strides = array<i32>} : memref<8x128xf32, #tpu.memory_space<vmem>>, vector<16xf32>,
        %exp3A_1315 = math.exp %get3A_1099 : vector<16xf32>
        %exp3A_1316 = math.exp %get3A_1106 : vector<16xf32>
        %exp3A_1317 = math.exp %get3A_1113 : vector<16xf32>
        %exp3A_1318 = math.exp %get3A_1120 : vector<16xf32>
        %exp3A_1319 = math.exp %get3A_1127 : vector<16xf32>
        %exp3A_1320 = math.exp %get3A_1134 : vector<16xf32>
        %exp3A_1321 = math.exp %get3A_1141 : vector<16xf32>
        %exp3A_1322 = math.exp %get3A_1148 : vector<16xf32>
        %add3A_1323 = arith.addf %exp3A_1315, %exp3A_1316 : vector<16xf32>
        %add3A_1324 = arith.addf %add3A_1323, %exp3A_1317 : vector<16xf32>
        %add3A_1325 = arith.addf %add3A_1324, %exp3A_1318 : vector<16xf32>
        %add3A_1326 = arith.addf %add3A_1325, %exp3A_1319 : vector<16xf32>
        %add3A_1327 = arith.addf %add3A_1326, %exp3A_1320 : vector<16xf32>
        %add3A_1328 = arith.addf %add3A_1327, %exp3A_1321 : vector<16xf32>
        %add3A_1329 = arith.addf %add3A_1328, %exp3A_1322 : vector<16xf32>
        %div3A_1330 = arith.constant 0.991999983 : f32
        %div3A_1331 = vector.broadcast %div3A_1330 : f32 to vector<16xf32>
        %div3A_1332 = arith.divf %div3A_1331, %add3A_1329 : vector<16xf32>
        %mul3A_1333 = arith.mulf %div3A_1332, %exp3A_1315 : vector<16xf32>
        %add3A_1334 = arith.constant 1.000000e-03 : f32
        %add3A_1335 = vector.broadcast %add3A_1334 : f32 to vector<16xf32>
        %add3A_1336 = arith.addf %add3A_1335, %mul3A_1333 : vector<16xf32>
        %mul3A_1337 = arith.mulf %div3A_1332, %exp3A_1316 : vector<16xf32>
        %add3A_1338 = arith.constant 1.000000e-03 : f32
        %add3A_1339 = vector.broadcast %add3A_1338 : f32 to vector<16xf32>
        %add3A_1340 = arith.addf %add3A_1339, %mul3A_1337 : vector<16xf32>
        %mul3A_1341 = arith.mulf %div3A_1332, %exp3A_1317 : vector<16xf32>
        %add3A_1342 = arith.constant 1.000000e-03 : f32
        %add3A_1343 = vector.broadcast %add3A_1342 : f32 to vector<16xf32>
        %add3A_1344 = arith.addf %add3A_1343, %mul3A_1341 : vector<16xf32>
        %mul3A_1345 = arith.mulf %div3A_1332, %exp3A_1318 : vector<16xf32>
        %add3A_1346 = arith.constant 1.000000e-03 : f32
        %add3A_1347 = vector.broadcast %add3A_1346 : f32 to vector<16xf32>
        %add3A_1348 = arith.addf %add3A_1347, %mul3A_1345 : vector<16xf32>
        %mul3A_1349 = arith.mulf %div3A_1332, %exp3A_1319 : vector<16xf32>
        %add3A_1350 = arith.constant 1.000000e-03 : f32
        %add3A_1351 = vector.broadcast %add3A_1350 : f32 to vector<16xf32>
        %add3A_1352 = arith.addf %add3A_1351, %mul3A_1349 : vector<16xf32>
        %mul3A_1353 = arith.mulf %div3A_1332, %exp3A_1320 : vector<16xf32>
        %add3A_1354 = arith.constant 1.000000e-03 : f32
        %add3A_1355 = vector.broadcast %add3A_1354 : f32 to vector<16xf32>
        %add3A_1356 = arith.addf %add3A_1355, %mul3A_1353 : vector<16xf32>
        %mul3A_1357 = arith.mulf %div3A_1332, %exp3A_1321 : vector<16xf32>
        %add3A_1358 = arith.constant 1.000000e-03 : f32
        %add3A_1359 = vector.broadcast %add3A_1358 : f32 to vector<16xf32>
        %add3A_1360 = arith.addf %add3A_1359, %mul3A_1357 : vector<16xf32>
        %mul3A_1361 = arith.mulf %div3A_1332, %exp3A_1322 : vector<16xf32>
        %add3A_1362 = arith.constant 1.000000e-03 : f32
        %add3A_1363 = vector.broadcast %add3A_1362 : f32 to vector<16xf32>
        %add3A_1364 = arith.addf %add3A_1363, %mul3A_1361 : vector<16xf32>
        %broadcast_in_dim3A_1365 = arith.constant -3.000000e+00 : f32
        %broadcast_in_dim3A_1366 = vector.broadcast %broadcast_in_dim3A_1365 : f32 to vector<16xf32>
        %mul3A_1367 = arith.constant 6.000000e+00 : f32
        %mul3A_1368 = vector.broadcast %mul3A_1367 : f32 to vector<16xf32>
        %mul3A_1369 = arith.mulf %mul3A_1368, %add3A_1336 : vector<16xf32>
        %sub3A_1370 = arith.constant 3.000000e+00 : f32
        %sub3A_1371 = vector.broadcast %sub3A_1370 : f32 to vector<16xf32>
        %sub3A_1372 = arith.subf %mul3A_1369, %sub3A_1371 : vector<16xf32>
        %add3A_1373 = arith.addf %add3A_1336, %add3A_1340 : vector<16xf32>
        %mul3A_1374 = arith.constant 6.000000e+00 : f32
        %mul3A_1375 = vector.broadcast %mul3A_1374 : f32 to vector<16xf32>
        %mul3A_1376 = arith.mulf %mul3A_1375, %add3A_1373 : vector<16xf32>
        %sub3A_1377 = arith.constant 3.000000e+00 : f32
        %sub3A_1378 = vector.broadcast %sub3A_1377 : f32 to vector<16xf32>
        %sub3A_1379 = arith.subf %mul3A_1376, %sub3A_1378 : vector<16xf32>
        %add3A_1380 = arith.addf %add3A_1373, %add3A_1344 : vector<16xf32>
        %mul3A_1381 = arith.constant 6.000000e+00 : f32
        %mul3A_1382 = vector.broadcast %mul3A_1381 : f32 to vector<16xf32>
        %mul3A_1383 = arith.mulf %mul3A_1382, %add3A_1380 : vector<16xf32>
        %sub3A_1384 = arith.constant 3.000000e+00 : f32
        %sub3A_1385 = vector.broadcast %sub3A_1384 : f32 to vector<16xf32>
        %sub3A_1386 = arith.subf %mul3A_1383, %sub3A_1385 : vector<16xf32>
        %add3A_1387 = arith.addf %add3A_1380, %add3A_1348 : vector<16xf32>
        %mul3A_1388 = arith.constant 6.000000e+00 : f32
        %mul3A_1389 = vector.broadcast %mul3A_1388 : f32 to vector<16xf32>
        %mul3A_1390 = arith.mulf %mul3A_1389, %add3A_1387 : vector<16xf32>
        %sub3A_1391 = arith.constant 3.000000e+00 : f32
        %sub3A_1392 = vector.broadcast %sub3A_1391 : f32 to vector<16xf32>
        %sub3A_1393 = arith.subf %mul3A_1390, %sub3A_1392 : vector<16xf32>
        %add3A_1394 = arith.addf %add3A_1387, %add3A_1352 : vector<16xf32>
        %mul3A_1395 = arith.constant 6.000000e+00 : f32
        %mul3A_1396 = vector.broadcast %mul3A_1395 : f32 to vector<16xf32>
        %mul3A_1397 = arith.mulf %mul3A_1396, %add3A_1394 : vector<16xf32>
        %sub3A_1398 = arith.constant 3.000000e+00 : f32
        %sub3A_1399 = vector.broadcast %sub3A_1398 : f32 to vector<16xf32>
        %sub3A_1400 = arith.subf %mul3A_1397, %sub3A_1399 : vector<16xf32>
        %add3A_1401 = arith.addf %add3A_1394, %add3A_1356 : vector<16xf32>
        %mul3A_1402 = arith.constant 6.000000e+00 : f32
        %mul3A_1403 = vector.broadcast %mul3A_1402 : f32 to vector<16xf32>
        %mul3A_1404 = arith.mulf %mul3A_1403, %add3A_1401 : vector<16xf32>
        %sub3A_1405 = arith.constant 3.000000e+00 : f32
        %sub3A_1406 = vector.broadcast %sub3A_1405 : f32 to vector<16xf32>
        %sub3A_1407 = arith.subf %mul3A_1404, %sub3A_1406 : vector<16xf32>
        %add3A_1408 = arith.addf %add3A_1401, %add3A_1360 : vector<16xf32>
        %mul3A_1409 = arith.constant 6.000000e+00 : f32
        %mul3A_1410 = vector.broadcast %mul3A_1409 : f32 to vector<16xf32>
        %mul3A_1411 = arith.mulf %mul3A_1410, %add3A_1408 : vector<16xf32>
        %sub3A_1412 = arith.constant 3.000000e+00 : f32
        %sub3A_1413 = vector.broadcast %sub3A_1412 : f32 to vector<16xf32>
        %sub3A_1414 = arith.subf %mul3A_1411, %sub3A_1413 : vector<16xf32>
        %broadcast_in_dim3A_1415 = arith.constant 3.000000e+00 : f32
        %broadcast_in_dim3A_1416 = vector.broadcast %broadcast_in_dim3A_1415 : f32 to vector<16xf32>
        %exp3A_1417 = math.exp %get3A_1155 : vector<16xf32>
        %exp3A_1418 = math.exp %get3A_1162 : vector<16xf32>
        %exp3A_1419 = math.exp %get3A_1169 : vector<16xf32>
        %exp3A_1420 = math.exp %get3A_1176 : vector<16xf32>
        %exp3A_1421 = math.exp %get3A_1183 : vector<16xf32>
        %exp3A_1422 = math.exp %get3A_1190 : vector<16xf32>
        %exp3A_1423 = math.exp %get3A_1197 : vector<16xf32>
        %exp3A_1424 = math.exp %get3A_1204 : vector<16xf32>
        %add3A_1425 = arith.addf %exp3A_1417, %exp3A_1418 : vector<16xf32>
        %add3A_1426 = arith.addf %add3A_1425, %exp3A_1419 : vector<16xf32>
        %add3A_1427 = arith.addf %add3A_1426, %exp3A_1420 : vector<16xf32>
        %add3A_1428 = arith.addf %add3A_1427, %exp3A_1421 : vector<16xf32>
        %add3A_1429 = arith.addf %add3A_1428, %exp3A_1422 : vector<16xf32>
        %add3A_1430 = arith.addf %add3A_1429, %exp3A_1423 : vector<16xf32>
        %add3A_1431 = arith.addf %add3A_1430, %exp3A_1424 : vector<16xf32>
        %div3A_1432 = arith.constant 0.991999983 : f32
        %div3A_1433 = vector.broadcast %div3A_1432 : f32 to vector<16xf32>
        %div3A_1434 = arith.divf %div3A_1433, %add3A_1431 : vector<16xf32>
        %mul3A_1435 = arith.mulf %div3A_1434, %exp3A_1417 : vector<16xf32>
        %add3A_1436 = arith.constant 1.000000e-03 : f32
        %add3A_1437 = vector.broadcast %add3A_1436 : f32 to vector<16xf32>
        %add3A_1438 = arith.addf %add3A_1437, %mul3A_1435 : vector<16xf32>
        %mul3A_1439 = arith.mulf %div3A_1434, %exp3A_1418 : vector<16xf32>
        %add3A_1440 = arith.constant 1.000000e-03 : f32
        %add3A_1441 = vector.broadcast %add3A_1440 : f32 to vector<16xf32>
        %add3A_1442 = arith.addf %add3A_1441, %mul3A_1439 : vector<16xf32>
        %mul3A_1443 = arith.mulf %div3A_1434, %exp3A_1419 : vector<16xf32>
        %add3A_1444 = arith.constant 1.000000e-03 : f32
        %add3A_1445 = vector.broadcast %add3A_1444 : f32 to vector<16xf32>
        %add3A_1446 = arith.addf %add3A_1445, %mul3A_1443 : vector<16xf32>
        %mul3A_1447 = arith.mulf %div3A_1434, %exp3A_1420 : vector<16xf32>
        %add3A_1448 = arith.constant 1.000000e-03 : f32
        %add3A_1449 = vector.broadcast %add3A_1448 : f32 to vector<16xf32>
        %add3A_1450 = arith.addf %add3A_1449, %mul3A_1447 : vector<16xf32>
        %mul3A_1451 = arith.mulf %div3A_1434, %exp3A_1421 : vector<16xf32>
        %add3A_1452 = arith.constant 1.000000e-03 : f32
        %add3A_1453 = vector.broadcast %add3A_1452 : f32 to vector<16xf32>
        %add3A_1454 = arith.addf %add3A_1453, %mul3A_1451 : vector<16xf32>
        %mul3A_1455 = arith.mulf %div3A_1434, %exp3A_1422 : vector<16xf32>
        %add3A_1456 = arith.constant 1.000000e-03 : f32
        %add3A_1457 = vector.broadcast %add3A_1456 : f32 to vector<16xf32>
        %add3A_1458 = arith.addf %add3A_1457, %mul3A_1455 : vector<16xf32>
        %mul3A_1459 = arith.mulf %div3A_1434, %exp3A_1423 : vector<16xf32>
        %add3A_1460 = arith.constant 1.000000e-03 : f32
        %add3A_1461 = vector.broadcast %add3A_1460 : f32 to vector<16xf32>
        %add3A_1462 = arith.addf %add3A_1461, %mul3A_1459 : vector<16xf32>
        %mul3A_1463 = arith.mulf %div3A_1434, %exp3A_1424 : vector<16xf32>
        %add3A_1464 = arith.constant 1.000000e-03 : f32
        %add3A_1465 = vector.broadcast %add3A_1464 : f32 to vector<16xf32>
        %add3A_1466 = arith.addf %add3A_1465, %mul3A_1463 : vector<16xf32>
        %broadcast_in_dim3A_1467 = arith.constant -3.000000e+00 : f32
        %broadcast_in_dim3A_1468 = vector.broadcast %broadcast_in_dim3A_1467 : f32 to vector<16xf32>
        %mul3A_1469 = arith.constant 6.000000e+00 : f32
        %mul3A_1470 = vector.broadcast %mul3A_1469 : f32 to vector<16xf32>
        %mul3A_1471 = arith.mulf %mul3A_1470, %add3A_1438 : vector<16xf32>
        %sub3A_1472 = arith.constant 3.000000e+00 : f32
        %sub3A_1473 = vector.broadcast %sub3A_1472 : f32 to vector<16xf32>
        %sub3A_1474 = arith.subf %mul3A_1471, %sub3A_1473 : vector<16xf32>
        %add3A_1475 = arith.addf %add3A_1438, %add3A_1442 : vector<16xf32>
        %mul3A_1476 = arith.constant 6.000000e+00 : f32
        %mul3A_1477 = vector.broadcast %mul3A_1476 : f32 to vector<16xf32>
        %mul3A_1478 = arith.mulf %mul3A_1477, %add3A_1475 : vector<16xf32>
        %sub3A_1479 = arith.constant 3.000000e+00 : f32
        %sub3A_1480 = vector.broadcast %sub3A_1479 : f32 to vector<16xf32>
        %sub3A_1481 = arith.subf %mul3A_1478, %sub3A_1480 : vector<16xf32>
        %add3A_1482 = arith.addf %add3A_1475, %add3A_1446 : vector<16xf32>
        %mul3A_1483 = arith.constant 6.000000e+00 : f32
        %mul3A_1484 = vector.broadcast %mul3A_1483 : f32 to vector<16xf32>
        %mul3A_1485 = arith.mulf %mul3A_1484, %add3A_1482 : vector<16xf32>
        %sub3A_1486 = arith.constant 3.000000e+00 : f32
        %sub3A_1487 = vector.broadcast %sub3A_1486 : f32 to vector<16xf32>
        %sub3A_1488 = arith.subf %mul3A_1485, %sub3A_1487 : vector<16xf32>
        %add3A_1489 = arith.addf %add3A_1482, %add3A_1450 : vector<16xf32>
        %mul3A_1490 = arith.constant 6.000000e+00 : f32
        %mul3A_1491 = vector.broadcast %mul3A_1490 : f32 to vector<16xf32>
        %mul3A_1492 = arith.mulf %mul3A_1491, %add3A_1489 : vector<16xf32>
        %sub3A_1493 = arith.constant 3.000000e+00 : f32
        %sub3A_1494 = vector.broadcast %sub3A_1493 : f32 to vector<16xf32>
        %sub3A_1495 = arith.subf %mul3A_1492, %sub3A_1494 : vector<16xf32>
        %add3A_1496 = arith.addf %add3A_1489, %add3A_1454 : vector<16xf32>
        %mul3A_1497 = arith.constant 6.000000e+00 : f32
        %mul3A_1498 = vector.broadcast %mul3A_1497 : f32 to vector<16xf32>
        %mul3A_1499 = arith.mulf %mul3A_1498, %add3A_1496 : vector<16xf32>
        %sub3A_1500 = arith.constant 3.000000e+00 : f32
        %sub3A_1501 = vector.broadcast %sub3A_1500 : f32 to vector<16xf32>
        %sub3A_1502 = arith.subf %mul3A_1499, %sub3A_1501 : vector<16xf32>
        %add3A_1503 = arith.addf %add3A_1496, %add3A_1458 : vector<16xf32>
        %mul3A_1504 = arith.constant 6.000000e+00 : f32
        %mul3A_1505 = vector.broadcast %mul3A_1504 : f32 to vector<16xf32>
        %mul3A_1506 = arith.mulf %mul3A_1505, %add3A_1503 : vector<16xf32>
        %sub3A_1507 = arith.constant 3.000000e+00 : f32
        %sub3A_1508 = vector.broadcast %sub3A_1507 : f32 to vector<16xf32>
        %sub3A_1509 = arith.subf %mul3A_1506, %sub3A_1508 : vector<16xf32>
        %add3A_1510 = arith.addf %add3A_1503, %add3A_1462 : vector<16xf32>
        %mul3A_1511 = arith.constant 6.000000e+00 : f32
        %mul3A_1512 = vector.broadcast %mul3A_1511 : f32 to vector<16xf32>
        %mul3A_1513 = arith.mulf %mul3A_1512, %add3A_1510 : vector<16xf32>
        %sub3A_1514 = arith.constant 3.000000e+00 : f32
        %sub3A_1515 = vector.broadcast %sub3A_1514 : f32 to vector<16xf32>
        %sub3A_1516 = arith.subf %mul3A_1513, %sub3A_1515 : vector<16xf32>
        %broadcast_in_dim3A_1517 = arith.constant 3.000000e+00 : f32
        %broadcast_in_dim3A_1518 = vector.broadcast %broadcast_in_dim3A_1517 : f32 to vector<16xf32>
        %add3A_1519 = arith.constant 9.99999997E-7 : f32
        %add3A_1520 = vector.broadcast %add3A_1519 : f32 to vector<16xf32>
        %add3A_1521 = arith.addf %sub3A_1372, %add3A_1520 : vector<16xf32>
        %le3A_1522 = arith.cmpf ole, %add3A_1521, %get3A_1314 : vector<16xf32>
        %add3A_1523 = arith.constant 9.99999997E-7 : f32
        %add3A_1524 = vector.broadcast %add3A_1523 : f32 to vector<16xf32>
        %add3A_1525 = arith.addf %sub3A_1379, %add3A_1524 : vector<16xf32>
        %le3A_1526 = arith.cmpf ole, %add3A_1525, %get3A_1314 : vector<16xf32>
        %add3A_1527 = arith.constant 9.99999997E-7 : f32
        %add3A_1528 = vector.broadcast %add3A_1527 : f32 to vector<16xf32>
        %add3A_1529 = arith.addf %sub3A_1386, %add3A_1528 : vector<16xf32>
        %le3A_1530 = arith.cmpf ole, %add3A_1529, %get3A_1314 : vector<16xf32>
        %add3A_1531 = arith.constant 9.99999997E-7 : f32
        %add3A_1532 = vector.broadcast %add3A_1531 : f32 to vector<16xf32>
        %add3A_1533 = arith.addf %sub3A_1393, %add3A_1532 : vector<16xf32>
        %le3A_1534 = arith.cmpf ole, %add3A_1533, %get3A_1314 : vector<16xf32>
        %add3A_1535 = arith.constant 9.99999997E-7 : f32
        %add3A_1536 = vector.broadcast %add3A_1535 : f32 to vector<16xf32>
        %add3A_1537 = arith.addf %sub3A_1400, %add3A_1536 : vector<16xf32>
        %le3A_1538 = arith.cmpf ole, %add3A_1537, %get3A_1314 : vector<16xf32>
        %add3A_1539 = arith.constant 9.99999997E-7 : f32
        %add3A_1540 = vector.broadcast %add3A_1539 : f32 to vector<16xf32>
        %add3A_1541 = arith.addf %sub3A_1407, %add3A_1540 : vector<16xf32>
        %le3A_1542 = arith.cmpf ole, %add3A_1541, %get3A_1314 : vector<16xf32>
        %add3A_1543 = arith.constant 9.99999997E-7 : f32
        %add3A_1544 = vector.broadcast %add3A_1543 : f32 to vector<16xf32>
        %add3A_1545 = arith.addf %sub3A_1414, %add3A_1544 : vector<16xf32>
        %le3A_1546 = arith.cmpf ole, %add3A_1545, %get3A_1314 : vector<16xf32>
        %select_n3A_1547 = arith.select %le3A_1522, %sub3A_1372, %broadcast_in_dim3A_1366 : vector<16xi1>, vector<16xf32>
        %select_n3A_1548 = arith.select %le3A_1526, %sub3A_1379, %select_n3A_1547 : vector<16xi1>, vector<16xf32>
        %select_n3A_1549 = arith.select %le3A_1530, %sub3A_1386, %select_n3A_1548 : vector<16xi1>, vector<16xf32>
        %select_n3A_1550 = arith.select %le3A_1534, %sub3A_1393, %select_n3A_1549 : vector<16xi1>, vector<16xf32>
        %select_n3A_1551 = arith.select %le3A_1538, %sub3A_1400, %select_n3A_1550 : vector<16xi1>, vector<16xf32>
        %select_n3A_1552 = arith.select %le3A_1542, %sub3A_1407, %select_n3A_1551 : vector<16xi1>, vector<16xf32>
        %select_n3A_1553 = arith.select %le3A_1546, %sub3A_1414, %select_n3A_1552 : vector<16xi1>, vector<16xf32>
        %select_n3A_1554 = arith.select %le3A_1522, %sub3A_1379, %sub3A_1372 : vector<16xi1>, vector<16xf32>
        %select_n3A_1555 = arith.select %le3A_1526, %sub3A_1386, %select_n3A_1554 : vector<16xi1>, vector<16xf32>
        %select_n3A_1556 = arith.select %le3A_1530, %sub3A_1393, %select_n3A_1555 : vector<16xi1>, vector<16xf32>
        %select_n3A_1557 = arith.select %le3A_1534, %sub3A_1400, %select_n3A_1556 : vector<16xi1>, vector<16xf32>
        %select_n3A_1558 = arith.select %le3A_1538, %sub3A_1407, %select_n3A_1557 : vector<16xi1>, vector<16xf32>
        %select_n3A_1559 = arith.select %le3A_1542, %sub3A_1414, %select_n3A_1558 : vector<16xi1>, vector<16xf32>
        %select_n3A_1560 = arith.select %le3A_1546, %broadcast_in_dim3A_1416, %select_n3A_1559 : vector<16xi1>, vector<16xf32>
        %sub3A_1561 = arith.subf %select_n3A_1560, %select_n3A_1553 : vector<16xf32>
        %select_n3A_1562 = arith.select %le3A_1522, %sub3A_1474, %broadcast_in_dim3A_1468 : vector<16xi1>, vector<16xf32>
        %select_n3A_1563 = arith.select %le3A_1526, %sub3A_1481, %select_n3A_1562 : vector<16xi1>, vector<16xf32>
        %select_n3A_1564 = arith.select %le3A_1530, %sub3A_1488, %select_n3A_1563 : vector<16xi1>, vector<16xf32>
        %select_n3A_1565 = arith.select %le3A_1534, %sub3A_1495, %select_n3A_1564 : vector<16xi1>, vector<16xf32>
        %select_n3A_1566 = arith.select %le3A_1538, %sub3A_1502, %select_n3A_1565 : vector<16xi1>, vector<16xf32>
        %select_n3A_1567 = arith.select %le3A_1542, %sub3A_1509, %select_n3A_1566 : vector<16xi1>, vector<16xf32>
        %select_n3A_1568 = arith.select %le3A_1546, %sub3A_1516, %select_n3A_1567 : vector<16xi1>, vector<16xf32>
        %select_n3A_1569 = arith.select %le3A_1522, %sub3A_1481, %sub3A_1474 : vector<16xi1>, vector<16xf32>
        %select_n3A_1570 = arith.select %le3A_1526, %sub3A_1488, %select_n3A_1569 : vector<16xi1>, vector<16xf32>
        %select_n3A_1571 = arith.select %le3A_1530, %sub3A_1495, %select_n3A_1570 : vector<16xi1>, vector<16xf32>
        %select_n3A_1572 = arith.select %le3A_1534, %sub3A_1502, %select_n3A_1571 : vector<16xi1>, vector<16xf32>
        %select_n3A_1573 = arith.select %le3A_1538, %sub3A_1509, %select_n3A_1572 : vector<16xi1>, vector<16xf32>
        %select_n3A_1574 = arith.select %le3A_1542, %sub3A_1516, %select_n3A_1573 : vector<16xi1>, vector<16xf32>
        %select_n3A_1575 = arith.select %le3A_1546, %broadcast_in_dim3A_1518, %select_n3A_1574 : vector<16xi1>, vector<16xf32>
        %sub3A_1576 = arith.subf %select_n3A_1575, %select_n3A_1568 : vector<16xf32>
        %select_n3A_1577 = arith.select %le3A_1526, %get3A_1218, %get3A_1211 : vector<16xi1>, vector<16xf32>
        %select_n3A_1578 = arith.select %le3A_1530, %get3A_1225, %select_n3A_1577 : vector<16xi1>, vector<16xf32>
        %select_n3A_1579 = arith.select %le3A_1534, %get3A_1232, %select_n3A_1578 : vector<16xi1>, vector<16xf32>
        %select_n3A_1580 = arith.select %le3A_1538, %get3A_1239, %select_n3A_1579 : vector<16xi1>, vector<16xf32>
        %select_n3A_1581 = arith.select %le3A_1542, %get3A_1246, %select_n3A_1580 : vector<16xi1>, vector<16xf32>
        %select_n3A_1582 = arith.select %le3A_1546, %get3A_1253, %select_n3A_1581 : vector<16xi1>, vector<16xf32>
        %select_n3A_1583 = arith.select %le3A_1522, %get3A_1218, %get3A_1211 : vector<16xi1>, vector<16xf32>
        %select_n3A_1584 = arith.select %le3A_1526, %get3A_1225, %select_n3A_1583 : vector<16xi1>, vector<16xf32>
        %select_n3A_1585 = arith.select %le3A_1530, %get3A_1232, %select_n3A_1584 : vector<16xi1>, vector<16xf32>
        %select_n3A_1586 = arith.select %le3A_1534, %get3A_1239, %select_n3A_1585 : vector<16xi1>, vector<16xf32>
        %select_n3A_1587 = arith.select %le3A_1538, %get3A_1246, %select_n3A_1586 : vector<16xi1>, vector<16xf32>
        %select_n3A_1588 = arith.select %le3A_1542, %get3A_1253, %select_n3A_1587 : vector<16xi1>, vector<16xf32>
        %max3A_1589 = arith.constant 0.000000e+00 : f32
        %max3A_1590 = vector.broadcast %max3A_1589 : f32 to vector<16xf32>
        %max3A_1591 = arith.maximumf %select_n3A_1582, %max3A_1590 : vector<16xf32>
        %abs3A_1592 = math.absf %select_n3A_1582 : vector<16xf32>
        %neg3A_1593 = arith.constant 0.000000e+00 : f32
        %neg3A_1594 = vector.broadcast %neg3A_1593 : f32 to vector<16xf32>
        %neg3A_1595 = arith.subf %neg3A_1594, %abs3A_1592 : vector<16xf32>
        %exp3A_1596 = math.exp %neg3A_1595 : vector<16xf32>
        %add3A_1597 = arith.constant 2.000000e+00 : f32
        %add3A_1598 = vector.broadcast %add3A_1597 : f32 to vector<16xf32>
        %add3A_1599 = arith.addf %exp3A_1596, %add3A_1598 : vector<16xf32>
        %div3A_1600 = arith.divf %exp3A_1596, %add3A_1599 : vector<16xf32>
        %mul3A_1601 = arith.mulf %div3A_1600, %div3A_1600 : vector<16xf32>
        %mul3A_1602 = arith.constant 0.111111112 : f32
        %mul3A_1603 = vector.broadcast %mul3A_1602 : f32 to vector<16xf32>
        %mul3A_1604 = arith.mulf %mul3A_1601, %mul3A_1603 : vector<16xf32>
        %add3A_1605 = arith.constant 0.142857149 : f32
        %add3A_1606 = vector.broadcast %add3A_1605 : f32 to vector<16xf32>
        %add3A_1607 = arith.addf %add3A_1606, %mul3A_1604 : vector<16xf32>
        %mul3A_1608 = arith.mulf %mul3A_1601, %add3A_1607 : vector<16xf32>
        %add3A_1609 = arith.constant 2.000000e-01 : f32
        %add3A_1610 = vector.broadcast %add3A_1609 : f32 to vector<16xf32>
        %add3A_1611 = arith.addf %add3A_1610, %mul3A_1608 : vector<16xf32>
        %mul3A_1612 = arith.mulf %mul3A_1601, %add3A_1611 : vector<16xf32>
        %add3A_1613 = arith.constant 0.333333343 : f32
        %add3A_1614 = vector.broadcast %add3A_1613 : f32 to vector<16xf32>
        %add3A_1615 = arith.addf %add3A_1614, %mul3A_1612 : vector<16xf32>
        %mul3A_1616 = arith.constant 2.000000e+00 : f32
        %mul3A_1617 = vector.broadcast %mul3A_1616 : f32 to vector<16xf32>
        %mul3A_1618 = arith.mulf %mul3A_1617, %div3A_1600 : vector<16xf32>
        %mul3A_1619 = arith.mulf %mul3A_1601, %add3A_1615 : vector<16xf32>
        %add3A_1620 = arith.constant 1.000000e+00 : f32
        %add3A_1621 = vector.broadcast %add3A_1620 : f32 to vector<16xf32>
        %add3A_1622 = arith.addf %add3A_1621, %mul3A_1619 : vector<16xf32>
        %mul3A_1623 = arith.mulf %mul3A_1618, %add3A_1622 : vector<16xf32>
        %add3A_1624 = arith.addf %max3A_1591, %mul3A_1623 : vector<16xf32>
        %add3A_1625 = arith.constant 1.000000e-03 : f32
        %add3A_1626 = vector.broadcast %add3A_1625 : f32 to vector<16xf32>
        %add3A_1627 = arith.addf %add3A_1626, %add3A_1624 : vector<16xf32>
        %jit3A_1628 = arith.constant 9.990000e-01 : f32
        %broadcast_in_dim3A_1629 = vector.broadcast %jit3A_1628 : f32 to vector<16xf32>
        %select_n3A_1630 = arith.select %le3A_1522, %add3A_1627, %broadcast_in_dim3A_1629 : vector<16xi1>, vector<16xf32>
        %max3A_1631 = arith.constant 0.000000e+00 : f32
        %max3A_1632 = vector.broadcast %max3A_1631 : f32 to vector<16xf32>
        %max3A_1633 = arith.maximumf %select_n3A_1588, %max3A_1632 : vector<16xf32>
        %abs3A_1634 = math.absf %select_n3A_1588 : vector<16xf32>
        %neg3A_1635 = arith.constant 0.000000e+00 : f32
        %neg3A_1636 = vector.broadcast %neg3A_1635 : f32 to vector<16xf32>
        %neg3A_1637 = arith.subf %neg3A_1636, %abs3A_1634 : vector<16xf32>
        %exp3A_1638 = math.exp %neg3A_1637 : vector<16xf32>
        %add3A_1639 = arith.constant 2.000000e+00 : f32
        %add3A_1640 = vector.broadcast %add3A_1639 : f32 to vector<16xf32>
        %add3A_1641 = arith.addf %exp3A_1638, %add3A_1640 : vector<16xf32>
        %div3A_1642 = arith.divf %exp3A_1638, %add3A_1641 : vector<16xf32>
        %mul3A_1643 = arith.mulf %div3A_1642, %div3A_1642 : vector<16xf32>
        %mul3A_1644 = arith.constant 0.111111112 : f32
        %mul3A_1645 = vector.broadcast %mul3A_1644 : f32 to vector<16xf32>
        %mul3A_1646 = arith.mulf %mul3A_1643, %mul3A_1645 : vector<16xf32>
        %add3A_1647 = arith.constant 0.142857149 : f32
        %add3A_1648 = vector.broadcast %add3A_1647 : f32 to vector<16xf32>
        %add3A_1649 = arith.addf %add3A_1648, %mul3A_1646 : vector<16xf32>
        %mul3A_1650 = arith.mulf %mul3A_1643, %add3A_1649 : vector<16xf32>
        %add3A_1651 = arith.constant 2.000000e-01 : f32
        %add3A_1652 = vector.broadcast %add3A_1651 : f32 to vector<16xf32>
        %add3A_1653 = arith.addf %add3A_1652, %mul3A_1650 : vector<16xf32>
        %mul3A_1654 = arith.mulf %mul3A_1643, %add3A_1653 : vector<16xf32>
        %add3A_1655 = arith.constant 0.333333343 : f32
        %add3A_1656 = vector.broadcast %add3A_1655 : f32 to vector<16xf32>
        %add3A_1657 = arith.addf %add3A_1656, %mul3A_1654 : vector<16xf32>
        %mul3A_1658 = arith.constant 2.000000e+00 : f32
        %mul3A_1659 = vector.broadcast %mul3A_1658 : f32 to vector<16xf32>
        %mul3A_1660 = arith.mulf %mul3A_1659, %div3A_1642 : vector<16xf32>
        %mul3A_1661 = arith.mulf %mul3A_1643, %add3A_1657 : vector<16xf32>
        %add3A_1662 = arith.constant 1.000000e+00 : f32
        %add3A_1663 = vector.broadcast %add3A_1662 : f32 to vector<16xf32>
        %add3A_1664 = arith.addf %add3A_1663, %mul3A_1661 : vector<16xf32>
        %mul3A_1665 = arith.mulf %mul3A_1660, %add3A_1664 : vector<16xf32>
        %add3A_1666 = arith.addf %max3A_1633, %mul3A_1665 : vector<16xf32>
        %add3A_1667 = arith.constant 1.000000e-03 : f32
        %add3A_1668 = vector.broadcast %add3A_1667 : f32 to vector<16xf32>
        %add3A_1669 = arith.addf %add3A_1668, %add3A_1666 : vector<16xf32>
        %jit3A_1670 = arith.constant 9.990000e-01 : f32
        %broadcast_in_dim3A_1671 = vector.broadcast %jit3A_1670 : f32 to vector<16xf32>
        %select_n3A_1672 = arith.select %le3A_1546, %broadcast_in_dim3A_1671, %add3A_1669 : vector<16xi1>, vector<16xf32>
        %select_n3A_1673 = arith.select %le3A_1522, %get3A_1267, %get3A_1260 : vector<16xi1>, vector<16xf32>
        %select_n3A_1674 = arith.select %le3A_1526, %get3A_1274, %select_n3A_1673 : vector<16xi1>, vector<16xf32>
        %select_n3A_1675 = arith.select %le3A_1530, %get3A_1281, %select_n3A_1674 : vector<16xi1>, vector<16xf32>
        %select_n3A_1676 = arith.select %le3A_1534, %get3A_1288, %select_n3A_1675 : vector<16xi1>, vector<16xf32>
        %select_n3A_1677 = arith.select %le3A_1538, %get3A_1295, %select_n3A_1676 : vector<16xi1>, vector<16xf32>
        %select_n3A_1678 = arith.select %le3A_1542, %get3A_1302, %select_n3A_1677 : vector<16xi1>, vector<16xf32>
        %select_n3A_1679 = arith.select %le3A_1546, %get3A_1309, %select_n3A_1678 : vector<16xi1>, vector<16xf32>
        %neg3A_1680 = arith.constant 0.000000e+00 : f32
        %neg3A_1681 = vector.broadcast %neg3A_1680 : f32 to vector<16xf32>
        %neg3A_1682 = arith.subf %neg3A_1681, %select_n3A_1679 : vector<16xf32>
        %exp3A_1683 = math.exp %neg3A_1682 : vector<16xf32>
        %add3A_1684 = arith.constant 1.000000e+00 : f32
        %add3A_1685 = vector.broadcast %add3A_1684 : f32 to vector<16xf32>
        %add3A_1686 = arith.addf %add3A_1685, %exp3A_1683 : vector<16xf32>
        %div3A_1687 = arith.constant 0.949999988 : f32
        %div3A_1688 = vector.broadcast %div3A_1687 : f32 to vector<16xf32>
        %div3A_1689 = arith.divf %div3A_1688, %add3A_1686 : vector<16xf32>
        %add3A_1690 = arith.constant 2.500000e-02 : f32
        %add3A_1691 = vector.broadcast %add3A_1690 : f32 to vector<16xf32>
        %add3A_1692 = arith.addf %div3A_1689, %add3A_1691 : vector<16xf32>
        %div3A_1693 = arith.constant 1.000000e+00 : f32
        %div3A_1694 = vector.broadcast %div3A_1693 : f32 to vector<16xf32>
        %div3A_1695 = arith.divf %div3A_1694, %sub3A_1561 : vector<16xf32>
        %div3A_1696 = arith.divf %select_n3A_1630, %select_n3A_1672 : vector<16xf32>
        %bitcast3A_1697 = vector.bitcast %div3A_1696 : vector<16xf32> to vector<16xi32>
        %shift_right_arithmetic3A_1698 = arith.constant 1 : i32
        %shift_right_arithmetic3A_1699 = vector.broadcast %shift_right_arithmetic3A_1698 : i32 to vector<16xi32>
        %shift_right_arithmetic3A_1700 = arith.shrsi %bitcast3A_1697, %shift_right_arithmetic3A_1699 : vector<16xi32>
        %sub3A_1701 = arith.constant 1597463007 : i32
        %sub3A_1702 = vector.broadcast %sub3A_1701 : i32 to vector<16xi32>
        %sub3A_1703 = arith.subi %sub3A_1702, %shift_right_arithmetic3A_1700 : vector<16xi32>
        %bitcast3A_1704 = vector.bitcast %sub3A_1703 : vector<16xi32> to vector<16xf32>
        %mul3A_1705 = arith.constant 5.000000e-01 : f32
        %mul3A_1706 = vector.broadcast %mul3A_1705 : f32 to vector<16xf32>
        %mul3A_1707 = arith.mulf %mul3A_1706, %div3A_1696 : vector<16xf32>
        %mul3A_1708 = arith.mulf %mul3A_1707, %bitcast3A_1704 : vector<16xf32>
        %mul3A_1709 = arith.mulf %mul3A_1708, %bitcast3A_1704 : vector<16xf32>
        %sub3A_1710 = arith.constant 1.500000e+00 : f32
        %sub3A_1711 = vector.broadcast %sub3A_1710 : f32 to vector<16xf32>
        %sub3A_1712 = arith.subf %sub3A_1711, %mul3A_1709 : vector<16xf32>
        %mul3A_1713 = arith.mulf %bitcast3A_1704, %sub3A_1712 : vector<16xf32>
        %mul3A_1714 = arith.constant 5.000000e-01 : f32
        %mul3A_1715 = vector.broadcast %mul3A_1714 : f32 to vector<16xf32>
        %mul3A_1716 = arith.mulf %mul3A_1715, %div3A_1696 : vector<16xf32>
        %mul3A_1717 = arith.mulf %mul3A_1716, %mul3A_1713 : vector<16xf32>
        %mul3A_1718 = arith.mulf %mul3A_1717, %mul3A_1713 : vector<16xf32>
        %sub3A_1719 = arith.constant 1.500000e+00 : f32
        %sub3A_1720 = vector.broadcast %sub3A_1719 : f32 to vector<16xf32>
        %sub3A_1721 = arith.subf %sub3A_1720, %mul3A_1718 : vector<16xf32>
        %mul3A_1722 = arith.mulf %mul3A_1713, %sub3A_1721 : vector<16xf32>
        %mul3A_1723 = arith.constant 5.000000e-01 : f32
        %mul3A_1724 = vector.broadcast %mul3A_1723 : f32 to vector<16xf32>
        %mul3A_1725 = arith.mulf %mul3A_1724, %div3A_1696 : vector<16xf32>
        %mul3A_1726 = arith.mulf %mul3A_1725, %mul3A_1722 : vector<16xf32>
        %mul3A_1727 = arith.mulf %mul3A_1726, %mul3A_1722 : vector<16xf32>
        %sub3A_1728 = arith.constant 1.500000e+00 : f32
        %sub3A_1729 = vector.broadcast %sub3A_1728 : f32 to vector<16xf32>
        %sub3A_1730 = arith.subf %sub3A_1729, %mul3A_1727 : vector<16xf32>
        %mul3A_1731 = arith.mulf %mul3A_1722, %sub3A_1730 : vector<16xf32>
        %mul3A_1732 = arith.mulf %div3A_1696, %mul3A_1731 : vector<16xf32>
        %mul3A_1733 = arith.mulf %add3A_1692, %mul3A_1732 : vector<16xf32>
        %mul3A_1734 = arith.mulf %add3A_1692, %select_n3A_1630 : vector<16xf32>
        %sub3A_1735 = arith.subf %mul3A_1732, %mul3A_1733 : vector<16xf32>
        %mul3A_1736 = arith.mulf %sub3A_1735, %select_n3A_1672 : vector<16xf32>
        %add3A_1737 = arith.addf %mul3A_1734, %mul3A_1736 : vector<16xf32>
        %mul3A_1738 = arith.mulf %add3A_1737, %sub3A_1561 : vector<16xf32>
        %div3A_1739 = arith.divf %mul3A_1738, %sub3A_1576 : vector<16xf32>
        %sub3A_1740 = arith.constant 1.000000e+00 : f32
        %sub3A_1741 = vector.broadcast %sub3A_1740 : f32 to vector<16xf32>
        %sub3A_1742 = arith.subf %sub3A_1741, %add3A_1692 : vector<16xf32>
        %mul3A_1743 = arith.mulf %mul3A_1733, %select_n3A_1575 : vector<16xf32>
        %mul3A_1744 = arith.mulf %sub3A_1742, %select_n3A_1568 : vector<16xf32>
        %add3A_1745 = arith.addf %mul3A_1743, %mul3A_1744 : vector<16xf32>
        %add3A_1746 = arith.addf %sub3A_1742, %mul3A_1733 : vector<16xf32>
        %div3A_1747 = arith.divf %add3A_1745, %add3A_1746 : vector<16xf32>
        %sub3A_1748 = arith.subf %get3A_1314, %select_n3A_1553 : vector<16xf32>
        %mul3A_1749 = arith.mulf %sub3A_1748, %div3A_1695 : vector<16xf32>
        %le3A_1750 = arith.cmpf ole, %mul3A_1749, %add3A_1692 : vector<16xf32>
        %sub3A_1751 = arith.subf %add3A_1692, %mul3A_1749 : vector<16xf32>
        %mul3A_1752 = arith.mulf %div3A_1739, %div3A_1747 : vector<16xf32>
        %mul3A_1753 = arith.mulf %mul3A_1752, %mul3A_1749 : vector<16xf32>
        %mul3A_1754 = arith.mulf %select_n3A_1568, %sub3A_1751 : vector<16xf32>
        %add3A_1755 = arith.addf %mul3A_1753, %mul3A_1754 : vector<16xf32>
        %sub3A_1756 = arith.subf %mul3A_1752, %mul3A_1753 : vector<16xf32>
        %mul3A_1757 = arith.mulf %mul3A_1732, %select_n3A_1575 : vector<16xf32>
        %mul3A_1758 = arith.mulf %mul3A_1757, %sub3A_1751 : vector<16xf32>
        %sub3A_1759 = arith.subf %sub3A_1756, %mul3A_1758 : vector<16xf32>
        %select_n3A_1760 = arith.select %le3A_1750, %add3A_1755, %sub3A_1759 : vector<16xi1>, vector<16xf32>
        %mul3A_1761 = arith.mulf %div3A_1739, %mul3A_1749 : vector<16xf32>
        %add3A_1762 = arith.addf %mul3A_1761, %sub3A_1751 : vector<16xf32>
        %sub3A_1763 = arith.subf %div3A_1739, %mul3A_1761 : vector<16xf32>
        %mul3A_1764 = arith.mulf %mul3A_1732, %sub3A_1751 : vector<16xf32>
        %sub3A_1765 = arith.subf %sub3A_1763, %mul3A_1764 : vector<16xf32>
        %select_n3A_1766 = arith.select %le3A_1750, %add3A_1762, %sub3A_1765 : vector<16xi1>, vector<16xf32>
        %div3A_1767 = arith.divf %select_n3A_1760, %select_n3A_1766 : vector<16xf32>
        %sub3A_1768 = arith.subf %div3A_1747, %select_n3A_1568 : vector<16xf32>
        %mul3A_1769 = arith.mulf %add3A_1692, %sub3A_1768 : vector<16xf32>
        %sub3A_1770 = arith.subf %mul3A_1732, %mul3A_1733 : vector<16xf32>
        %sub3A_1771 = arith.subf %select_n3A_1575, %div3A_1747 : vector<16xf32>
        %mul3A_1772 = arith.mulf %sub3A_1770, %sub3A_1771 : vector<16xf32>
        %select_n3A_1773 = arith.select %le3A_1750, %mul3A_1769, %mul3A_1772 : vector<16xi1>, vector<16xf32>
        %mul3A_1774 = arith.mulf %div3A_1739, %select_n3A_1773 : vector<16xf32>
        %mul3A_1775 = arith.mulf %mul3A_1774, %div3A_1695 : vector<16xf32>
        %mul3A_1776 = arith.mulf %select_n3A_1766, %select_n3A_1766 : vector<16xf32>
        %div3A_1777 = arith.divf %mul3A_1775, %mul3A_1776 : vector<16xf32>
        %bitcast3A_1778 = vector.bitcast %div3A_1777 : vector<16xf32> to vector<16xi32>
        %shift_right_arithmetic3A_1779 = arith.constant 23 : i32
        %shift_right_arithmetic3A_1780 = vector.broadcast %shift_right_arithmetic3A_1779 : i32 to vector<16xi32>
        %shift_right_arithmetic3A_1781 = arith.shrsi %bitcast3A_1778, %shift_right_arithmetic3A_1780 : vector<16xi32>
        %and3A_1782 = arith.constant 255 : i32
        %and3A_1783 = vector.broadcast %and3A_1782 : i32 to vector<16xi32>
        %and3A_1784 = arith.andi %shift_right_arithmetic3A_1781, %and3A_1783 : vector<16xi32>
        %sub3A_1785 = arith.constant 127 : i32
        %sub3A_1786 = vector.broadcast %sub3A_1785 : i32 to vector<16xi32>
        %sub3A_1787 = arith.subi %and3A_1784, %sub3A_1786 : vector<16xi32>
        %and3A_1788 = arith.constant 8388607 : i32
        %and3A_1789 = vector.broadcast %and3A_1788 : i32 to vector<16xi32>
        %and3A_1790 = arith.andi %bitcast3A_1778, %and3A_1789 : vector<16xi32>
        %or3A_1791 = arith.constant 1065353216 : i32
        %or3A_1792 = vector.broadcast %or3A_1791 : i32 to vector<16xi32>
        %or3A_1793 = arith.ori %and3A_1790, %or3A_1792 : vector<16xi32>
        %bitcast3A_1794 = vector.bitcast %or3A_1793 : vector<16xi32> to vector<16xf32>
        %gt3A_1795 = arith.constant 1.41421354 : f32
        %gt3A_1796 = vector.broadcast %gt3A_1795 : f32 to vector<16xf32>
        %gt3A_1797 = arith.cmpf ogt, %bitcast3A_1794, %gt3A_1796 : vector<16xf32>
        %mul3A_1798 = arith.constant 5.000000e-01 : f32
        %mul3A_1799 = vector.broadcast %mul3A_1798 : f32 to vector<16xf32>
        %mul3A_1800 = arith.mulf %mul3A_1799, %bitcast3A_1794 : vector<16xf32>
        %select_n3A_1801 = arith.select %gt3A_1797, %mul3A_1800, %bitcast3A_1794 : vector<16xi1>, vector<16xf32>
        %add3A_1802 = arith.constant 1 : i32
        %add3A_1803 = vector.broadcast %add3A_1802 : i32 to vector<16xi32>
        %add3A_1804 = arith.addi %sub3A_1787, %add3A_1803 : vector<16xi32>
        %select_n3A_1805 = arith.select %gt3A_1797, %add3A_1804, %sub3A_1787 : vector<16xi1>, vector<16xi32>
        %sub3A_1806 = arith.constant 1.000000e+00 : f32
        %sub3A_1807 = vector.broadcast %sub3A_1806 : f32 to vector<16xf32>
        %sub3A_1808 = arith.subf %select_n3A_1801, %sub3A_1807 : vector<16xf32>
        %add3A_1809 = arith.constant 1.000000e+00 : f32
        %add3A_1810 = vector.broadcast %add3A_1809 : f32 to vector<16xf32>
        %add3A_1811 = arith.addf %select_n3A_1801, %add3A_1810 : vector<16xf32>
        %div3A_1812 = arith.divf %sub3A_1808, %add3A_1811 : vector<16xf32>
        %mul3A_1813 = arith.mulf %div3A_1812, %div3A_1812 : vector<16xf32>
        %mul3A_1814 = arith.constant 0.111111112 : f32
        %mul3A_1815 = vector.broadcast %mul3A_1814 : f32 to vector<16xf32>
        %mul3A_1816 = arith.mulf %mul3A_1813, %mul3A_1815 : vector<16xf32>
        %add3A_1817 = arith.constant 0.142857149 : f32
        %add3A_1818 = vector.broadcast %add3A_1817 : f32 to vector<16xf32>
        %add3A_1819 = arith.addf %add3A_1818, %mul3A_1816 : vector<16xf32>
        %mul3A_1820 = arith.mulf %mul3A_1813, %add3A_1819 : vector<16xf32>
        %add3A_1821 = arith.constant 2.000000e-01 : f32
        %add3A_1822 = vector.broadcast %add3A_1821 : f32 to vector<16xf32>
        %add3A_1823 = arith.addf %add3A_1822, %mul3A_1820 : vector<16xf32>
        %mul3A_1824 = arith.mulf %mul3A_1813, %add3A_1823 : vector<16xf32>
        %add3A_1825 = arith.constant 0.333333343 : f32
        %add3A_1826 = vector.broadcast %add3A_1825 : f32 to vector<16xf32>
        %add3A_1827 = arith.addf %add3A_1826, %mul3A_1824 : vector<16xf32>
        %convert_element_type3A_1828 = arith.sitofp %select_n3A_1805 : vector<16xi32> to vector<16xf32>
        %mul3A_1829 = arith.constant 0.693147182 : f32
        %mul3A_1830 = vector.broadcast %mul3A_1829 : f32 to vector<16xf32>
        %mul3A_1831 = arith.mulf %convert_element_type3A_1828, %mul3A_1830 : vector<16xf32>
        %mul3A_1832 = arith.constant 2.000000e+00 : f32
        %mul3A_1833 = vector.broadcast %mul3A_1832 : f32 to vector<16xf32>
        %mul3A_1834 = arith.mulf %mul3A_1833, %div3A_1812 : vector<16xf32>
        %mul3A_1835 = arith.mulf %mul3A_1813, %add3A_1827 : vector<16xf32>
        %add3A_1836 = arith.constant 1.000000e+00 : f32
        %add3A_1837 = vector.broadcast %add3A_1836 : f32 to vector<16xf32>
        %add3A_1838 = arith.addf %add3A_1837, %mul3A_1835 : vector<16xf32>
        %mul3A_1839 = arith.mulf %mul3A_1834, %add3A_1838 : vector<16xf32>
        %add3A_1840 = arith.addf %mul3A_1831, %mul3A_1839 : vector<16xf32>
        %lt3A_1841 = arith.constant -3.000000e+00 : f32
        %lt3A_1842 = vector.broadcast %lt3A_1841 : f32 to vector<16xf32>
        %lt3A_1843 = arith.cmpf olt, %get3A_1314, %lt3A_1842 : vector<16xf32>
        %gt3A_1844 = arith.constant 3.000000e+00 : f32
        %gt3A_1845 = vector.broadcast %gt3A_1844 : f32 to vector<16xf32>
        %gt3A_1846 = arith.cmpf ogt, %get3A_1314, %gt3A_1845 : vector<16xf32>
        %or3A_1847 = arith.ori %lt3A_1843, %gt3A_1846 : vector<16xi1>
        %select_n3A_1848 = arith.select %or3A_1847, %get3A_1314, %div3A_1767 : vector<16xi1>, vector<16xf32>
        %jit3A_1849 = arith.constant 0.000000e+00 : f32
        %broadcast_in_dim3A_1850 = vector.broadcast %jit3A_1849 : f32 to vector<16xf32>
        %select_n3A_1851 = arith.select %or3A_1847, %broadcast_in_dim3A_1850, %add3A_1840 : vector<16xi1>, vector<16xf32>
        %mul3A_1852 = arith.constant 16 : i32
        %mul3A_1853 = arith.muli %add3A_1092, %mul3A_1852 : i32
        %swap3A_1854 = arith.index_cast %select_n3A_312 : i32 to index
        %swap3A_1855 = arith.index_cast %mul3A_1853 : i32 to index
        %swap3A_1856 = tpu.vector_load %arg10[%swap3A_1854, %swap3A_1855] {strides = array<i32>} : memref<8x128xf32, #tpu.memory_space<vmem>>, vector<16xf32>,
        tpu.vector_store %arg10[%swap3A_1854, %swap3A_1855], %select_n3A_1848 {strides = array<i32>} : memref<8x128xf32, #tpu.memory_space<vmem>>, vector<16xf32>,
        %mul3A_1857 = arith.constant 16 : i32
        %mul3A_1858 = arith.muli %add3A_1092, %mul3A_1857 : i32
        %swap3A_1859 = arith.index_cast %select_n3A_312 : i32 to index
        %swap3A_1860 = arith.index_cast %mul3A_1858 : i32 to index
        %swap3A_1861 = tpu.vector_load %arg11[%swap3A_1859, %swap3A_1860] {strides = array<i32>} : memref<8x128xf32, #tpu.memory_space<vmem>>, vector<16xf32>,
        tpu.vector_store %arg11[%swap3A_1859, %swap3A_1860], %select_n3A_1851 {strides = array<i32>} : memref<8x128xf32, #tpu.memory_space<vmem>>, vector<16xf32>,
      }
      %scan3A_149 = arith.constant 32 : i32
      %mul3A_150 = arith.constant 2 : i32
      %mul3A_151 = arith.muli %mul3A_150, %scan3A_72 : i32
      %add3A_152 = arith.addi %mul3A_2, %mul3A_151 : i32
      %jit3A_153 = arith.constant 16 : i32
      %div3A_154 = arith.divsi %add3A_152, %jit3A_153 : i32
      %sign3A_155 = arith.constant 0 : i32
      %sign3A_156 = arith.cmpi sgt, %add3A_152, %sign3A_155 : i32
      %sign3A_157 = arith.extui %sign3A_156 : i1 to i32
      %sign3A_158 = arith.constant 0 : i32
      %sign3A_159 = arith.cmpi slt, %add3A_152, %sign3A_158 : i32
      %sign3A_160 = arith.extui %sign3A_159 : i1 to i32
      %sign3A_161 = arith.subi %sign3A_157, %sign3A_160 : i32
      %sign3A_162 = arith.constant 0 : i32
      %sign3A_163 = arith.cmpi sgt, %jit3A_153, %sign3A_162 : i32
      %sign3A_164 = arith.extui %sign3A_163 : i1 to i32
      %sign3A_165 = arith.constant 0 : i32
      %sign3A_166 = arith.cmpi slt, %jit3A_153, %sign3A_165 : i32
      %sign3A_167 = arith.extui %sign3A_166 : i1 to i32
      %sign3A_168 = arith.subi %sign3A_164, %sign3A_167 : i32
      %ne3A_169 = arith.cmpi ne, %sign3A_161, %sign3A_168 : i32
      %rem3A_170 = arith.remsi %add3A_152, %jit3A_153 : i32
      %ne3A_171 = arith.constant 0 : i32
      %ne3A_172 = arith.cmpi ne, %rem3A_170, %ne3A_171 : i32
      %and3A_173 = arith.andi %ne3A_169, %ne3A_172 : i1
      %sub3A_174 = arith.constant 1 : i32
      %sub3A_175 = arith.subi %div3A_154, %sub3A_174 : i32
      %select_n3A_176 = arith.select %and3A_173, %sub3A_175, %div3A_154 : i32
      %mul3A_177 = arith.constant 8 : i32
      %mul3A_178 = arith.muli %select_n3A_176, %mul3A_177 : i32
      %jit3A_179 = arith.constant 16 : i32
      %eq3A_180 = arith.constant 0 : i32
      %eq3A_181 = arith.cmpi eq, %jit3A_179, %eq3A_180 : i32
      %jit3A_182 = arith.constant 1 : i32
      %select_n3A_183 = arith.select %eq3A_181, %jit3A_182, %jit3A_179 : i32
      %rem3A_184 = arith.remsi %add3A_152, %select_n3A_183 : i32
      %ne3A_185 = arith.constant 0 : i32
      %ne3A_186 = arith.cmpi ne, %rem3A_184, %ne3A_185 : i32
      %lt3A_187 = arith.constant 0 : i32
      %lt3A_188 = arith.cmpi slt, %rem3A_184, %lt3A_187 : i32
      %lt3A_189 = arith.constant 0 : i32
      %lt3A_190 = arith.cmpi slt, %select_n3A_183, %lt3A_189 : i32
      %ne3A_191 = arith.xori %lt3A_188, %lt3A_190 : i1
      %and3A_192 = arith.andi %ne3A_191, %ne3A_186 : i1
      %add3A_193 = arith.addi %rem3A_184, %select_n3A_183 : i32
      %select_n3A_194 = arith.select %and3A_192, %add3A_193, %rem3A_184 : i32
      %mul3A_195 = arith.constant 128 : i32
      %mul3A_196 = arith.muli %select_n3A_194, %mul3A_195 : i32
      %dma_start3A_197 = tpu.memref_slice %arg4[%mul3A_178, %mul3A_196] : memref<64x2048xf32, #tpu.memory_space<hbm>> -> memref<8x128xf32, #tpu.memory_space<hbm>>
      %dma_start3A_198 = tpu.memref_slice %arg4[%mul3A_178, %mul3A_196] : memref<64x2048xf32, #tpu.memory_space<hbm>> -> memref<8x128xf32, #tpu.memory_space<hbm>>
      tpu.enqueue_dma source(%arg10 : memref<8x128xf32, #tpu.memory_space<vmem>>) target(%dma_start3A_198 : memref<8x128xf32, #tpu.memory_space<hbm>>) target_semaphore(%arg18 : memref<!tpu.dma_semaphore, #tpu.memory_space<semaphore_mem>>)
      %dma_start3A_199 = tpu.memref_slice %arg5[%mul3A_178, %mul3A_196] : memref<64x2048xf32, #tpu.memory_space<hbm>> -> memref<8x128xf32, #tpu.memory_space<hbm>>
      %dma_start3A_200 = tpu.memref_slice %arg5[%mul3A_178, %mul3A_196] : memref<64x2048xf32, #tpu.memory_space<hbm>> -> memref<8x128xf32, #tpu.memory_space<hbm>>
      tpu.enqueue_dma source(%arg11 : memref<8x128xf32, #tpu.memory_space<vmem>>) target(%dma_start3A_200 : memref<8x128xf32, #tpu.memory_space<hbm>>) target_semaphore(%arg20 : memref<!tpu.dma_semaphore, #tpu.memory_space<semaphore_mem>>)
      %mul3A_201 = arith.constant 2 : i32
      %mul3A_202 = arith.muli %mul3A_201, %scan3A_72 : i32
      %add3A_203 = arith.constant 2 : i32
      %add3A_204 = arith.addi %mul3A_202, %add3A_203 : i32
      %lt3A_205 = arith.constant 4 : i32
      %lt3A_206 = arith.cmpi slt, %add3A_204, %lt3A_205 : i32
      %convert_element_type3A_207 = arith.extui %lt3A_206 : i1 to i32
      %cond3A_208 = arith.constant 0 : i32
      %cond3A_209 = arith.cmpi ne, %convert_element_type3A_207, %cond3A_208 : i32
      scf.if %cond3A_209 {
        %mul3A_288 = arith.constant 2 : i32
        %mul3A_289 = arith.muli %mul3A_288, %scan3A_72 : i32
        %add3A_290 = arith.constant 2 : i32
        %add3A_291 = arith.addi %mul3A_289, %add3A_290 : i32
        %add3A_292 = arith.addi %mul3A_2, %add3A_291 : i32
        %jit3A_293 = arith.constant 16 : i32
        %div3A_294 = arith.divsi %add3A_292, %jit3A_293 : i32
        %sign3A_295 = arith.constant 0 : i32
        %sign3A_296 = arith.cmpi sgt, %add3A_292, %sign3A_295 : i32
        %sign3A_297 = arith.extui %sign3A_296 : i1 to i32
        %sign3A_298 = arith.constant 0 : i32
        %sign3A_299 = arith.cmpi slt, %add3A_292, %sign3A_298 : i32
        %sign3A_300 = arith.extui %sign3A_299 : i1 to i32
        %sign3A_301 = arith.subi %sign3A_297, %sign3A_300 : i32
        %sign3A_302 = arith.constant 0 : i32
        %sign3A_303 = arith.cmpi sgt, %jit3A_293, %sign3A_302 : i32
        %sign3A_304 = arith.extui %sign3A_303 : i1 to i32
        %sign3A_305 = arith.constant 0 : i32
        %sign3A_306 = arith.cmpi slt, %jit3A_293, %sign3A_305 : i32
        %sign3A_307 = arith.extui %sign3A_306 : i1 to i32
        %sign3A_308 = arith.subi %sign3A_304, %sign3A_307 : i32
        %ne3A_309 = arith.cmpi ne, %sign3A_301, %sign3A_308 : i32
        %rem3A_310 = arith.remsi %add3A_292, %jit3A_293 : i32
        %ne3A_311 = arith.constant 0 : i32
        %ne3A_312 = arith.cmpi ne, %rem3A_310, %ne3A_311 : i32
        %and3A_313 = arith.andi %ne3A_309, %ne3A_312 : i1
        %sub3A_314 = arith.constant 1 : i32
        %sub3A_315 = arith.subi %div3A_294, %sub3A_314 : i32
        %select_n3A_316 = arith.select %and3A_313, %sub3A_315, %div3A_294 : i32
        %mul3A_317 = arith.constant 8 : i32
        %mul3A_318 = arith.muli %select_n3A_316, %mul3A_317 : i32
        %jit3A_319 = arith.constant 16 : i32
        %eq3A_320 = arith.constant 0 : i32
        %eq3A_321 = arith.cmpi eq, %jit3A_319, %eq3A_320 : i32
        %jit3A_322 = arith.constant 1 : i32
        %select_n3A_323 = arith.select %eq3A_321, %jit3A_322, %jit3A_319 : i32
        %rem3A_324 = arith.remsi %add3A_292, %select_n3A_323 : i32
        %ne3A_325 = arith.constant 0 : i32
        %ne3A_326 = arith.cmpi ne, %rem3A_324, %ne3A_325 : i32
        %lt3A_327 = arith.constant 0 : i32
        %lt3A_328 = arith.cmpi slt, %rem3A_324, %lt3A_327 : i32
        %lt3A_329 = arith.constant 0 : i32
        %lt3A_330 = arith.cmpi slt, %select_n3A_323, %lt3A_329 : i32
        %ne3A_331 = arith.xori %lt3A_328, %lt3A_330 : i1
        %and3A_332 = arith.andi %ne3A_331, %ne3A_326 : i1
        %add3A_333 = arith.addi %rem3A_324, %select_n3A_323 : i32
        %select_n3A_334 = arith.select %and3A_332, %add3A_333, %rem3A_324 : i32
        %mul3A_335 = arith.constant 128 : i32
        %mul3A_336 = arith.muli %select_n3A_334, %mul3A_335 : i32
        %dma_start3A_337 = arith.constant 0 : i32
        %dma_start3A_338 = tpu.memref_slice %arg3[%dma_start3A_337, %mul3A_318, %mul3A_336] : memref<31x64x16384xf32, #tpu.memory_space<hbm>> -> memref<31x8x128xf32, #tpu.memory_space<hbm>>
        %dma_start3A_339 = arith.constant 0 : i32
        %dma_start3A_340 = tpu.memref_slice %arg3[%dma_start3A_339, %mul3A_318, %mul3A_336] : memref<31x64x16384xf32, #tpu.memory_space<hbm>> -> memref<31x8x128xf32, #tpu.memory_space<hbm>>
        tpu.enqueue_dma source(%dma_start3A_340 : memref<31x8x128xf32, #tpu.memory_space<hbm>>) target(%arg6 : memref<31x8x128xf32, #tpu.memory_space<vmem>>) target_semaphore(%arg14 : memref<!tpu.dma_semaphore, #tpu.memory_space<semaphore_mem>>)
        %dma_start3A_341 = tpu.memref_slice %arg2[%mul3A_318, %mul3A_336] : memref<64x16384xf32, #tpu.memory_space<hbm>> -> memref<8x128xf32, #tpu.memory_space<hbm>>
        %dma_start3A_342 = tpu.memref_slice %arg2[%mul3A_318, %mul3A_336] : memref<64x16384xf32, #tpu.memory_space<hbm>> -> memref<8x128xf32, #tpu.memory_space<hbm>>
        tpu.enqueue_dma source(%dma_start3A_342 : memref<8x128xf32, #tpu.memory_space<hbm>>) target(%arg8 : memref<8x128xf32, #tpu.memory_space<vmem>>) target_semaphore(%arg16 : memref<!tpu.dma_semaphore, #tpu.memory_space<semaphore_mem>>)
      } else {
      }
      %dma_wait3A_210 = arith.constant 0 : i32
      %dma_wait3A_211 = arith.constant 0 : i32
      %dma_wait3A_212 = arith.constant 0 : i32
      %dma_wait3A_213 = tpu.memref_slice %arg3[%dma_wait3A_210, %dma_wait3A_211, %dma_wait3A_212] : memref<31x64x16384xf32, #tpu.memory_space<hbm>> -> memref<31x8x128xf32, #tpu.memory_space<hbm>>
      %dma_wait3A_214 = arith.constant 0 : i32
      %dma_wait3A_215 = arith.constant 0 : i32
      %dma_wait3A_216 = arith.constant 0 : i32
      %dma_wait3A_217 = tpu.memref_slice %arg3[%dma_wait3A_214, %dma_wait3A_215, %dma_wait3A_216] : memref<31x64x16384xf32, #tpu.memory_space<hbm>> -> memref<31x8x128xf32, #tpu.memory_space<hbm>>
      tpu.wait_dma2 semaphore(%arg15 : memref<!tpu.dma_semaphore, #tpu.memory_space<semaphore_mem>>) src(%dma_wait3A_217 : memref<31x8x128xf32, #tpu.memory_space<hbm>>) dst(%arg7 : memref<31x8x128xf32, #tpu.memory_space<vmem>>)
      %dma_wait3A_218 = arith.constant 0 : i32
      %dma_wait3A_219 = arith.constant 0 : i32
      %dma_wait3A_220 = tpu.memref_slice %arg2[%dma_wait3A_218, %dma_wait3A_219] : memref<64x16384xf32, #tpu.memory_space<hbm>> -> memref<8x128xf32, #tpu.memory_space<hbm>>
      %dma_wait3A_221 = arith.constant 0 : i32
      %dma_wait3A_222 = arith.constant 0 : i32
      %dma_wait3A_223 = tpu.memref_slice %arg2[%dma_wait3A_221, %dma_wait3A_222] : memref<64x16384xf32, #tpu.memory_space<hbm>> -> memref<8x128xf32, #tpu.memory_space<hbm>>
      tpu.wait_dma2 semaphore(%arg17 : memref<!tpu.dma_semaphore, #tpu.memory_space<semaphore_mem>>) src(%dma_wait3A_223 : memref<8x128xf32, #tpu.memory_space<hbm>>) dst(%arg9 : memref<8x128xf32, #tpu.memory_space<vmem>>)
      %gt3A_224 = arith.constant 0 : i32
      %gt3A_225 = arith.cmpi sgt, %scan3A_72, %gt3A_224 : i32
      %convert_element_type3A_226 = arith.extui %gt3A_225 : i1 to i32
      %cond3A_227 = arith.constant 0 : i32
      %cond3A_228 = arith.cmpi ne, %convert_element_type3A_226, %cond3A_227 : i32
      scf.if %cond3A_228 {
        %dma_wait3A_288 = arith.constant 0 : i32
        %dma_wait3A_289 = arith.constant 0 : i32
        %dma_wait3A_290 = tpu.memref_slice %arg4[%dma_wait3A_288, %dma_wait3A_289] : memref<64x2048xf32, #tpu.memory_space<hbm>> -> memref<8x128xf32, #tpu.memory_space<hbm>>
        %dma_wait3A_291 = arith.constant 0 : i32
        %dma_wait3A_292 = arith.constant 0 : i32
        %dma_wait3A_293 = tpu.memref_slice %arg4[%dma_wait3A_291, %dma_wait3A_292] : memref<64x2048xf32, #tpu.memory_space<hbm>> -> memref<8x128xf32, #tpu.memory_space<hbm>>
        tpu.wait_dma2 semaphore(%arg19 : memref<!tpu.dma_semaphore, #tpu.memory_space<semaphore_mem>>) src(%dma_wait3A_293 : memref<8x128xf32, #tpu.memory_space<hbm>>) dst(%arg12 : memref<8x128xf32, #tpu.memory_space<vmem>>)
        %dma_wait3A_294 = arith.constant 0 : i32
        %dma_wait3A_295 = arith.constant 0 : i32
        %dma_wait3A_296 = tpu.memref_slice %arg5[%dma_wait3A_294, %dma_wait3A_295] : memref<64x2048xf32, #tpu.memory_space<hbm>> -> memref<8x128xf32, #tpu.memory_space<hbm>>
        %dma_wait3A_297 = arith.constant 0 : i32
        %dma_wait3A_298 = arith.constant 0 : i32
        %dma_wait3A_299 = tpu.memref_slice %arg5[%dma_wait3A_297, %dma_wait3A_298] : memref<64x2048xf32, #tpu.memory_space<hbm>> -> memref<8x128xf32, #tpu.memory_space<hbm>>
        tpu.wait_dma2 semaphore(%arg21 : memref<!tpu.dma_semaphore, #tpu.memory_space<semaphore_mem>>) src(%dma_wait3A_299 : memref<8x128xf32, #tpu.memory_space<hbm>>) dst(%arg13 : memref<8x128xf32, #tpu.memory_space<vmem>>)
      } else {
      }
      %scan3A_229 = arith.constant 0 : i32
      %scan3A_230 = arith.constant 0 : i32
      %scan3A_231 = arith.constant 32 : i32
      %scan3A_232 = arith.addi %scan3A_230, %scan3A_231 : i32
      %scan3A_233 = arith.constant 1 : i32
      scf.for %scan3A_288 = %scan3A_230 to %scan3A_232 step %scan3A_233  : i32 {
        %jit3A_289 = arith.constant 4 : i32
        %div3A_290 = arith.divsi %scan3A_288, %jit3A_289 : i32
        %sign3A_291 = arith.constant 0 : i32
        %sign3A_292 = arith.cmpi sgt, %scan3A_288, %sign3A_291 : i32
        %sign3A_293 = arith.extui %sign3A_292 : i1 to i32
        %sign3A_294 = arith.constant 0 : i32
        %sign3A_295 = arith.cmpi slt, %scan3A_288, %sign3A_294 : i32
        %sign3A_296 = arith.extui %sign3A_295 : i1 to i32
        %sign3A_297 = arith.subi %sign3A_293, %sign3A_296 : i32
        %sign3A_298 = arith.constant 0 : i32
        %sign3A_299 = arith.cmpi sgt, %jit3A_289, %sign3A_298 : i32
        %sign3A_300 = arith.extui %sign3A_299 : i1 to i32
        %sign3A_301 = arith.constant 0 : i32
        %sign3A_302 = arith.cmpi slt, %jit3A_289, %sign3A_301 : i32
        %sign3A_303 = arith.extui %sign3A_302 : i1 to i32
        %sign3A_304 = arith.subi %sign3A_300, %sign3A_303 : i32
        %ne3A_305 = arith.cmpi ne, %sign3A_297, %sign3A_304 : i32
        %rem3A_306 = arith.remsi %scan3A_288, %jit3A_289 : i32
        %ne3A_307 = arith.constant 0 : i32
        %ne3A_308 = arith.cmpi ne, %rem3A_306, %ne3A_307 : i32
        %and3A_309 = arith.andi %ne3A_305, %ne3A_308 : i1
        %sub3A_310 = arith.constant 1 : i32
        %sub3A_311 = arith.subi %div3A_290, %sub3A_310 : i32
        %select_n3A_312 = arith.select %and3A_309, %sub3A_311, %div3A_290 : i32
        %jit3A_313 = arith.constant 4 : i32
        %eq3A_314 = arith.constant 0 : i32
        %eq3A_315 = arith.cmpi eq, %jit3A_313, %eq3A_314 : i32
        %jit3A_316 = arith.constant 1 : i32
        %select_n3A_317 = arith.select %eq3A_315, %jit3A_316, %jit3A_313 : i32
        %rem3A_318 = arith.remsi %scan3A_288, %select_n3A_317 : i32
        %ne3A_319 = arith.constant 0 : i32
        %ne3A_320 = arith.cmpi ne, %rem3A_318, %ne3A_319 : i32
        %lt3A_321 = arith.constant 0 : i32
        %lt3A_322 = arith.cmpi slt, %rem3A_318, %lt3A_321 : i32
        %lt3A_323 = arith.constant 0 : i32
        %lt3A_324 = arith.cmpi slt, %select_n3A_317, %lt3A_323 : i32
        %ne3A_325 = arith.xori %lt3A_322, %lt3A_324 : i1
        %and3A_326 = arith.andi %ne3A_325, %ne3A_320 : i1
        %add3A_327 = arith.addi %rem3A_318, %select_n3A_317 : i32
        %select_n3A_328 = arith.select %and3A_326, %add3A_327, %rem3A_318 : i32
        %mul3A_329 = arith.constant 2 : i32
        %mul3A_330 = arith.muli %mul3A_329, %select_n3A_328 : i32
        %mul3A_331 = arith.constant 16 : i32
        %mul3A_332 = arith.muli %mul3A_330, %mul3A_331 : i32
        %get3A = arith.constant 0 : i32
        %get3A_333 = arith.index_cast %get3A : i32 to index
        %get3A_334 = arith.index_cast %select_n3A_312 : i32 to index
        %get3A_335 = arith.index_cast %mul3A_332 : i32 to index
        %get3A_336 = tpu.vector_load %arg7[%get3A_333, %get3A_334, %get3A_335] {strides = array<i32>} : memref<31x8x128xf32, #tpu.memory_space<vmem>>, vector<16xf32>,
        %mul3A_337 = arith.constant 16 : i32
        %mul3A_338 = arith.muli %mul3A_330, %mul3A_337 : i32
        %get3A_339 = arith.constant 1 : i32
        %get3A_340 = arith.index_cast %get3A_339 : i32 to index
        %get3A_341 = arith.index_cast %select_n3A_312 : i32 to index
        %get3A_342 = arith.index_cast %mul3A_338 : i32 to index
        %get3A_343 = tpu.vector_load %arg7[%get3A_340, %get3A_341, %get3A_342] {strides = array<i32>} : memref<31x8x128xf32, #tpu.memory_space<vmem>>, vector<16xf32>,
        %mul3A_344 = arith.constant 16 : i32
        %mul3A_345 = arith.muli %mul3A_330, %mul3A_344 : i32
        %get3A_346 = arith.constant 2 : i32
        %get3A_347 = arith.index_cast %get3A_346 : i32 to index
        %get3A_348 = arith.index_cast %select_n3A_312 : i32 to index
        %get3A_349 = arith.index_cast %mul3A_345 : i32 to index
        %get3A_350 = tpu.vector_load %arg7[%get3A_347, %get3A_348, %get3A_349] {strides = array<i32>} : memref<31x8x128xf32, #tpu.memory_space<vmem>>, vector<16xf32>,
        %mul3A_351 = arith.constant 16 : i32
        %mul3A_352 = arith.muli %mul3A_330, %mul3A_351 : i32
        %get3A_353 = arith.constant 3 : i32
        %get3A_354 = arith.index_cast %get3A_353 : i32 to index
        %get3A_355 = arith.index_cast %select_n3A_312 : i32 to index
        %get3A_356 = arith.index_cast %mul3A_352 : i32 to index
        %get3A_357 = tpu.vector_load %arg7[%get3A_354, %get3A_355, %get3A_356] {strides = array<i32>} : memref<31x8x128xf32, #tpu.memory_space<vmem>>, vector<16xf32>,
        %mul3A_358 = arith.constant 16 : i32
        %mul3A_359 = arith.muli %mul3A_330, %mul3A_358 : i32
        %get3A_360 = arith.constant 4 : i32
        %get3A_361 = arith.index_cast %get3A_360 : i32 to index
        %get3A_362 = arith.index_cast %select_n3A_312 : i32 to index
        %get3A_363 = arith.index_cast %mul3A_359 : i32 to index
        %get3A_364 = tpu.vector_load %arg7[%get3A_361, %get3A_362, %get3A_363] {strides = array<i32>} : memref<31x8x128xf32, #tpu.memory_space<vmem>>, vector<16xf32>,
        %mul3A_365 = arith.constant 16 : i32
        %mul3A_366 = arith.muli %mul3A_330, %mul3A_365 : i32
        %get3A_367 = arith.constant 5 : i32
        %get3A_368 = arith.index_cast %get3A_367 : i32 to index
        %get3A_369 = arith.index_cast %select_n3A_312 : i32 to index
        %get3A_370 = arith.index_cast %mul3A_366 : i32 to index
        %get3A_371 = tpu.vector_load %arg7[%get3A_368, %get3A_369, %get3A_370] {strides = array<i32>} : memref<31x8x128xf32, #tpu.memory_space<vmem>>, vector<16xf32>,
        %mul3A_372 = arith.constant 16 : i32
        %mul3A_373 = arith.muli %mul3A_330, %mul3A_372 : i32
        %get3A_374 = arith.constant 6 : i32
        %get3A_375 = arith.index_cast %get3A_374 : i32 to index
        %get3A_376 = arith.index_cast %select_n3A_312 : i32 to index
        %get3A_377 = arith.index_cast %mul3A_373 : i32 to index
        %get3A_378 = tpu.vector_load %arg7[%get3A_375, %get3A_376, %get3A_377] {strides = array<i32>} : memref<31x8x128xf32, #tpu.memory_space<vmem>>, vector<16xf32>,
        %mul3A_379 = arith.constant 16 : i32
        %mul3A_380 = arith.muli %mul3A_330, %mul3A_379 : i32
        %get3A_381 = arith.constant 7 : i32
        %get3A_382 = arith.index_cast %get3A_381 : i32 to index
        %get3A_383 = arith.index_cast %select_n3A_312 : i32 to index
        %get3A_384 = arith.index_cast %mul3A_380 : i32 to index
        %get3A_385 = tpu.vector_load %arg7[%get3A_382, %get3A_383, %get3A_384] {strides = array<i32>} : memref<31x8x128xf32, #tpu.memory_space<vmem>>, vector<16xf32>,
        %mul3A_386 = arith.constant 16 : i32
        %mul3A_387 = arith.muli %mul3A_330, %mul3A_386 : i32
        %get3A_388 = arith.constant 8 : i32
        %get3A_389 = arith.index_cast %get3A_388 : i32 to index
        %get3A_390 = arith.index_cast %select_n3A_312 : i32 to index
        %get3A_391 = arith.index_cast %mul3A_387 : i32 to index
        %get3A_392 = tpu.vector_load %arg7[%get3A_389, %get3A_390, %get3A_391] {strides = array<i32>} : memref<31x8x128xf32, #tpu.memory_space<vmem>>, vector<16xf32>,
        %mul3A_393 = arith.constant 16 : i32
        %mul3A_394 = arith.muli %mul3A_330, %mul3A_393 : i32
        %get3A_395 = arith.constant 9 : i32
        %get3A_396 = arith.index_cast %get3A_395 : i32 to index
        %get3A_397 = arith.index_cast %select_n3A_312 : i32 to index
        %get3A_398 = arith.index_cast %mul3A_394 : i32 to index
        %get3A_399 = tpu.vector_load %arg7[%get3A_396, %get3A_397, %get3A_398] {strides = array<i32>} : memref<31x8x128xf32, #tpu.memory_space<vmem>>, vector<16xf32>,
        %mul3A_400 = arith.constant 16 : i32
        %mul3A_401 = arith.muli %mul3A_330, %mul3A_400 : i32
        %get3A_402 = arith.constant 10 : i32
        %get3A_403 = arith.index_cast %get3A_402 : i32 to index
        %get3A_404 = arith.index_cast %select_n3A_312 : i32 to index
        %get3A_405 = arith.index_cast %mul3A_401 : i32 to index
        %get3A_406 = tpu.vector_load %arg7[%get3A_403, %get3A_404, %get3A_405] {strides = array<i32>} : memref<31x8x128xf32, #tpu.memory_space<vmem>>, vector<16xf32>,
        %mul3A_407 = arith.constant 16 : i32
        %mul3A_408 = arith.muli %mul3A_330, %mul3A_407 : i32
        %get3A_409 = arith.constant 11 : i32
        %get3A_410 = arith.index_cast %get3A_409 : i32 to index
        %get3A_411 = arith.index_cast %select_n3A_312 : i32 to index
        %get3A_412 = arith.index_cast %mul3A_408 : i32 to index
        %get3A_413 = tpu.vector_load %arg7[%get3A_410, %get3A_411, %get3A_412] {strides = array<i32>} : memref<31x8x128xf32, #tpu.memory_space<vmem>>, vector<16xf32>,
        %mul3A_414 = arith.constant 16 : i32
        %mul3A_415 = arith.muli %mul3A_330, %mul3A_414 : i32
        %get3A_416 = arith.constant 12 : i32
        %get3A_417 = arith.index_cast %get3A_416 : i32 to index
        %get3A_418 = arith.index_cast %select_n3A_312 : i32 to index
        %get3A_419 = arith.index_cast %mul3A_415 : i32 to index
        %get3A_420 = tpu.vector_load %arg7[%get3A_417, %get3A_418, %get3A_419] {strides = array<i32>} : memref<31x8x128xf32, #tpu.memory_space<vmem>>, vector<16xf32>,
        %mul3A_421 = arith.constant 16 : i32
        %mul3A_422 = arith.muli %mul3A_330, %mul3A_421 : i32
        %get3A_423 = arith.constant 13 : i32
        %get3A_424 = arith.index_cast %get3A_423 : i32 to index
        %get3A_425 = arith.index_cast %select_n3A_312 : i32 to index
        %get3A_426 = arith.index_cast %mul3A_422 : i32 to index
        %get3A_427 = tpu.vector_load %arg7[%get3A_424, %get3A_425, %get3A_426] {strides = array<i32>} : memref<31x8x128xf32, #tpu.memory_space<vmem>>, vector<16xf32>,
        %mul3A_428 = arith.constant 16 : i32
        %mul3A_429 = arith.muli %mul3A_330, %mul3A_428 : i32
        %get3A_430 = arith.constant 14 : i32
        %get3A_431 = arith.index_cast %get3A_430 : i32 to index
        %get3A_432 = arith.index_cast %select_n3A_312 : i32 to index
        %get3A_433 = arith.index_cast %mul3A_429 : i32 to index
        %get3A_434 = tpu.vector_load %arg7[%get3A_431, %get3A_432, %get3A_433] {strides = array<i32>} : memref<31x8x128xf32, #tpu.memory_space<vmem>>, vector<16xf32>,
        %mul3A_435 = arith.constant 16 : i32
        %mul3A_436 = arith.muli %mul3A_330, %mul3A_435 : i32
        %get3A_437 = arith.constant 15 : i32
        %get3A_438 = arith.index_cast %get3A_437 : i32 to index
        %get3A_439 = arith.index_cast %select_n3A_312 : i32 to index
        %get3A_440 = arith.index_cast %mul3A_436 : i32 to index
        %get3A_441 = tpu.vector_load %arg7[%get3A_438, %get3A_439, %get3A_440] {strides = array<i32>} : memref<31x8x128xf32, #tpu.memory_space<vmem>>, vector<16xf32>,
        %mul3A_442 = arith.constant 16 : i32
        %mul3A_443 = arith.muli %mul3A_330, %mul3A_442 : i32
        %get3A_444 = arith.constant 16 : i32
        %get3A_445 = arith.index_cast %get3A_444 : i32 to index
        %get3A_446 = arith.index_cast %select_n3A_312 : i32 to index
        %get3A_447 = arith.index_cast %mul3A_443 : i32 to index
        %get3A_448 = tpu.vector_load %arg7[%get3A_445, %get3A_446, %get3A_447] {strides = array<i32>} : memref<31x8x128xf32, #tpu.memory_space<vmem>>, vector<16xf32>,
        %mul3A_449 = arith.constant 16 : i32
        %mul3A_450 = arith.muli %mul3A_330, %mul3A_449 : i32
        %get3A_451 = arith.constant 17 : i32
        %get3A_452 = arith.index_cast %get3A_451 : i32 to index
        %get3A_453 = arith.index_cast %select_n3A_312 : i32 to index
        %get3A_454 = arith.index_cast %mul3A_450 : i32 to index
        %get3A_455 = tpu.vector_load %arg7[%get3A_452, %get3A_453, %get3A_454] {strides = array<i32>} : memref<31x8x128xf32, #tpu.memory_space<vmem>>, vector<16xf32>,
        %mul3A_456 = arith.constant 16 : i32
        %mul3A_457 = arith.muli %mul3A_330, %mul3A_456 : i32
        %get3A_458 = arith.constant 18 : i32
        %get3A_459 = arith.index_cast %get3A_458 : i32 to index
        %get3A_460 = arith.index_cast %select_n3A_312 : i32 to index
        %get3A_461 = arith.index_cast %mul3A_457 : i32 to index
        %get3A_462 = tpu.vector_load %arg7[%get3A_459, %get3A_460, %get3A_461] {strides = array<i32>} : memref<31x8x128xf32, #tpu.memory_space<vmem>>, vector<16xf32>,
        %mul3A_463 = arith.constant 16 : i32
        %mul3A_464 = arith.muli %mul3A_330, %mul3A_463 : i32
        %get3A_465 = arith.constant 19 : i32
        %get3A_466 = arith.index_cast %get3A_465 : i32 to index
        %get3A_467 = arith.index_cast %select_n3A_312 : i32 to index
        %get3A_468 = arith.index_cast %mul3A_464 : i32 to index
        %get3A_469 = tpu.vector_load %arg7[%get3A_466, %get3A_467, %get3A_468] {strides = array<i32>} : memref<31x8x128xf32, #tpu.memory_space<vmem>>, vector<16xf32>,
        %mul3A_470 = arith.constant 16 : i32
        %mul3A_471 = arith.muli %mul3A_330, %mul3A_470 : i32
        %get3A_472 = arith.constant 20 : i32
        %get3A_473 = arith.index_cast %get3A_472 : i32 to index
        %get3A_474 = arith.index_cast %select_n3A_312 : i32 to index
        %get3A_475 = arith.index_cast %mul3A_471 : i32 to index
        %get3A_476 = tpu.vector_load %arg7[%get3A_473, %get3A_474, %get3A_475] {strides = array<i32>} : memref<31x8x128xf32, #tpu.memory_space<vmem>>, vector<16xf32>,
        %mul3A_477 = arith.constant 16 : i32
        %mul3A_478 = arith.muli %mul3A_330, %mul3A_477 : i32
        %get3A_479 = arith.constant 21 : i32
        %get3A_480 = arith.index_cast %get3A_479 : i32 to index
        %get3A_481 = arith.index_cast %select_n3A_312 : i32 to index
        %get3A_482 = arith.index_cast %mul3A_478 : i32 to index
        %get3A_483 = tpu.vector_load %arg7[%get3A_480, %get3A_481, %get3A_482] {strides = array<i32>} : memref<31x8x128xf32, #tpu.memory_space<vmem>>, vector<16xf32>,
        %mul3A_484 = arith.constant 16 : i32
        %mul3A_485 = arith.muli %mul3A_330, %mul3A_484 : i32
        %get3A_486 = arith.constant 22 : i32
        %get3A_487 = arith.index_cast %get3A_486 : i32 to index
        %get3A_488 = arith.index_cast %select_n3A_312 : i32 to index
        %get3A_489 = arith.index_cast %mul3A_485 : i32 to index
        %get3A_490 = tpu.vector_load %arg7[%get3A_487, %get3A_488, %get3A_489] {strides = array<i32>} : memref<31x8x128xf32, #tpu.memory_space<vmem>>, vector<16xf32>,
        %mul3A_491 = arith.constant 16 : i32
        %mul3A_492 = arith.muli %mul3A_330, %mul3A_491 : i32
        %get3A_493 = arith.constant 23 : i32
        %get3A_494 = arith.index_cast %get3A_493 : i32 to index
        %get3A_495 = arith.index_cast %select_n3A_312 : i32 to index
        %get3A_496 = arith.index_cast %mul3A_492 : i32 to index
        %get3A_497 = tpu.vector_load %arg7[%get3A_494, %get3A_495, %get3A_496] {strides = array<i32>} : memref<31x8x128xf32, #tpu.memory_space<vmem>>, vector<16xf32>,
        %mul3A_498 = arith.constant 16 : i32
        %mul3A_499 = arith.muli %mul3A_330, %mul3A_498 : i32
        %get3A_500 = arith.constant 24 : i32
        %get3A_501 = arith.index_cast %get3A_500 : i32 to index
        %get3A_502 = arith.index_cast %select_n3A_312 : i32 to index
        %get3A_503 = arith.index_cast %mul3A_499 : i32 to index
        %get3A_504 = tpu.vector_load %arg7[%get3A_501, %get3A_502, %get3A_503] {strides = array<i32>} : memref<31x8x128xf32, #tpu.memory_space<vmem>>, vector<16xf32>,
        %mul3A_505 = arith.constant 16 : i32
        %mul3A_506 = arith.muli %mul3A_330, %mul3A_505 : i32
        %get3A_507 = arith.constant 25 : i32
        %get3A_508 = arith.index_cast %get3A_507 : i32 to index
        %get3A_509 = arith.index_cast %select_n3A_312 : i32 to index
        %get3A_510 = arith.index_cast %mul3A_506 : i32 to index
        %get3A_511 = tpu.vector_load %arg7[%get3A_508, %get3A_509, %get3A_510] {strides = array<i32>} : memref<31x8x128xf32, #tpu.memory_space<vmem>>, vector<16xf32>,
        %mul3A_512 = arith.constant 16 : i32
        %mul3A_513 = arith.muli %mul3A_330, %mul3A_512 : i32
        %get3A_514 = arith.constant 26 : i32
        %get3A_515 = arith.index_cast %get3A_514 : i32 to index
        %get3A_516 = arith.index_cast %select_n3A_312 : i32 to index
        %get3A_517 = arith.index_cast %mul3A_513 : i32 to index
        %get3A_518 = tpu.vector_load %arg7[%get3A_515, %get3A_516, %get3A_517] {strides = array<i32>} : memref<31x8x128xf32, #tpu.memory_space<vmem>>, vector<16xf32>,
        %mul3A_519 = arith.constant 16 : i32
        %mul3A_520 = arith.muli %mul3A_330, %mul3A_519 : i32
        %get3A_521 = arith.constant 27 : i32
        %get3A_522 = arith.index_cast %get3A_521 : i32 to index
        %get3A_523 = arith.index_cast %select_n3A_312 : i32 to index
        %get3A_524 = arith.index_cast %mul3A_520 : i32 to index
        %get3A_525 = tpu.vector_load %arg7[%get3A_522, %get3A_523, %get3A_524] {strides = array<i32>} : memref<31x8x128xf32, #tpu.memory_space<vmem>>, vector<16xf32>,
        %mul3A_526 = arith.constant 16 : i32
        %mul3A_527 = arith.muli %mul3A_330, %mul3A_526 : i32
        %get3A_528 = arith.constant 28 : i32
        %get3A_529 = arith.index_cast %get3A_528 : i32 to index
        %get3A_530 = arith.index_cast %select_n3A_312 : i32 to index
        %get3A_531 = arith.index_cast %mul3A_527 : i32 to index
        %get3A_532 = tpu.vector_load %arg7[%get3A_529, %get3A_530, %get3A_531] {strides = array<i32>} : memref<31x8x128xf32, #tpu.memory_space<vmem>>, vector<16xf32>,
        %mul3A_533 = arith.constant 16 : i32
        %mul3A_534 = arith.muli %mul3A_330, %mul3A_533 : i32
        %get3A_535 = arith.constant 29 : i32
        %get3A_536 = arith.index_cast %get3A_535 : i32 to index
        %get3A_537 = arith.index_cast %select_n3A_312 : i32 to index
        %get3A_538 = arith.index_cast %mul3A_534 : i32 to index
        %get3A_539 = tpu.vector_load %arg7[%get3A_536, %get3A_537, %get3A_538] {strides = array<i32>} : memref<31x8x128xf32, #tpu.memory_space<vmem>>, vector<16xf32>,
        %mul3A_540 = arith.constant 16 : i32
        %mul3A_541 = arith.muli %mul3A_330, %mul3A_540 : i32
        %get3A_542 = arith.constant 30 : i32
        %get3A_543 = arith.index_cast %get3A_542 : i32 to index
        %get3A_544 = arith.index_cast %select_n3A_312 : i32 to index
        %get3A_545 = arith.index_cast %mul3A_541 : i32 to index
        %get3A_546 = tpu.vector_load %arg7[%get3A_543, %get3A_544, %get3A_545] {strides = array<i32>} : memref<31x8x128xf32, #tpu.memory_space<vmem>>, vector<16xf32>,
        %mul3A_547 = arith.constant 16 : i32
        %mul3A_548 = arith.muli %mul3A_330, %mul3A_547 : i32
        %get3A_549 = arith.index_cast %select_n3A_312 : i32 to index
        %get3A_550 = arith.index_cast %mul3A_548 : i32 to index
        %get3A_551 = tpu.vector_load %arg9[%get3A_549, %get3A_550] {strides = array<i32>} : memref<8x128xf32, #tpu.memory_space<vmem>>, vector<16xf32>,
        %exp3A = math.exp %get3A_336 : vector<16xf32>
        %exp3A_552 = math.exp %get3A_343 : vector<16xf32>
        %exp3A_553 = math.exp %get3A_350 : vector<16xf32>
        %exp3A_554 = math.exp %get3A_357 : vector<16xf32>
        %exp3A_555 = math.exp %get3A_364 : vector<16xf32>
        %exp3A_556 = math.exp %get3A_371 : vector<16xf32>
        %exp3A_557 = math.exp %get3A_378 : vector<16xf32>
        %exp3A_558 = math.exp %get3A_385 : vector<16xf32>
        %add3A_559 = arith.addf %exp3A, %exp3A_552 : vector<16xf32>
        %add3A_560 = arith.addf %add3A_559, %exp3A_553 : vector<16xf32>
        %add3A_561 = arith.addf %add3A_560, %exp3A_554 : vector<16xf32>
        %add3A_562 = arith.addf %add3A_561, %exp3A_555 : vector<16xf32>
        %add3A_563 = arith.addf %add3A_562, %exp3A_556 : vector<16xf32>
        %add3A_564 = arith.addf %add3A_563, %exp3A_557 : vector<16xf32>
        %add3A_565 = arith.addf %add3A_564, %exp3A_558 : vector<16xf32>
        %div3A_566 = arith.constant 0.991999983 : f32
        %div3A_567 = vector.broadcast %div3A_566 : f32 to vector<16xf32>
        %div3A_568 = arith.divf %div3A_567, %add3A_565 : vector<16xf32>
        %mul3A_569 = arith.mulf %div3A_568, %exp3A : vector<16xf32>
        %add3A_570 = arith.constant 1.000000e-03 : f32
        %add3A_571 = vector.broadcast %add3A_570 : f32 to vector<16xf32>
        %add3A_572 = arith.addf %add3A_571, %mul3A_569 : vector<16xf32>
        %mul3A_573 = arith.mulf %div3A_568, %exp3A_552 : vector<16xf32>
        %add3A_574 = arith.constant 1.000000e-03 : f32
        %add3A_575 = vector.broadcast %add3A_574 : f32 to vector<16xf32>
        %add3A_576 = arith.addf %add3A_575, %mul3A_573 : vector<16xf32>
        %mul3A_577 = arith.mulf %div3A_568, %exp3A_553 : vector<16xf32>
        %add3A_578 = arith.constant 1.000000e-03 : f32
        %add3A_579 = vector.broadcast %add3A_578 : f32 to vector<16xf32>
        %add3A_580 = arith.addf %add3A_579, %mul3A_577 : vector<16xf32>
        %mul3A_581 = arith.mulf %div3A_568, %exp3A_554 : vector<16xf32>
        %add3A_582 = arith.constant 1.000000e-03 : f32
        %add3A_583 = vector.broadcast %add3A_582 : f32 to vector<16xf32>
        %add3A_584 = arith.addf %add3A_583, %mul3A_581 : vector<16xf32>
        %mul3A_585 = arith.mulf %div3A_568, %exp3A_555 : vector<16xf32>
        %add3A_586 = arith.constant 1.000000e-03 : f32
        %add3A_587 = vector.broadcast %add3A_586 : f32 to vector<16xf32>
        %add3A_588 = arith.addf %add3A_587, %mul3A_585 : vector<16xf32>
        %mul3A_589 = arith.mulf %div3A_568, %exp3A_556 : vector<16xf32>
        %add3A_590 = arith.constant 1.000000e-03 : f32
        %add3A_591 = vector.broadcast %add3A_590 : f32 to vector<16xf32>
        %add3A_592 = arith.addf %add3A_591, %mul3A_589 : vector<16xf32>
        %mul3A_593 = arith.mulf %div3A_568, %exp3A_557 : vector<16xf32>
        %add3A_594 = arith.constant 1.000000e-03 : f32
        %add3A_595 = vector.broadcast %add3A_594 : f32 to vector<16xf32>
        %add3A_596 = arith.addf %add3A_595, %mul3A_593 : vector<16xf32>
        %mul3A_597 = arith.mulf %div3A_568, %exp3A_558 : vector<16xf32>
        %add3A_598 = arith.constant 1.000000e-03 : f32
        %add3A_599 = vector.broadcast %add3A_598 : f32 to vector<16xf32>
        %add3A_600 = arith.addf %add3A_599, %mul3A_597 : vector<16xf32>
        %broadcast_in_dim3A = arith.constant -3.000000e+00 : f32
        %broadcast_in_dim3A_601 = vector.broadcast %broadcast_in_dim3A : f32 to vector<16xf32>
        %mul3A_602 = arith.constant 6.000000e+00 : f32
        %mul3A_603 = vector.broadcast %mul3A_602 : f32 to vector<16xf32>
        %mul3A_604 = arith.mulf %mul3A_603, %add3A_572 : vector<16xf32>
        %sub3A_605 = arith.constant 3.000000e+00 : f32
        %sub3A_606 = vector.broadcast %sub3A_605 : f32 to vector<16xf32>
        %sub3A_607 = arith.subf %mul3A_604, %sub3A_606 : vector<16xf32>
        %add3A_608 = arith.addf %add3A_572, %add3A_576 : vector<16xf32>
        %mul3A_609 = arith.constant 6.000000e+00 : f32
        %mul3A_610 = vector.broadcast %mul3A_609 : f32 to vector<16xf32>
        %mul3A_611 = arith.mulf %mul3A_610, %add3A_608 : vector<16xf32>
        %sub3A_612 = arith.constant 3.000000e+00 : f32
        %sub3A_613 = vector.broadcast %sub3A_612 : f32 to vector<16xf32>
        %sub3A_614 = arith.subf %mul3A_611, %sub3A_613 : vector<16xf32>
        %add3A_615 = arith.addf %add3A_608, %add3A_580 : vector<16xf32>
        %mul3A_616 = arith.constant 6.000000e+00 : f32
        %mul3A_617 = vector.broadcast %mul3A_616 : f32 to vector<16xf32>
        %mul3A_618 = arith.mulf %mul3A_617, %add3A_615 : vector<16xf32>
        %sub3A_619 = arith.constant 3.000000e+00 : f32
        %sub3A_620 = vector.broadcast %sub3A_619 : f32 to vector<16xf32>
        %sub3A_621 = arith.subf %mul3A_618, %sub3A_620 : vector<16xf32>
        %add3A_622 = arith.addf %add3A_615, %add3A_584 : vector<16xf32>
        %mul3A_623 = arith.constant 6.000000e+00 : f32
        %mul3A_624 = vector.broadcast %mul3A_623 : f32 to vector<16xf32>
        %mul3A_625 = arith.mulf %mul3A_624, %add3A_622 : vector<16xf32>
        %sub3A_626 = arith.constant 3.000000e+00 : f32
        %sub3A_627 = vector.broadcast %sub3A_626 : f32 to vector<16xf32>
        %sub3A_628 = arith.subf %mul3A_625, %sub3A_627 : vector<16xf32>
        %add3A_629 = arith.addf %add3A_622, %add3A_588 : vector<16xf32>
        %mul3A_630 = arith.constant 6.000000e+00 : f32
        %mul3A_631 = vector.broadcast %mul3A_630 : f32 to vector<16xf32>
        %mul3A_632 = arith.mulf %mul3A_631, %add3A_629 : vector<16xf32>
        %sub3A_633 = arith.constant 3.000000e+00 : f32
        %sub3A_634 = vector.broadcast %sub3A_633 : f32 to vector<16xf32>
        %sub3A_635 = arith.subf %mul3A_632, %sub3A_634 : vector<16xf32>
        %add3A_636 = arith.addf %add3A_629, %add3A_592 : vector<16xf32>
        %mul3A_637 = arith.constant 6.000000e+00 : f32
        %mul3A_638 = vector.broadcast %mul3A_637 : f32 to vector<16xf32>
        %mul3A_639 = arith.mulf %mul3A_638, %add3A_636 : vector<16xf32>
        %sub3A_640 = arith.constant 3.000000e+00 : f32
        %sub3A_641 = vector.broadcast %sub3A_640 : f32 to vector<16xf32>
        %sub3A_642 = arith.subf %mul3A_639, %sub3A_641 : vector<16xf32>
        %add3A_643 = arith.addf %add3A_636, %add3A_596 : vector<16xf32>
        %mul3A_644 = arith.constant 6.000000e+00 : f32
        %mul3A_645 = vector.broadcast %mul3A_644 : f32 to vector<16xf32>
        %mul3A_646 = arith.mulf %mul3A_645, %add3A_643 : vector<16xf32>
        %sub3A_647 = arith.constant 3.000000e+00 : f32
        %sub3A_648 = vector.broadcast %sub3A_647 : f32 to vector<16xf32>
        %sub3A_649 = arith.subf %mul3A_646, %sub3A_648 : vector<16xf32>
        %broadcast_in_dim3A_650 = arith.constant 3.000000e+00 : f32
        %broadcast_in_dim3A_651 = vector.broadcast %broadcast_in_dim3A_650 : f32 to vector<16xf32>
        %exp3A_652 = math.exp %get3A_392 : vector<16xf32>
        %exp3A_653 = math.exp %get3A_399 : vector<16xf32>
        %exp3A_654 = math.exp %get3A_406 : vector<16xf32>
        %exp3A_655 = math.exp %get3A_413 : vector<16xf32>
        %exp3A_656 = math.exp %get3A_420 : vector<16xf32>
        %exp3A_657 = math.exp %get3A_427 : vector<16xf32>
        %exp3A_658 = math.exp %get3A_434 : vector<16xf32>
        %exp3A_659 = math.exp %get3A_441 : vector<16xf32>
        %add3A_660 = arith.addf %exp3A_652, %exp3A_653 : vector<16xf32>
        %add3A_661 = arith.addf %add3A_660, %exp3A_654 : vector<16xf32>
        %add3A_662 = arith.addf %add3A_661, %exp3A_655 : vector<16xf32>
        %add3A_663 = arith.addf %add3A_662, %exp3A_656 : vector<16xf32>
        %add3A_664 = arith.addf %add3A_663, %exp3A_657 : vector<16xf32>
        %add3A_665 = arith.addf %add3A_664, %exp3A_658 : vector<16xf32>
        %add3A_666 = arith.addf %add3A_665, %exp3A_659 : vector<16xf32>
        %div3A_667 = arith.constant 0.991999983 : f32
        %div3A_668 = vector.broadcast %div3A_667 : f32 to vector<16xf32>
        %div3A_669 = arith.divf %div3A_668, %add3A_666 : vector<16xf32>
        %mul3A_670 = arith.mulf %div3A_669, %exp3A_652 : vector<16xf32>
        %add3A_671 = arith.constant 1.000000e-03 : f32
        %add3A_672 = vector.broadcast %add3A_671 : f32 to vector<16xf32>
        %add3A_673 = arith.addf %add3A_672, %mul3A_670 : vector<16xf32>
        %mul3A_674 = arith.mulf %div3A_669, %exp3A_653 : vector<16xf32>
        %add3A_675 = arith.constant 1.000000e-03 : f32
        %add3A_676 = vector.broadcast %add3A_675 : f32 to vector<16xf32>
        %add3A_677 = arith.addf %add3A_676, %mul3A_674 : vector<16xf32>
        %mul3A_678 = arith.mulf %div3A_669, %exp3A_654 : vector<16xf32>
        %add3A_679 = arith.constant 1.000000e-03 : f32
        %add3A_680 = vector.broadcast %add3A_679 : f32 to vector<16xf32>
        %add3A_681 = arith.addf %add3A_680, %mul3A_678 : vector<16xf32>
        %mul3A_682 = arith.mulf %div3A_669, %exp3A_655 : vector<16xf32>
        %add3A_683 = arith.constant 1.000000e-03 : f32
        %add3A_684 = vector.broadcast %add3A_683 : f32 to vector<16xf32>
        %add3A_685 = arith.addf %add3A_684, %mul3A_682 : vector<16xf32>
        %mul3A_686 = arith.mulf %div3A_669, %exp3A_656 : vector<16xf32>
        %add3A_687 = arith.constant 1.000000e-03 : f32
        %add3A_688 = vector.broadcast %add3A_687 : f32 to vector<16xf32>
        %add3A_689 = arith.addf %add3A_688, %mul3A_686 : vector<16xf32>
        %mul3A_690 = arith.mulf %div3A_669, %exp3A_657 : vector<16xf32>
        %add3A_691 = arith.constant 1.000000e-03 : f32
        %add3A_692 = vector.broadcast %add3A_691 : f32 to vector<16xf32>
        %add3A_693 = arith.addf %add3A_692, %mul3A_690 : vector<16xf32>
        %mul3A_694 = arith.mulf %div3A_669, %exp3A_658 : vector<16xf32>
        %add3A_695 = arith.constant 1.000000e-03 : f32
        %add3A_696 = vector.broadcast %add3A_695 : f32 to vector<16xf32>
        %add3A_697 = arith.addf %add3A_696, %mul3A_694 : vector<16xf32>
        %mul3A_698 = arith.mulf %div3A_669, %exp3A_659 : vector<16xf32>
        %add3A_699 = arith.constant 1.000000e-03 : f32
        %add3A_700 = vector.broadcast %add3A_699 : f32 to vector<16xf32>
        %add3A_701 = arith.addf %add3A_700, %mul3A_698 : vector<16xf32>
        %broadcast_in_dim3A_702 = arith.constant -3.000000e+00 : f32
        %broadcast_in_dim3A_703 = vector.broadcast %broadcast_in_dim3A_702 : f32 to vector<16xf32>
        %mul3A_704 = arith.constant 6.000000e+00 : f32
        %mul3A_705 = vector.broadcast %mul3A_704 : f32 to vector<16xf32>
        %mul3A_706 = arith.mulf %mul3A_705, %add3A_673 : vector<16xf32>
        %sub3A_707 = arith.constant 3.000000e+00 : f32
        %sub3A_708 = vector.broadcast %sub3A_707 : f32 to vector<16xf32>
        %sub3A_709 = arith.subf %mul3A_706, %sub3A_708 : vector<16xf32>
        %add3A_710 = arith.addf %add3A_673, %add3A_677 : vector<16xf32>
        %mul3A_711 = arith.constant 6.000000e+00 : f32
        %mul3A_712 = vector.broadcast %mul3A_711 : f32 to vector<16xf32>
        %mul3A_713 = arith.mulf %mul3A_712, %add3A_710 : vector<16xf32>
        %sub3A_714 = arith.constant 3.000000e+00 : f32
        %sub3A_715 = vector.broadcast %sub3A_714 : f32 to vector<16xf32>
        %sub3A_716 = arith.subf %mul3A_713, %sub3A_715 : vector<16xf32>
        %add3A_717 = arith.addf %add3A_710, %add3A_681 : vector<16xf32>
        %mul3A_718 = arith.constant 6.000000e+00 : f32
        %mul3A_719 = vector.broadcast %mul3A_718 : f32 to vector<16xf32>
        %mul3A_720 = arith.mulf %mul3A_719, %add3A_717 : vector<16xf32>
        %sub3A_721 = arith.constant 3.000000e+00 : f32
        %sub3A_722 = vector.broadcast %sub3A_721 : f32 to vector<16xf32>
        %sub3A_723 = arith.subf %mul3A_720, %sub3A_722 : vector<16xf32>
        %add3A_724 = arith.addf %add3A_717, %add3A_685 : vector<16xf32>
        %mul3A_725 = arith.constant 6.000000e+00 : f32
        %mul3A_726 = vector.broadcast %mul3A_725 : f32 to vector<16xf32>
        %mul3A_727 = arith.mulf %mul3A_726, %add3A_724 : vector<16xf32>
        %sub3A_728 = arith.constant 3.000000e+00 : f32
        %sub3A_729 = vector.broadcast %sub3A_728 : f32 to vector<16xf32>
        %sub3A_730 = arith.subf %mul3A_727, %sub3A_729 : vector<16xf32>
        %add3A_731 = arith.addf %add3A_724, %add3A_689 : vector<16xf32>
        %mul3A_732 = arith.constant 6.000000e+00 : f32
        %mul3A_733 = vector.broadcast %mul3A_732 : f32 to vector<16xf32>
        %mul3A_734 = arith.mulf %mul3A_733, %add3A_731 : vector<16xf32>
        %sub3A_735 = arith.constant 3.000000e+00 : f32
        %sub3A_736 = vector.broadcast %sub3A_735 : f32 to vector<16xf32>
        %sub3A_737 = arith.subf %mul3A_734, %sub3A_736 : vector<16xf32>
        %add3A_738 = arith.addf %add3A_731, %add3A_693 : vector<16xf32>
        %mul3A_739 = arith.constant 6.000000e+00 : f32
        %mul3A_740 = vector.broadcast %mul3A_739 : f32 to vector<16xf32>
        %mul3A_741 = arith.mulf %mul3A_740, %add3A_738 : vector<16xf32>
        %sub3A_742 = arith.constant 3.000000e+00 : f32
        %sub3A_743 = vector.broadcast %sub3A_742 : f32 to vector<16xf32>
        %sub3A_744 = arith.subf %mul3A_741, %sub3A_743 : vector<16xf32>
        %add3A_745 = arith.addf %add3A_738, %add3A_697 : vector<16xf32>
        %mul3A_746 = arith.constant 6.000000e+00 : f32
        %mul3A_747 = vector.broadcast %mul3A_746 : f32 to vector<16xf32>
        %mul3A_748 = arith.mulf %mul3A_747, %add3A_745 : vector<16xf32>
        %sub3A_749 = arith.constant 3.000000e+00 : f32
        %sub3A_750 = vector.broadcast %sub3A_749 : f32 to vector<16xf32>
        %sub3A_751 = arith.subf %mul3A_748, %sub3A_750 : vector<16xf32>
        %broadcast_in_dim3A_752 = arith.constant 3.000000e+00 : f32
        %broadcast_in_dim3A_753 = vector.broadcast %broadcast_in_dim3A_752 : f32 to vector<16xf32>
        %add3A_754 = arith.constant 9.99999997E-7 : f32
        %add3A_755 = vector.broadcast %add3A_754 : f32 to vector<16xf32>
        %add3A_756 = arith.addf %sub3A_607, %add3A_755 : vector<16xf32>
        %le3A = arith.cmpf ole, %add3A_756, %get3A_551 : vector<16xf32>
        %add3A_757 = arith.constant 9.99999997E-7 : f32
        %add3A_758 = vector.broadcast %add3A_757 : f32 to vector<16xf32>
        %add3A_759 = arith.addf %sub3A_614, %add3A_758 : vector<16xf32>
        %le3A_760 = arith.cmpf ole, %add3A_759, %get3A_551 : vector<16xf32>
        %add3A_761 = arith.constant 9.99999997E-7 : f32
        %add3A_762 = vector.broadcast %add3A_761 : f32 to vector<16xf32>
        %add3A_763 = arith.addf %sub3A_621, %add3A_762 : vector<16xf32>
        %le3A_764 = arith.cmpf ole, %add3A_763, %get3A_551 : vector<16xf32>
        %add3A_765 = arith.constant 9.99999997E-7 : f32
        %add3A_766 = vector.broadcast %add3A_765 : f32 to vector<16xf32>
        %add3A_767 = arith.addf %sub3A_628, %add3A_766 : vector<16xf32>
        %le3A_768 = arith.cmpf ole, %add3A_767, %get3A_551 : vector<16xf32>
        %add3A_769 = arith.constant 9.99999997E-7 : f32
        %add3A_770 = vector.broadcast %add3A_769 : f32 to vector<16xf32>
        %add3A_771 = arith.addf %sub3A_635, %add3A_770 : vector<16xf32>
        %le3A_772 = arith.cmpf ole, %add3A_771, %get3A_551 : vector<16xf32>
        %add3A_773 = arith.constant 9.99999997E-7 : f32
        %add3A_774 = vector.broadcast %add3A_773 : f32 to vector<16xf32>
        %add3A_775 = arith.addf %sub3A_642, %add3A_774 : vector<16xf32>
        %le3A_776 = arith.cmpf ole, %add3A_775, %get3A_551 : vector<16xf32>
        %add3A_777 = arith.constant 9.99999997E-7 : f32
        %add3A_778 = vector.broadcast %add3A_777 : f32 to vector<16xf32>
        %add3A_779 = arith.addf %sub3A_649, %add3A_778 : vector<16xf32>
        %le3A_780 = arith.cmpf ole, %add3A_779, %get3A_551 : vector<16xf32>
        %select_n3A_781 = arith.select %le3A, %sub3A_607, %broadcast_in_dim3A_601 : vector<16xi1>, vector<16xf32>
        %select_n3A_782 = arith.select %le3A_760, %sub3A_614, %select_n3A_781 : vector<16xi1>, vector<16xf32>
        %select_n3A_783 = arith.select %le3A_764, %sub3A_621, %select_n3A_782 : vector<16xi1>, vector<16xf32>
        %select_n3A_784 = arith.select %le3A_768, %sub3A_628, %select_n3A_783 : vector<16xi1>, vector<16xf32>
        %select_n3A_785 = arith.select %le3A_772, %sub3A_635, %select_n3A_784 : vector<16xi1>, vector<16xf32>
        %select_n3A_786 = arith.select %le3A_776, %sub3A_642, %select_n3A_785 : vector<16xi1>, vector<16xf32>
        %select_n3A_787 = arith.select %le3A_780, %sub3A_649, %select_n3A_786 : vector<16xi1>, vector<16xf32>
        %select_n3A_788 = arith.select %le3A, %sub3A_614, %sub3A_607 : vector<16xi1>, vector<16xf32>
        %select_n3A_789 = arith.select %le3A_760, %sub3A_621, %select_n3A_788 : vector<16xi1>, vector<16xf32>
        %select_n3A_790 = arith.select %le3A_764, %sub3A_628, %select_n3A_789 : vector<16xi1>, vector<16xf32>
        %select_n3A_791 = arith.select %le3A_768, %sub3A_635, %select_n3A_790 : vector<16xi1>, vector<16xf32>
        %select_n3A_792 = arith.select %le3A_772, %sub3A_642, %select_n3A_791 : vector<16xi1>, vector<16xf32>
        %select_n3A_793 = arith.select %le3A_776, %sub3A_649, %select_n3A_792 : vector<16xi1>, vector<16xf32>
        %select_n3A_794 = arith.select %le3A_780, %broadcast_in_dim3A_651, %select_n3A_793 : vector<16xi1>, vector<16xf32>
        %sub3A_795 = arith.subf %select_n3A_794, %select_n3A_787 : vector<16xf32>
        %select_n3A_796 = arith.select %le3A, %sub3A_709, %broadcast_in_dim3A_703 : vector<16xi1>, vector<16xf32>
        %select_n3A_797 = arith.select %le3A_760, %sub3A_716, %select_n3A_796 : vector<16xi1>, vector<16xf32>
        %select_n3A_798 = arith.select %le3A_764, %sub3A_723, %select_n3A_797 : vector<16xi1>, vector<16xf32>
        %select_n3A_799 = arith.select %le3A_768, %sub3A_730, %select_n3A_798 : vector<16xi1>, vector<16xf32>
        %select_n3A_800 = arith.select %le3A_772, %sub3A_737, %select_n3A_799 : vector<16xi1>, vector<16xf32>
        %select_n3A_801 = arith.select %le3A_776, %sub3A_744, %select_n3A_800 : vector<16xi1>, vector<16xf32>
        %select_n3A_802 = arith.select %le3A_780, %sub3A_751, %select_n3A_801 : vector<16xi1>, vector<16xf32>
        %select_n3A_803 = arith.select %le3A, %sub3A_716, %sub3A_709 : vector<16xi1>, vector<16xf32>
        %select_n3A_804 = arith.select %le3A_760, %sub3A_723, %select_n3A_803 : vector<16xi1>, vector<16xf32>
        %select_n3A_805 = arith.select %le3A_764, %sub3A_730, %select_n3A_804 : vector<16xi1>, vector<16xf32>
        %select_n3A_806 = arith.select %le3A_768, %sub3A_737, %select_n3A_805 : vector<16xi1>, vector<16xf32>
        %select_n3A_807 = arith.select %le3A_772, %sub3A_744, %select_n3A_806 : vector<16xi1>, vector<16xf32>
        %select_n3A_808 = arith.select %le3A_776, %sub3A_751, %select_n3A_807 : vector<16xi1>, vector<16xf32>
        %select_n3A_809 = arith.select %le3A_780, %broadcast_in_dim3A_753, %select_n3A_808 : vector<16xi1>, vector<16xf32>
        %sub3A_810 = arith.subf %select_n3A_809, %select_n3A_802 : vector<16xf32>
        %select_n3A_811 = arith.select %le3A_760, %get3A_455, %get3A_448 : vector<16xi1>, vector<16xf32>
        %select_n3A_812 = arith.select %le3A_764, %get3A_462, %select_n3A_811 : vector<16xi1>, vector<16xf32>
        %select_n3A_813 = arith.select %le3A_768, %get3A_469, %select_n3A_812 : vector<16xi1>, vector<16xf32>
        %select_n3A_814 = arith.select %le3A_772, %get3A_476, %select_n3A_813 : vector<16xi1>, vector<16xf32>
        %select_n3A_815 = arith.select %le3A_776, %get3A_483, %select_n3A_814 : vector<16xi1>, vector<16xf32>
        %select_n3A_816 = arith.select %le3A_780, %get3A_490, %select_n3A_815 : vector<16xi1>, vector<16xf32>
        %select_n3A_817 = arith.select %le3A, %get3A_455, %get3A_448 : vector<16xi1>, vector<16xf32>
        %select_n3A_818 = arith.select %le3A_760, %get3A_462, %select_n3A_817 : vector<16xi1>, vector<16xf32>
        %select_n3A_819 = arith.select %le3A_764, %get3A_469, %select_n3A_818 : vector<16xi1>, vector<16xf32>
        %select_n3A_820 = arith.select %le3A_768, %get3A_476, %select_n3A_819 : vector<16xi1>, vector<16xf32>
        %select_n3A_821 = arith.select %le3A_772, %get3A_483, %select_n3A_820 : vector<16xi1>, vector<16xf32>
        %select_n3A_822 = arith.select %le3A_776, %get3A_490, %select_n3A_821 : vector<16xi1>, vector<16xf32>
        %max3A = arith.constant 0.000000e+00 : f32
        %max3A_823 = vector.broadcast %max3A : f32 to vector<16xf32>
        %max3A_824 = arith.maximumf %select_n3A_816, %max3A_823 : vector<16xf32>
        %abs3A = math.absf %select_n3A_816 : vector<16xf32>
        %neg3A = arith.constant 0.000000e+00 : f32
        %neg3A_825 = vector.broadcast %neg3A : f32 to vector<16xf32>
        %neg3A_826 = arith.subf %neg3A_825, %abs3A : vector<16xf32>
        %exp3A_827 = math.exp %neg3A_826 : vector<16xf32>
        %add3A_828 = arith.constant 2.000000e+00 : f32
        %add3A_829 = vector.broadcast %add3A_828 : f32 to vector<16xf32>
        %add3A_830 = arith.addf %exp3A_827, %add3A_829 : vector<16xf32>
        %div3A_831 = arith.divf %exp3A_827, %add3A_830 : vector<16xf32>
        %mul3A_832 = arith.mulf %div3A_831, %div3A_831 : vector<16xf32>
        %mul3A_833 = arith.constant 0.111111112 : f32
        %mul3A_834 = vector.broadcast %mul3A_833 : f32 to vector<16xf32>
        %mul3A_835 = arith.mulf %mul3A_832, %mul3A_834 : vector<16xf32>
        %add3A_836 = arith.constant 0.142857149 : f32
        %add3A_837 = vector.broadcast %add3A_836 : f32 to vector<16xf32>
        %add3A_838 = arith.addf %add3A_837, %mul3A_835 : vector<16xf32>
        %mul3A_839 = arith.mulf %mul3A_832, %add3A_838 : vector<16xf32>
        %add3A_840 = arith.constant 2.000000e-01 : f32
        %add3A_841 = vector.broadcast %add3A_840 : f32 to vector<16xf32>
        %add3A_842 = arith.addf %add3A_841, %mul3A_839 : vector<16xf32>
        %mul3A_843 = arith.mulf %mul3A_832, %add3A_842 : vector<16xf32>
        %add3A_844 = arith.constant 0.333333343 : f32
        %add3A_845 = vector.broadcast %add3A_844 : f32 to vector<16xf32>
        %add3A_846 = arith.addf %add3A_845, %mul3A_843 : vector<16xf32>
        %mul3A_847 = arith.constant 2.000000e+00 : f32
        %mul3A_848 = vector.broadcast %mul3A_847 : f32 to vector<16xf32>
        %mul3A_849 = arith.mulf %mul3A_848, %div3A_831 : vector<16xf32>
        %mul3A_850 = arith.mulf %mul3A_832, %add3A_846 : vector<16xf32>
        %add3A_851 = arith.constant 1.000000e+00 : f32
        %add3A_852 = vector.broadcast %add3A_851 : f32 to vector<16xf32>
        %add3A_853 = arith.addf %add3A_852, %mul3A_850 : vector<16xf32>
        %mul3A_854 = arith.mulf %mul3A_849, %add3A_853 : vector<16xf32>
        %add3A_855 = arith.addf %max3A_824, %mul3A_854 : vector<16xf32>
        %add3A_856 = arith.constant 1.000000e-03 : f32
        %add3A_857 = vector.broadcast %add3A_856 : f32 to vector<16xf32>
        %add3A_858 = arith.addf %add3A_857, %add3A_855 : vector<16xf32>
        %jit3A_859 = arith.constant 9.990000e-01 : f32
        %broadcast_in_dim3A_860 = vector.broadcast %jit3A_859 : f32 to vector<16xf32>
        %select_n3A_861 = arith.select %le3A, %add3A_858, %broadcast_in_dim3A_860 : vector<16xi1>, vector<16xf32>
        %max3A_862 = arith.constant 0.000000e+00 : f32
        %max3A_863 = vector.broadcast %max3A_862 : f32 to vector<16xf32>
        %max3A_864 = arith.maximumf %select_n3A_822, %max3A_863 : vector<16xf32>
        %abs3A_865 = math.absf %select_n3A_822 : vector<16xf32>
        %neg3A_866 = arith.constant 0.000000e+00 : f32
        %neg3A_867 = vector.broadcast %neg3A_866 : f32 to vector<16xf32>
        %neg3A_868 = arith.subf %neg3A_867, %abs3A_865 : vector<16xf32>
        %exp3A_869 = math.exp %neg3A_868 : vector<16xf32>
        %add3A_870 = arith.constant 2.000000e+00 : f32
        %add3A_871 = vector.broadcast %add3A_870 : f32 to vector<16xf32>
        %add3A_872 = arith.addf %exp3A_869, %add3A_871 : vector<16xf32>
        %div3A_873 = arith.divf %exp3A_869, %add3A_872 : vector<16xf32>
        %mul3A_874 = arith.mulf %div3A_873, %div3A_873 : vector<16xf32>
        %mul3A_875 = arith.constant 0.111111112 : f32
        %mul3A_876 = vector.broadcast %mul3A_875 : f32 to vector<16xf32>
        %mul3A_877 = arith.mulf %mul3A_874, %mul3A_876 : vector<16xf32>
        %add3A_878 = arith.constant 0.142857149 : f32
        %add3A_879 = vector.broadcast %add3A_878 : f32 to vector<16xf32>
        %add3A_880 = arith.addf %add3A_879, %mul3A_877 : vector<16xf32>
        %mul3A_881 = arith.mulf %mul3A_874, %add3A_880 : vector<16xf32>
        %add3A_882 = arith.constant 2.000000e-01 : f32
        %add3A_883 = vector.broadcast %add3A_882 : f32 to vector<16xf32>
        %add3A_884 = arith.addf %add3A_883, %mul3A_881 : vector<16xf32>
        %mul3A_885 = arith.mulf %mul3A_874, %add3A_884 : vector<16xf32>
        %add3A_886 = arith.constant 0.333333343 : f32
        %add3A_887 = vector.broadcast %add3A_886 : f32 to vector<16xf32>
        %add3A_888 = arith.addf %add3A_887, %mul3A_885 : vector<16xf32>
        %mul3A_889 = arith.constant 2.000000e+00 : f32
        %mul3A_890 = vector.broadcast %mul3A_889 : f32 to vector<16xf32>
        %mul3A_891 = arith.mulf %mul3A_890, %div3A_873 : vector<16xf32>
        %mul3A_892 = arith.mulf %mul3A_874, %add3A_888 : vector<16xf32>
        %add3A_893 = arith.constant 1.000000e+00 : f32
        %add3A_894 = vector.broadcast %add3A_893 : f32 to vector<16xf32>
        %add3A_895 = arith.addf %add3A_894, %mul3A_892 : vector<16xf32>
        %mul3A_896 = arith.mulf %mul3A_891, %add3A_895 : vector<16xf32>
        %add3A_897 = arith.addf %max3A_864, %mul3A_896 : vector<16xf32>
        %add3A_898 = arith.constant 1.000000e-03 : f32
        %add3A_899 = vector.broadcast %add3A_898 : f32 to vector<16xf32>
        %add3A_900 = arith.addf %add3A_899, %add3A_897 : vector<16xf32>
        %jit3A_901 = arith.constant 9.990000e-01 : f32
        %broadcast_in_dim3A_902 = vector.broadcast %jit3A_901 : f32 to vector<16xf32>
        %select_n3A_903 = arith.select %le3A_780, %broadcast_in_dim3A_902, %add3A_900 : vector<16xi1>, vector<16xf32>
        %select_n3A_904 = arith.select %le3A, %get3A_504, %get3A_497 : vector<16xi1>, vector<16xf32>
        %select_n3A_905 = arith.select %le3A_760, %get3A_511, %select_n3A_904 : vector<16xi1>, vector<16xf32>
        %select_n3A_906 = arith.select %le3A_764, %get3A_518, %select_n3A_905 : vector<16xi1>, vector<16xf32>
        %select_n3A_907 = arith.select %le3A_768, %get3A_525, %select_n3A_906 : vector<16xi1>, vector<16xf32>
        %select_n3A_908 = arith.select %le3A_772, %get3A_532, %select_n3A_907 : vector<16xi1>, vector<16xf32>
        %select_n3A_909 = arith.select %le3A_776, %get3A_539, %select_n3A_908 : vector<16xi1>, vector<16xf32>
        %select_n3A_910 = arith.select %le3A_780, %get3A_546, %select_n3A_909 : vector<16xi1>, vector<16xf32>
        %neg3A_911 = arith.constant 0.000000e+00 : f32
        %neg3A_912 = vector.broadcast %neg3A_911 : f32 to vector<16xf32>
        %neg3A_913 = arith.subf %neg3A_912, %select_n3A_910 : vector<16xf32>
        %exp3A_914 = math.exp %neg3A_913 : vector<16xf32>
        %add3A_915 = arith.constant 1.000000e+00 : f32
        %add3A_916 = vector.broadcast %add3A_915 : f32 to vector<16xf32>
        %add3A_917 = arith.addf %add3A_916, %exp3A_914 : vector<16xf32>
        %div3A_918 = arith.constant 0.949999988 : f32
        %div3A_919 = vector.broadcast %div3A_918 : f32 to vector<16xf32>
        %div3A_920 = arith.divf %div3A_919, %add3A_917 : vector<16xf32>
        %add3A_921 = arith.constant 2.500000e-02 : f32
        %add3A_922 = vector.broadcast %add3A_921 : f32 to vector<16xf32>
        %add3A_923 = arith.addf %div3A_920, %add3A_922 : vector<16xf32>
        %div3A_924 = arith.constant 1.000000e+00 : f32
        %div3A_925 = vector.broadcast %div3A_924 : f32 to vector<16xf32>
        %div3A_926 = arith.divf %div3A_925, %sub3A_795 : vector<16xf32>
        %div3A_927 = arith.divf %select_n3A_861, %select_n3A_903 : vector<16xf32>
        %bitcast3A = vector.bitcast %div3A_927 : vector<16xf32> to vector<16xi32>
        %shift_right_arithmetic3A = arith.constant 1 : i32
        %shift_right_arithmetic3A_928 = vector.broadcast %shift_right_arithmetic3A : i32 to vector<16xi32>
        %shift_right_arithmetic3A_929 = arith.shrsi %bitcast3A, %shift_right_arithmetic3A_928 : vector<16xi32>
        %sub3A_930 = arith.constant 1597463007 : i32
        %sub3A_931 = vector.broadcast %sub3A_930 : i32 to vector<16xi32>
        %sub3A_932 = arith.subi %sub3A_931, %shift_right_arithmetic3A_929 : vector<16xi32>
        %bitcast3A_933 = vector.bitcast %sub3A_932 : vector<16xi32> to vector<16xf32>
        %mul3A_934 = arith.constant 5.000000e-01 : f32
        %mul3A_935 = vector.broadcast %mul3A_934 : f32 to vector<16xf32>
        %mul3A_936 = arith.mulf %mul3A_935, %div3A_927 : vector<16xf32>
        %mul3A_937 = arith.mulf %mul3A_936, %bitcast3A_933 : vector<16xf32>
        %mul3A_938 = arith.mulf %mul3A_937, %bitcast3A_933 : vector<16xf32>
        %sub3A_939 = arith.constant 1.500000e+00 : f32
        %sub3A_940 = vector.broadcast %sub3A_939 : f32 to vector<16xf32>
        %sub3A_941 = arith.subf %sub3A_940, %mul3A_938 : vector<16xf32>
        %mul3A_942 = arith.mulf %bitcast3A_933, %sub3A_941 : vector<16xf32>
        %mul3A_943 = arith.constant 5.000000e-01 : f32
        %mul3A_944 = vector.broadcast %mul3A_943 : f32 to vector<16xf32>
        %mul3A_945 = arith.mulf %mul3A_944, %div3A_927 : vector<16xf32>
        %mul3A_946 = arith.mulf %mul3A_945, %mul3A_942 : vector<16xf32>
        %mul3A_947 = arith.mulf %mul3A_946, %mul3A_942 : vector<16xf32>
        %sub3A_948 = arith.constant 1.500000e+00 : f32
        %sub3A_949 = vector.broadcast %sub3A_948 : f32 to vector<16xf32>
        %sub3A_950 = arith.subf %sub3A_949, %mul3A_947 : vector<16xf32>
        %mul3A_951 = arith.mulf %mul3A_942, %sub3A_950 : vector<16xf32>
        %mul3A_952 = arith.constant 5.000000e-01 : f32
        %mul3A_953 = vector.broadcast %mul3A_952 : f32 to vector<16xf32>
        %mul3A_954 = arith.mulf %mul3A_953, %div3A_927 : vector<16xf32>
        %mul3A_955 = arith.mulf %mul3A_954, %mul3A_951 : vector<16xf32>
        %mul3A_956 = arith.mulf %mul3A_955, %mul3A_951 : vector<16xf32>
        %sub3A_957 = arith.constant 1.500000e+00 : f32
        %sub3A_958 = vector.broadcast %sub3A_957 : f32 to vector<16xf32>
        %sub3A_959 = arith.subf %sub3A_958, %mul3A_956 : vector<16xf32>
        %mul3A_960 = arith.mulf %mul3A_951, %sub3A_959 : vector<16xf32>
        %mul3A_961 = arith.mulf %div3A_927, %mul3A_960 : vector<16xf32>
        %mul3A_962 = arith.mulf %add3A_923, %mul3A_961 : vector<16xf32>
        %mul3A_963 = arith.mulf %add3A_923, %select_n3A_861 : vector<16xf32>
        %sub3A_964 = arith.subf %mul3A_961, %mul3A_962 : vector<16xf32>
        %mul3A_965 = arith.mulf %sub3A_964, %select_n3A_903 : vector<16xf32>
        %add3A_966 = arith.addf %mul3A_963, %mul3A_965 : vector<16xf32>
        %mul3A_967 = arith.mulf %add3A_966, %sub3A_795 : vector<16xf32>
        %div3A_968 = arith.divf %mul3A_967, %sub3A_810 : vector<16xf32>
        %sub3A_969 = arith.constant 1.000000e+00 : f32
        %sub3A_970 = vector.broadcast %sub3A_969 : f32 to vector<16xf32>
        %sub3A_971 = arith.subf %sub3A_970, %add3A_923 : vector<16xf32>
        %mul3A_972 = arith.mulf %mul3A_962, %select_n3A_809 : vector<16xf32>
        %mul3A_973 = arith.mulf %sub3A_971, %select_n3A_802 : vector<16xf32>
        %add3A_974 = arith.addf %mul3A_972, %mul3A_973 : vector<16xf32>
        %add3A_975 = arith.addf %sub3A_971, %mul3A_962 : vector<16xf32>
        %div3A_976 = arith.divf %add3A_974, %add3A_975 : vector<16xf32>
        %sub3A_977 = arith.subf %get3A_551, %select_n3A_787 : vector<16xf32>
        %mul3A_978 = arith.mulf %sub3A_977, %div3A_926 : vector<16xf32>
        %le3A_979 = arith.cmpf ole, %mul3A_978, %add3A_923 : vector<16xf32>
        %sub3A_980 = arith.subf %add3A_923, %mul3A_978 : vector<16xf32>
        %mul3A_981 = arith.mulf %div3A_968, %div3A_976 : vector<16xf32>
        %mul3A_982 = arith.mulf %mul3A_981, %mul3A_978 : vector<16xf32>
        %mul3A_983 = arith.mulf %select_n3A_802, %sub3A_980 : vector<16xf32>
        %add3A_984 = arith.addf %mul3A_982, %mul3A_983 : vector<16xf32>
        %sub3A_985 = arith.subf %mul3A_981, %mul3A_982 : vector<16xf32>
        %mul3A_986 = arith.mulf %mul3A_961, %select_n3A_809 : vector<16xf32>
        %mul3A_987 = arith.mulf %mul3A_986, %sub3A_980 : vector<16xf32>
        %sub3A_988 = arith.subf %sub3A_985, %mul3A_987 : vector<16xf32>
        %select_n3A_989 = arith.select %le3A_979, %add3A_984, %sub3A_988 : vector<16xi1>, vector<16xf32>
        %mul3A_990 = arith.mulf %div3A_968, %mul3A_978 : vector<16xf32>
        %add3A_991 = arith.addf %mul3A_990, %sub3A_980 : vector<16xf32>
        %sub3A_992 = arith.subf %div3A_968, %mul3A_990 : vector<16xf32>
        %mul3A_993 = arith.mulf %mul3A_961, %sub3A_980 : vector<16xf32>
        %sub3A_994 = arith.subf %sub3A_992, %mul3A_993 : vector<16xf32>
        %select_n3A_995 = arith.select %le3A_979, %add3A_991, %sub3A_994 : vector<16xi1>, vector<16xf32>
        %div3A_996 = arith.divf %select_n3A_989, %select_n3A_995 : vector<16xf32>
        %sub3A_997 = arith.subf %div3A_976, %select_n3A_802 : vector<16xf32>
        %mul3A_998 = arith.mulf %add3A_923, %sub3A_997 : vector<16xf32>
        %sub3A_999 = arith.subf %mul3A_961, %mul3A_962 : vector<16xf32>
        %sub3A_1000 = arith.subf %select_n3A_809, %div3A_976 : vector<16xf32>
        %mul3A_1001 = arith.mulf %sub3A_999, %sub3A_1000 : vector<16xf32>
        %select_n3A_1002 = arith.select %le3A_979, %mul3A_998, %mul3A_1001 : vector<16xi1>, vector<16xf32>
        %mul3A_1003 = arith.mulf %div3A_968, %select_n3A_1002 : vector<16xf32>
        %mul3A_1004 = arith.mulf %mul3A_1003, %div3A_926 : vector<16xf32>
        %mul3A_1005 = arith.mulf %select_n3A_995, %select_n3A_995 : vector<16xf32>
        %div3A_1006 = arith.divf %mul3A_1004, %mul3A_1005 : vector<16xf32>
        %bitcast3A_1007 = vector.bitcast %div3A_1006 : vector<16xf32> to vector<16xi32>
        %shift_right_arithmetic3A_1008 = arith.constant 23 : i32
        %shift_right_arithmetic3A_1009 = vector.broadcast %shift_right_arithmetic3A_1008 : i32 to vector<16xi32>
        %shift_right_arithmetic3A_1010 = arith.shrsi %bitcast3A_1007, %shift_right_arithmetic3A_1009 : vector<16xi32>
        %and3A_1011 = arith.constant 255 : i32
        %and3A_1012 = vector.broadcast %and3A_1011 : i32 to vector<16xi32>
        %and3A_1013 = arith.andi %shift_right_arithmetic3A_1010, %and3A_1012 : vector<16xi32>
        %sub3A_1014 = arith.constant 127 : i32
        %sub3A_1015 = vector.broadcast %sub3A_1014 : i32 to vector<16xi32>
        %sub3A_1016 = arith.subi %and3A_1013, %sub3A_1015 : vector<16xi32>
        %and3A_1017 = arith.constant 8388607 : i32
        %and3A_1018 = vector.broadcast %and3A_1017 : i32 to vector<16xi32>
        %and3A_1019 = arith.andi %bitcast3A_1007, %and3A_1018 : vector<16xi32>
        %or3A = arith.constant 1065353216 : i32
        %or3A_1020 = vector.broadcast %or3A : i32 to vector<16xi32>
        %or3A_1021 = arith.ori %and3A_1019, %or3A_1020 : vector<16xi32>
        %bitcast3A_1022 = vector.bitcast %or3A_1021 : vector<16xi32> to vector<16xf32>
        %gt3A_1023 = arith.constant 1.41421354 : f32
        %gt3A_1024 = vector.broadcast %gt3A_1023 : f32 to vector<16xf32>
        %gt3A_1025 = arith.cmpf ogt, %bitcast3A_1022, %gt3A_1024 : vector<16xf32>
        %mul3A_1026 = arith.constant 5.000000e-01 : f32
        %mul3A_1027 = vector.broadcast %mul3A_1026 : f32 to vector<16xf32>
        %mul3A_1028 = arith.mulf %mul3A_1027, %bitcast3A_1022 : vector<16xf32>
        %select_n3A_1029 = arith.select %gt3A_1025, %mul3A_1028, %bitcast3A_1022 : vector<16xi1>, vector<16xf32>
        %add3A_1030 = arith.constant 1 : i32
        %add3A_1031 = vector.broadcast %add3A_1030 : i32 to vector<16xi32>
        %add3A_1032 = arith.addi %sub3A_1016, %add3A_1031 : vector<16xi32>
        %select_n3A_1033 = arith.select %gt3A_1025, %add3A_1032, %sub3A_1016 : vector<16xi1>, vector<16xi32>
        %sub3A_1034 = arith.constant 1.000000e+00 : f32
        %sub3A_1035 = vector.broadcast %sub3A_1034 : f32 to vector<16xf32>
        %sub3A_1036 = arith.subf %select_n3A_1029, %sub3A_1035 : vector<16xf32>
        %add3A_1037 = arith.constant 1.000000e+00 : f32
        %add3A_1038 = vector.broadcast %add3A_1037 : f32 to vector<16xf32>
        %add3A_1039 = arith.addf %select_n3A_1029, %add3A_1038 : vector<16xf32>
        %div3A_1040 = arith.divf %sub3A_1036, %add3A_1039 : vector<16xf32>
        %mul3A_1041 = arith.mulf %div3A_1040, %div3A_1040 : vector<16xf32>
        %mul3A_1042 = arith.constant 0.111111112 : f32
        %mul3A_1043 = vector.broadcast %mul3A_1042 : f32 to vector<16xf32>
        %mul3A_1044 = arith.mulf %mul3A_1041, %mul3A_1043 : vector<16xf32>
        %add3A_1045 = arith.constant 0.142857149 : f32
        %add3A_1046 = vector.broadcast %add3A_1045 : f32 to vector<16xf32>
        %add3A_1047 = arith.addf %add3A_1046, %mul3A_1044 : vector<16xf32>
        %mul3A_1048 = arith.mulf %mul3A_1041, %add3A_1047 : vector<16xf32>
        %add3A_1049 = arith.constant 2.000000e-01 : f32
        %add3A_1050 = vector.broadcast %add3A_1049 : f32 to vector<16xf32>
        %add3A_1051 = arith.addf %add3A_1050, %mul3A_1048 : vector<16xf32>
        %mul3A_1052 = arith.mulf %mul3A_1041, %add3A_1051 : vector<16xf32>
        %add3A_1053 = arith.constant 0.333333343 : f32
        %add3A_1054 = vector.broadcast %add3A_1053 : f32 to vector<16xf32>
        %add3A_1055 = arith.addf %add3A_1054, %mul3A_1052 : vector<16xf32>
        %convert_element_type3A_1056 = arith.sitofp %select_n3A_1033 : vector<16xi32> to vector<16xf32>
        %mul3A_1057 = arith.constant 0.693147182 : f32
        %mul3A_1058 = vector.broadcast %mul3A_1057 : f32 to vector<16xf32>
        %mul3A_1059 = arith.mulf %convert_element_type3A_1056, %mul3A_1058 : vector<16xf32>
        %mul3A_1060 = arith.constant 2.000000e+00 : f32
        %mul3A_1061 = vector.broadcast %mul3A_1060 : f32 to vector<16xf32>
        %mul3A_1062 = arith.mulf %mul3A_1061, %div3A_1040 : vector<16xf32>
        %mul3A_1063 = arith.mulf %mul3A_1041, %add3A_1055 : vector<16xf32>
        %add3A_1064 = arith.constant 1.000000e+00 : f32
        %add3A_1065 = vector.broadcast %add3A_1064 : f32 to vector<16xf32>
        %add3A_1066 = arith.addf %add3A_1065, %mul3A_1063 : vector<16xf32>
        %mul3A_1067 = arith.mulf %mul3A_1062, %add3A_1066 : vector<16xf32>
        %add3A_1068 = arith.addf %mul3A_1059, %mul3A_1067 : vector<16xf32>
        %lt3A_1069 = arith.constant -3.000000e+00 : f32
        %lt3A_1070 = vector.broadcast %lt3A_1069 : f32 to vector<16xf32>
        %lt3A_1071 = arith.cmpf olt, %get3A_551, %lt3A_1070 : vector<16xf32>
        %gt3A_1072 = arith.constant 3.000000e+00 : f32
        %gt3A_1073 = vector.broadcast %gt3A_1072 : f32 to vector<16xf32>
        %gt3A_1074 = arith.cmpf ogt, %get3A_551, %gt3A_1073 : vector<16xf32>
        %or3A_1075 = arith.ori %lt3A_1071, %gt3A_1074 : vector<16xi1>
        %select_n3A_1076 = arith.select %or3A_1075, %get3A_551, %div3A_996 : vector<16xi1>, vector<16xf32>
        %jit3A_1077 = arith.constant 0.000000e+00 : f32
        %broadcast_in_dim3A_1078 = vector.broadcast %jit3A_1077 : f32 to vector<16xf32>
        %select_n3A_1079 = arith.select %or3A_1075, %broadcast_in_dim3A_1078, %add3A_1068 : vector<16xi1>, vector<16xf32>
        %mul3A_1080 = arith.constant 16 : i32
        %mul3A_1081 = arith.muli %mul3A_330, %mul3A_1080 : i32
        %swap3A = arith.index_cast %select_n3A_312 : i32 to index
        %swap3A_1082 = arith.index_cast %mul3A_1081 : i32 to index
        %swap3A_1083 = tpu.vector_load %arg12[%swap3A, %swap3A_1082] {strides = array<i32>} : memref<8x128xf32, #tpu.memory_space<vmem>>, vector<16xf32>,
        tpu.vector_store %arg12[%swap3A, %swap3A_1082], %select_n3A_1076 {strides = array<i32>} : memref<8x128xf32, #tpu.memory_space<vmem>>, vector<16xf32>,
        %mul3A_1084 = arith.constant 16 : i32
        %mul3A_1085 = arith.muli %mul3A_330, %mul3A_1084 : i32
        %swap3A_1086 = arith.index_cast %select_n3A_312 : i32 to index
        %swap3A_1087 = arith.index_cast %mul3A_1085 : i32 to index
        %swap3A_1088 = tpu.vector_load %arg13[%swap3A_1086, %swap3A_1087] {strides = array<i32>} : memref<8x128xf32, #tpu.memory_space<vmem>>, vector<16xf32>,
        tpu.vector_store %arg13[%swap3A_1086, %swap3A_1087], %select_n3A_1079 {strides = array<i32>} : memref<8x128xf32, #tpu.memory_space<vmem>>, vector<16xf32>,
        %mul3A_1089 = arith.constant 2 : i32
        %mul3A_1090 = arith.muli %mul3A_1089, %select_n3A_328 : i32
        %add3A_1091 = arith.constant 1 : i32
        %add3A_1092 = arith.addi %mul3A_1090, %add3A_1091 : i32
        %mul3A_1093 = arith.constant 16 : i32
        %mul3A_1094 = arith.muli %add3A_1092, %mul3A_1093 : i32
        %get3A_1095 = arith.constant 0 : i32
        %get3A_1096 = arith.index_cast %get3A_1095 : i32 to index
        %get3A_1097 = arith.index_cast %select_n3A_312 : i32 to index
        %get3A_1098 = arith.index_cast %mul3A_1094 : i32 to index
        %get3A_1099 = tpu.vector_load %arg7[%get3A_1096, %get3A_1097, %get3A_1098] {strides = array<i32>} : memref<31x8x128xf32, #tpu.memory_space<vmem>>, vector<16xf32>,
        %mul3A_1100 = arith.constant 16 : i32
        %mul3A_1101 = arith.muli %add3A_1092, %mul3A_1100 : i32
        %get3A_1102 = arith.constant 1 : i32
        %get3A_1103 = arith.index_cast %get3A_1102 : i32 to index
        %get3A_1104 = arith.index_cast %select_n3A_312 : i32 to index
        %get3A_1105 = arith.index_cast %mul3A_1101 : i32 to index
        %get3A_1106 = tpu.vector_load %arg7[%get3A_1103, %get3A_1104, %get3A_1105] {strides = array<i32>} : memref<31x8x128xf32, #tpu.memory_space<vmem>>, vector<16xf32>,
        %mul3A_1107 = arith.constant 16 : i32
        %mul3A_1108 = arith.muli %add3A_1092, %mul3A_1107 : i32
        %get3A_1109 = arith.constant 2 : i32
        %get3A_1110 = arith.index_cast %get3A_1109 : i32 to index
        %get3A_1111 = arith.index_cast %select_n3A_312 : i32 to index
        %get3A_1112 = arith.index_cast %mul3A_1108 : i32 to index
        %get3A_1113 = tpu.vector_load %arg7[%get3A_1110, %get3A_1111, %get3A_1112] {strides = array<i32>} : memref<31x8x128xf32, #tpu.memory_space<vmem>>, vector<16xf32>,
        %mul3A_1114 = arith.constant 16 : i32
        %mul3A_1115 = arith.muli %add3A_1092, %mul3A_1114 : i32
        %get3A_1116 = arith.constant 3 : i32
        %get3A_1117 = arith.index_cast %get3A_1116 : i32 to index
        %get3A_1118 = arith.index_cast %select_n3A_312 : i32 to index
        %get3A_1119 = arith.index_cast %mul3A_1115 : i32 to index
        %get3A_1120 = tpu.vector_load %arg7[%get3A_1117, %get3A_1118, %get3A_1119] {strides = array<i32>} : memref<31x8x128xf32, #tpu.memory_space<vmem>>, vector<16xf32>,
        %mul3A_1121 = arith.constant 16 : i32
        %mul3A_1122 = arith.muli %add3A_1092, %mul3A_1121 : i32
        %get3A_1123 = arith.constant 4 : i32
        %get3A_1124 = arith.index_cast %get3A_1123 : i32 to index
        %get3A_1125 = arith.index_cast %select_n3A_312 : i32 to index
        %get3A_1126 = arith.index_cast %mul3A_1122 : i32 to index
        %get3A_1127 = tpu.vector_load %arg7[%get3A_1124, %get3A_1125, %get3A_1126] {strides = array<i32>} : memref<31x8x128xf32, #tpu.memory_space<vmem>>, vector<16xf32>,
        %mul3A_1128 = arith.constant 16 : i32
        %mul3A_1129 = arith.muli %add3A_1092, %mul3A_1128 : i32
        %get3A_1130 = arith.constant 5 : i32
        %get3A_1131 = arith.index_cast %get3A_1130 : i32 to index
        %get3A_1132 = arith.index_cast %select_n3A_312 : i32 to index
        %get3A_1133 = arith.index_cast %mul3A_1129 : i32 to index
        %get3A_1134 = tpu.vector_load %arg7[%get3A_1131, %get3A_1132, %get3A_1133] {strides = array<i32>} : memref<31x8x128xf32, #tpu.memory_space<vmem>>, vector<16xf32>,
        %mul3A_1135 = arith.constant 16 : i32
        %mul3A_1136 = arith.muli %add3A_1092, %mul3A_1135 : i32
        %get3A_1137 = arith.constant 6 : i32
        %get3A_1138 = arith.index_cast %get3A_1137 : i32 to index
        %get3A_1139 = arith.index_cast %select_n3A_312 : i32 to index
        %get3A_1140 = arith.index_cast %mul3A_1136 : i32 to index
        %get3A_1141 = tpu.vector_load %arg7[%get3A_1138, %get3A_1139, %get3A_1140] {strides = array<i32>} : memref<31x8x128xf32, #tpu.memory_space<vmem>>, vector<16xf32>,
        %mul3A_1142 = arith.constant 16 : i32
        %mul3A_1143 = arith.muli %add3A_1092, %mul3A_1142 : i32
        %get3A_1144 = arith.constant 7 : i32
        %get3A_1145 = arith.index_cast %get3A_1144 : i32 to index
        %get3A_1146 = arith.index_cast %select_n3A_312 : i32 to index
        %get3A_1147 = arith.index_cast %mul3A_1143 : i32 to index
        %get3A_1148 = tpu.vector_load %arg7[%get3A_1145, %get3A_1146, %get3A_1147] {strides = array<i32>} : memref<31x8x128xf32, #tpu.memory_space<vmem>>, vector<16xf32>,
        %mul3A_1149 = arith.constant 16 : i32
        %mul3A_1150 = arith.muli %add3A_1092, %mul3A_1149 : i32
        %get3A_1151 = arith.constant 8 : i32
        %get3A_1152 = arith.index_cast %get3A_1151 : i32 to index
        %get3A_1153 = arith.index_cast %select_n3A_312 : i32 to index
        %get3A_1154 = arith.index_cast %mul3A_1150 : i32 to index
        %get3A_1155 = tpu.vector_load %arg7[%get3A_1152, %get3A_1153, %get3A_1154] {strides = array<i32>} : memref<31x8x128xf32, #tpu.memory_space<vmem>>, vector<16xf32>,
        %mul3A_1156 = arith.constant 16 : i32
        %mul3A_1157 = arith.muli %add3A_1092, %mul3A_1156 : i32
        %get3A_1158 = arith.constant 9 : i32
        %get3A_1159 = arith.index_cast %get3A_1158 : i32 to index
        %get3A_1160 = arith.index_cast %select_n3A_312 : i32 to index
        %get3A_1161 = arith.index_cast %mul3A_1157 : i32 to index
        %get3A_1162 = tpu.vector_load %arg7[%get3A_1159, %get3A_1160, %get3A_1161] {strides = array<i32>} : memref<31x8x128xf32, #tpu.memory_space<vmem>>, vector<16xf32>,
        %mul3A_1163 = arith.constant 16 : i32
        %mul3A_1164 = arith.muli %add3A_1092, %mul3A_1163 : i32
        %get3A_1165 = arith.constant 10 : i32
        %get3A_1166 = arith.index_cast %get3A_1165 : i32 to index
        %get3A_1167 = arith.index_cast %select_n3A_312 : i32 to index
        %get3A_1168 = arith.index_cast %mul3A_1164 : i32 to index
        %get3A_1169 = tpu.vector_load %arg7[%get3A_1166, %get3A_1167, %get3A_1168] {strides = array<i32>} : memref<31x8x128xf32, #tpu.memory_space<vmem>>, vector<16xf32>,
        %mul3A_1170 = arith.constant 16 : i32
        %mul3A_1171 = arith.muli %add3A_1092, %mul3A_1170 : i32
        %get3A_1172 = arith.constant 11 : i32
        %get3A_1173 = arith.index_cast %get3A_1172 : i32 to index
        %get3A_1174 = arith.index_cast %select_n3A_312 : i32 to index
        %get3A_1175 = arith.index_cast %mul3A_1171 : i32 to index
        %get3A_1176 = tpu.vector_load %arg7[%get3A_1173, %get3A_1174, %get3A_1175] {strides = array<i32>} : memref<31x8x128xf32, #tpu.memory_space<vmem>>, vector<16xf32>,
        %mul3A_1177 = arith.constant 16 : i32
        %mul3A_1178 = arith.muli %add3A_1092, %mul3A_1177 : i32
        %get3A_1179 = arith.constant 12 : i32
        %get3A_1180 = arith.index_cast %get3A_1179 : i32 to index
        %get3A_1181 = arith.index_cast %select_n3A_312 : i32 to index
        %get3A_1182 = arith.index_cast %mul3A_1178 : i32 to index
        %get3A_1183 = tpu.vector_load %arg7[%get3A_1180, %get3A_1181, %get3A_1182] {strides = array<i32>} : memref<31x8x128xf32, #tpu.memory_space<vmem>>, vector<16xf32>,
        %mul3A_1184 = arith.constant 16 : i32
        %mul3A_1185 = arith.muli %add3A_1092, %mul3A_1184 : i32
        %get3A_1186 = arith.constant 13 : i32
        %get3A_1187 = arith.index_cast %get3A_1186 : i32 to index
        %get3A_1188 = arith.index_cast %select_n3A_312 : i32 to index
        %get3A_1189 = arith.index_cast %mul3A_1185 : i32 to index
        %get3A_1190 = tpu.vector_load %arg7[%get3A_1187, %get3A_1188, %get3A_1189] {strides = array<i32>} : memref<31x8x128xf32, #tpu.memory_space<vmem>>, vector<16xf32>,
        %mul3A_1191 = arith.constant 16 : i32
        %mul3A_1192 = arith.muli %add3A_1092, %mul3A_1191 : i32
        %get3A_1193 = arith.constant 14 : i32
        %get3A_1194 = arith.index_cast %get3A_1193 : i32 to index
        %get3A_1195 = arith.index_cast %select_n3A_312 : i32 to index
        %get3A_1196 = arith.index_cast %mul3A_1192 : i32 to index
        %get3A_1197 = tpu.vector_load %arg7[%get3A_1194, %get3A_1195, %get3A_1196] {strides = array<i32>} : memref<31x8x128xf32, #tpu.memory_space<vmem>>, vector<16xf32>,
        %mul3A_1198 = arith.constant 16 : i32
        %mul3A_1199 = arith.muli %add3A_1092, %mul3A_1198 : i32
        %get3A_1200 = arith.constant 15 : i32
        %get3A_1201 = arith.index_cast %get3A_1200 : i32 to index
        %get3A_1202 = arith.index_cast %select_n3A_312 : i32 to index
        %get3A_1203 = arith.index_cast %mul3A_1199 : i32 to index
        %get3A_1204 = tpu.vector_load %arg7[%get3A_1201, %get3A_1202, %get3A_1203] {strides = array<i32>} : memref<31x8x128xf32, #tpu.memory_space<vmem>>, vector<16xf32>,
        %mul3A_1205 = arith.constant 16 : i32
        %mul3A_1206 = arith.muli %add3A_1092, %mul3A_1205 : i32
        %get3A_1207 = arith.constant 16 : i32
        %get3A_1208 = arith.index_cast %get3A_1207 : i32 to index
        %get3A_1209 = arith.index_cast %select_n3A_312 : i32 to index
        %get3A_1210 = arith.index_cast %mul3A_1206 : i32 to index
        %get3A_1211 = tpu.vector_load %arg7[%get3A_1208, %get3A_1209, %get3A_1210] {strides = array<i32>} : memref<31x8x128xf32, #tpu.memory_space<vmem>>, vector<16xf32>,
        %mul3A_1212 = arith.constant 16 : i32
        %mul3A_1213 = arith.muli %add3A_1092, %mul3A_1212 : i32
        %get3A_1214 = arith.constant 17 : i32
        %get3A_1215 = arith.index_cast %get3A_1214 : i32 to index
        %get3A_1216 = arith.index_cast %select_n3A_312 : i32 to index
        %get3A_1217 = arith.index_cast %mul3A_1213 : i32 to index
        %get3A_1218 = tpu.vector_load %arg7[%get3A_1215, %get3A_1216, %get3A_1217] {strides = array<i32>} : memref<31x8x128xf32, #tpu.memory_space<vmem>>, vector<16xf32>,
        %mul3A_1219 = arith.constant 16 : i32
        %mul3A_1220 = arith.muli %add3A_1092, %mul3A_1219 : i32
        %get3A_1221 = arith.constant 18 : i32
        %get3A_1222 = arith.index_cast %get3A_1221 : i32 to index
        %get3A_1223 = arith.index_cast %select_n3A_312 : i32 to index
        %get3A_1224 = arith.index_cast %mul3A_1220 : i32 to index
        %get3A_1225 = tpu.vector_load %arg7[%get3A_1222, %get3A_1223, %get3A_1224] {strides = array<i32>} : memref<31x8x128xf32, #tpu.memory_space<vmem>>, vector<16xf32>,
        %mul3A_1226 = arith.constant 16 : i32
        %mul3A_1227 = arith.muli %add3A_1092, %mul3A_1226 : i32
        %get3A_1228 = arith.constant 19 : i32
        %get3A_1229 = arith.index_cast %get3A_1228 : i32 to index
        %get3A_1230 = arith.index_cast %select_n3A_312 : i32 to index
        %get3A_1231 = arith.index_cast %mul3A_1227 : i32 to index
        %get3A_1232 = tpu.vector_load %arg7[%get3A_1229, %get3A_1230, %get3A_1231] {strides = array<i32>} : memref<31x8x128xf32, #tpu.memory_space<vmem>>, vector<16xf32>,
        %mul3A_1233 = arith.constant 16 : i32
        %mul3A_1234 = arith.muli %add3A_1092, %mul3A_1233 : i32
        %get3A_1235 = arith.constant 20 : i32
        %get3A_1236 = arith.index_cast %get3A_1235 : i32 to index
        %get3A_1237 = arith.index_cast %select_n3A_312 : i32 to index
        %get3A_1238 = arith.index_cast %mul3A_1234 : i32 to index
        %get3A_1239 = tpu.vector_load %arg7[%get3A_1236, %get3A_1237, %get3A_1238] {strides = array<i32>} : memref<31x8x128xf32, #tpu.memory_space<vmem>>, vector<16xf32>,
        %mul3A_1240 = arith.constant 16 : i32
        %mul3A_1241 = arith.muli %add3A_1092, %mul3A_1240 : i32
        %get3A_1242 = arith.constant 21 : i32
        %get3A_1243 = arith.index_cast %get3A_1242 : i32 to index
        %get3A_1244 = arith.index_cast %select_n3A_312 : i32 to index
        %get3A_1245 = arith.index_cast %mul3A_1241 : i32 to index
        %get3A_1246 = tpu.vector_load %arg7[%get3A_1243, %get3A_1244, %get3A_1245] {strides = array<i32>} : memref<31x8x128xf32, #tpu.memory_space<vmem>>, vector<16xf32>,
        %mul3A_1247 = arith.constant 16 : i32
        %mul3A_1248 = arith.muli %add3A_1092, %mul3A_1247 : i32
        %get3A_1249 = arith.constant 22 : i32
        %get3A_1250 = arith.index_cast %get3A_1249 : i32 to index
        %get3A_1251 = arith.index_cast %select_n3A_312 : i32 to index
        %get3A_1252 = arith.index_cast %mul3A_1248 : i32 to index
        %get3A_1253 = tpu.vector_load %arg7[%get3A_1250, %get3A_1251, %get3A_1252] {strides = array<i32>} : memref<31x8x128xf32, #tpu.memory_space<vmem>>, vector<16xf32>,
        %mul3A_1254 = arith.constant 16 : i32
        %mul3A_1255 = arith.muli %add3A_1092, %mul3A_1254 : i32
        %get3A_1256 = arith.constant 23 : i32
        %get3A_1257 = arith.index_cast %get3A_1256 : i32 to index
        %get3A_1258 = arith.index_cast %select_n3A_312 : i32 to index
        %get3A_1259 = arith.index_cast %mul3A_1255 : i32 to index
        %get3A_1260 = tpu.vector_load %arg7[%get3A_1257, %get3A_1258, %get3A_1259] {strides = array<i32>} : memref<31x8x128xf32, #tpu.memory_space<vmem>>, vector<16xf32>,
        %mul3A_1261 = arith.constant 16 : i32
        %mul3A_1262 = arith.muli %add3A_1092, %mul3A_1261 : i32
        %get3A_1263 = arith.constant 24 : i32
        %get3A_1264 = arith.index_cast %get3A_1263 : i32 to index
        %get3A_1265 = arith.index_cast %select_n3A_312 : i32 to index
        %get3A_1266 = arith.index_cast %mul3A_1262 : i32 to index
        %get3A_1267 = tpu.vector_load %arg7[%get3A_1264, %get3A_1265, %get3A_1266] {strides = array<i32>} : memref<31x8x128xf32, #tpu.memory_space<vmem>>, vector<16xf32>,
        %mul3A_1268 = arith.constant 16 : i32
        %mul3A_1269 = arith.muli %add3A_1092, %mul3A_1268 : i32
        %get3A_1270 = arith.constant 25 : i32
        %get3A_1271 = arith.index_cast %get3A_1270 : i32 to index
        %get3A_1272 = arith.index_cast %select_n3A_312 : i32 to index
        %get3A_1273 = arith.index_cast %mul3A_1269 : i32 to index
        %get3A_1274 = tpu.vector_load %arg7[%get3A_1271, %get3A_1272, %get3A_1273] {strides = array<i32>} : memref<31x8x128xf32, #tpu.memory_space<vmem>>, vector<16xf32>,
        %mul3A_1275 = arith.constant 16 : i32
        %mul3A_1276 = arith.muli %add3A_1092, %mul3A_1275 : i32
        %get3A_1277 = arith.constant 26 : i32
        %get3A_1278 = arith.index_cast %get3A_1277 : i32 to index
        %get3A_1279 = arith.index_cast %select_n3A_312 : i32 to index
        %get3A_1280 = arith.index_cast %mul3A_1276 : i32 to index
        %get3A_1281 = tpu.vector_load %arg7[%get3A_1278, %get3A_1279, %get3A_1280] {strides = array<i32>} : memref<31x8x128xf32, #tpu.memory_space<vmem>>, vector<16xf32>,
        %mul3A_1282 = arith.constant 16 : i32
        %mul3A_1283 = arith.muli %add3A_1092, %mul3A_1282 : i32
        %get3A_1284 = arith.constant 27 : i32
        %get3A_1285 = arith.index_cast %get3A_1284 : i32 to index
        %get3A_1286 = arith.index_cast %select_n3A_312 : i32 to index
        %get3A_1287 = arith.index_cast %mul3A_1283 : i32 to index
        %get3A_1288 = tpu.vector_load %arg7[%get3A_1285, %get3A_1286, %get3A_1287] {strides = array<i32>} : memref<31x8x128xf32, #tpu.memory_space<vmem>>, vector<16xf32>,
        %mul3A_1289 = arith.constant 16 : i32
        %mul3A_1290 = arith.muli %add3A_1092, %mul3A_1289 : i32
        %get3A_1291 = arith.constant 28 : i32
        %get3A_1292 = arith.index_cast %get3A_1291 : i32 to index
        %get3A_1293 = arith.index_cast %select_n3A_312 : i32 to index
        %get3A_1294 = arith.index_cast %mul3A_1290 : i32 to index
        %get3A_1295 = tpu.vector_load %arg7[%get3A_1292, %get3A_1293, %get3A_1294] {strides = array<i32>} : memref<31x8x128xf32, #tpu.memory_space<vmem>>, vector<16xf32>,
        %mul3A_1296 = arith.constant 16 : i32
        %mul3A_1297 = arith.muli %add3A_1092, %mul3A_1296 : i32
        %get3A_1298 = arith.constant 29 : i32
        %get3A_1299 = arith.index_cast %get3A_1298 : i32 to index
        %get3A_1300 = arith.index_cast %select_n3A_312 : i32 to index
        %get3A_1301 = arith.index_cast %mul3A_1297 : i32 to index
        %get3A_1302 = tpu.vector_load %arg7[%get3A_1299, %get3A_1300, %get3A_1301] {strides = array<i32>} : memref<31x8x128xf32, #tpu.memory_space<vmem>>, vector<16xf32>,
        %mul3A_1303 = arith.constant 16 : i32
        %mul3A_1304 = arith.muli %add3A_1092, %mul3A_1303 : i32
        %get3A_1305 = arith.constant 30 : i32
        %get3A_1306 = arith.index_cast %get3A_1305 : i32 to index
        %get3A_1307 = arith.index_cast %select_n3A_312 : i32 to index
        %get3A_1308 = arith.index_cast %mul3A_1304 : i32 to index
        %get3A_1309 = tpu.vector_load %arg7[%get3A_1306, %get3A_1307, %get3A_1308] {strides = array<i32>} : memref<31x8x128xf32, #tpu.memory_space<vmem>>, vector<16xf32>,
        %mul3A_1310 = arith.constant 16 : i32
        %mul3A_1311 = arith.muli %add3A_1092, %mul3A_1310 : i32
        %get3A_1312 = arith.index_cast %select_n3A_312 : i32 to index
        %get3A_1313 = arith.index_cast %mul3A_1311 : i32 to index
        %get3A_1314 = tpu.vector_load %arg9[%get3A_1312, %get3A_1313] {strides = array<i32>} : memref<8x128xf32, #tpu.memory_space<vmem>>, vector<16xf32>,
        %exp3A_1315 = math.exp %get3A_1099 : vector<16xf32>
        %exp3A_1316 = math.exp %get3A_1106 : vector<16xf32>
        %exp3A_1317 = math.exp %get3A_1113 : vector<16xf32>
        %exp3A_1318 = math.exp %get3A_1120 : vector<16xf32>
        %exp3A_1319 = math.exp %get3A_1127 : vector<16xf32>
        %exp3A_1320 = math.exp %get3A_1134 : vector<16xf32>
        %exp3A_1321 = math.exp %get3A_1141 : vector<16xf32>
        %exp3A_1322 = math.exp %get3A_1148 : vector<16xf32>
        %add3A_1323 = arith.addf %exp3A_1315, %exp3A_1316 : vector<16xf32>
        %add3A_1324 = arith.addf %add3A_1323, %exp3A_1317 : vector<16xf32>
        %add3A_1325 = arith.addf %add3A_1324, %exp3A_1318 : vector<16xf32>
        %add3A_1326 = arith.addf %add3A_1325, %exp3A_1319 : vector<16xf32>
        %add3A_1327 = arith.addf %add3A_1326, %exp3A_1320 : vector<16xf32>
        %add3A_1328 = arith.addf %add3A_1327, %exp3A_1321 : vector<16xf32>
        %add3A_1329 = arith.addf %add3A_1328, %exp3A_1322 : vector<16xf32>
        %div3A_1330 = arith.constant 0.991999983 : f32
        %div3A_1331 = vector.broadcast %div3A_1330 : f32 to vector<16xf32>
        %div3A_1332 = arith.divf %div3A_1331, %add3A_1329 : vector<16xf32>
        %mul3A_1333 = arith.mulf %div3A_1332, %exp3A_1315 : vector<16xf32>
        %add3A_1334 = arith.constant 1.000000e-03 : f32
        %add3A_1335 = vector.broadcast %add3A_1334 : f32 to vector<16xf32>
        %add3A_1336 = arith.addf %add3A_1335, %mul3A_1333 : vector<16xf32>
        %mul3A_1337 = arith.mulf %div3A_1332, %exp3A_1316 : vector<16xf32>
        %add3A_1338 = arith.constant 1.000000e-03 : f32
        %add3A_1339 = vector.broadcast %add3A_1338 : f32 to vector<16xf32>
        %add3A_1340 = arith.addf %add3A_1339, %mul3A_1337 : vector<16xf32>
        %mul3A_1341 = arith.mulf %div3A_1332, %exp3A_1317 : vector<16xf32>
        %add3A_1342 = arith.constant 1.000000e-03 : f32
        %add3A_1343 = vector.broadcast %add3A_1342 : f32 to vector<16xf32>
        %add3A_1344 = arith.addf %add3A_1343, %mul3A_1341 : vector<16xf32>
        %mul3A_1345 = arith.mulf %div3A_1332, %exp3A_1318 : vector<16xf32>
        %add3A_1346 = arith.constant 1.000000e-03 : f32
        %add3A_1347 = vector.broadcast %add3A_1346 : f32 to vector<16xf32>
        %add3A_1348 = arith.addf %add3A_1347, %mul3A_1345 : vector<16xf32>
        %mul3A_1349 = arith.mulf %div3A_1332, %exp3A_1319 : vector<16xf32>
        %add3A_1350 = arith.constant 1.000000e-03 : f32
        %add3A_1351 = vector.broadcast %add3A_1350 : f32 to vector<16xf32>
        %add3A_1352 = arith.addf %add3A_1351, %mul3A_1349 : vector<16xf32>
        %mul3A_1353 = arith.mulf %div3A_1332, %exp3A_1320 : vector<16xf32>
        %add3A_1354 = arith.constant 1.000000e-03 : f32
        %add3A_1355 = vector.broadcast %add3A_1354 : f32 to vector<16xf32>
        %add3A_1356 = arith.addf %add3A_1355, %mul3A_1353 : vector<16xf32>
        %mul3A_1357 = arith.mulf %div3A_1332, %exp3A_1321 : vector<16xf32>
        %add3A_1358 = arith.constant 1.000000e-03 : f32
        %add3A_1359 = vector.broadcast %add3A_1358 : f32 to vector<16xf32>
        %add3A_1360 = arith.addf %add3A_1359, %mul3A_1357 : vector<16xf32>
        %mul3A_1361 = arith.mulf %div3A_1332, %exp3A_1322 : vector<16xf32>
        %add3A_1362 = arith.constant 1.000000e-03 : f32
        %add3A_1363 = vector.broadcast %add3A_1362 : f32 to vector<16xf32>
        %add3A_1364 = arith.addf %add3A_1363, %mul3A_1361 : vector<16xf32>
        %broadcast_in_dim3A_1365 = arith.constant -3.000000e+00 : f32
        %broadcast_in_dim3A_1366 = vector.broadcast %broadcast_in_dim3A_1365 : f32 to vector<16xf32>
        %mul3A_1367 = arith.constant 6.000000e+00 : f32
        %mul3A_1368 = vector.broadcast %mul3A_1367 : f32 to vector<16xf32>
        %mul3A_1369 = arith.mulf %mul3A_1368, %add3A_1336 : vector<16xf32>
        %sub3A_1370 = arith.constant 3.000000e+00 : f32
        %sub3A_1371 = vector.broadcast %sub3A_1370 : f32 to vector<16xf32>
        %sub3A_1372 = arith.subf %mul3A_1369, %sub3A_1371 : vector<16xf32>
        %add3A_1373 = arith.addf %add3A_1336, %add3A_1340 : vector<16xf32>
        %mul3A_1374 = arith.constant 6.000000e+00 : f32
        %mul3A_1375 = vector.broadcast %mul3A_1374 : f32 to vector<16xf32>
        %mul3A_1376 = arith.mulf %mul3A_1375, %add3A_1373 : vector<16xf32>
        %sub3A_1377 = arith.constant 3.000000e+00 : f32
        %sub3A_1378 = vector.broadcast %sub3A_1377 : f32 to vector<16xf32>
        %sub3A_1379 = arith.subf %mul3A_1376, %sub3A_1378 : vector<16xf32>
        %add3A_1380 = arith.addf %add3A_1373, %add3A_1344 : vector<16xf32>
        %mul3A_1381 = arith.constant 6.000000e+00 : f32
        %mul3A_1382 = vector.broadcast %mul3A_1381 : f32 to vector<16xf32>
        %mul3A_1383 = arith.mulf %mul3A_1382, %add3A_1380 : vector<16xf32>
        %sub3A_1384 = arith.constant 3.000000e+00 : f32
        %sub3A_1385 = vector.broadcast %sub3A_1384 : f32 to vector<16xf32>
        %sub3A_1386 = arith.subf %mul3A_1383, %sub3A_1385 : vector<16xf32>
        %add3A_1387 = arith.addf %add3A_1380, %add3A_1348 : vector<16xf32>
        %mul3A_1388 = arith.constant 6.000000e+00 : f32
        %mul3A_1389 = vector.broadcast %mul3A_1388 : f32 to vector<16xf32>
        %mul3A_1390 = arith.mulf %mul3A_1389, %add3A_1387 : vector<16xf32>
        %sub3A_1391 = arith.constant 3.000000e+00 : f32
        %sub3A_1392 = vector.broadcast %sub3A_1391 : f32 to vector<16xf32>
        %sub3A_1393 = arith.subf %mul3A_1390, %sub3A_1392 : vector<16xf32>
        %add3A_1394 = arith.addf %add3A_1387, %add3A_1352 : vector<16xf32>
        %mul3A_1395 = arith.constant 6.000000e+00 : f32
        %mul3A_1396 = vector.broadcast %mul3A_1395 : f32 to vector<16xf32>
        %mul3A_1397 = arith.mulf %mul3A_1396, %add3A_1394 : vector<16xf32>
        %sub3A_1398 = arith.constant 3.000000e+00 : f32
        %sub3A_1399 = vector.broadcast %sub3A_1398 : f32 to vector<16xf32>
        %sub3A_1400 = arith.subf %mul3A_1397, %sub3A_1399 : vector<16xf32>
        %add3A_1401 = arith.addf %add3A_1394, %add3A_1356 : vector<16xf32>
        %mul3A_1402 = arith.constant 6.000000e+00 : f32
        %mul3A_1403 = vector.broadcast %mul3A_1402 : f32 to vector<16xf32>
        %mul3A_1404 = arith.mulf %mul3A_1403, %add3A_1401 : vector<16xf32>
        %sub3A_1405 = arith.constant 3.000000e+00 : f32
        %sub3A_1406 = vector.broadcast %sub3A_1405 : f32 to vector<16xf32>
        %sub3A_1407 = arith.subf %mul3A_1404, %sub3A_1406 : vector<16xf32>
        %add3A_1408 = arith.addf %add3A_1401, %add3A_1360 : vector<16xf32>
        %mul3A_1409 = arith.constant 6.000000e+00 : f32
        %mul3A_1410 = vector.broadcast %mul3A_1409 : f32 to vector<16xf32>
        %mul3A_1411 = arith.mulf %mul3A_1410, %add3A_1408 : vector<16xf32>
        %sub3A_1412 = arith.constant 3.000000e+00 : f32
        %sub3A_1413 = vector.broadcast %sub3A_1412 : f32 to vector<16xf32>
        %sub3A_1414 = arith.subf %mul3A_1411, %sub3A_1413 : vector<16xf32>
        %broadcast_in_dim3A_1415 = arith.constant 3.000000e+00 : f32
        %broadcast_in_dim3A_1416 = vector.broadcast %broadcast_in_dim3A_1415 : f32 to vector<16xf32>
        %exp3A_1417 = math.exp %get3A_1155 : vector<16xf32>
        %exp3A_1418 = math.exp %get3A_1162 : vector<16xf32>
        %exp3A_1419 = math.exp %get3A_1169 : vector<16xf32>
        %exp3A_1420 = math.exp %get3A_1176 : vector<16xf32>
        %exp3A_1421 = math.exp %get3A_1183 : vector<16xf32>
        %exp3A_1422 = math.exp %get3A_1190 : vector<16xf32>
        %exp3A_1423 = math.exp %get3A_1197 : vector<16xf32>
        %exp3A_1424 = math.exp %get3A_1204 : vector<16xf32>
        %add3A_1425 = arith.addf %exp3A_1417, %exp3A_1418 : vector<16xf32>
        %add3A_1426 = arith.addf %add3A_1425, %exp3A_1419 : vector<16xf32>
        %add3A_1427 = arith.addf %add3A_1426, %exp3A_1420 : vector<16xf32>
        %add3A_1428 = arith.addf %add3A_1427, %exp3A_1421 : vector<16xf32>
        %add3A_1429 = arith.addf %add3A_1428, %exp3A_1422 : vector<16xf32>
        %add3A_1430 = arith.addf %add3A_1429, %exp3A_1423 : vector<16xf32>
        %add3A_1431 = arith.addf %add3A_1430, %exp3A_1424 : vector<16xf32>
        %div3A_1432 = arith.constant 0.991999983 : f32
        %div3A_1433 = vector.broadcast %div3A_1432 : f32 to vector<16xf32>
        %div3A_1434 = arith.divf %div3A_1433, %add3A_1431 : vector<16xf32>
        %mul3A_1435 = arith.mulf %div3A_1434, %exp3A_1417 : vector<16xf32>
        %add3A_1436 = arith.constant 1.000000e-03 : f32
        %add3A_1437 = vector.broadcast %add3A_1436 : f32 to vector<16xf32>
        %add3A_1438 = arith.addf %add3A_1437, %mul3A_1435 : vector<16xf32>
        %mul3A_1439 = arith.mulf %div3A_1434, %exp3A_1418 : vector<16xf32>
        %add3A_1440 = arith.constant 1.000000e-03 : f32
        %add3A_1441 = vector.broadcast %add3A_1440 : f32 to vector<16xf32>
        %add3A_1442 = arith.addf %add3A_1441, %mul3A_1439 : vector<16xf32>
        %mul3A_1443 = arith.mulf %div3A_1434, %exp3A_1419 : vector<16xf32>
        %add3A_1444 = arith.constant 1.000000e-03 : f32
        %add3A_1445 = vector.broadcast %add3A_1444 : f32 to vector<16xf32>
        %add3A_1446 = arith.addf %add3A_1445, %mul3A_1443 : vector<16xf32>
        %mul3A_1447 = arith.mulf %div3A_1434, %exp3A_1420 : vector<16xf32>
        %add3A_1448 = arith.constant 1.000000e-03 : f32
        %add3A_1449 = vector.broadcast %add3A_1448 : f32 to vector<16xf32>
        %add3A_1450 = arith.addf %add3A_1449, %mul3A_1447 : vector<16xf32>
        %mul3A_1451 = arith.mulf %div3A_1434, %exp3A_1421 : vector<16xf32>
        %add3A_1452 = arith.constant 1.000000e-03 : f32
        %add3A_1453 = vector.broadcast %add3A_1452 : f32 to vector<16xf32>
        %add3A_1454 = arith.addf %add3A_1453, %mul3A_1451 : vector<16xf32>
        %mul3A_1455 = arith.mulf %div3A_1434, %exp3A_1422 : vector<16xf32>
        %add3A_1456 = arith.constant 1.000000e-03 : f32
        %add3A_1457 = vector.broadcast %add3A_1456 : f32 to vector<16xf32>
        %add3A_1458 = arith.addf %add3A_1457, %mul3A_1455 : vector<16xf32>
        %mul3A_1459 = arith.mulf %div3A_1434, %exp3A_1423 : vector<16xf32>
        %add3A_1460 = arith.constant 1.000000e-03 : f32
        %add3A_1461 = vector.broadcast %add3A_1460 : f32 to vector<16xf32>
        %add3A_1462 = arith.addf %add3A_1461, %mul3A_1459 : vector<16xf32>
        %mul3A_1463 = arith.mulf %div3A_1434, %exp3A_1424 : vector<16xf32>
        %add3A_1464 = arith.constant 1.000000e-03 : f32
        %add3A_1465 = vector.broadcast %add3A_1464 : f32 to vector<16xf32>
        %add3A_1466 = arith.addf %add3A_1465, %mul3A_1463 : vector<16xf32>
        %broadcast_in_dim3A_1467 = arith.constant -3.000000e+00 : f32
        %broadcast_in_dim3A_1468 = vector.broadcast %broadcast_in_dim3A_1467 : f32 to vector<16xf32>
        %mul3A_1469 = arith.constant 6.000000e+00 : f32
        %mul3A_1470 = vector.broadcast %mul3A_1469 : f32 to vector<16xf32>
        %mul3A_1471 = arith.mulf %mul3A_1470, %add3A_1438 : vector<16xf32>
        %sub3A_1472 = arith.constant 3.000000e+00 : f32
        %sub3A_1473 = vector.broadcast %sub3A_1472 : f32 to vector<16xf32>
        %sub3A_1474 = arith.subf %mul3A_1471, %sub3A_1473 : vector<16xf32>
        %add3A_1475 = arith.addf %add3A_1438, %add3A_1442 : vector<16xf32>
        %mul3A_1476 = arith.constant 6.000000e+00 : f32
        %mul3A_1477 = vector.broadcast %mul3A_1476 : f32 to vector<16xf32>
        %mul3A_1478 = arith.mulf %mul3A_1477, %add3A_1475 : vector<16xf32>
        %sub3A_1479 = arith.constant 3.000000e+00 : f32
        %sub3A_1480 = vector.broadcast %sub3A_1479 : f32 to vector<16xf32>
        %sub3A_1481 = arith.subf %mul3A_1478, %sub3A_1480 : vector<16xf32>
        %add3A_1482 = arith.addf %add3A_1475, %add3A_1446 : vector<16xf32>
        %mul3A_1483 = arith.constant 6.000000e+00 : f32
        %mul3A_1484 = vector.broadcast %mul3A_1483 : f32 to vector<16xf32>
        %mul3A_1485 = arith.mulf %mul3A_1484, %add3A_1482 : vector<16xf32>
        %sub3A_1486 = arith.constant 3.000000e+00 : f32
        %sub3A_1487 = vector.broadcast %sub3A_1486 : f32 to vector<16xf32>
        %sub3A_1488 = arith.subf %mul3A_1485, %sub3A_1487 : vector<16xf32>
        %add3A_1489 = arith.addf %add3A_1482, %add3A_1450 : vector<16xf32>
        %mul3A_1490 = arith.constant 6.000000e+00 : f32
        %mul3A_1491 = vector.broadcast %mul3A_1490 : f32 to vector<16xf32>
        %mul3A_1492 = arith.mulf %mul3A_1491, %add3A_1489 : vector<16xf32>
        %sub3A_1493 = arith.constant 3.000000e+00 : f32
        %sub3A_1494 = vector.broadcast %sub3A_1493 : f32 to vector<16xf32>
        %sub3A_1495 = arith.subf %mul3A_1492, %sub3A_1494 : vector<16xf32>
        %add3A_1496 = arith.addf %add3A_1489, %add3A_1454 : vector<16xf32>
        %mul3A_1497 = arith.constant 6.000000e+00 : f32
        %mul3A_1498 = vector.broadcast %mul3A_1497 : f32 to vector<16xf32>
        %mul3A_1499 = arith.mulf %mul3A_1498, %add3A_1496 : vector<16xf32>
        %sub3A_1500 = arith.constant 3.000000e+00 : f32
        %sub3A_1501 = vector.broadcast %sub3A_1500 : f32 to vector<16xf32>
        %sub3A_1502 = arith.subf %mul3A_1499, %sub3A_1501 : vector<16xf32>
        %add3A_1503 = arith.addf %add3A_1496, %add3A_1458 : vector<16xf32>
        %mul3A_1504 = arith.constant 6.000000e+00 : f32
        %mul3A_1505 = vector.broadcast %mul3A_1504 : f32 to vector<16xf32>
        %mul3A_1506 = arith.mulf %mul3A_1505, %add3A_1503 : vector<16xf32>
        %sub3A_1507 = arith.constant 3.000000e+00 : f32
        %sub3A_1508 = vector.broadcast %sub3A_1507 : f32 to vector<16xf32>
        %sub3A_1509 = arith.subf %mul3A_1506, %sub3A_1508 : vector<16xf32>
        %add3A_1510 = arith.addf %add3A_1503, %add3A_1462 : vector<16xf32>
        %mul3A_1511 = arith.constant 6.000000e+00 : f32
        %mul3A_1512 = vector.broadcast %mul3A_1511 : f32 to vector<16xf32>
        %mul3A_1513 = arith.mulf %mul3A_1512, %add3A_1510 : vector<16xf32>
        %sub3A_1514 = arith.constant 3.000000e+00 : f32
        %sub3A_1515 = vector.broadcast %sub3A_1514 : f32 to vector<16xf32>
        %sub3A_1516 = arith.subf %mul3A_1513, %sub3A_1515 : vector<16xf32>
        %broadcast_in_dim3A_1517 = arith.constant 3.000000e+00 : f32
        %broadcast_in_dim3A_1518 = vector.broadcast %broadcast_in_dim3A_1517 : f32 to vector<16xf32>
        %add3A_1519 = arith.constant 9.99999997E-7 : f32
        %add3A_1520 = vector.broadcast %add3A_1519 : f32 to vector<16xf32>
        %add3A_1521 = arith.addf %sub3A_1372, %add3A_1520 : vector<16xf32>
        %le3A_1522 = arith.cmpf ole, %add3A_1521, %get3A_1314 : vector<16xf32>
        %add3A_1523 = arith.constant 9.99999997E-7 : f32
        %add3A_1524 = vector.broadcast %add3A_1523 : f32 to vector<16xf32>
        %add3A_1525 = arith.addf %sub3A_1379, %add3A_1524 : vector<16xf32>
        %le3A_1526 = arith.cmpf ole, %add3A_1525, %get3A_1314 : vector<16xf32>
        %add3A_1527 = arith.constant 9.99999997E-7 : f32
        %add3A_1528 = vector.broadcast %add3A_1527 : f32 to vector<16xf32>
        %add3A_1529 = arith.addf %sub3A_1386, %add3A_1528 : vector<16xf32>
        %le3A_1530 = arith.cmpf ole, %add3A_1529, %get3A_1314 : vector<16xf32>
        %add3A_1531 = arith.constant 9.99999997E-7 : f32
        %add3A_1532 = vector.broadcast %add3A_1531 : f32 to vector<16xf32>
        %add3A_1533 = arith.addf %sub3A_1393, %add3A_1532 : vector<16xf32>
        %le3A_1534 = arith.cmpf ole, %add3A_1533, %get3A_1314 : vector<16xf32>
        %add3A_1535 = arith.constant 9.99999997E-7 : f32
        %add3A_1536 = vector.broadcast %add3A_1535 : f32 to vector<16xf32>
        %add3A_1537 = arith.addf %sub3A_1400, %add3A_1536 : vector<16xf32>
        %le3A_1538 = arith.cmpf ole, %add3A_1537, %get3A_1314 : vector<16xf32>
        %add3A_1539 = arith.constant 9.99999997E-7 : f32
        %add3A_1540 = vector.broadcast %add3A_1539 : f32 to vector<16xf32>
        %add3A_1541 = arith.addf %sub3A_1407, %add3A_1540 : vector<16xf32>
        %le3A_1542 = arith.cmpf ole, %add3A_1541, %get3A_1314 : vector<16xf32>
        %add3A_1543 = arith.constant 9.99999997E-7 : f32
        %add3A_1544 = vector.broadcast %add3A_1543 : f32 to vector<16xf32>
        %add3A_1545 = arith.addf %sub3A_1414, %add3A_1544 : vector<16xf32>
        %le3A_1546 = arith.cmpf ole, %add3A_1545, %get3A_1314 : vector<16xf32>
        %select_n3A_1547 = arith.select %le3A_1522, %sub3A_1372, %broadcast_in_dim3A_1366 : vector<16xi1>, vector<16xf32>
        %select_n3A_1548 = arith.select %le3A_1526, %sub3A_1379, %select_n3A_1547 : vector<16xi1>, vector<16xf32>
        %select_n3A_1549 = arith.select %le3A_1530, %sub3A_1386, %select_n3A_1548 : vector<16xi1>, vector<16xf32>
        %select_n3A_1550 = arith.select %le3A_1534, %sub3A_1393, %select_n3A_1549 : vector<16xi1>, vector<16xf32>
        %select_n3A_1551 = arith.select %le3A_1538, %sub3A_1400, %select_n3A_1550 : vector<16xi1>, vector<16xf32>
        %select_n3A_1552 = arith.select %le3A_1542, %sub3A_1407, %select_n3A_1551 : vector<16xi1>, vector<16xf32>
        %select_n3A_1553 = arith.select %le3A_1546, %sub3A_1414, %select_n3A_1552 : vector<16xi1>, vector<16xf32>
        %select_n3A_1554 = arith.select %le3A_1522, %sub3A_1379, %sub3A_1372 : vector<16xi1>, vector<16xf32>
        %select_n3A_1555 = arith.select %le3A_1526, %sub3A_1386, %select_n3A_1554 : vector<16xi1>, vector<16xf32>
        %select_n3A_1556 = arith.select %le3A_1530, %sub3A_1393, %select_n3A_1555 : vector<16xi1>, vector<16xf32>
        %select_n3A_1557 = arith.select %le3A_1534, %sub3A_1400, %select_n3A_1556 : vector<16xi1>, vector<16xf32>
        %select_n3A_1558 = arith.select %le3A_1538, %sub3A_1407, %select_n3A_1557 : vector<16xi1>, vector<16xf32>
        %select_n3A_1559 = arith.select %le3A_1542, %sub3A_1414, %select_n3A_1558 : vector<16xi1>, vector<16xf32>
        %select_n3A_1560 = arith.select %le3A_1546, %broadcast_in_dim3A_1416, %select_n3A_1559 : vector<16xi1>, vector<16xf32>
        %sub3A_1561 = arith.subf %select_n3A_1560, %select_n3A_1553 : vector<16xf32>
        %select_n3A_1562 = arith.select %le3A_1522, %sub3A_1474, %broadcast_in_dim3A_1468 : vector<16xi1>, vector<16xf32>
        %select_n3A_1563 = arith.select %le3A_1526, %sub3A_1481, %select_n3A_1562 : vector<16xi1>, vector<16xf32>
        %select_n3A_1564 = arith.select %le3A_1530, %sub3A_1488, %select_n3A_1563 : vector<16xi1>, vector<16xf32>
        %select_n3A_1565 = arith.select %le3A_1534, %sub3A_1495, %select_n3A_1564 : vector<16xi1>, vector<16xf32>
        %select_n3A_1566 = arith.select %le3A_1538, %sub3A_1502, %select_n3A_1565 : vector<16xi1>, vector<16xf32>
        %select_n3A_1567 = arith.select %le3A_1542, %sub3A_1509, %select_n3A_1566 : vector<16xi1>, vector<16xf32>
        %select_n3A_1568 = arith.select %le3A_1546, %sub3A_1516, %select_n3A_1567 : vector<16xi1>, vector<16xf32>
        %select_n3A_1569 = arith.select %le3A_1522, %sub3A_1481, %sub3A_1474 : vector<16xi1>, vector<16xf32>
        %select_n3A_1570 = arith.select %le3A_1526, %sub3A_1488, %select_n3A_1569 : vector<16xi1>, vector<16xf32>
        %select_n3A_1571 = arith.select %le3A_1530, %sub3A_1495, %select_n3A_1570 : vector<16xi1>, vector<16xf32>
        %select_n3A_1572 = arith.select %le3A_1534, %sub3A_1502, %select_n3A_1571 : vector<16xi1>, vector<16xf32>
        %select_n3A_1573 = arith.select %le3A_1538, %sub3A_1509, %select_n3A_1572 : vector<16xi1>, vector<16xf32>
        %select_n3A_1574 = arith.select %le3A_1542, %sub3A_1516, %select_n3A_1573 : vector<16xi1>, vector<16xf32>
        %select_n3A_1575 = arith.select %le3A_1546, %broadcast_in_dim3A_1518, %select_n3A_1574 : vector<16xi1>, vector<16xf32>
        %sub3A_1576 = arith.subf %select_n3A_1575, %select_n3A_1568 : vector<16xf32>
        %select_n3A_1577 = arith.select %le3A_1526, %get3A_1218, %get3A_1211 : vector<16xi1>, vector<16xf32>
        %select_n3A_1578 = arith.select %le3A_1530, %get3A_1225, %select_n3A_1577 : vector<16xi1>, vector<16xf32>
        %select_n3A_1579 = arith.select %le3A_1534, %get3A_1232, %select_n3A_1578 : vector<16xi1>, vector<16xf32>
        %select_n3A_1580 = arith.select %le3A_1538, %get3A_1239, %select_n3A_1579 : vector<16xi1>, vector<16xf32>
        %select_n3A_1581 = arith.select %le3A_1542, %get3A_1246, %select_n3A_1580 : vector<16xi1>, vector<16xf32>
        %select_n3A_1582 = arith.select %le3A_1546, %get3A_1253, %select_n3A_1581 : vector<16xi1>, vector<16xf32>
        %select_n3A_1583 = arith.select %le3A_1522, %get3A_1218, %get3A_1211 : vector<16xi1>, vector<16xf32>
        %select_n3A_1584 = arith.select %le3A_1526, %get3A_1225, %select_n3A_1583 : vector<16xi1>, vector<16xf32>
        %select_n3A_1585 = arith.select %le3A_1530, %get3A_1232, %select_n3A_1584 : vector<16xi1>, vector<16xf32>
        %select_n3A_1586 = arith.select %le3A_1534, %get3A_1239, %select_n3A_1585 : vector<16xi1>, vector<16xf32>
        %select_n3A_1587 = arith.select %le3A_1538, %get3A_1246, %select_n3A_1586 : vector<16xi1>, vector<16xf32>
        %select_n3A_1588 = arith.select %le3A_1542, %get3A_1253, %select_n3A_1587 : vector<16xi1>, vector<16xf32>
        %max3A_1589 = arith.constant 0.000000e+00 : f32
        %max3A_1590 = vector.broadcast %max3A_1589 : f32 to vector<16xf32>
        %max3A_1591 = arith.maximumf %select_n3A_1582, %max3A_1590 : vector<16xf32>
        %abs3A_1592 = math.absf %select_n3A_1582 : vector<16xf32>
        %neg3A_1593 = arith.constant 0.000000e+00 : f32
        %neg3A_1594 = vector.broadcast %neg3A_1593 : f32 to vector<16xf32>
        %neg3A_1595 = arith.subf %neg3A_1594, %abs3A_1592 : vector<16xf32>
        %exp3A_1596 = math.exp %neg3A_1595 : vector<16xf32>
        %add3A_1597 = arith.constant 2.000000e+00 : f32
        %add3A_1598 = vector.broadcast %add3A_1597 : f32 to vector<16xf32>
        %add3A_1599 = arith.addf %exp3A_1596, %add3A_1598 : vector<16xf32>
        %div3A_1600 = arith.divf %exp3A_1596, %add3A_1599 : vector<16xf32>
        %mul3A_1601 = arith.mulf %div3A_1600, %div3A_1600 : vector<16xf32>
        %mul3A_1602 = arith.constant 0.111111112 : f32
        %mul3A_1603 = vector.broadcast %mul3A_1602 : f32 to vector<16xf32>
        %mul3A_1604 = arith.mulf %mul3A_1601, %mul3A_1603 : vector<16xf32>
        %add3A_1605 = arith.constant 0.142857149 : f32
        %add3A_1606 = vector.broadcast %add3A_1605 : f32 to vector<16xf32>
        %add3A_1607 = arith.addf %add3A_1606, %mul3A_1604 : vector<16xf32>
        %mul3A_1608 = arith.mulf %mul3A_1601, %add3A_1607 : vector<16xf32>
        %add3A_1609 = arith.constant 2.000000e-01 : f32
        %add3A_1610 = vector.broadcast %add3A_1609 : f32 to vector<16xf32>
        %add3A_1611 = arith.addf %add3A_1610, %mul3A_1608 : vector<16xf32>
        %mul3A_1612 = arith.mulf %mul3A_1601, %add3A_1611 : vector<16xf32>
        %add3A_1613 = arith.constant 0.333333343 : f32
        %add3A_1614 = vector.broadcast %add3A_1613 : f32 to vector<16xf32>
        %add3A_1615 = arith.addf %add3A_1614, %mul3A_1612 : vector<16xf32>
        %mul3A_1616 = arith.constant 2.000000e+00 : f32
        %mul3A_1617 = vector.broadcast %mul3A_1616 : f32 to vector<16xf32>
        %mul3A_1618 = arith.mulf %mul3A_1617, %div3A_1600 : vector<16xf32>
        %mul3A_1619 = arith.mulf %mul3A_1601, %add3A_1615 : vector<16xf32>
        %add3A_1620 = arith.constant 1.000000e+00 : f32
        %add3A_1621 = vector.broadcast %add3A_1620 : f32 to vector<16xf32>
        %add3A_1622 = arith.addf %add3A_1621, %mul3A_1619 : vector<16xf32>
        %mul3A_1623 = arith.mulf %mul3A_1618, %add3A_1622 : vector<16xf32>
        %add3A_1624 = arith.addf %max3A_1591, %mul3A_1623 : vector<16xf32>
        %add3A_1625 = arith.constant 1.000000e-03 : f32
        %add3A_1626 = vector.broadcast %add3A_1625 : f32 to vector<16xf32>
        %add3A_1627 = arith.addf %add3A_1626, %add3A_1624 : vector<16xf32>
        %jit3A_1628 = arith.constant 9.990000e-01 : f32
        %broadcast_in_dim3A_1629 = vector.broadcast %jit3A_1628 : f32 to vector<16xf32>
        %select_n3A_1630 = arith.select %le3A_1522, %add3A_1627, %broadcast_in_dim3A_1629 : vector<16xi1>, vector<16xf32>
        %max3A_1631 = arith.constant 0.000000e+00 : f32
        %max3A_1632 = vector.broadcast %max3A_1631 : f32 to vector<16xf32>
        %max3A_1633 = arith.maximumf %select_n3A_1588, %max3A_1632 : vector<16xf32>
        %abs3A_1634 = math.absf %select_n3A_1588 : vector<16xf32>
        %neg3A_1635 = arith.constant 0.000000e+00 : f32
        %neg3A_1636 = vector.broadcast %neg3A_1635 : f32 to vector<16xf32>
        %neg3A_1637 = arith.subf %neg3A_1636, %abs3A_1634 : vector<16xf32>
        %exp3A_1638 = math.exp %neg3A_1637 : vector<16xf32>
        %add3A_1639 = arith.constant 2.000000e+00 : f32
        %add3A_1640 = vector.broadcast %add3A_1639 : f32 to vector<16xf32>
        %add3A_1641 = arith.addf %exp3A_1638, %add3A_1640 : vector<16xf32>
        %div3A_1642 = arith.divf %exp3A_1638, %add3A_1641 : vector<16xf32>
        %mul3A_1643 = arith.mulf %div3A_1642, %div3A_1642 : vector<16xf32>
        %mul3A_1644 = arith.constant 0.111111112 : f32
        %mul3A_1645 = vector.broadcast %mul3A_1644 : f32 to vector<16xf32>
        %mul3A_1646 = arith.mulf %mul3A_1643, %mul3A_1645 : vector<16xf32>
        %add3A_1647 = arith.constant 0.142857149 : f32
        %add3A_1648 = vector.broadcast %add3A_1647 : f32 to vector<16xf32>
        %add3A_1649 = arith.addf %add3A_1648, %mul3A_1646 : vector<16xf32>
        %mul3A_1650 = arith.mulf %mul3A_1643, %add3A_1649 : vector<16xf32>
        %add3A_1651 = arith.constant 2.000000e-01 : f32
        %add3A_1652 = vector.broadcast %add3A_1651 : f32 to vector<16xf32>
        %add3A_1653 = arith.addf %add3A_1652, %mul3A_1650 : vector<16xf32>
        %mul3A_1654 = arith.mulf %mul3A_1643, %add3A_1653 : vector<16xf32>
        %add3A_1655 = arith.constant 0.333333343 : f32
        %add3A_1656 = vector.broadcast %add3A_1655 : f32 to vector<16xf32>
        %add3A_1657 = arith.addf %add3A_1656, %mul3A_1654 : vector<16xf32>
        %mul3A_1658 = arith.constant 2.000000e+00 : f32
        %mul3A_1659 = vector.broadcast %mul3A_1658 : f32 to vector<16xf32>
        %mul3A_1660 = arith.mulf %mul3A_1659, %div3A_1642 : vector<16xf32>
        %mul3A_1661 = arith.mulf %mul3A_1643, %add3A_1657 : vector<16xf32>
        %add3A_1662 = arith.constant 1.000000e+00 : f32
        %add3A_1663 = vector.broadcast %add3A_1662 : f32 to vector<16xf32>
        %add3A_1664 = arith.addf %add3A_1663, %mul3A_1661 : vector<16xf32>
        %mul3A_1665 = arith.mulf %mul3A_1660, %add3A_1664 : vector<16xf32>
        %add3A_1666 = arith.addf %max3A_1633, %mul3A_1665 : vector<16xf32>
        %add3A_1667 = arith.constant 1.000000e-03 : f32
        %add3A_1668 = vector.broadcast %add3A_1667 : f32 to vector<16xf32>
        %add3A_1669 = arith.addf %add3A_1668, %add3A_1666 : vector<16xf32>
        %jit3A_1670 = arith.constant 9.990000e-01 : f32
        %broadcast_in_dim3A_1671 = vector.broadcast %jit3A_1670 : f32 to vector<16xf32>
        %select_n3A_1672 = arith.select %le3A_1546, %broadcast_in_dim3A_1671, %add3A_1669 : vector<16xi1>, vector<16xf32>
        %select_n3A_1673 = arith.select %le3A_1522, %get3A_1267, %get3A_1260 : vector<16xi1>, vector<16xf32>
        %select_n3A_1674 = arith.select %le3A_1526, %get3A_1274, %select_n3A_1673 : vector<16xi1>, vector<16xf32>
        %select_n3A_1675 = arith.select %le3A_1530, %get3A_1281, %select_n3A_1674 : vector<16xi1>, vector<16xf32>
        %select_n3A_1676 = arith.select %le3A_1534, %get3A_1288, %select_n3A_1675 : vector<16xi1>, vector<16xf32>
        %select_n3A_1677 = arith.select %le3A_1538, %get3A_1295, %select_n3A_1676 : vector<16xi1>, vector<16xf32>
        %select_n3A_1678 = arith.select %le3A_1542, %get3A_1302, %select_n3A_1677 : vector<16xi1>, vector<16xf32>
        %select_n3A_1679 = arith.select %le3A_1546, %get3A_1309, %select_n3A_1678 : vector<16xi1>, vector<16xf32>
        %neg3A_1680 = arith.constant 0.000000e+00 : f32
        %neg3A_1681 = vector.broadcast %neg3A_1680 : f32 to vector<16xf32>
        %neg3A_1682 = arith.subf %neg3A_1681, %select_n3A_1679 : vector<16xf32>
        %exp3A_1683 = math.exp %neg3A_1682 : vector<16xf32>
        %add3A_1684 = arith.constant 1.000000e+00 : f32
        %add3A_1685 = vector.broadcast %add3A_1684 : f32 to vector<16xf32>
        %add3A_1686 = arith.addf %add3A_1685, %exp3A_1683 : vector<16xf32>
        %div3A_1687 = arith.constant 0.949999988 : f32
        %div3A_1688 = vector.broadcast %div3A_1687 : f32 to vector<16xf32>
        %div3A_1689 = arith.divf %div3A_1688, %add3A_1686 : vector<16xf32>
        %add3A_1690 = arith.constant 2.500000e-02 : f32
        %add3A_1691 = vector.broadcast %add3A_1690 : f32 to vector<16xf32>
        %add3A_1692 = arith.addf %div3A_1689, %add3A_1691 : vector<16xf32>
        %div3A_1693 = arith.constant 1.000000e+00 : f32
        %div3A_1694 = vector.broadcast %div3A_1693 : f32 to vector<16xf32>
        %div3A_1695 = arith.divf %div3A_1694, %sub3A_1561 : vector<16xf32>
        %div3A_1696 = arith.divf %select_n3A_1630, %select_n3A_1672 : vector<16xf32>
        %bitcast3A_1697 = vector.bitcast %div3A_1696 : vector<16xf32> to vector<16xi32>
        %shift_right_arithmetic3A_1698 = arith.constant 1 : i32
        %shift_right_arithmetic3A_1699 = vector.broadcast %shift_right_arithmetic3A_1698 : i32 to vector<16xi32>
        %shift_right_arithmetic3A_1700 = arith.shrsi %bitcast3A_1697, %shift_right_arithmetic3A_1699 : vector<16xi32>
        %sub3A_1701 = arith.constant 1597463007 : i32
        %sub3A_1702 = vector.broadcast %sub3A_1701 : i32 to vector<16xi32>
        %sub3A_1703 = arith.subi %sub3A_1702, %shift_right_arithmetic3A_1700 : vector<16xi32>
        %bitcast3A_1704 = vector.bitcast %sub3A_1703 : vector<16xi32> to vector<16xf32>
        %mul3A_1705 = arith.constant 5.000000e-01 : f32
        %mul3A_1706 = vector.broadcast %mul3A_1705 : f32 to vector<16xf32>
        %mul3A_1707 = arith.mulf %mul3A_1706, %div3A_1696 : vector<16xf32>
        %mul3A_1708 = arith.mulf %mul3A_1707, %bitcast3A_1704 : vector<16xf32>
        %mul3A_1709 = arith.mulf %mul3A_1708, %bitcast3A_1704 : vector<16xf32>
        %sub3A_1710 = arith.constant 1.500000e+00 : f32
        %sub3A_1711 = vector.broadcast %sub3A_1710 : f32 to vector<16xf32>
        %sub3A_1712 = arith.subf %sub3A_1711, %mul3A_1709 : vector<16xf32>
        %mul3A_1713 = arith.mulf %bitcast3A_1704, %sub3A_1712 : vector<16xf32>
        %mul3A_1714 = arith.constant 5.000000e-01 : f32
        %mul3A_1715 = vector.broadcast %mul3A_1714 : f32 to vector<16xf32>
        %mul3A_1716 = arith.mulf %mul3A_1715, %div3A_1696 : vector<16xf32>
        %mul3A_1717 = arith.mulf %mul3A_1716, %mul3A_1713 : vector<16xf32>
        %mul3A_1718 = arith.mulf %mul3A_1717, %mul3A_1713 : vector<16xf32>
        %sub3A_1719 = arith.constant 1.500000e+00 : f32
        %sub3A_1720 = vector.broadcast %sub3A_1719 : f32 to vector<16xf32>
        %sub3A_1721 = arith.subf %sub3A_1720, %mul3A_1718 : vector<16xf32>
        %mul3A_1722 = arith.mulf %mul3A_1713, %sub3A_1721 : vector<16xf32>
        %mul3A_1723 = arith.constant 5.000000e-01 : f32
        %mul3A_1724 = vector.broadcast %mul3A_1723 : f32 to vector<16xf32>
        %mul3A_1725 = arith.mulf %mul3A_1724, %div3A_1696 : vector<16xf32>
        %mul3A_1726 = arith.mulf %mul3A_1725, %mul3A_1722 : vector<16xf32>
        %mul3A_1727 = arith.mulf %mul3A_1726, %mul3A_1722 : vector<16xf32>
        %sub3A_1728 = arith.constant 1.500000e+00 : f32
        %sub3A_1729 = vector.broadcast %sub3A_1728 : f32 to vector<16xf32>
        %sub3A_1730 = arith.subf %sub3A_1729, %mul3A_1727 : vector<16xf32>
        %mul3A_1731 = arith.mulf %mul3A_1722, %sub3A_1730 : vector<16xf32>
        %mul3A_1732 = arith.mulf %div3A_1696, %mul3A_1731 : vector<16xf32>
        %mul3A_1733 = arith.mulf %add3A_1692, %mul3A_1732 : vector<16xf32>
        %mul3A_1734 = arith.mulf %add3A_1692, %select_n3A_1630 : vector<16xf32>
        %sub3A_1735 = arith.subf %mul3A_1732, %mul3A_1733 : vector<16xf32>
        %mul3A_1736 = arith.mulf %sub3A_1735, %select_n3A_1672 : vector<16xf32>
        %add3A_1737 = arith.addf %mul3A_1734, %mul3A_1736 : vector<16xf32>
        %mul3A_1738 = arith.mulf %add3A_1737, %sub3A_1561 : vector<16xf32>
        %div3A_1739 = arith.divf %mul3A_1738, %sub3A_1576 : vector<16xf32>
        %sub3A_1740 = arith.constant 1.000000e+00 : f32
        %sub3A_1741 = vector.broadcast %sub3A_1740 : f32 to vector<16xf32>
        %sub3A_1742 = arith.subf %sub3A_1741, %add3A_1692 : vector<16xf32>
        %mul3A_1743 = arith.mulf %mul3A_1733, %select_n3A_1575 : vector<16xf32>
        %mul3A_1744 = arith.mulf %sub3A_1742, %select_n3A_1568 : vector<16xf32>
        %add3A_1745 = arith.addf %mul3A_1743, %mul3A_1744 : vector<16xf32>
        %add3A_1746 = arith.addf %sub3A_1742, %mul3A_1733 : vector<16xf32>
        %div3A_1747 = arith.divf %add3A_1745, %add3A_1746 : vector<16xf32>
        %sub3A_1748 = arith.subf %get3A_1314, %select_n3A_1553 : vector<16xf32>
        %mul3A_1749 = arith.mulf %sub3A_1748, %div3A_1695 : vector<16xf32>
        %le3A_1750 = arith.cmpf ole, %mul3A_1749, %add3A_1692 : vector<16xf32>
        %sub3A_1751 = arith.subf %add3A_1692, %mul3A_1749 : vector<16xf32>
        %mul3A_1752 = arith.mulf %div3A_1739, %div3A_1747 : vector<16xf32>
        %mul3A_1753 = arith.mulf %mul3A_1752, %mul3A_1749 : vector<16xf32>
        %mul3A_1754 = arith.mulf %select_n3A_1568, %sub3A_1751 : vector<16xf32>
        %add3A_1755 = arith.addf %mul3A_1753, %mul3A_1754 : vector<16xf32>
        %sub3A_1756 = arith.subf %mul3A_1752, %mul3A_1753 : vector<16xf32>
        %mul3A_1757 = arith.mulf %mul3A_1732, %select_n3A_1575 : vector<16xf32>
        %mul3A_1758 = arith.mulf %mul3A_1757, %sub3A_1751 : vector<16xf32>
        %sub3A_1759 = arith.subf %sub3A_1756, %mul3A_1758 : vector<16xf32>
        %select_n3A_1760 = arith.select %le3A_1750, %add3A_1755, %sub3A_1759 : vector<16xi1>, vector<16xf32>
        %mul3A_1761 = arith.mulf %div3A_1739, %mul3A_1749 : vector<16xf32>
        %add3A_1762 = arith.addf %mul3A_1761, %sub3A_1751 : vector<16xf32>
        %sub3A_1763 = arith.subf %div3A_1739, %mul3A_1761 : vector<16xf32>
        %mul3A_1764 = arith.mulf %mul3A_1732, %sub3A_1751 : vector<16xf32>
        %sub3A_1765 = arith.subf %sub3A_1763, %mul3A_1764 : vector<16xf32>
        %select_n3A_1766 = arith.select %le3A_1750, %add3A_1762, %sub3A_1765 : vector<16xi1>, vector<16xf32>
        %div3A_1767 = arith.divf %select_n3A_1760, %select_n3A_1766 : vector<16xf32>
        %sub3A_1768 = arith.subf %div3A_1747, %select_n3A_1568 : vector<16xf32>
        %mul3A_1769 = arith.mulf %add3A_1692, %sub3A_1768 : vector<16xf32>
        %sub3A_1770 = arith.subf %mul3A_1732, %mul3A_1733 : vector<16xf32>
        %sub3A_1771 = arith.subf %select_n3A_1575, %div3A_1747 : vector<16xf32>
        %mul3A_1772 = arith.mulf %sub3A_1770, %sub3A_1771 : vector<16xf32>
        %select_n3A_1773 = arith.select %le3A_1750, %mul3A_1769, %mul3A_1772 : vector<16xi1>, vector<16xf32>
        %mul3A_1774 = arith.mulf %div3A_1739, %select_n3A_1773 : vector<16xf32>
        %mul3A_1775 = arith.mulf %mul3A_1774, %div3A_1695 : vector<16xf32>
        %mul3A_1776 = arith.mulf %select_n3A_1766, %select_n3A_1766 : vector<16xf32>
        %div3A_1777 = arith.divf %mul3A_1775, %mul3A_1776 : vector<16xf32>
        %bitcast3A_1778 = vector.bitcast %div3A_1777 : vector<16xf32> to vector<16xi32>
        %shift_right_arithmetic3A_1779 = arith.constant 23 : i32
        %shift_right_arithmetic3A_1780 = vector.broadcast %shift_right_arithmetic3A_1779 : i32 to vector<16xi32>
        %shift_right_arithmetic3A_1781 = arith.shrsi %bitcast3A_1778, %shift_right_arithmetic3A_1780 : vector<16xi32>
        %and3A_1782 = arith.constant 255 : i32
        %and3A_1783 = vector.broadcast %and3A_1782 : i32 to vector<16xi32>
        %and3A_1784 = arith.andi %shift_right_arithmetic3A_1781, %and3A_1783 : vector<16xi32>
        %sub3A_1785 = arith.constant 127 : i32
        %sub3A_1786 = vector.broadcast %sub3A_1785 : i32 to vector<16xi32>
        %sub3A_1787 = arith.subi %and3A_1784, %sub3A_1786 : vector<16xi32>
        %and3A_1788 = arith.constant 8388607 : i32
        %and3A_1789 = vector.broadcast %and3A_1788 : i32 to vector<16xi32>
        %and3A_1790 = arith.andi %bitcast3A_1778, %and3A_1789 : vector<16xi32>
        %or3A_1791 = arith.constant 1065353216 : i32
        %or3A_1792 = vector.broadcast %or3A_1791 : i32 to vector<16xi32>
        %or3A_1793 = arith.ori %and3A_1790, %or3A_1792 : vector<16xi32>
        %bitcast3A_1794 = vector.bitcast %or3A_1793 : vector<16xi32> to vector<16xf32>
        %gt3A_1795 = arith.constant 1.41421354 : f32
        %gt3A_1796 = vector.broadcast %gt3A_1795 : f32 to vector<16xf32>
        %gt3A_1797 = arith.cmpf ogt, %bitcast3A_1794, %gt3A_1796 : vector<16xf32>
        %mul3A_1798 = arith.constant 5.000000e-01 : f32
        %mul3A_1799 = vector.broadcast %mul3A_1798 : f32 to vector<16xf32>
        %mul3A_1800 = arith.mulf %mul3A_1799, %bitcast3A_1794 : vector<16xf32>
        %select_n3A_1801 = arith.select %gt3A_1797, %mul3A_1800, %bitcast3A_1794 : vector<16xi1>, vector<16xf32>
        %add3A_1802 = arith.constant 1 : i32
        %add3A_1803 = vector.broadcast %add3A_1802 : i32 to vector<16xi32>
        %add3A_1804 = arith.addi %sub3A_1787, %add3A_1803 : vector<16xi32>
        %select_n3A_1805 = arith.select %gt3A_1797, %add3A_1804, %sub3A_1787 : vector<16xi1>, vector<16xi32>
        %sub3A_1806 = arith.constant 1.000000e+00 : f32
        %sub3A_1807 = vector.broadcast %sub3A_1806 : f32 to vector<16xf32>
        %sub3A_1808 = arith.subf %select_n3A_1801, %sub3A_1807 : vector<16xf32>
        %add3A_1809 = arith.constant 1.000000e+00 : f32
        %add3A_1810 = vector.broadcast %add3A_1809 : f32 to vector<16xf32>
        %add3A_1811 = arith.addf %select_n3A_1801, %add3A_1810 : vector<16xf32>
        %div3A_1812 = arith.divf %sub3A_1808, %add3A_1811 : vector<16xf32>
        %mul3A_1813 = arith.mulf %div3A_1812, %div3A_1812 : vector<16xf32>
        %mul3A_1814 = arith.constant 0.111111112 : f32
        %mul3A_1815 = vector.broadcast %mul3A_1814 : f32 to vector<16xf32>
        %mul3A_1816 = arith.mulf %mul3A_1813, %mul3A_1815 : vector<16xf32>
        %add3A_1817 = arith.constant 0.142857149 : f32
        %add3A_1818 = vector.broadcast %add3A_1817 : f32 to vector<16xf32>
        %add3A_1819 = arith.addf %add3A_1818, %mul3A_1816 : vector<16xf32>
        %mul3A_1820 = arith.mulf %mul3A_1813, %add3A_1819 : vector<16xf32>
        %add3A_1821 = arith.constant 2.000000e-01 : f32
        %add3A_1822 = vector.broadcast %add3A_1821 : f32 to vector<16xf32>
        %add3A_1823 = arith.addf %add3A_1822, %mul3A_1820 : vector<16xf32>
        %mul3A_1824 = arith.mulf %mul3A_1813, %add3A_1823 : vector<16xf32>
        %add3A_1825 = arith.constant 0.333333343 : f32
        %add3A_1826 = vector.broadcast %add3A_1825 : f32 to vector<16xf32>
        %add3A_1827 = arith.addf %add3A_1826, %mul3A_1824 : vector<16xf32>
        %convert_element_type3A_1828 = arith.sitofp %select_n3A_1805 : vector<16xi32> to vector<16xf32>
        %mul3A_1829 = arith.constant 0.693147182 : f32
        %mul3A_1830 = vector.broadcast %mul3A_1829 : f32 to vector<16xf32>
        %mul3A_1831 = arith.mulf %convert_element_type3A_1828, %mul3A_1830 : vector<16xf32>
        %mul3A_1832 = arith.constant 2.000000e+00 : f32
        %mul3A_1833 = vector.broadcast %mul3A_1832 : f32 to vector<16xf32>
        %mul3A_1834 = arith.mulf %mul3A_1833, %div3A_1812 : vector<16xf32>
        %mul3A_1835 = arith.mulf %mul3A_1813, %add3A_1827 : vector<16xf32>
        %add3A_1836 = arith.constant 1.000000e+00 : f32
        %add3A_1837 = vector.broadcast %add3A_1836 : f32 to vector<16xf32>
        %add3A_1838 = arith.addf %add3A_1837, %mul3A_1835 : vector<16xf32>
        %mul3A_1839 = arith.mulf %mul3A_1834, %add3A_1838 : vector<16xf32>
        %add3A_1840 = arith.addf %mul3A_1831, %mul3A_1839 : vector<16xf32>
        %lt3A_1841 = arith.constant -3.000000e+00 : f32
        %lt3A_1842 = vector.broadcast %lt3A_1841 : f32 to vector<16xf32>
        %lt3A_1843 = arith.cmpf olt, %get3A_1314, %lt3A_1842 : vector<16xf32>
        %gt3A_1844 = arith.constant 3.000000e+00 : f32
        %gt3A_1845 = vector.broadcast %gt3A_1844 : f32 to vector<16xf32>
        %gt3A_1846 = arith.cmpf ogt, %get3A_1314, %gt3A_1845 : vector<16xf32>
        %or3A_1847 = arith.ori %lt3A_1843, %gt3A_1846 : vector<16xi1>
        %select_n3A_1848 = arith.select %or3A_1847, %get3A_1314, %div3A_1767 : vector<16xi1>, vector<16xf32>
        %jit3A_1849 = arith.constant 0.000000e+00 : f32
        %broadcast_in_dim3A_1850 = vector.broadcast %jit3A_1849 : f32 to vector<16xf32>
        %select_n3A_1851 = arith.select %or3A_1847, %broadcast_in_dim3A_1850, %add3A_1840 : vector<16xi1>, vector<16xf32>
        %mul3A_1852 = arith.constant 16 : i32
        %mul3A_1853 = arith.muli %add3A_1092, %mul3A_1852 : i32
        %swap3A_1854 = arith.index_cast %select_n3A_312 : i32 to index
        %swap3A_1855 = arith.index_cast %mul3A_1853 : i32 to index
        %swap3A_1856 = tpu.vector_load %arg12[%swap3A_1854, %swap3A_1855] {strides = array<i32>} : memref<8x128xf32, #tpu.memory_space<vmem>>, vector<16xf32>,
        tpu.vector_store %arg12[%swap3A_1854, %swap3A_1855], %select_n3A_1848 {strides = array<i32>} : memref<8x128xf32, #tpu.memory_space<vmem>>, vector<16xf32>,
        %mul3A_1857 = arith.constant 16 : i32
        %mul3A_1858 = arith.muli %add3A_1092, %mul3A_1857 : i32
        %swap3A_1859 = arith.index_cast %select_n3A_312 : i32 to index
        %swap3A_1860 = arith.index_cast %mul3A_1858 : i32 to index
        %swap3A_1861 = tpu.vector_load %arg13[%swap3A_1859, %swap3A_1860] {strides = array<i32>} : memref<8x128xf32, #tpu.memory_space<vmem>>, vector<16xf32>,
        tpu.vector_store %arg13[%swap3A_1859, %swap3A_1860], %select_n3A_1851 {strides = array<i32>} : memref<8x128xf32, #tpu.memory_space<vmem>>, vector<16xf32>,
      }
      %scan3A_234 = arith.constant 32 : i32
      %mul3A_235 = arith.constant 2 : i32
      %mul3A_236 = arith.muli %mul3A_235, %scan3A_72 : i32
      %add3A_237 = arith.constant 1 : i32
      %add3A_238 = arith.addi %mul3A_236, %add3A_237 : i32
      %add3A_239 = arith.addi %mul3A_2, %add3A_238 : i32
      %jit3A_240 = arith.constant 16 : i32
      %div3A_241 = arith.divsi %add3A_239, %jit3A_240 : i32
      %sign3A_242 = arith.constant 0 : i32
      %sign3A_243 = arith.cmpi sgt, %add3A_239, %sign3A_242 : i32
      %sign3A_244 = arith.extui %sign3A_243 : i1 to i32
      %sign3A_245 = arith.constant 0 : i32
      %sign3A_246 = arith.cmpi slt, %add3A_239, %sign3A_245 : i32
      %sign3A_247 = arith.extui %sign3A_246 : i1 to i32
      %sign3A_248 = arith.subi %sign3A_244, %sign3A_247 : i32
      %sign3A_249 = arith.constant 0 : i32
      %sign3A_250 = arith.cmpi sgt, %jit3A_240, %sign3A_249 : i32
      %sign3A_251 = arith.extui %sign3A_250 : i1 to i32
      %sign3A_252 = arith.constant 0 : i32
      %sign3A_253 = arith.cmpi slt, %jit3A_240, %sign3A_252 : i32
      %sign3A_254 = arith.extui %sign3A_253 : i1 to i32
      %sign3A_255 = arith.subi %sign3A_251, %sign3A_254 : i32
      %ne3A_256 = arith.cmpi ne, %sign3A_248, %sign3A_255 : i32
      %rem3A_257 = arith.remsi %add3A_239, %jit3A_240 : i32
      %ne3A_258 = arith.constant 0 : i32
      %ne3A_259 = arith.cmpi ne, %rem3A_257, %ne3A_258 : i32
      %and3A_260 = arith.andi %ne3A_256, %ne3A_259 : i1
      %sub3A_261 = arith.constant 1 : i32
      %sub3A_262 = arith.subi %div3A_241, %sub3A_261 : i32
      %select_n3A_263 = arith.select %and3A_260, %sub3A_262, %div3A_241 : i32
      %mul3A_264 = arith.constant 8 : i32
      %mul3A_265 = arith.muli %select_n3A_263, %mul3A_264 : i32
      %jit3A_266 = arith.constant 16 : i32
      %eq3A_267 = arith.constant 0 : i32
      %eq3A_268 = arith.cmpi eq, %jit3A_266, %eq3A_267 : i32
      %jit3A_269 = arith.constant 1 : i32
      %select_n3A_270 = arith.select %eq3A_268, %jit3A_269, %jit3A_266 : i32
      %rem3A_271 = arith.remsi %add3A_239, %select_n3A_270 : i32
      %ne3A_272 = arith.constant 0 : i32
      %ne3A_273 = arith.cmpi ne, %rem3A_271, %ne3A_272 : i32
      %lt3A_274 = arith.constant 0 : i32
      %lt3A_275 = arith.cmpi slt, %rem3A_271, %lt3A_274 : i32
      %lt3A_276 = arith.constant 0 : i32
      %lt3A_277 = arith.cmpi slt, %select_n3A_270, %lt3A_276 : i32
      %ne3A_278 = arith.xori %lt3A_275, %lt3A_277 : i1
      %and3A_279 = arith.andi %ne3A_278, %ne3A_273 : i1
      %add3A_280 = arith.addi %rem3A_271, %select_n3A_270 : i32
      %select_n3A_281 = arith.select %and3A_279, %add3A_280, %rem3A_271 : i32
      %mul3A_282 = arith.constant 128 : i32
      %mul3A_283 = arith.muli %select_n3A_281, %mul3A_282 : i32
      %dma_start3A_284 = tpu.memref_slice %arg4[%mul3A_265, %mul3A_283] : memref<64x2048xf32, #tpu.memory_space<hbm>> -> memref<8x128xf32, #tpu.memory_space<hbm>>
      %dma_start3A_285 = tpu.memref_slice %arg4[%mul3A_265, %mul3A_283] : memref<64x2048xf32, #tpu.memory_space<hbm>> -> memref<8x128xf32, #tpu.memory_space<hbm>>
      tpu.enqueue_dma source(%arg12 : memref<8x128xf32, #tpu.memory_space<vmem>>) target(%dma_start3A_285 : memref<8x128xf32, #tpu.memory_space<hbm>>) target_semaphore(%arg19 : memref<!tpu.dma_semaphore, #tpu.memory_space<semaphore_mem>>)
      %dma_start3A_286 = tpu.memref_slice %arg5[%mul3A_265, %mul3A_283] : memref<64x2048xf32, #tpu.memory_space<hbm>> -> memref<8x128xf32, #tpu.memory_space<hbm>>
      %dma_start3A_287 = tpu.memref_slice %arg5[%mul3A_265, %mul3A_283] : memref<64x2048xf32, #tpu.memory_space<hbm>> -> memref<8x128xf32, #tpu.memory_space<hbm>>
      tpu.enqueue_dma source(%arg13 : memref<8x128xf32, #tpu.memory_space<vmem>>) target(%dma_start3A_287 : memref<8x128xf32, #tpu.memory_space<hbm>>) target_semaphore(%arg21 : memref<!tpu.dma_semaphore, #tpu.memory_space<semaphore_mem>>)
    }
    %scan3A_48 = arith.constant 2 : i32
    %dma_wait3A = arith.constant 0 : i32
    %dma_wait3A_49 = arith.constant 0 : i32
    %dma_wait3A_50 = tpu.memref_slice %arg4[%dma_wait3A, %dma_wait3A_49] : memref<64x2048xf32, #tpu.memory_space<hbm>> -> memref<8x128xf32, #tpu.memory_space<hbm>>
    %dma_wait3A_51 = arith.constant 0 : i32
    %dma_wait3A_52 = arith.constant 0 : i32
    %dma_wait3A_53 = tpu.memref_slice %arg4[%dma_wait3A_51, %dma_wait3A_52] : memref<64x2048xf32, #tpu.memory_space<hbm>> -> memref<8x128xf32, #tpu.memory_space<hbm>>
    tpu.wait_dma2 semaphore(%arg18 : memref<!tpu.dma_semaphore, #tpu.memory_space<semaphore_mem>>) src(%dma_wait3A_53 : memref<8x128xf32, #tpu.memory_space<hbm>>) dst(%arg10 : memref<8x128xf32, #tpu.memory_space<vmem>>)
    %dma_wait3A_54 = arith.constant 0 : i32
    %dma_wait3A_55 = arith.constant 0 : i32
    %dma_wait3A_56 = tpu.memref_slice %arg5[%dma_wait3A_54, %dma_wait3A_55] : memref<64x2048xf32, #tpu.memory_space<hbm>> -> memref<8x128xf32, #tpu.memory_space<hbm>>
    %dma_wait3A_57 = arith.constant 0 : i32
    %dma_wait3A_58 = arith.constant 0 : i32
    %dma_wait3A_59 = tpu.memref_slice %arg5[%dma_wait3A_57, %dma_wait3A_58] : memref<64x2048xf32, #tpu.memory_space<hbm>> -> memref<8x128xf32, #tpu.memory_space<hbm>>
    tpu.wait_dma2 semaphore(%arg20 : memref<!tpu.dma_semaphore, #tpu.memory_space<semaphore_mem>>) src(%dma_wait3A_59 : memref<8x128xf32, #tpu.memory_space<hbm>>) dst(%arg11 : memref<8x128xf32, #tpu.memory_space<vmem>>)
    %dma_wait3A_60 = arith.constant 0 : i32
    %dma_wait3A_61 = arith.constant 0 : i32
    %dma_wait3A_62 = tpu.memref_slice %arg4[%dma_wait3A_60, %dma_wait3A_61] : memref<64x2048xf32, #tpu.memory_space<hbm>> -> memref<8x128xf32, #tpu.memory_space<hbm>>
    %dma_wait3A_63 = arith.constant 0 : i32
    %dma_wait3A_64 = arith.constant 0 : i32
    %dma_wait3A_65 = tpu.memref_slice %arg4[%dma_wait3A_63, %dma_wait3A_64] : memref<64x2048xf32, #tpu.memory_space<hbm>> -> memref<8x128xf32, #tpu.memory_space<hbm>>
    tpu.wait_dma2 semaphore(%arg19 : memref<!tpu.dma_semaphore, #tpu.memory_space<semaphore_mem>>) src(%dma_wait3A_65 : memref<8x128xf32, #tpu.memory_space<hbm>>) dst(%arg12 : memref<8x128xf32, #tpu.memory_space<vmem>>)
    %dma_wait3A_66 = arith.constant 0 : i32
    %dma_wait3A_67 = arith.constant 0 : i32
    %dma_wait3A_68 = tpu.memref_slice %arg5[%dma_wait3A_66, %dma_wait3A_67] : memref<64x2048xf32, #tpu.memory_space<hbm>> -> memref<8x128xf32, #tpu.memory_space<hbm>>
    %dma_wait3A_69 = arith.constant 0 : i32
    %dma_wait3A_70 = arith.constant 0 : i32
    %dma_wait3A_71 = tpu.memref_slice %arg5[%dma_wait3A_69, %dma_wait3A_70] : memref<64x2048xf32, #tpu.memory_space<hbm>> -> memref<8x128xf32, #tpu.memory_space<hbm>>
    tpu.wait_dma2 semaphore(%arg21 : memref<!tpu.dma_semaphore, #tpu.memory_space<semaphore_mem>>) src(%dma_wait3A_71 : memref<8x128xf32, #tpu.memory_space<hbm>>) dst(%arg13 : memref<8x128xf32, #tpu.memory_space<vmem>>)
    return
  }
}

</mosaic_0001>

<sc_bundles>
// kernel: _sc_spline.3.cloned.1.call-start
scs
__scs_entry_jumppad:
0x0: {  	(pc) =	sbr.rel $0x88, $3  }
0x1: {  	(tag) =	ssettag $0x0;
	lr =	simm.s32 $0x1  }
0x2: {  	[smem:$0x3F9F] =	sst lr;
	_ =	strace $0xD0000000  }
0x3: {  	_ = 	snop  }
0x4: {  	_ = 	snop  }
0x5: {  	_ = 	snop  }
0x6: {  	_ = 	snop  }
0x7: {  	_ = 	snop  }
__scs_overlays_trampoline_lowered:
0x8: {  	[smem:$0x3FAE] =	sst s0  }
0x9: {  	[smem:$0x3FAF] =	sst s1  }
0xa: {  	[smem:$0x3FB0] =	sst s2  }
0xb: {  	[smem:$0x3FB1] =	sst s3  }
0xc: {  	[smem:$0x3FB2] =	sst s4  }
0xd: {  	[smem:$0x3FB3] =	sst s5  }
0xe: {  	[smem:$0x3FB4] =	sst s6  }
0xf: {  	[smem:$0x3FB5] =	sst s7  }
0x10: {  	[smem:$0x3FB6] =	sst s8  }
0x11: {  	[smem:$0x3FB7] =	sst s9;
	s0 =	simm.s32 @!p0 $0x0  }
0x12: {  	s1 =	sld [smem:$0x3F9D];
	s0 =	simm.s32 @p0 $0x1  }
0x13: {  	[smem:$0x3FB8] =	sst s0;
	s0 =	simm.s32 @!p1 $0x0  }
0x14: {  	s2 =	sld [smem:$0x3F9C];
	s0 =	simm.s32 @p1 $0x1  }
0x15: {  	[smem:$0x3FB9] =	sst s0;
	s0 =	simm.s32 @!p2 $0x0  }
0x16: {  	s3 =	sld [smem:$0x3FDB];
	s0 =	simm.s32 @p2 $0x1  }
0x17: {  	s4 =	simm.s32 $0x1BF5;
	[smem:$0x3FBB] =	sst s0  }
0x18: {  	s0 =	sld [smem:$0x3F9E];
	_ =	swait.ge [sflag:s4], $0x0  }
0x19: {  	s7 =	sld [smem:$0x3F9F]  }
0x1a: {  	s8 =	sadd.s32 $0xFFFFE003, lr  }
0x1b: {  	s9 =	sadd.s32 $0xFFFFFEF7, lr;
	s5 =	simm.s32 $0xFFFFFFFF;
	p2 =	slt.u32 s8, $0xFFFFF086  }
0x1c: {  	p1 =	slt.u32 s9, $0xF7A;
	s5 =	simm.s32 @!p2 $0x0  }
0x1d: {  	s5 =	simm.s32 @p1 $0x1;
	p0 =	seq.s32 s7, s2  }
0x1e: {  	s7 =	smul.u32 @!p0 $0xF7A, s2;
	p2 =	seq.s32 @!p0 s5, $0x0  }
0x1f: {  	s9 =	smul.u32 $0xF7A, s1;
	s8 =	simm.s32 @!p0 $0x1BF5;
	p2 =	por !p2, p0  }
0x20: {  	[sflag:s8] =	ssyncset.s32 @!p0 $0xFFFFF086;
	s6 =	sadd.s32 @!p0 s3, s7;
	s7 =	simm.s32 @!p0 $0x108  }
0x21: {  	s3 =	sadd.s32 s3, s9;
	s6 =	sadd.s32 @!p0 $0x88, s6;
	s7 =	simm.s32 @p2 $0x1082  }
0x22: {  	[simem:s7], [sflag:s8] =	dma.local @!p0 [hbm:s6], $0xF7A  }
0x23: {  	s9 =	sor.u32 $0xD0000000, s2;
	s6 =	simm.s32 $0x108;
	_ =	swait.ge @!p0 [sflag:s8], $0x0  }
0x24: {  	s3 =	sadd.s32 $0x88, s3;
	s6 =	simm.s32 @!p1 $0x1082;
	[sflag:s4] =	ssyncset.s32 $0xFFFFF086  }
0x25: {  	[simem:s6], [sflag:s4] =	dma.local [hbm:s3], $0xF7A  }
0x26: {  	[smem:$0x3F9F] =	sst s1;
	(tag) =	ssettag s2;
	_ =	strace s9  }
0x27: {  	s1 =	sld [smem:$0x3FAF]  }
0x28: {  	s2 =	sld [smem:$0x3FB0]  }
0x29: {  	s4 =	sld [smem:$0x3FB2]  }
0x2a: {  	p0 =	seq.s32 s5, $0x0;
	s5 =	sld [smem:$0x3FB3]  }
0x2b: {  	s6 =	sld [smem:$0x3FB4]  }
0x2c: {  	s7 =	sld [smem:$0x3FB5]  }
0x2d: {  	s3 =	simm.s32 $0x108;
	s8 =	sld [smem:$0x3FB6]  }
0x2e: {  	s3 =	simm.s32 @!p0 $0x1082;
	s9 =	sld [smem:$0x3FB7]  }
0x2f: {  	lr =	sadd.s32 s0, s3;
	s0 =	sld [smem:$0x3FAE]  }
0x30: {  	s3 =	sld [smem:$0x3FB1]  }
0x31: {  	[smem:$0x3FBA] =	sst s10  }
0x32: {  	s10 =	sld [smem:$0x3FB8];
	_ =	sdelay $0x3  }
0x33: {  	p0 =	seq.s32 s10, $0x1;
	s10 =	sld [smem:$0x3FBA];
	_ =	sdelay $0x3  }
0x34: {  	[smem:$0x3FBA] =	sst s10  }
0x35: {  	s10 =	sld [smem:$0x3FB9];
	_ =	sdelay $0x3  }
0x36: {  	p1 =	seq.s32 s10, $0x1;
	s10 =	sld [smem:$0x3FBA];
	_ =	sdelay $0x3  }
0x37: {  	[smem:$0x3FBA] =	sst s10  }
0x38: {  	s10 =	sld [smem:$0x3FBB]  }
0x39: {  	_ = 	snop;
	(pc) =	sbr.ind lr, $3  }
0x3a: {  	_ = 	snop  }
0x3b: {  	_ = 	snop  }
0x3c: {  	p2 =	seq.s32 s10, $0x1;
	s10 =	sld [smem:$0x3FBA]  }
0x3d: {  	_ =	shalt  }
0x3e: {  	_ =	shalt  }
0x3f: {  	_ =	shalt  }
0x40: {  	_ =	shalt  }
0x41: {  	_ =	shalt  }
0x42: {  	_ =	shalt  }
0x43: {  	_ =	shalt  }
0x44: {  	_ =	shalt  }
0x45: {  	_ =	shalt  }
0x46: {  	_ =	shalt  }
0x47: {  	_ =	shalt  }
0x48: {  	_ =	shalt  }
0x49: {  	_ =	shalt  }
0x4a: {  	_ =	shalt  }
0x4b: {  	_ =	shalt  }
0x4c: {  	_ =	shalt  }
0x4d: {  	_ =	shalt  }
0x4e: {  	_ =	shalt  }
0x4f: {  	_ =	shalt  }
0x50: {  	_ =	shalt  }
0x51: {  	_ =	shalt  }
0x52: {  	_ =	shalt  }
0x53: {  	_ =	shalt  }
0x54: {  	_ =	shalt  }
0x55: {  	_ =	shalt  }
0x56: {  	_ =	shalt  }
0x57: {  	_ =	shalt  }
0x58: {  	_ =	shalt  }
0x59: {  	_ =	shalt  }
0x5a: {  	_ =	shalt  }
0x5b: {  	_ =	shalt  }
0x5c: {  	_ =	shalt  }
0x5d: {  	_ =	shalt  }
0x5e: {  	_ =	shalt  }
0x5f: {  	_ =	shalt  }
0x60: {  	_ =	shalt  }
0x61: {  	_ =	shalt  }
0x62: {  	_ =	shalt  }
0x63: {  	_ =	shalt  }
0x64: {  	_ =	shalt  }
0x65: {  	_ =	shalt  }
0x66: {  	_ =	shalt  }
0x67: {  	_ =	shalt  }
0x68: {  	_ =	shalt  }
0x69: {  	_ =	shalt  }
0x6a: {  	_ =	shalt  }
0x6b: {  	_ =	shalt  }
0x6c: {  	_ =	shalt  }
0x6d: {  	_ =	shalt  }
0x6e: {  	_ =	shalt  }
0x6f: {  	_ =	shalt  }
0x70: {  	_ =	shalt  }
0x71: {  	_ =	shalt  }
0x72: {  	_ =	shalt  }
0x73: {  	_ =	shalt  }
0x74: {  	_ =	shalt  }
0x75: {  	_ =	shalt  }
0x76: {  	_ =	shalt  }
0x77: {  	_ =	shalt  }
0x78: {  	_ =	shalt  }
0x79: {  	_ =	shalt  }
0x7a: {  	_ =	shalt  }
0x7b: {  	_ =	shalt  }
0x7c: {  	_ =	shalt  }
0x7d: {  	_ =	shalt  }
0x7e: {  	_ =	shalt  }
0x7f: {  	_ =	shalt  }
0x80: {  	_ =	shalt  }
0x81: {  	_ =	shalt  }
0x82: {  	_ =	shalt  }
0x83: {  	_ =	shalt  }
0x84: {  	_ =	shalt  }
0x85: {  	_ =	shalt  }
0x86: {  	_ =	shalt  }
0x87: {  	_ =	shalt  }
.Lfunc_end0:
.L_simem_size_0:
called_computation_lowered:
.L_overlay_start_0:
0x88: {  	s2 =	sld [smem:$0x3FD9]  }
0x89: {  	s3 =	sld [smem:$0x3FFE];
	_ =	sdelay $0x1  }
0x8a: {  	s1 =	srdreg.scid  }
0x8b: {  	s0 =	sand.u32 $0x1, s1  }
0x8c: {  	s15 =	sshll.u32 s0, $0xA;
	s2 =	sadd.s32 s3, s2  }
0x8d: {  	s2 =	sadd.s32 s2, s15  }
0x8e: {  	[smem:$0x3FC6] =	sst s2  }
0x8f: {  	_ = 	snop  }
0x90: {  	s2 =	sld [smem:$0x3FD0];
	_ =	sdelay $0x1  }
0x91: {  	s16 =	sld [smem:$0x3FC9]  }
0x92: {  	s5 =	simm.s32 $0xA;
	s6 =	simm.s32 $0x10;
	s4 =	sld [smem:$0x3FC8]  }
0x93: {  	[smem:s6], [sflag:s5] =	dma.local [hbm:s2], $0x1  }
0x94: {  	_ =	swait.eq [sflag:s5], $0x1  }
0x95: {  	[sflag:s5] =	ssyncset.done $0x0  }
0x96: {  	s17 =	sld [smem:$0x10];
	[sflag:s5] =	ssyncadd.s32 $0xFFFFFFFF  }
0x97: {  	s18 =	sld [smem:$0x11];
	(tm) =	ssettm $0x1  }
0x98: {  	s19 =	sld [smem:$0x3FFB];
	_ =	sdelay $0x3  }
0x99: {  	_ =	strace s19  }
0x9a: {  	s6 =	sld [smem:$0x3FFC];
	_ =	sdelay $0x3  }
0x9b: {  	_ =	strace s6  }
0x9c: {  	s6 =	sld [smem:$0x3FFD];
	_ =	sdelay $0x3  }
0x9d: {  	_ =	strace s6  }
0x9e: {  	_ =	strace $0x8FFFFFFF  }
0x9f: {  	s20 =	sld [smem:$0x3FDB];
	_ =	sdelay $0x1  }
0xa0: {  	s7 =	simm.s32 $_scs_section_size  }
0xa1: {  	s8 =	simm.s32 $_size__tile_overlayer_lowered;
	s9 =	simm.s32 $_tile_overlayer_lowered  }
0xa2: {  	s23 =	simm.s32 $0x1BFF;
	s22 =	sshll.u32 s9, $0x1;
	s6 =	sadd.s32 s7, s20  }
0xa3: {  	s10 =	simm.s32 $0x0;
	s21 =	sshll.u32 s8, $0x1;
	s8 =	sadd.s32 s22, s6  }
0xa4: {  	[timem:s10], [sflag:s23] =	dma.local [hbm:s8], s21  }
0xa5: {  	_ =	swait.ge [sflag:s23], s21  }
0xa6: {  	s7 =	ssub.s32 $0x0, s21;
	[sflag:s23] =	ssyncset.done $0x0  }
0xa7: {  	[sflag:s23] =	ssyncadd.s32 s7;
	_ =	sdelay $0x1  }
0xa8: {  	s24 =	simm.s32 $0x1B8B  }
0xa9: {  	_ =	swait.ge [sflag:s24], $0x1  }
0xaa: {  	[sflag:s24] =	ssyncset.done $0x0  }
0xab: {  	s25 =	simm.s32 $0x1B8E;
	[sflag:s24] =	ssyncadd.s32 $0xFFFFFFFF  }
0xac: {  	s26 =	simm.s32 $execute0_lowered;
	[smem:$0x3FD2] =	sst s25  }
0xad: {  	s7 =	sshll.u32 s26, $0x1;
	_ =	strace $0x80000046;
	[dreg:$0x1] =	wrdreg $0xFFFFFFFF  }
0xae: {  	s28 =	simm.s32 $_size_execute0_lowered;
	s6 =	sadd.s32 s6, s7;
	[dreg:$0x0] =	wrdreg $0x0  }
0xaf: {  	s7 =	sshll.u32 s28, $0x1;
	[dreg:$0x2] =	wrdreg s6  }
0xb0: {  	[dreg:$0x3] =	wrdreg s7  }
0xb1: {  	[dreg:$0x4] =	wrdreg $0xC0  }
0xb2: {  	_ =	task [dreg:s10], $0x5FFFF  }
0xb3: {  	[dreg:$0x1] =	wrdreg $0xFFFFFFFF  }
0xb4: {  	[dreg:$0x0] =	wrdreg $0x60  }
0xb5: {  	[dreg:$0x2] =	wrdreg s16  }
0xb6: {  	[dreg:$0x3] =	wrdreg s4  }
0xb7: {  	[dreg:$0x4] =	wrdreg s17  }
0xb8: {  	[dreg:$0x5] =	wrdreg s18  }
0xb9: {  	[dreg:$0x6] =	wrdreg $0x9  }
0xba: {  	_ =	task.clear_ibuf [dreg:s10], $0x7FFFF;
	_ =	strace $0x90000046  }
0xbb: {  	s29 =	simm.s32 $0x9;
	_ =	strace $0x80000048  }
0xbc: {  	_ =	swait.ge [sflag:s29], $0x1  }
0xbd: {  	[sflag:s29] =	ssyncadd.s32 $0xFFFFFFFF  }
0xbe: {  	_ =	strace $0x90000048  }
0xbf: {  	_ =	sfence  }
0xc0: {  	s30 =	sld [smem:$0x0];
	_ =	sdelay $0x2  }
0xc1: {  	s31 =	sshll.u32 s1, $0xD;
	s1 =	sshrl.u32 s1, $0x2  }
0xc2: {  	s3 =	sand.u32 $0x4000, s31;
	s1 =	sadd.s32 s1, s30  }
0xc3: {  	s0 =	sor.u32 s3, s0;
	s1 =	sshll.u32 s1, $0x11  }
0xc4: {  	s0 =	sor.u32 s1, s0  }
0xc5: {  	s0 =	sadd.s32 $0x8F2B, s0  }
0xc6: {  	[sflag:s0] =	ssyncadd.remote.s32 $0x1  }
0xc7: {  	_ =	sfence.sel $0xFFFF  }
0xc8: {  	[dreg:$0x0] =	wrdreg $0xFFFFFFFF;
	(pc) =	sbr.abs _section_cstart, $3  }
0xc9: {  	[dreg:$0x1] =	wrdreg $0xFFFFFFFF  }
0xca: {  	_ =	task.clear_ibuf [dreg:s10], $0x2FFFF;
	_ =	strace $0x9FFFFFFF  }
0xcb: {  	(tm) =	ssettm $0x7FFFFFFF  }
tec
execute0_lowered:
.L_overlay_start_1:
0x0: {  	(tag) =	ssettag $0x1  }
0x1: {  	s5 =	rddreg [dreg:$0x0]  }
0x2: {  	s6 =	rddreg [dreg:$0x1];
	s0 =	srdreg.scid  }
0x3: {  	s4 =	stileid.u32;
	s7 =	simm.s32 $0x0;
	s0 =	sand.u32 $0x1, s0  }
0x4: {  	s1 =	sshll.u32 s4, $0x3;
	s22 =	sshll.u32 s4, $0xD;
	[smem:$0x7FF] =	sst s7  }
0x5: {  	s25 =	sshrl.u32 s4, $0x1;
	s28 =	sshll.u32 s4, $0xA;
	s2 =	sshll.u32 s0, $0x2  }
0x6: {  	s0 =	ssub.s32 $0x2, s0;
	_ =	strace $0x80000047;
	s26 =	sshll.u32 s25, $0x11  }
0x7: {  	s31 =	sshll.u32 s25, $0xE;
	s8 =	sor.u32 s2, s1;
	[dreg:$0x8] =	wrdreg s26  }
0x8: {  	s3 =	sshrl.u32 s0, $0x1;
	[dreg:$0xd] =	wrdreg s31;
	s2 =	sshll.u32 s8, $0x7  }
0x9: {  	s0 =	ssub.s32 s0, s3;
	s3 =	sand.u32 $0x3800, s28;
	[dreg:$0x5] =	wrdreg s8  }
0xa: {  	s29 =	sand.u32 $0xC, s8;
	s1 =	sor.u32 s22, s2;
	[dreg:$0x9] =	wrdreg s3  }
0xb: {  	[dreg:$0xa] =	wrdreg s29;
	s0 =	smax.u32 s0, $0x1;
	s1 =	sand.u32 $0x1C600, s1  }
0xc: {  	[dreg:$0xe] =	wrdreg s0;
	s23 =	sadd.s32 s6, s1  }
0xd: {  	s24 =	sadd.s32 s5, s1;
	s1 =	sor.u32 $0x100, s1;
	[dreg:$0x6] =	wrdreg s23  }
0xe: {  	[dreg:$0x7] =	wrdreg s24;
	s30 =	sadd.s32 s6, s1  }
0xf: {  	s1 =	sadd.s32 s5, s1;
	[dreg:$0xb] =	wrdreg s30  }
0x10: {  	v0 =	vimm.s32 $0xFFFFFF81;
	s2 =	simm.s32 $0x0;
	[dreg:$0xc] =	wrdreg s1  }
.LBB2_1:
0x11: {  	[dreg:$0xf] =	wrdreg s2  }
0x12: {  	s0 =	rddreg [dreg:$0x6];
	s1 =	simm.s32 $0x400  }
0x13: {  	s29 =	simm.s32 $0x100000;
	s30 =	rddreg [dreg:$0x7];
	s31 =	simm.s32 $0xF800  }
0x14: {  	[tilespmem:s7], [sflag:$0x1] =	stream.strided.gather [hbm4b:s0+s1], $0x7C00, s29, s1, $0x38;
	[tilespmem:$0x11000] =	vst v63  }
0x15: {  	p2 =	por $0x1, $0x1;
	p1 =	por $0x0, $0x0;
	s1 =	simm.s32 $0x0  }
0x16: {  	[tilespmem:s31], [sflag:$0x3] =	stream.linear.gather [hbm4b:s30+s7], $0x400, $0x38;
	[tilespmem:$0x11000] =	vst v63  }
.LBB2_2:
0x17: {  	s0 =	rddreg [dreg:$0x5]  }
0x18: {  	s0 =	sor.u32 s0, s1  }
0x19: {  	s0 =	sshll.u32 s0, $0xA  }
0x1a: {  	[dreg:$0x11] =	wrdreg s1;
	s0 =	sand.u32 $0x3800, s0  }
0x1b: {  	s24 =	rddreg [dreg:$0x8];
	s23 =	sor.u32 $0x400, s0  }
0x1c: {  	s25 =	rddreg [dreg:$0x1];
	s2 =	simm.s32 $0x400;
	s0 =	sor.u32 s24, s23  }
0x1d: {  	s3 =	simm.s32 $0x100000;
	s4 =	simm.s32 $0x7C00;
	s0 =	sshrl.u32 s0, $0x3  }
0x1e: {  	s26 =	rddreg [dreg:$0x0];
	s28 =	simm.s32 $0xFC00;
	s1 =	sadd.s32 s25, s0  }
0x1f: {  	[tilespmem:s4], [sflag:$0x2] =	stream.strided.gather [hbm4b:s1+s2], $0x7C00, s3, s2, $0x38;
	[tilespmem:$0x11000] =	vst v63  }
0x20: {  	s29 =	simm.s32 $0x1;
	[dreg:$0x10] =	wrdreg s23;
	s0 =	sadd.s32 s26, s0  }
0x21: {  	[tilespmem:s28], [sflag:$0x4] =	stream.linear.gather [hbm4b:s0+s7], $0x400, $0x38;
	[tilespmem:$0x11000] =	vst v63  }
0x22: {  	_ =	swait.ge [sflag:s29], $0x7C00  }
0x23: {  	[sflag:s29] =	ssyncset.done $0x0  }
0x24: {  	s31 =	simm.s32 $0x3;
	[sflag:s29] =	ssyncadd.s32 $0xFFFF8400  }
0x25: {  	_ =	swait.ge [sflag:s31], $0x400  }
0x26: {  	[sflag:s31] =	ssyncset.done $0x0  }
0x27: {  	s0 =	simm.s32 @p1 $0x5;
	[sflag:s31] =	ssyncadd.s32 $0xFFFFFC00  }
0x28: {  	_ =	swait.ge @p1 [sflag:s0], $0x400  }
0x29: {  	[sflag:s0] =	ssyncset.done @p1 $0x0  }
0x2a: {  	[sflag:s0] =	ssyncadd.s32 @p1 $0xFFFFFC00;
	s0 =	simm.s32 @p1 $0x7  }
0x2b: {  	s30 =	simm.s32 $0x0;
	p0 =	por p2, p2;
	_ =	swait.ge @p1 [sflag:s0], $0x400  }
0x2c: {  	s19 =	simm.s32 $0xF800;
	s8 =	simm.s32 $0x0;
	[sflag:s0] =	ssyncset.done @p1 $0x0  }
0x2d: {  	s3 =	simm.s32 $0x10400;
	[sflag:s0] =	ssyncadd.s32 @p1 $0xFFFFFC00;
	s0 =	simm.s32 $0x10000  }
.LBB2_3:
0x2e: {  	s1 =	sand.u32 $0x380, s8  }
0x2f: {  	s21 =	sand.u32 $0x60, s8;
	s2 =	sor.u32 $0x400, s1  }
0x30: {  	v1 =	vld [tilespmem:s30+$0x0];
	[dreg:$0x12] =	wrdreg s2;
	s2 =	sor.u32 s21, s2  }
0x31: {  	s12 =	sor.u32 $0x800, s1;
	v2 =	vld [tilespmem:s2+$0x0]  }
0x32: {  	s2 =	sor.u32 s21, s12  }
0x33: {  	s13 =	sor.u32 $0xC00, s1;
	v3 =	vld [tilespmem:s2+$0x0]  }
0x34: {  	s2 =	sor.u32 s21, s13  }
0x35: {  	s14 =	sor.u32 $0x1000, s1;
	v4 =	vld [tilespmem:s2+$0x0];
	v1 =	vmul.f32 $1.442695020e+00, v1  }
0x36: {  	s2 =	sor.u32 s21, s14;
	v2 =	vmul.f32 $1.442695020e+00, v2  }
0x37: {  	s15 =	sor.u32 $0x1400, s1;
	v5 =	vld [tilespmem:s2+$0x0];
	(erf) = vpow2.f32 v1  }
0x38: {  	s2 =	sor.u32 s21, s15;
	v1 =	vmul.f32 $1.442695020e+00, v3;
	(erf) = vpow2.f32 v2  }
0x39: {  	s16 =	sor.u32 $0x1800, s1;
	v2 =	vld [tilespmem:s2+$0x0]  }
0x3a: {  	s2 =	sor.u32 s21, s16;
	(erf) = vpow2.f32 v1;
	v1 =	vmul.f32 $1.442695020e+00, v4  }
0x3b: {  	s17 =	sor.u32 $0x1C00, s1;
	v3 =	vld [tilespmem:s2+$0x0]  }
0x3c: {  	s2 =	sor.u32 s21, s17;
	(erf) = vpow2.f32 v1;
	v1 =	vmul.f32 $1.442695020e+00, v5  }
0x3d: {  	v18 =	vld [tilespmem:s2+$0x0]  }
0x3e: {  	(erf) = vpow2.f32 v1;
	v1 =	vmul.f32 $1.442695020e+00, v2;
	_ =	sdelay $0x1  }
0x3f: {  	v2 =	vpop (erf);
	(erf) = vpow2.f32 v1;
	v1 =	vmul.f32 $1.442695020e+00, v3  }
0x40: {  	v3 =	vpop (erf)  }
0x41: {  	(erf) = vpow2.f32 v1;
	v1 =	vmul.f32 $1.442695020e+00, v18;
	v19 =	vadd.f32 v3, v2  }
0x42: {  	v20 =	vpop (erf)  }
0x43: {  	(erf) = vpow2.f32 v1;
	v1 =	vadd.f32 v20, v19  }
0x44: {  	v21 =	vpop (erf)  }
0x45: {  	v1 =	vadd.f32 v21, v1  }
0x46: {  	v6 =	vpop (erf)  }
0x47: {  	v1 =	vadd.f32 v6, v1  }
0x48: {  	v7 =	vpop (erf)  }
0x49: {  	v1 =	vadd.f32 v7, v1  }
0x4a: {  	v8 =	vpop (erf)  }
0x4b: {  	v1 =	vadd.f32 v8, v1  }
0x4c: {  	v9 =	vpop (erf)  }
0x4d: {  	v1 =	vadd.f32 v9, v1;
	_ =	sdelay $0x1  }
0x4e: {  	(erf) = vrcp.f32 v1;
	_ =	sdelay $0x5  }
0x4f: {  	[dreg:$0x14] =	wrdreg s12;
	s12 =	sor.u32 $0x3800, s1  }
0x50: {  	s29 =	sor.u32 $0x2000, s1;
	s31 =	sor.u32 s21, s12  }
0x51: {  	s25 =	sor.u32 $0x2400, s1;
	s18 =	sor.u32 s21, s29;
	v28 =	vld [tilespmem:s31+$0x0]  }
0x52: {  	s24 =	sor.u32 $0x2800, s1;
	s20 =	sor.u32 s21, s25;
	v1 =	vld [tilespmem:s18+$0x0];
	v10 =	vpop (erf)  }
0x53: {  	s22 =	sor.u32 s21, s24;
	v22 =	vld [tilespmem:s20+$0x0];
	v10 =	vmul.f32 $9.919999830e-01, v10  }
0x54: {  	[dreg:$0x1e] =	wrdreg s17;
	v11 =	vld [tilespmem:s22+$0x0];
	s17 =	sor.u32 $0x2C00, s1  }
0x55: {  	s23 =	sor.u32 s21, s17;
	v2 =	vmul.f32 v10, v2;
	v3 =	vmul.f32 v10, v3  }
0x56: {  	s20 =	sor.u32 $0x3000, s1;
	v32 =	vmul.f32 $1.442695020e+00, v28;
	v12 =	vld [tilespmem:s23+$0x0]  }
0x57: {  	s26 =	sor.u32 s21, s20;
	v1 =	vmul.f32 $1.442695020e+00, v1;
	v14 =	vadd.f32 $1.000000050e-03, v2;
	v2 =	vadd.f32 $1.000000050e-03, v3  }
0x58: {  	v23 =	vld [tilespmem:s26+$0x0];
	v5 =	vmul.f32 v10, v20;
	v3 =	vmul.f32 $1.442695020e+00, v22  }
0x59: {  	(erf) = vpow2.f32 v1;
	v1 =	vadd.f32 v2, v14;
	v2 =	vmul.f32 $1.442695020e+00, v11  }
0x5a: {  	s18 =	sor.u32 $0x3400, s1;
	v4 =	vmul.f32 v10, v21;
	v5 =	vadd.f32 $1.000000050e-03, v5;
	(erf) = vpow2.f32 v3  }
0x5b: {  	s28 =	sor.u32 s21, s18;
	(erf) = vpow2.f32 v2;
	v2 =	vmul.f32 $1.442695020e+00, v12  }
0x5c: {  	v26 =	vld [tilespmem:s28+$0x0];
	v24 =	vmul.f32 v10, v6;
	v3 =	vadd.f32 $1.000000050e-03, v4;
	v5 =	vadd.f32 v1, v5  }
0x5d: {  	(erf) = vpow2.f32 v2;
	v2 =	vmul.f32 $1.442695020e+00, v23  }
0x5e: {  	[dreg:$0x18] =	wrdreg s14;
	s14 =	sor.u32 $0x3C00, s1;
	v25 =	vmul.f32 v10, v7;
	v4 =	vadd.f32 $1.000000050e-03, v24;
	v3 =	vadd.f32 v5, v3  }
0x5f: {  	s4 =	sor.u32 s21, s14;
	v1 =	vmul.f32 $6.000000000e+00, v1;
	(erf) = vpow2.f32 v2  }
0x60: {  	v15 =	vld [tilespmem:s4+$0x0];
	v27 =	vmul.f32 v10, v8;
	v6 =	vadd.f32 $1.000000050e-03, v25;
	v4 =	vadd.f32 v3, v4  }
0x61: {  	[dreg:$0x16] =	wrdreg s13;
	s13 =	sor.u32 $0x4000, s1;
	v31 =	vmul.f32 $1.442695020e+00, v26;
	v5 =	vmul.f32 $6.000000000e+00, v5;
	v7 =	vadd.f32 $-3.000000000e+00, v1  }
0x62: {  	s5 =	sor.u32 s21, s13;
	v10 =	vadd.f32 $1.000000050e-03, v27;
	v29 =	vmul.f32 $6.000000000e+00, v3;
	v1 =	vadd.f32 v4, v6;
	v2 =	vpop (erf)  }
0x63: {  	s22 =	sor.u32 $0x4400, s1;
	v16 =	vld [tilespmem:s5+$0x0];
	v9 =	vadd.f32 $-3.000000000e+00, v5;
	v20 =	vadd.f32 $9.999999970e-07, v7;
	v30 =	vmul.f32 $6.000000000e+00, v4;
	v3 =	vpop (erf)  }
0x64: {  	[dreg:$0x1a] =	wrdreg s15;
	s6 =	sor.u32 s21, s22;
	s15 =	sor.u32 $0x4800, s1;
	v13 =	vmul.f32 $6.000000000e+00, v1;
	v10 =	vadd.f32 v1, v10;
	v1 =	vld [tilespmem:s19+$0x0];
	v4 =	vpop (erf);
	(erf) = vpow2.f32 v31  }
0x65: {  	s7 =	sor.u32 s21, s15;
	v15 =	vmul.f32 $1.442695020e+00, v15;
	s23 =	sor.u32 $0x4C00, s1;
	v18 =	vld [tilespmem:s6+$0x0];
	v11 =	vadd.f32 $-3.000000000e+00, v29;
	v17 =	vadd.f32 v3, v2  }
0x66: {  	s26 =	sor.u32 $0x5000, s1;
	v36 =	vld [tilespmem:s7+$0x0];
	s9 =	sor.u32 s21, s23;
	v37 =	vadd.f32 $9.999999970e-07, v9;
	v33 =	vadd.f32 $-3.000000000e+00, v30;
	v5 =	vpop (erf);
	(erf) = vpow2.f32 v32  }
0x67: {  	s11 =	sor.u32 $0x5400, s1;
	s10 =	sor.u32 s21, s26;
	v19 =	vld [tilespmem:s9+$0x0];
	v39 =	vadd.f32 $9.999999970e-07, v11;
	v34 =	vmul.f32 $6.000000000e+00, v10;
	v35 =	vadd.f32 v4, v17  }
0x68: {  	[dreg:$0x1c] =	wrdreg s16;
	s16 =	sor.u32 s21, s11;
	s28 =	sor.u32 $0x5800, s1;
	v21 =	vld [tilespmem:s10+$0x0];
	v13 =	vadd.f32 $-3.000000000e+00, v13;
	v40 =	vadd.f32 $9.999999970e-07, v33;
	v6 =	vpop (erf);
	(erf) = vpow2.f32 v15  }
0x69: {  	v38 =	vld [tilespmem:s16+$0x0];
	s31 =	sor.u32 s21, s28;
	v10 =	vadd.f32 v5, v35;
	v22 =	vadd.f32 $-3.000000000e+00, v34;
	vm1 =	vle.f32 v20, v1  }
0x6a: {  	v23 =	vld [tilespmem:s31+$0x0];
	v41 =	vadd.f32 $9.999999970e-07, v13;
	vm0 =	vle.f32 v37, v1;
	v24 =	vsel vm1, v18, v16  }
0x6b: {  	vm2 =	vle.f32 v39, v1;
	v10 =	vadd.f32 v6, v10;
	v24 =	vsel vm0, v36, v24  }
0x6c: {  	vm3 =	vle.f32 v40, v1;
	v25 =	vadd.f32 $9.999999970e-07, v22;
	v24 =	vsel vm2, v19, v24  }
0x6d: {  	vm5 =	vle.f32 v41, v1;
	v42 =	vsel vm3, v21, v24;
	v8 =	vpop (erf)  }
0x6e: {  	vm4 =	vle.f32 v25, v1;
	v20 =	vsel vm5, v38, v42;
	v43 =	vadd.f32 v8, v10  }
0x6f: {  	v20 =	vsel vm4, v23, v20;
	v10 =	vpop (erf)  }
0x70: {  	v14 =	vmul.f32 $6.000000000e+00, v14;
	v44 =	vand.u32 $0x7FFFFFFF, v20;
	v24 =	vadd.f32 v10, v43  }
0x71: {  	v25 =	vsub.f32 $0.0e+00, v44;
	v26 =	vpop (erf)  }
0x72: {  	v14 =	vadd.f32 $-3.000000000e+00, v14;
	v24 =	vadd.f32 v26, v24  }
0x73: {  	v25 =	vmul.f32 $1.442695020e+00, v25  }
0x74: {  	v45 =	vadd.f32 $9.999999970e-07, v14;
	(erf) = vrcp.f32 v24  }
0x75: {  	(erf) = vpow2.f32 v25  }
0x76: {  	vm6 =	vle.f32 v45, v1  }
0x77: {  	v16 =	vsel vm6, v18, v16  }
0x78: {  	v16 =	vsel vm1, v36, v16  }
0x79: {  	v16 =	vsel vm0, v19, v16  }
0x7a: {  	v16 =	vsel vm2, v21, v16  }
0x7b: {  	v15 =	vsel vm3, v38, v16  }
0x7c: {  	v15 =	vsel vm5, v23, v15  }
0x7d: {  	v47 =	vand.u32 $0x7FFFFFFF, v15;
	v46 =	vpop (erf)  }
0x7e: {  	v17 =	vsub.f32 $0.0e+00, v47;
	v48 =	vpop (erf)  }
0x7f: {  	v49 =	vadd.f32 $2.000000000e+00, v48  }
0x80: {  	v17 =	vmul.f32 $1.442695020e+00, v17  }
0x81: {  	(erf) = vrcp.f32 v49  }
0x82: {  	(erf) = vpow2.f32 v17;
	_ =	sdelay $0x7  }
0x83: {  	v50 =	vpop (erf)  }
0x84: {  	v51 =	vpop (erf)  }
0x85: {  	v52 =	vadd.f32 $2.000000000e+00, v51;
	_ =	sdelay $0x1  }
0x86: {  	(erf) = vrcp.f32 v52;
	_ =	sdelay $0x3  }
0x87: {  	s16 =	sor.u32 $0x6000, s1  }
0x88: {  	s5 =	sor.u32 s21, s16;
	s10 =	sor.u32 $0x5C00, s1  }
0x89: {  	v54 =	vld [tilespmem:s5+$0x0];
	s9 =	sor.u32 $0x6400, s1;
	s4 =	sor.u32 s21, s10  }
0x8a: {  	s7 =	sor.u32 $0x6800, s1;
	s6 =	sor.u32 s21, s9;
	v53 =	vld [tilespmem:s4+$0x0]  }
0x8b: {  	v55 =	vld [tilespmem:s6+$0x0];
	s6 =	sor.u32 $0x6C00, s1;
	s31 =	sor.u32 s21, s7  }
0x8c: {  	s5 =	sor.u32 $0x7000, s1;
	s4 =	sor.u32 s21, s6;
	v56 =	vld [tilespmem:s31+$0x0];
	v57 =	vpop (erf)  }
0x8d: {  	v27 =	vld [tilespmem:s4+$0x0];
	s4 =	sor.u32 $0x7400, s1;
	s31 =	sor.u32 s21, s5;
	v19 =	vmul.f32 v57, v51  }
0x8e: {  	s2 =	sor.u32 $0x7800, s1;
	v58 =	vld [tilespmem:s31+$0x0];
	s31 =	sor.u32 s21, s4  }
0x8f: {  	v28 =	vld [tilespmem:s31+$0x0];
	s31 =	sor.u32 s21, s2;
	v21 =	vsel vm6, v54, v53;
	v29 =	vmul.f32 v19, v19  }
0x90: {  	v59 =	vld [tilespmem:s31+$0x0];
	v21 =	vsel vm1, v55, v21  }
0x91: {  	v21 =	vsel vm0, v56, v21;
	v60 =	vmul.f32 $1.111111120e-01, v29  }
0x92: {  	v21 =	vsel vm2, v27, v21  }
0x93: {  	v21 =	vsel vm3, v58, v21;
	v24 =	vadd.f32 $1.428571490e-01, v60  }
0x94: {  	v21 =	vsel vm5, v28, v21  }
0x95: {  	v21 =	vsel vm4, v59, v21;
	v24 =	vmul.f32 v24, v29  }
0x96: {  	v21 =	vsub.f32 $0.0e+00, v21;
	v17 =	vmul.f32 v50, v48  }
0x97: {  	v61 =	vadd.f32 $2.000000030e-01, v24  }
0x98: {  	v21 =	vmul.f32 $1.442695020e+00, v21;
	v63 =	vmul.f32 v17, v17  }
0x99: {  	v18 =	vmul.f32 v61, v29  }
0x9a: {  	(erf) = vpow2.f32 v21;
	v27 =	vmul.f32 $1.111111120e-01, v63  }
0x9b: {  	v18 =	vadd.f32 $3.333333430e-01, v18  }
0x9c: {  	v62 =	vnsel vm6, $0xC0400000, v14;
	v28 =	vadd.f32 $1.428571490e-01, v27  }
0x9d: {  	v23 =	vsel vm1, v7, v62;
	v7 =	vsel vm6, v7, v14;
	v30 =	vmul.f32 v18, v29  }
0x9e: {  	v7 =	vsel vm1, v9, v7;
	v26 =	vsel vm0, v9, v23;
	v9 =	vmul.f32 v28, v63  }
0x9f: {  	v7 =	vsel vm0, v11, v7;
	v32 =	vadd.f32 v19, v19;
	v14 =	vadd.f32 $1.000000000e+00, v30  }
0xa0: {  	v34 =	vmax.f32 v15, $0.0e+00;
	v7 =	vsel vm2, v33, v7;
	v9 =	vadd.f32 $2.000000030e-01, v9  }
0xa1: {  	v7 =	vsel vm3, v13, v7;
	v21 =	vsel vm2, v11, v26;
	v11 =	vmul.f32 v14, v32  }
0xa2: {  	v7 =	vsel vm5, v22, v7;
	v31 =	vsel vm3, v33, v21;
	v9 =	vmul.f32 v9, v63  }
0xa3: {  	v7 =	vsel vm4, $0x40400000, v7;
	v35 =	vpop (erf);
	v18 =	vsel vm5, v13, v31;
	v11 =	vadd.f32 v11, v34  }
0xa4: {  	v9 =	vadd.f32 $3.333333430e-01, v9;
	v13 =	vadd.f32 $1.000000000e+00, v35;
	v33 =	vsel vm4, v22, v18  }
0xa5: {  	v7 =	vsub.f32 v7, v33;
	v11 =	vadd.f32 $1.000000050e-03, v11  }
0xa6: {  	(erf) = vrcp.f32 v13  }
0xa7: {  	v9 =	vmul.f32 v9, v63;
	(erf) = vrcp.f32 v7;
	v11 =	vsel vm4, $0x3F7FBE77, v11  }
0xa8: {  	(erf) = vrcp.f32 v11  }
0xa9: {  	v36 =	vadd.f32 v17, v17;
	v9 =	vadd.f32 $1.000000000e+00, v9;
	_ =	sdelay $0x1  }
0xaa: {  	v9 =	vmul.f32 v9, v36  }
0xab: {  	v37 =	vmax.f32 v20, $0.0e+00  }
0xac: {  	v9 =	vadd.f32 v9, v37;
	_ =	sdelay $0x1  }
0xad: {  	v9 =	vadd.f32 $1.000000050e-03, v9;
	v38 =	vpop (erf)  }
0xae: {  	v39 =	vpop (erf)  }
0xaf: {  	v9 =	vnsel vm6, $0x3F7FBE77, v9;
	v40 =	vpop (erf)  }
0xb0: {  	v15 =	vmul.f32 v40, v9;
	_ =	sdelay $0x1  }
0xb1: {  	v41 =	vshra.s32 v15, $0x1;
	v42 =	vmul.f32 $5.000000000e-01, v15  }
0xb2: {  	v16 =	vmul.f32 $9.919999830e-01, v46;
	v17 =	vsub.s32 $0x5F3759DF, v41  }
0xb3: {  	v43 =	vmul.f32 v17, v42  }
0xb4: {  	v2 =	vmul.f32 v16, v2;
	v3 =	vmul.f32 v16, v3  }
0xb5: {  	v19 =	vmul.f32 v17, v43  }
0xb6: {  	v4 =	vmul.f32 v16, v4;
	v2 =	vadd.f32 $1.000000050e-03, v2;
	v3 =	vadd.f32 $1.000000050e-03, v3  }
0xb7: {  	v19 =	vsub.f32 $1.500000000e+00, v19  }
0xb8: {  	v5 =	vmul.f32 v16, v5;
	v4 =	vadd.f32 $1.000000050e-03, v4;
	v3 =	vadd.f32 v3, v2  }
0xb9: {  	v6 =	vmul.f32 v16, v6;
	v17 =	vmul.f32 v17, v19  }
0xba: {  	v8 =	vmul.f32 v16, v8;
	v5 =	vadd.f32 $1.000000050e-03, v5;
	v4 =	vadd.f32 v3, v4  }
0xbb: {  	v6 =	vadd.f32 $1.000000050e-03, v6;
	v2 =	vmul.f32 $6.000000000e+00, v2;
	v44 =	vmul.f32 v17, v42  }
0xbc: {  	v10 =	vmul.f32 v16, v10;
	v8 =	vadd.f32 $1.000000050e-03, v8;
	v5 =	vadd.f32 v4, v5  }
0xbd: {  	v2 =	vadd.f32 $-3.000000000e+00, v2;
	v3 =	vmul.f32 $6.000000000e+00, v3;
	v16 =	vmul.f32 v44, v17  }
0xbe: {  	v10 =	vadd.f32 $1.000000050e-03, v10;
	v4 =	vmul.f32 $6.000000000e+00, v4;
	v6 =	vadd.f32 v5, v6  }
0xbf: {  	v3 =	vadd.f32 $-3.000000000e+00, v3;
	v47 =	vnsel vm6, $0xC0400000, v2;
	v16 =	vsub.f32 $1.500000000e+00, v16  }
0xc0: {  	v5 =	vmul.f32 $6.000000000e+00, v5;
	v4 =	vadd.f32 $-3.000000000e+00, v4;
	v8 =	vadd.f32 v6, v8  }
0xc1: {  	v2 =	vsel vm6, v3, v2;
	v6 =	vmul.f32 $6.000000000e+00, v6;
	v16 =	vmul.f32 v16, v17  }
0xc2: {  	v5 =	vadd.f32 $-3.000000000e+00, v5;
	v45 =	vmul.f32 $6.000000000e+00, v8;
	v8 =	vadd.f32 v8, v10  }
0xc3: {  	v2 =	vsel vm1, v4, v2;
	v18 =	vmul.f32 v16, v42  }
0xc4: {  	v6 =	vadd.f32 $-3.000000000e+00, v6;
	v2 =	vsel vm0, v5, v2;
	v8 =	vmul.f32 $6.000000000e+00, v8  }
0xc5: {  	v46 =	vadd.f32 $-3.000000000e+00, v45;
	v17 =	vsel vm1, v3, v47;
	v48 =	vmul.f32 v18, v16  }
0xc6: {  	v2 =	vsel vm2, v6, v2;
	v8 =	vadd.f32 $-3.000000000e+00, v8;
	v3 =	vsel vm0, v4, v17  }
0xc7: {  	v2 =	vsel vm3, v46, v2;
	v3 =	vsel vm2, v5, v3;
	v4 =	vsub.f32 $1.500000000e+00, v48  }
0xc8: {  	v2 =	vsel vm5, v8, v2;
	v3 =	vsel vm3, v6, v3  }
0xc9: {  	v49 =	vmul.f32 $9.499999880e-01, v38;
	v3 =	vsel vm5, v46, v3;
	v4 =	vmul.f32 v4, v16  }
0xca: {  	v2 =	vsel vm4, $0x40400000, v2;
	v3 =	vsel vm4, v8, v3  }
0xcb: {  	v5 =	vadd.f32 $2.500000040e-02, v49;
	v50 =	vsub.f32 v2, v3;
	v4 =	vmul.f32 v4, v15;
	_ =	sdelay $0x1  }
0xcc: {  	(erf) = vrcp.f32 v50;
	v51 =	vmul.f32 v4, v5;
	_ =	sdelay $0x1  }
0xcd: {  	v52 =	vsub.f32 v4, v51;
	_ =	sdelay $0x1  }
0xce: {  	v9 =	vmul.f32 v9, v5;
	v53 =	vmul.f32 v52, v11;
	_ =	sdelay $0x1  }
0xcf: {  	v54 =	vsub.f32 $1.000000000e+00, v5;
	v9 =	vadd.f32 v53, v9  }
0xd0: {  	v12 =	vsub.f32 v1, v33  }
0xd1: {  	v56 =	vadd.f32 v51, v54;
	v7 =	vmul.f32 v9, v7  }
0xd2: {  	v57 =	vmul.f32 v39, v12;
	v55 =	vpop (erf)  }
0xd3: {  	(erf) = vrcp.f32 v56;
	v7 =	vmul.f32 v7, v55;
	_ =	sdelay $0x1  }
0xd4: {  	v58 =	vsub.f32 v5, v57;
	v12 =	vmul.f32 v7, v57;
	_ =	sdelay $0x1  }
0xd5: {  	v15 =	vmul.f32 v4, v58;
	v59 =	vsub.f32 v7, v12  }
0xd6: {  	v10 =	vmul.f32 v54, v3  }
0xd7: {  	v8 =	vmul.f32 v51, v2;
	v12 =	vadd.f32 v12, v58;
	v13 =	vsub.f32 v59, v15  }
0xd8: {  	vm10 =	vle.f32 v57, v5  }
0xd9: {  	v8 =	vadd.f32 v8, v10;
	v60 =	vsel vm10, v12, v13  }
0xda: {  	v61 =	vpop (erf);
	v13 =	vmul.f32 v60, v60  }
0xdb: {  	v8 =	vmul.f32 v61, v8;
	(erf) = vrcp.f32 v60  }
0xdc: {  	(erf) = vrcp.f32 v13  }
0xdd: {  	v62 =	vsub.f32 v8, v3;
	v12 =	vsub.f32 v2, v8;
	_ =	sdelay $0x1  }
0xde: {  	v5 =	vmul.f32 v62, v5;
	v6 =	vmul.f32 v12, v52;
	_ =	sdelay $0x1  }
0xdf: {  	v5 =	vsel vm10, v5, v6  }
0xe0: {  	v5 =	vmul.f32 v5, v7;
	_ =	sdelay $0x1  }
0xe1: {  	v5 =	vmul.f32 v5, v39;
	v63 =	vpop (erf)  }
0xe2: {  	v16 =	vpop (erf)  }
0xe3: {  	v5 =	vmul.f32 v16, v5;
	_ =	sdelay $0x1  }
0xe4: {  	v10 =	vand.u32 $0x7FFFFF, v5  }
0xe5: {  	v10 =	vor.u32 $0x3F800000, v10  }
0xe6: {  	v17 =	vmul.f32 $5.000000000e-01, v10  }
0xe7: {  	vm11 =	vgt.f32 v10, $1.414213540e+00  }
0xe8: {  	v10 =	vsel vm11, v17, v10  }
0xe9: {  	v12 =	vadd.f32 $1.000000000e+00, v10;
	_ =	sdelay $0x1  }
0xea: {  	(erf) = vrcp.f32 v12;
	_ =	sdelay $0x7  }
0xeb: {  	v10 =	vadd.f32 $-1.000000000e+00, v10  }
0xec: {  	v12 =	vpop (erf)  }
0xed: {  	v10 =	vmul.f32 v12, v10;
	_ =	sdelay $0x1  }
0xee: {  	v12 =	vmul.f32 v10, v10;
	_ =	sdelay $0x1  }
0xef: {  	v18 =	vmul.f32 $1.111111120e-01, v12;
	_ =	sdelay $0x1  }
0xf0: {  	v13 =	vadd.f32 $1.428571490e-01, v18;
	_ =	sdelay $0x1  }
0xf1: {  	v13 =	vmul.f32 v13, v12;
	_ =	sdelay $0x1  }
0xf2: {  	v13 =	vadd.f32 $2.000000030e-01, v13  }
0xf3: {  	v7 =	vmul.f32 v7, v8  }
0xf4: {  	v19 =	vmul.f32 v13, v12  }
0xf5: {  	v2 =	vmul.f32 v4, v2;
	v9 =	vmul.f32 v7, v57  }
0xf6: {  	v3 =	vmul.f32 v58, v3;
	v20 =	vadd.f32 $3.333333430e-01, v19  }
0xf7: {  	v2 =	vmul.f32 v2, v58;
	v7 =	vsub.f32 v7, v9;
	v5 =	vshrl.u32 v5, $0x17  }
0xf8: {  	v5 =	vand.u32 $0xFF, v5;
	v21 =	vsel vm11, $0xFFFFFF82, v0;
	v4 =	vmul.f32 v20, v12  }
0xf9: {  	v3 =	vadd.f32 v9, v3;
	v2 =	vsub.f32 v7, v2;
	v5 =	vadd.s32 v5, v21  }
0xfa: {  	v5 =	vcvt.s32.f32 v5;
	v22 =	vadd.f32 v10, v10;
	v4 =	vadd.f32 $1.000000000e+00, v4;
	_ =	sdelay $0x1  }
0xfb: {  	v2 =	vsel vm10, v3, v2;
	v3 =	vmul.f32 $6.931471820e-01, v5;
	v4 =	vmul.f32 v4, v22  }
0xfc: {  	v23 =	vand.u32 $0x7FFFFFFF, v1;
	v2 =	vmul.f32 v63, v2  }
0xfd: {  	vm12 =	vgt.f32 v23, $3.000000000e+00;
	v3 =	vadd.f32 v4, v3  }
0xfe: {  	v1 =	vsel vm12, v1, v2  }
0xff: {  	s21 =	sor.u32 $0x10, s21;
	[tilespmem:s0+$0x0] =	vst v1;
	v2 =	vsel vm12, $0x0, v3  }
0x100: {  	s1 =	sor.u32 s1, s21;
	s31 =	rddreg [dreg:$0x12];
	[tilespmem:s3+$0x0] =	vst v2  }
0x101: {  	s31 =	sor.u32 s21, s31;
	v1 =	vld [tilespmem:s1+$0x0]  }
0x102: {  	v2 =	vld [tilespmem:s31+$0x0];
	s31 =	rddreg [dreg:$0x14]  }
0x103: {  	s31 =	sor.u32 s21, s31  }
0x104: {  	v3 =	vld [tilespmem:s31+$0x0];
	s31 =	rddreg [dreg:$0x16]  }
0x105: {  	s31 =	sor.u32 s21, s31  }
0x106: {  	v24 =	vld [tilespmem:s31+$0x0];
	s31 =	rddreg [dreg:$0x18];
	v1 =	vmul.f32 $1.442695020e+00, v1  }
0x107: {  	s31 =	sor.u32 s21, s31;
	v2 =	vmul.f32 $1.442695020e+00, v2  }
0x108: {  	v25 =	vld [tilespmem:s31+$0x0];
	s31 =	rddreg [dreg:$0x1a];
	(erf) = vpow2.f32 v1  }
0x109: {  	s31 =	sor.u32 s21, s31;
	v1 =	vmul.f32 $1.442695020e+00, v3;
	(erf) = vpow2.f32 v2  }
0x10a: {  	v2 =	vld [tilespmem:s31+$0x0];
	s31 =	rddreg [dreg:$0x1c]  }
0x10b: {  	s31 =	sor.u32 s21, s31;
	(erf) = vpow2.f32 v1;
	v1 =	vmul.f32 $1.442695020e+00, v24  }
0x10c: {  	v3 =	vld [tilespmem:s31+$0x0];
	s31 =	rddreg [dreg:$0x1e]  }
0x10d: {  	s31 =	sor.u32 s21, s31;
	(erf) = vpow2.f32 v1;
	v1 =	vmul.f32 $1.442695020e+00, v25  }
0x10e: {  	v26 =	vld [tilespmem:s31+$0x0]  }
0x10f: {  	(erf) = vpow2.f32 v1;
	v1 =	vmul.f32 $1.442695020e+00, v2;
	_ =	sdelay $0x1  }
0x110: {  	v2 =	vpop (erf);
	(erf) = vpow2.f32 v1;
	v1 =	vmul.f32 $1.442695020e+00, v3  }
0x111: {  	v3 =	vpop (erf)  }
0x112: {  	(erf) = vpow2.f32 v1;
	v1 =	vmul.f32 $1.442695020e+00, v26;
	v27 =	vadd.f32 v3, v2  }
0x113: {  	v28 =	vpop (erf)  }
0x114: {  	(erf) = vpow2.f32 v1;
	v1 =	vadd.f32 v28, v27  }
0x115: {  	v29 =	vpop (erf)  }
0x116: {  	v1 =	vadd.f32 v29, v1  }
0x117: {  	v30 =	vpop (erf)  }
0x118: {  	v1 =	vadd.f32 v30, v1  }
0x119: {  	v31 =	vpop (erf)  }
0x11a: {  	v1 =	vadd.f32 v31, v1  }
0x11b: {  	v32 =	vpop (erf)  }
0x11c: {  	v1 =	vadd.f32 v32, v1  }
0x11d: {  	v33 =	vpop (erf)  }
0x11e: {  	v1 =	vadd.f32 v33, v1;
	_ =	sdelay $0x1  }
0x11f: {  	(erf) = vrcp.f32 v1;
	_ =	sdelay $0x3  }
0x120: {  	s12 =	sor.u32 s21, s12  }
0x121: {  	s29 =	sor.u32 s21, s29;
	v43 =	vld [tilespmem:s12+$0x0]  }
0x122: {  	v1 =	vld [tilespmem:s29+$0x0];
	_ =	sdelay $0x2  }
0x123: {  	s25 =	sor.u32 s21, s25;
	v35 =	vpop (erf)  }
0x124: {  	v34 =	vld [tilespmem:s25+$0x0];
	v10 =	vmul.f32 $9.919999830e-01, v35  }
0x125: {  	s24 =	sor.u32 s21, s24;
	v51 =	vmul.f32 $1.442695020e+00, v43;
	v1 =	vmul.f32 $1.442695020e+00, v1  }
0x126: {  	v36 =	vld [tilespmem:s24+$0x0];
	v2 =	vmul.f32 v10, v2;
	v3 =	vmul.f32 v10, v3  }
0x127: {  	s17 =	sor.u32 s21, s17;
	(erf) = vpow2.f32 v1;
	v5 =	vmul.f32 v10, v28  }
0x128: {  	v37 =	vld [tilespmem:s17+$0x0];
	v4 =	vmul.f32 v10, v29;
	v38 =	vadd.f32 $1.000000050e-03, v2;
	v2 =	vadd.f32 $1.000000050e-03, v3  }
0x129: {  	s29 =	sor.u32 s21, s20;
	v40 =	vmul.f32 v10, v30;
	v3 =	vmul.f32 $1.442695020e+00, v34  }
0x12a: {  	s31 =	sor.u32 s21, s18;
	v39 =	vld [tilespmem:s29+$0x0];
	v41 =	vmul.f32 v10, v31;
	v5 =	vadd.f32 $1.000000050e-03, v5;
	v1 =	vadd.f32 v2, v38  }
0x12b: {  	v42 =	vld [tilespmem:s31+$0x0];
	(erf) = vpow2.f32 v3;
	v2 =	vmul.f32 $1.442695020e+00, v36  }
0x12c: {  	v8 =	vmul.f32 v10, v32;
	v3 =	vadd.f32 $1.000000050e-03, v4;
	v5 =	vadd.f32 v1, v5  }
0x12d: {  	(erf) = vpow2.f32 v2;
	v2 =	vmul.f32 $1.442695020e+00, v37  }
0x12e: {  	v4 =	vadd.f32 $1.000000050e-03, v40;
	v1 =	vmul.f32 $6.000000000e+00, v1;
	v3 =	vadd.f32 v5, v3  }
0x12f: {  	s18 =	sor.u32 s21, s14;
	(erf) = vpow2.f32 v2;
	v2 =	vmul.f32 $1.442695020e+00, v39  }
0x130: {  	v44 =	vld [tilespmem:s18+$0x0];
	v47 =	vmul.f32 $1.442695020e+00, v42;
	v6 =	vadd.f32 $1.000000050e-03, v41;
	v4 =	vadd.f32 v3, v4  }
0x131: {  	v8 =	vadd.f32 $1.000000050e-03, v8;
	v5 =	vmul.f32 $6.000000000e+00, v5;
	v9 =	vadd.f32 $-3.000000000e+00, v1  }
0x132: {  	s22 =	sor.u32 s21, s22;
	(erf) = vpow2.f32 v2;
	v45 =	vmul.f32 $6.000000000e+00, v3;
	v1 =	vadd.f32 v4, v6  }
0x133: {  	v52 =	vld [tilespmem:s22+$0x0];
	v10 =	vadd.f32 $-3.000000000e+00, v5;
	v56 =	vadd.f32 $9.999999970e-07, v9;
	v2 =	vpop (erf);
	v46 =	vmul.f32 $6.000000000e+00, v4  }
0x134: {  	s20 =	sor.u32 s21, s13;
	(erf) = vpow2.f32 v47;
	v3 =	vpop (erf);
	v49 =	vmul.f32 $6.000000000e+00, v1;
	v8 =	vadd.f32 v1, v8;
	v1 =	vld [tilespmem:s1+$0xF800]  }
0x135: {  	s24 =	sor.u32 s21, s15;
	v54 =	vmul.f32 $1.442695020e+00, v44;
	v48 =	vld [tilespmem:s20+$0x0];
	v14 =	vadd.f32 $-3.000000000e+00, v45;
	v50 =	vadd.f32 v3, v2  }
0x136: {  	s25 =	sor.u32 s21, s23;
	v53 =	vld [tilespmem:s24+$0x0];
	v58 =	vadd.f32 $9.999999970e-07, v10;
	(erf) = vpow2.f32 v51;
	v17 =	vadd.f32 $-3.000000000e+00, v46;
	v4 =	vpop (erf)  }
0x137: {  	s26 =	sor.u32 s21, s26;
	v55 =	vld [tilespmem:s25+$0x0];
	v61 =	vadd.f32 $9.999999970e-07, v14;
	v8 =	vmul.f32 $6.000000000e+00, v8;
	v16 =	vadd.f32 v4, v50  }
0x138: {  	s11 =	sor.u32 s21, s11;
	v57 =	vld [tilespmem:s26+$0x0];
	(erf) = vpow2.f32 v54;
	v19 =	vadd.f32 $-3.000000000e+00, v49;
	v63 =	vadd.f32 $9.999999970e-07, v17;
	v5 =	vpop (erf)  }
0x139: {  	v59 =	vld [tilespmem:s11+$0x0];
	s29 =	sor.u32 s21, s28;
	v16 =	vadd.f32 v5, v16;
	v22 =	vadd.f32 $-3.000000000e+00, v8;
	vm13 =	vle.f32 v56, v1  }
0x13a: {  	v62 =	vld [tilespmem:s29+$0x0];
	v29 =	vadd.f32 $9.999999970e-07, v19;
	vm14 =	vle.f32 v58, v1;
	v28 =	vsel vm13, v52, v48  }
0x13b: {  	v6 =	vpop (erf);
	vm15 =	vle.f32 v61, v1;
	vm9 =	vle.f32 v63, v1;
	v24 =	vsel vm14, v53, v28  }
0x13c: {  	v60 =	vadd.f32 v6, v16;
	v30 =	vadd.f32 $9.999999970e-07, v22;
	v24 =	vsel vm15, v55, v24  }
0x13d: {  	vm10 =	vle.f32 v29, v1;
	v7 =	vpop (erf);
	v31 =	vsel vm9, v57, v24  }
0x13e: {  	v32 =	vadd.f32 v7, v60;
	vm11 =	vle.f32 v30, v1;
	v16 =	vsel vm10, v59, v31  }
0x13f: {  	v33 =	vpop (erf);
	v16 =	vsel vm11, v62, v16  }
0x140: {  	v13 =	vmul.f32 $6.000000000e+00, v38;
	v24 =	vadd.f32 v33, v32;
	v34 =	vand.u32 $0x7FFFFFFF, v16  }
0x141: {  	v35 =	vpop (erf);
	v25 =	vsub.f32 $0.0e+00, v34  }
0x142: {  	v13 =	vadd.f32 $-3.000000000e+00, v13;
	v24 =	vadd.f32 v35, v24  }
0x143: {  	v25 =	vmul.f32 $1.442695020e+00, v25  }
0x144: {  	v36 =	vadd.f32 $9.999999970e-07, v13;
	(erf) = vrcp.f32 v24  }
0x145: {  	(erf) = vpow2.f32 v25  }
0x146: {  	vm12 =	vle.f32 v36, v1  }
0x147: {  	v11 =	vsel vm12, v52, v48  }
0x148: {  	v11 =	vsel vm13, v53, v11  }
0x149: {  	v11 =	vsel vm14, v55, v11  }
0x14a: {  	v11 =	vsel vm15, v57, v11  }
0x14b: {  	v11 =	vsel vm9, v59, v11  }
0x14c: {  	v11 =	vsel vm10, v62, v11  }
0x14d: {  	v38 =	vand.u32 $0x7FFFFFFF, v11;
	v37 =	vpop (erf)  }
0x14e: {  	v15 =	vsub.f32 $0.0e+00, v38;
	v39 =	vpop (erf)  }
0x14f: {  	v40 =	vadd.f32 $2.000000000e+00, v39  }
0x150: {  	v15 =	vmul.f32 $1.442695020e+00, v15  }
0x151: {  	(erf) = vrcp.f32 v40  }
0x152: {  	(erf) = vpow2.f32 v15;
	_ =	sdelay $0x7  }
0x153: {  	v41 =	vpop (erf)  }
0x154: {  	v42 =	vpop (erf)  }
0x155: {  	v43 =	vadd.f32 $2.000000000e+00, v42;
	_ =	sdelay $0x1  }
0x156: {  	(erf) = vrcp.f32 v43;
	_ =	sdelay $0x4  }
0x157: {  	s10 =	sor.u32 s21, s10  }
0x158: {  	s31 =	sor.u32 s21, s16;
	v44 =	vld [tilespmem:s10+$0x0]  }
0x159: {  	s9 =	sor.u32 s21, s9;
	v45 =	vld [tilespmem:s31+$0x0]  }
0x15a: {  	s7 =	sor.u32 s21, s7;
	v46 =	vld [tilespmem:s9+$0x0]  }
0x15b: {  	s6 =	sor.u32 s21, s6;
	v47 =	vld [tilespmem:s7+$0x0];
	v48 =	vpop (erf)  }
0x15c: {  	s5 =	sor.u32 s21, s5;
	v49 =	vld [tilespmem:s6+$0x0];
	v20 =	vmul.f32 v48, v42  }
0x15d: {  	s4 =	sor.u32 s21, s4;
	v50 =	vld [tilespmem:s5+$0x0]  }
0x15e: {  	s2 =	sor.u32 s21, s2;
	v51 =	vld [tilespmem:s4+$0x0];
	v21 =	vsel vm12, v45, v44;
	v52 =	vmul.f32 v20, v20  }
0x15f: {  	v53 =	vld [tilespmem:s2+$0x0];
	v21 =	vsel vm13, v46, v21  }
0x160: {  	v21 =	vsel vm14, v47, v21;
	v54 =	vmul.f32 $1.111111120e-01, v52  }
0x161: {  	v21 =	vsel vm15, v49, v21  }
0x162: {  	v21 =	vsel vm9, v50, v21;
	v24 =	vadd.f32 $1.428571490e-01, v54  }
0x163: {  	v21 =	vsel vm10, v51, v21  }
0x164: {  	v21 =	vsel vm11, v53, v21;
	v24 =	vmul.f32 v24, v52  }
0x165: {  	v21 =	vsub.f32 $0.0e+00, v21;
	v15 =	vmul.f32 v41, v39  }
0x166: {  	v55 =	vadd.f32 $2.000000030e-01, v24  }
0x167: {  	v21 =	vmul.f32 $1.442695020e+00, v21;
	v57 =	vmul.f32 v15, v15  }
0x168: {  	v18 =	vmul.f32 v55, v52  }
0x169: {  	(erf) = vpow2.f32 v21;
	v59 =	vmul.f32 $1.111111120e-01, v57  }
0x16a: {  	v56 =	vnsel vm12, $0xC0400000, v13;
	v18 =	vadd.f32 $3.333333430e-01, v18  }
0x16b: {  	v23 =	vsel vm13, v9, v56;
	v9 =	vsel vm12, v9, v13;
	v60 =	vadd.f32 $1.428571490e-01, v59  }
0x16c: {  	v9 =	vsel vm13, v10, v9;
	v61 =	vmul.f32 v18, v52  }
0x16d: {  	v58 =	vsel vm14, v10, v23;
	v9 =	vsel vm14, v14, v9;
	v10 =	vmul.f32 v60, v57  }
0x16e: {  	v9 =	vsel vm15, v17, v9;
	v63 =	vadd.f32 v20, v20;
	v13 =	vadd.f32 $1.000000000e+00, v61  }
0x16f: {  	v9 =	vsel vm9, v19, v9;
	v10 =	vadd.f32 $2.000000030e-01, v10  }
0x170: {  	v9 =	vsel vm10, v22, v9;
	v21 =	vsel vm15, v14, v58;
	v13 =	vmul.f32 v13, v63  }
0x171: {  	v11 =	vmax.f32 v11, $0.0e+00;
	v62 =	vsel vm9, v17, v21;
	v10 =	vmul.f32 v10, v57  }
0x172: {  	v9 =	vsel vm11, $0x40400000, v9;
	v23 =	vpop (erf);
	v18 =	vsel vm10, v19, v62;
	v11 =	vadd.f32 v13, v11  }
0x173: {  	v10 =	vadd.f32 $3.333333430e-01, v10;
	v21 =	vsel vm11, v22, v18;
	v13 =	vadd.f32 $1.000000000e+00, v23  }
0x174: {  	v9 =	vsub.f32 v9, v21;
	v11 =	vadd.f32 $1.000000050e-03, v11  }
0x175: {  	(erf) = vrcp.f32 v13  }
0x176: {  	v10 =	vmul.f32 v10, v57;
	(erf) = vrcp.f32 v9;
	v11 =	vsel vm11, $0x3F7FBE77, v11  }
0x177: {  	(erf) = vrcp.f32 v11  }
0x178: {  	v25 =	vadd.f32 v15, v15;
	v10 =	vadd.f32 $1.000000000e+00, v10;
	_ =	sdelay $0x1  }
0x179: {  	v10 =	vmul.f32 v10, v25  }
0x17a: {  	v26 =	vmax.f32 v16, $0.0e+00  }
0x17b: {  	v10 =	vadd.f32 v10, v26;
	_ =	sdelay $0x1  }
0x17c: {  	v10 =	vadd.f32 $1.000000050e-03, v10;
	v27 =	vpop (erf)  }
0x17d: {  	v28 =	vpop (erf)  }
0x17e: {  	v10 =	vnsel vm12, $0x3F7FBE77, v10;
	v29 =	vpop (erf)  }
0x17f: {  	v16 =	vmul.f32 v29, v10;
	_ =	sdelay $0x1  }
0x180: {  	v30 =	vshra.s32 v16, $0x1;
	v31 =	vmul.f32 $5.000000000e-01, v16  }
0x181: {  	v12 =	vmul.f32 $9.919999830e-01, v37;
	v17 =	vsub.s32 $0x5F3759DF, v30  }
0x182: {  	v32 =	vmul.f32 v17, v31  }
0x183: {  	v2 =	vmul.f32 v12, v2;
	v3 =	vmul.f32 v12, v3  }
0x184: {  	v19 =	vmul.f32 v17, v32  }
0x185: {  	v4 =	vmul.f32 v12, v4;
	v2 =	vadd.f32 $1.000000050e-03, v2;
	v3 =	vadd.f32 $1.000000050e-03, v3  }
0x186: {  	v5 =	vmul.f32 v12, v5;
	v19 =	vsub.f32 $1.500000000e+00, v19  }
0x187: {  	v6 =	vmul.f32 v12, v6;
	v4 =	vadd.f32 $1.000000050e-03, v4;
	v3 =	vadd.f32 v3, v2  }
0x188: {  	v7 =	vmul.f32 v12, v7;
	v17 =	vmul.f32 v17, v19  }
0x189: {  	v8 =	vmul.f32 v12, v33;
	v5 =	vadd.f32 $1.000000050e-03, v5;
	v4 =	vadd.f32 v3, v4  }
0x18a: {  	v6 =	vadd.f32 $1.000000050e-03, v6;
	v2 =	vmul.f32 $6.000000000e+00, v2;
	v33 =	vmul.f32 v17, v31  }
0x18b: {  	v7 =	vadd.f32 $1.000000050e-03, v7;
	v5 =	vadd.f32 v4, v5  }
0x18c: {  	v2 =	vadd.f32 $-3.000000000e+00, v2;
	v3 =	vmul.f32 $6.000000000e+00, v3;
	v12 =	vmul.f32 v33, v17  }
0x18d: {  	v8 =	vadd.f32 $1.000000050e-03, v8;
	v4 =	vmul.f32 $6.000000000e+00, v4;
	v6 =	vadd.f32 v5, v6  }
0x18e: {  	v3 =	vadd.f32 $-3.000000000e+00, v3;
	v36 =	vnsel vm12, $0xC0400000, v2;
	v12 =	vsub.f32 $1.500000000e+00, v12  }
0x18f: {  	v5 =	vmul.f32 $6.000000000e+00, v5;
	v4 =	vadd.f32 $-3.000000000e+00, v4;
	v7 =	vadd.f32 v6, v7  }
0x190: {  	v2 =	vsel vm12, v3, v2;
	v6 =	vmul.f32 $6.000000000e+00, v6;
	v12 =	vmul.f32 v12, v17  }
0x191: {  	v5 =	vadd.f32 $-3.000000000e+00, v5;
	v34 =	vmul.f32 $6.000000000e+00, v7;
	v7 =	vadd.f32 v7, v8  }
0x192: {  	v2 =	vsel vm13, v4, v2;
	v18 =	vmul.f32 v12, v31  }
0x193: {  	v6 =	vadd.f32 $-3.000000000e+00, v6;
	v2 =	vsel vm14, v5, v2;
	v7 =	vmul.f32 $6.000000000e+00, v7  }
0x194: {  	v35 =	vadd.f32 $-3.000000000e+00, v34;
	v17 =	vsel vm13, v3, v36;
	v37 =	vmul.f32 v18, v12  }
0x195: {  	v2 =	vsel vm15, v6, v2;
	v7 =	vadd.f32 $-3.000000000e+00, v7;
	v3 =	vsel vm14, v4, v17  }
0x196: {  	v2 =	vsel vm9, v35, v2;
	v3 =	vsel vm15, v5, v3;
	v4 =	vsub.f32 $1.500000000e+00, v37  }
0x197: {  	v2 =	vsel vm10, v7, v2;
	v3 =	vsel vm9, v6, v3  }
0x198: {  	v38 =	vmul.f32 $9.499999880e-01, v27;
	v3 =	vsel vm10, v35, v3;
	v4 =	vmul.f32 v4, v12  }
0x199: {  	v2 =	vsel vm11, $0x40400000, v2;
	v3 =	vsel vm11, v7, v3  }
0x19a: {  	v5 =	vadd.f32 $2.500000040e-02, v38;
	v39 =	vsub.f32 v2, v3;
	v4 =	vmul.f32 v4, v16;
	_ =	sdelay $0x1  }
0x19b: {  	(erf) = vrcp.f32 v39;
	v40 =	vmul.f32 v4, v5;
	_ =	sdelay $0x1  }
0x19c: {  	v41 =	vsub.f32 v4, v40;
	_ =	sdelay $0x1  }
0x19d: {  	v42 =	vmul.f32 v10, v5;
	v43 =	vmul.f32 v41, v11;
	_ =	sdelay $0x1  }
0x19e: {  	v44 =	vsub.f32 $1.000000000e+00, v5;
	v8 =	vadd.f32 v43, v42  }
0x19f: {  	v47 =	vsub.f32 v1, v21  }
0x1a0: {  	v46 =	vadd.f32 v40, v44;
	v8 =	vmul.f32 v8, v9  }
0x1a1: {  	v48 =	vmul.f32 v28, v47;
	v45 =	vpop (erf)  }
0x1a2: {  	(erf) = vrcp.f32 v46;
	v8 =	vmul.f32 v8, v45;
	_ =	sdelay $0x1  }
0x1a3: {  	v49 =	vsub.f32 v5, v48;
	v12 =	vmul.f32 v8, v48;
	_ =	sdelay $0x1  }
0x1a4: {  	v51 =	vmul.f32 v4, v49;
	v50 =	vsub.f32 v8, v12  }
0x1a5: {  	v10 =	vmul.f32 v44, v3  }
0x1a6: {  	v7 =	vmul.f32 v40, v2;
	v12 =	vadd.f32 v12, v49;
	v13 =	vsub.f32 v50, v51  }
0x1a7: {  	vm13 =	vle.f32 v48, v5  }
0x1a8: {  	v7 =	vadd.f32 v7, v10;
	v52 =	vsel vm13, v12, v13  }
0x1a9: {  	v53 =	vpop (erf);
	v13 =	vmul.f32 v52, v52  }
0x1aa: {  	v7 =	vmul.f32 v53, v7;
	(erf) = vrcp.f32 v52  }
0x1ab: {  	(erf) = vrcp.f32 v13  }
0x1ac: {  	v54 =	vsub.f32 v7, v3;
	v12 =	vsub.f32 v2, v7;
	_ =	sdelay $0x1  }
0x1ad: {  	v5 =	vmul.f32 v54, v5;
	v6 =	vmul.f32 v12, v41;
	_ =	sdelay $0x1  }
0x1ae: {  	v5 =	vsel vm13, v5, v6  }
0x1af: {  	v5 =	vmul.f32 v5, v8;
	_ =	sdelay $0x1  }
0x1b0: {  	v5 =	vmul.f32 v5, v28;
	v55 =	vpop (erf)  }
0x1b1: {  	v56 =	vpop (erf)  }
0x1b2: {  	v5 =	vmul.f32 v56, v5;
	_ =	sdelay $0x1  }
0x1b3: {  	v10 =	vand.u32 $0x7FFFFF, v5  }
0x1b4: {  	v10 =	vor.u32 $0x3F800000, v10  }
0x1b5: {  	v57 =	vmul.f32 $5.000000000e-01, v10  }
0x1b6: {  	vm14 =	vgt.f32 v10, $1.414213540e+00  }
0x1b7: {  	v10 =	vsel vm14, v57, v10  }
0x1b8: {  	v12 =	vadd.f32 $1.000000000e+00, v10;
	_ =	sdelay $0x1  }
0x1b9: {  	(erf) = vrcp.f32 v12;
	_ =	sdelay $0x7  }
0x1ba: {  	v10 =	vadd.f32 $-1.000000000e+00, v10  }
0x1bb: {  	v12 =	vpop (erf)  }
0x1bc: {  	v10 =	vmul.f32 v12, v10;
	_ =	sdelay $0x1  }
0x1bd: {  	v12 =	vmul.f32 v10, v10;
	_ =	sdelay $0x1  }
0x1be: {  	v58 =	vmul.f32 $1.111111120e-01, v12;
	_ =	sdelay $0x1  }
0x1bf: {  	v13 =	vadd.f32 $1.428571490e-01, v58;
	_ =	sdelay $0x1  }
0x1c0: {  	v13 =	vmul.f32 v13, v12;
	_ =	sdelay $0x1  }
0x1c1: {  	v13 =	vadd.f32 $2.000000030e-01, v13  }
0x1c2: {  	v7 =	vmul.f32 v8, v7  }
0x1c3: {  	v59 =	vmul.f32 v13, v12  }
0x1c4: {  	v2 =	vmul.f32 v4, v2;
	v9 =	vmul.f32 v7, v48  }
0x1c5: {  	v3 =	vmul.f32 v49, v3;
	v60 =	vadd.f32 $3.333333430e-01, v59  }
0x1c6: {  	v2 =	vmul.f32 v2, v49;
	v7 =	vsub.f32 v7, v9;
	v5 =	vshrl.u32 v5, $0x17  }
0x1c7: {  	v5 =	vand.u32 $0xFF, v5;
	v61 =	vsel vm14, $0xFFFFFF82, v0;
	v4 =	vmul.f32 v60, v12  }
0x1c8: {  	v3 =	vadd.f32 v9, v3;
	v2 =	vsub.f32 v7, v2;
	v5 =	vadd.s32 v5, v61  }
0x1c9: {  	v5 =	vcvt.s32.f32 v5;
	v62 =	vadd.f32 v10, v10;
	v4 =	vadd.f32 $1.000000000e+00, v4;
	_ =	sdelay $0x1  }
0x1ca: {  	p2 =	sne.s32 s8, $0x3E0;
	v2 =	vsel vm13, v3, v2;
	v3 =	vmul.f32 $6.931471820e-01, v5;
	v4 =	vmul.f32 v4, v62  }
.Ltmp0:
0x1cb: {  	v63 =	vand.u32 $0x7FFFFFFF, v1;
	v2 =	vmul.f32 v55, v2;
	(pc) =	sbr.rel @p2 .LBB2_3-.Ltmp0, $4  }
0x1cc: {  	vm15 =	vgt.f32 v63, $3.000000000e+00;
	v3 =	vadd.f32 v4, v3  }
0x1cd: {  	v1 =	vsel vm15, v1, v2  }
0x1ce: {  	s30 =	sadd.s32 $0x20, s30;
	s8 =	sadd.s32 $0x20, s8;
	[tilespmem:s1+$0x10000] =	vst v1;
	v2 =	vsel vm15, $0x0, v3  }
0x1cf: {  	s19 =	sadd.s32 $0x20, s19;
	s0 =	sadd.s32 $0x20, s0;
	s3 =	sadd.s32 $0x20, s3;
	[tilespmem:s1+$0x10400] =	vst v2  }
0x1d0: {  	s0 =	rddreg [dreg:$0xa]  }
0x1d1: {  	s1 =	rddreg [dreg:$0x11]  }
0x1d2: {  	s0 =	sor.u32 s0, s1  }
0x1d3: {  	s24 =	rddreg [dreg:$0x9];
	s0 =	sshll.u32 s0, $0x7  }
0x1d4: {  	s25 =	rddreg [dreg:$0x2];
	s2 =	simm.s32 $0x0;
	s0 =	sor.u32 s24, s0  }
0x1d5: {  	s3 =	simm.s32 $0x10000;
	s26 =	rddreg [dreg:$0x3];
	s1 =	sadd.s32 s25, s0  }
0x1d6: {  	[hbm4b:s1+s2] =	stream.linear.scatter [tilespmem:s3], [sflag:$0x5], $0x400, $0x38;
	[tilespmem:$0x11000] =	vst v63  }
0x1d7: {  	s28 =	simm.s32 $0x10400;
	s0 =	sadd.s32 s26, s0;
	s1 =	simm.s32 @p0 $0x100000  }
0x1d8: {  	[hbm4b:s0+s2] =	stream.linear.scatter [tilespmem:s28], [sflag:$0x7], $0x400, $0x38;
	[tilespmem:$0x11000] =	vst v63  }
0x1d9: {  	s3 =	rddreg [dreg:$0xb];
	s0 =	simm.s32 @p0 $0x400;
	s2 =	simm.s32 @p0 $0x0  }
0x1da: {  	[tilespmem:s2], [sflag:$0x1] =	stream.strided.gather @p0 [hbm4b:s3+s0], $0x7C00, s1, s0, $0x38;
	[tilespmem:$0x11000] =	vst v63  }
0x1db: {  	s29 =	simm.s32 $0x2;
	s0 =	simm.s32 @p0 $0xF800;
	s1 =	rddreg [dreg:$0xc]  }
0x1dc: {  	[tilespmem:s0], [sflag:$0x3] =	stream.linear.gather @p0 [hbm4b:s1+s2], $0x400, $0x38;
	[tilespmem:$0x11000] =	vst v63  }
0x1dd: {  	_ =	swait.ge [sflag:s29], $0x7C00  }
0x1de: {  	[sflag:s29] =	ssyncset.done $0x0  }
0x1df: {  	s31 =	simm.s32 $0x4;
	[sflag:s29] =	ssyncadd.s32 $0xFFFF8400  }
0x1e0: {  	_ =	swait.ge [sflag:s31], $0x400  }
0x1e1: {  	[sflag:s31] =	ssyncset.done $0x0  }
0x1e2: {  	s0 =	simm.s32 @p1 $0x6;
	[sflag:s31] =	ssyncadd.s32 $0xFFFFFC00  }
0x1e3: {  	_ =	swait.ge @p1 [sflag:s0], $0x400  }
0x1e4: {  	[sflag:s0] =	ssyncset.done @p1 $0x0  }
0x1e5: {  	[sflag:s0] =	ssyncadd.s32 @p1 $0xFFFFFC00;
	s0 =	simm.s32 @p1 $0x8  }
0x1e6: {  	s30 =	simm.s32 $0x10C00;
	_ =	swait.ge @p1 [sflag:s0], $0x400  }
0x1e7: {  	s19 =	simm.s32 $0xFC00;
	s8 =	simm.s32 $0x7C00;
	[sflag:s0] =	ssyncset.done @p1 $0x0  }
0x1e8: {  	s3 =	simm.s32 $0x0;
	[sflag:s0] =	ssyncadd.s32 @p1 $0xFFFFFC00;
	s0 =	simm.s32 $0x10800  }
.LBB2_5:
0x1e9: {  	s1 =	sand.u32 $0x380, s3  }
0x1ea: {  	s21 =	sand.u32 $0x60, s3;
	s2 =	sor.u32 $0x8000, s1  }
0x1eb: {  	v1 =	vld [tilespmem:s8+$0x0];
	[dreg:$0x13] =	wrdreg s2;
	s2 =	sor.u32 s21, s2  }
0x1ec: {  	s12 =	sor.u32 $0x8400, s1;
	v2 =	vld [tilespmem:s2+$0x0]  }
0x1ed: {  	s2 =	sor.u32 s21, s12  }
0x1ee: {  	s13 =	sor.u32 $0x8800, s1;
	v3 =	vld [tilespmem:s2+$0x0]  }
0x1ef: {  	s2 =	sor.u32 s21, s13  }
0x1f0: {  	s14 =	sor.u32 $0x8C00, s1;
	v4 =	vld [tilespmem:s2+$0x0];
	v1 =	vmul.f32 $1.442695020e+00, v1  }
0x1f1: {  	s2 =	sor.u32 s21, s14;
	v2 =	vmul.f32 $1.442695020e+00, v2  }
0x1f2: {  	s15 =	sor.u32 $0x9000, s1;
	v5 =	vld [tilespmem:s2+$0x0];
	(erf) = vpow2.f32 v1  }
0x1f3: {  	s2 =	sor.u32 s21, s15;
	v1 =	vmul.f32 $1.442695020e+00, v3;
	(erf) = vpow2.f32 v2  }
0x1f4: {  	s16 =	sor.u32 $0x9400, s1;
	v2 =	vld [tilespmem:s2+$0x0]  }
0x1f5: {  	s2 =	sor.u32 s21, s16;
	(erf) = vpow2.f32 v1;
	v1 =	vmul.f32 $1.442695020e+00, v4  }
0x1f6: {  	s17 =	sor.u32 $0x9800, s1;
	v3 =	vld [tilespmem:s2+$0x0]  }
0x1f7: {  	s2 =	sor.u32 s21, s17;
	(erf) = vpow2.f32 v1;
	v1 =	vmul.f32 $1.442695020e+00, v5  }
0x1f8: {  	v18 =	vld [tilespmem:s2+$0x0]  }
0x1f9: {  	(erf) = vpow2.f32 v1;
	v1 =	vmul.f32 $1.442695020e+00, v2;
	_ =	sdelay $0x1  }
0x1fa: {  	v2 =	vpop (erf);
	(erf) = vpow2.f32 v1;
	v1 =	vmul.f32 $1.442695020e+00, v3  }
0x1fb: {  	v3 =	vpop (erf)  }
0x1fc: {  	(erf) = vpow2.f32 v1;
	v1 =	vmul.f32 $1.442695020e+00, v18;
	v19 =	vadd.f32 v3, v2  }
0x1fd: {  	v20 =	vpop (erf)  }
0x1fe: {  	(erf) = vpow2.f32 v1;
	v1 =	vadd.f32 v20, v19  }
0x1ff: {  	v21 =	vpop (erf)  }
0x200: {  	v1 =	vadd.f32 v21, v1  }
0x201: {  	v6 =	vpop (erf)  }
0x202: {  	v1 =	vadd.f32 v6, v1  }
0x203: {  	v7 =	vpop (erf)  }
0x204: {  	v1 =	vadd.f32 v7, v1  }
0x205: {  	v8 =	vpop (erf)  }
0x206: {  	v1 =	vadd.f32 v8, v1  }
0x207: {  	v9 =	vpop (erf)  }
0x208: {  	v1 =	vadd.f32 v9, v1;
	_ =	sdelay $0x1  }
0x209: {  	(erf) = vrcp.f32 v1;
	_ =	sdelay $0x5  }
0x20a: {  	[dreg:$0x15] =	wrdreg s12;
	s12 =	sor.u32 $0xB400, s1  }
0x20b: {  	s25 =	sor.u32 $0x9C00, s1;
	s31 =	sor.u32 s21, s12  }
0x20c: {  	s29 =	sor.u32 $0xA000, s1;
	s18 =	sor.u32 s21, s25;
	v28 =	vld [tilespmem:s31+$0x0]  }
0x20d: {  	s24 =	sor.u32 $0xA400, s1;
	s20 =	sor.u32 s21, s29;
	v1 =	vld [tilespmem:s18+$0x0];
	v10 =	vpop (erf)  }
0x20e: {  	s22 =	sor.u32 s21, s24;
	v22 =	vld [tilespmem:s20+$0x0];
	v10 =	vmul.f32 $9.919999830e-01, v10  }
0x20f: {  	[dreg:$0x1f] =	wrdreg s17;
	v11 =	vld [tilespmem:s22+$0x0];
	s17 =	sor.u32 $0xA800, s1  }
0x210: {  	s23 =	sor.u32 s21, s17;
	v2 =	vmul.f32 v10, v2;
	v3 =	vmul.f32 v10, v3  }
0x211: {  	s20 =	sor.u32 $0xAC00, s1;
	v32 =	vmul.f32 $1.442695020e+00, v28;
	v12 =	vld [tilespmem:s23+$0x0]  }
0x212: {  	s26 =	sor.u32 s21, s20;
	v1 =	vmul.f32 $1.442695020e+00, v1;
	v14 =	vadd.f32 $1.000000050e-03, v2;
	v2 =	vadd.f32 $1.000000050e-03, v3  }
0x213: {  	v23 =	vld [tilespmem:s26+$0x0];
	v5 =	vmul.f32 v10, v20;
	v3 =	vmul.f32 $1.442695020e+00, v22  }
0x214: {  	(erf) = vpow2.f32 v1;
	v1 =	vadd.f32 v2, v14;
	v2 =	vmul.f32 $1.442695020e+00, v11  }
0x215: {  	s18 =	sor.u32 $0xB000, s1;
	v4 =	vmul.f32 v10, v21;
	v5 =	vadd.f32 $1.000000050e-03, v5;
	(erf) = vpow2.f32 v3  }
0x216: {  	s28 =	sor.u32 s21, s18;
	(erf) = vpow2.f32 v2;
	v2 =	vmul.f32 $1.442695020e+00, v12  }
0x217: {  	v26 =	vld [tilespmem:s28+$0x0];
	v24 =	vmul.f32 v10, v6;
	v3 =	vadd.f32 $1.000000050e-03, v4;
	v5 =	vadd.f32 v1, v5  }
0x218: {  	(erf) = vpow2.f32 v2;
	v2 =	vmul.f32 $1.442695020e+00, v23  }
0x219: {  	[dreg:$0x19] =	wrdreg s14;
	s14 =	sor.u32 $0xB800, s1;
	v25 =	vmul.f32 v10, v7;
	v4 =	vadd.f32 $1.000000050e-03, v24;
	v3 =	vadd.f32 v5, v3  }
0x21a: {  	s4 =	sor.u32 s21, s14;
	v1 =	vmul.f32 $6.000000000e+00, v1;
	(erf) = vpow2.f32 v2  }
0x21b: {  	v15 =	vld [tilespmem:s4+$0x0];
	v27 =	vmul.f32 v10, v8;
	v6 =	vadd.f32 $1.000000050e-03, v25;
	v4 =	vadd.f32 v3, v4  }
0x21c: {  	[dreg:$0x17] =	wrdreg s13;
	s13 =	sor.u32 $0xBC00, s1;
	v31 =	vmul.f32 $1.442695020e+00, v26;
	v5 =	vmul.f32 $6.000000000e+00, v5;
	v7 =	vadd.f32 $-3.000000000e+00, v1  }
0x21d: {  	s5 =	sor.u32 s21, s13;
	v10 =	vadd.f32 $1.000000050e-03, v27;
	v29 =	vmul.f32 $6.000000000e+00, v3;
	v1 =	vadd.f32 v4, v6;
	v2 =	vpop (erf)  }
0x21e: {  	s22 =	sor.u32 $0xC000, s1;
	v16 =	vld [tilespmem:s5+$0x0];
	v9 =	vadd.f32 $-3.000000000e+00, v5;
	v20 =	vadd.f32 $9.999999970e-07, v7;
	v30 =	vmul.f32 $6.000000000e+00, v4;
	v3 =	vpop (erf)  }
0x21f: {  	[dreg:$0x1b] =	wrdreg s15;
	s6 =	sor.u32 s21, s22;
	s15 =	sor.u32 $0xC400, s1;
	v13 =	vmul.f32 $6.000000000e+00, v1;
	v10 =	vadd.f32 v1, v10;
	v1 =	vld [tilespmem:s19+$0x0];
	v4 =	vpop (erf);
	(erf) = vpow2.f32 v31  }
0x220: {  	s7 =	sor.u32 s21, s15;
	v15 =	vmul.f32 $1.442695020e+00, v15;
	s23 =	sor.u32 $0xC800, s1;
	v18 =	vld [tilespmem:s6+$0x0];
	v11 =	vadd.f32 $-3.000000000e+00, v29;
	v17 =	vadd.f32 v3, v2  }
0x221: {  	s26 =	sor.u32 $0xCC00, s1;
	v36 =	vld [tilespmem:s7+$0x0];
	s9 =	sor.u32 s21, s23;
	v37 =	vadd.f32 $9.999999970e-07, v9;
	v33 =	vadd.f32 $-3.000000000e+00, v30;
	v5 =	vpop (erf);
	(erf) = vpow2.f32 v32  }
0x222: {  	s11 =	sor.u32 $0xD000, s1;
	s10 =	sor.u32 s21, s26;
	v19 =	vld [tilespmem:s9+$0x0];
	v39 =	vadd.f32 $9.999999970e-07, v11;
	v34 =	vmul.f32 $6.000000000e+00, v10;
	v35 =	vadd.f32 v4, v17  }
0x223: {  	[dreg:$0x1d] =	wrdreg s16;
	s16 =	sor.u32 s21, s11;
	s28 =	sor.u32 $0xD400, s1;
	v21 =	vld [tilespmem:s10+$0x0];
	v13 =	vadd.f32 $-3.000000000e+00, v13;
	v40 =	vadd.f32 $9.999999970e-07, v33;
	v6 =	vpop (erf);
	(erf) = vpow2.f32 v15  }
0x224: {  	v38 =	vld [tilespmem:s16+$0x0];
	s31 =	sor.u32 s21, s28;
	v10 =	vadd.f32 v5, v35;
	v22 =	vadd.f32 $-3.000000000e+00, v34;
	vm1 =	vle.f32 v20, v1  }
0x225: {  	v23 =	vld [tilespmem:s31+$0x0];
	v41 =	vadd.f32 $9.999999970e-07, v13;
	vm0 =	vle.f32 v37, v1;
	v24 =	vsel vm1, v18, v16  }
0x226: {  	vm2 =	vle.f32 v39, v1;
	v10 =	vadd.f32 v6, v10;
	v24 =	vsel vm0, v36, v24  }
0x227: {  	vm3 =	vle.f32 v40, v1;
	v25 =	vadd.f32 $9.999999970e-07, v22;
	v24 =	vsel vm2, v19, v24  }
0x228: {  	vm5 =	vle.f32 v41, v1;
	v42 =	vsel vm3, v21, v24;
	v8 =	vpop (erf)  }
0x229: {  	vm4 =	vle.f32 v25, v1;
	v20 =	vsel vm5, v38, v42;
	v43 =	vadd.f32 v8, v10  }
0x22a: {  	v20 =	vsel vm4, v23, v20;
	v10 =	vpop (erf)  }
0x22b: {  	v14 =	vmul.f32 $6.000000000e+00, v14;
	v44 =	vand.u32 $0x7FFFFFFF, v20;
	v24 =	vadd.f32 v10, v43  }
0x22c: {  	v25 =	vsub.f32 $0.0e+00, v44;
	v26 =	vpop (erf)  }
0x22d: {  	v14 =	vadd.f32 $-3.000000000e+00, v14;
	v24 =	vadd.f32 v26, v24  }
0x22e: {  	v25 =	vmul.f32 $1.442695020e+00, v25  }
0x22f: {  	v45 =	vadd.f32 $9.999999970e-07, v14;
	(erf) = vrcp.f32 v24  }
0x230: {  	(erf) = vpow2.f32 v25  }
0x231: {  	vm6 =	vle.f32 v45, v1  }
0x232: {  	v16 =	vsel vm6, v18, v16  }
0x233: {  	v16 =	vsel vm1, v36, v16  }
0x234: {  	v16 =	vsel vm0, v19, v16  }
0x235: {  	v16 =	vsel vm2, v21, v16  }
0x236: {  	v15 =	vsel vm3, v38, v16  }
0x237: {  	v15 =	vsel vm5, v23, v15  }
0x238: {  	v47 =	vand.u32 $0x7FFFFFFF, v15;
	v46 =	vpop (erf)  }
0x239: {  	v17 =	vsub.f32 $0.0e+00, v47;
	v48 =	vpop (erf)  }
0x23a: {  	v49 =	vadd.f32 $2.000000000e+00, v48  }
0x23b: {  	v17 =	vmul.f32 $1.442695020e+00, v17  }
0x23c: {  	(erf) = vrcp.f32 v49  }
0x23d: {  	(erf) = vpow2.f32 v17;
	_ =	sdelay $0x7  }
0x23e: {  	v50 =	vpop (erf)  }
0x23f: {  	v51 =	vpop (erf)  }
0x240: {  	v52 =	vadd.f32 $2.000000000e+00, v51;
	_ =	sdelay $0x1  }
0x241: {  	(erf) = vrcp.f32 v52;
	_ =	sdelay $0x3  }
0x242: {  	s10 =	sor.u32 $0xD800, s1  }
0x243: {  	s4 =	sor.u32 s21, s10;
	s31 =	sor.u32 $0xDC00, s1  }
0x244: {  	s9 =	sor.u32 $0xE000, s1;
	v53 =	vld [tilespmem:s4+$0x0];
	s5 =	sor.u32 s21, s31  }
0x245: {  	s7 =	sor.u32 $0xE400, s1;
	s6 =	sor.u32 s21, s9;
	v54 =	vld [tilespmem:s5+$0x0]  }
0x246: {  	s16 =	sor.u32 s21, s7;
	v55 =	vld [tilespmem:s6+$0x0];
	s6 =	sor.u32 $0xE800, s1  }
0x247: {  	v56 =	vld [tilespmem:s16+$0x0];
	s4 =	sor.u32 s21, s6;
	s5 =	sor.u32 $0xEC00, s1;
	v57 =	vpop (erf)  }
0x248: {  	v27 =	vld [tilespmem:s4+$0x0];
	s4 =	sor.u32 $0xF000, s1;
	s16 =	sor.u32 s21, s5;
	v19 =	vmul.f32 v57, v51  }
0x249: {  	s2 =	sor.u32 $0xF400, s1;
	v58 =	vld [tilespmem:s16+$0x0];
	s16 =	sor.u32 s21, s4  }
0x24a: {  	v28 =	vld [tilespmem:s16+$0x0];
	s16 =	sor.u32 s21, s2;
	v21 =	vsel vm6, v54, v53;
	v29 =	vmul.f32 v19, v19  }
0x24b: {  	v59 =	vld [tilespmem:s16+$0x0];
	v21 =	vsel vm1, v55, v21  }
0x24c: {  	v21 =	vsel vm0, v56, v21;
	v60 =	vmul.f32 $1.111111120e-01, v29  }
0x24d: {  	v21 =	vsel vm2, v27, v21  }
0x24e: {  	v21 =	vsel vm3, v58, v21;
	v24 =	vadd.f32 $1.428571490e-01, v60  }
0x24f: {  	v21 =	vsel vm5, v28, v21  }
0x250: {  	v21 =	vsel vm4, v59, v21;
	v24 =	vmul.f32 v24, v29  }
0x251: {  	v21 =	vsub.f32 $0.0e+00, v21;
	v17 =	vmul.f32 v50, v48  }
0x252: {  	v61 =	vadd.f32 $2.000000030e-01, v24  }
0x253: {  	v21 =	vmul.f32 $1.442695020e+00, v21;
	v63 =	vmul.f32 v17, v17  }
0x254: {  	v18 =	vmul.f32 v61, v29  }
0x255: {  	(erf) = vpow2.f32 v21;
	v27 =	vmul.f32 $1.111111120e-01, v63  }
0x256: {  	v18 =	vadd.f32 $3.333333430e-01, v18  }
0x257: {  	v62 =	vnsel vm6, $0xC0400000, v14;
	v28 =	vadd.f32 $1.428571490e-01, v27  }
0x258: {  	v23 =	vsel vm1, v7, v62;
	v7 =	vsel vm6, v7, v14;
	v30 =	vmul.f32 v18, v29  }
0x259: {  	v7 =	vsel vm1, v9, v7;
	v26 =	vsel vm0, v9, v23;
	v9 =	vmul.f32 v28, v63  }
0x25a: {  	v7 =	vsel vm0, v11, v7;
	v32 =	vadd.f32 v19, v19;
	v14 =	vadd.f32 $1.000000000e+00, v30  }
0x25b: {  	v34 =	vmax.f32 v15, $0.0e+00;
	v7 =	vsel vm2, v33, v7;
	v9 =	vadd.f32 $2.000000030e-01, v9  }
0x25c: {  	v7 =	vsel vm3, v13, v7;
	v21 =	vsel vm2, v11, v26;
	v11 =	vmul.f32 v14, v32  }
0x25d: {  	v7 =	vsel vm5, v22, v7;
	v31 =	vsel vm3, v33, v21;
	v9 =	vmul.f32 v9, v63  }
0x25e: {  	v7 =	vsel vm4, $0x40400000, v7;
	v35 =	vpop (erf);
	v18 =	vsel vm5, v13, v31;
	v11 =	vadd.f32 v11, v34  }
0x25f: {  	v9 =	vadd.f32 $3.333333430e-01, v9;
	v13 =	vadd.f32 $1.000000000e+00, v35;
	v33 =	vsel vm4, v22, v18  }
0x260: {  	v7 =	vsub.f32 v7, v33;
	v11 =	vadd.f32 $1.000000050e-03, v11  }
0x261: {  	(erf) = vrcp.f32 v13  }
0x262: {  	v9 =	vmul.f32 v9, v63;
	(erf) = vrcp.f32 v7;
	v11 =	vsel vm4, $0x3F7FBE77, v11  }
0x263: {  	(erf) = vrcp.f32 v11  }
0x264: {  	v36 =	vadd.f32 v17, v17;
	v9 =	vadd.f32 $1.000000000e+00, v9;
	_ =	sdelay $0x1  }
0x265: {  	v9 =	vmul.f32 v9, v36  }
0x266: {  	v37 =	vmax.f32 v20, $0.0e+00  }
0x267: {  	v9 =	vadd.f32 v9, v37;
	_ =	sdelay $0x1  }
0x268: {  	v9 =	vadd.f32 $1.000000050e-03, v9;
	v38 =	vpop (erf)  }
0x269: {  	v39 =	vpop (erf)  }
0x26a: {  	v9 =	vnsel vm6, $0x3F7FBE77, v9;
	v40 =	vpop (erf)  }
0x26b: {  	v15 =	vmul.f32 v40, v9;
	_ =	sdelay $0x1  }
0x26c: {  	v41 =	vshra.s32 v15, $0x1;
	v42 =	vmul.f32 $5.000000000e-01, v15  }
0x26d: {  	v16 =	vmul.f32 $9.919999830e-01, v46;
	v17 =	vsub.s32 $0x5F3759DF, v41  }
0x26e: {  	v43 =	vmul.f32 v17, v42  }
0x26f: {  	v2 =	vmul.f32 v16, v2;
	v3 =	vmul.f32 v16, v3  }
0x270: {  	v19 =	vmul.f32 v17, v43  }
0x271: {  	v4 =	vmul.f32 v16, v4;
	v2 =	vadd.f32 $1.000000050e-03, v2;
	v3 =	vadd.f32 $1.000000050e-03, v3  }
0x272: {  	v19 =	vsub.f32 $1.500000000e+00, v19  }
0x273: {  	v5 =	vmul.f32 v16, v5;
	v4 =	vadd.f32 $1.000000050e-03, v4;
	v3 =	vadd.f32 v3, v2  }
0x274: {  	v6 =	vmul.f32 v16, v6;
	v17 =	vmul.f32 v17, v19  }
0x275: {  	v8 =	vmul.f32 v16, v8;
	v5 =	vadd.f32 $1.000000050e-03, v5;
	v4 =	vadd.f32 v3, v4  }
0x276: {  	v6 =	vadd.f32 $1.000000050e-03, v6;
	v2 =	vmul.f32 $6.000000000e+00, v2;
	v44 =	vmul.f32 v17, v42  }
0x277: {  	v10 =	vmul.f32 v16, v10;
	v8 =	vadd.f32 $1.000000050e-03, v8;
	v5 =	vadd.f32 v4, v5  }
0x278: {  	v2 =	vadd.f32 $-3.000000000e+00, v2;
	v3 =	vmul.f32 $6.000000000e+00, v3;
	v16 =	vmul.f32 v44, v17  }
0x279: {  	v10 =	vadd.f32 $1.000000050e-03, v10;
	v4 =	vmul.f32 $6.000000000e+00, v4;
	v6 =	vadd.f32 v5, v6  }
0x27a: {  	v3 =	vadd.f32 $-3.000000000e+00, v3;
	v47 =	vnsel vm6, $0xC0400000, v2;
	v16 =	vsub.f32 $1.500000000e+00, v16  }
0x27b: {  	v5 =	vmul.f32 $6.000000000e+00, v5;
	v4 =	vadd.f32 $-3.000000000e+00, v4;
	v8 =	vadd.f32 v6, v8  }
0x27c: {  	v2 =	vsel vm6, v3, v2;
	v6 =	vmul.f32 $6.000000000e+00, v6;
	v16 =	vmul.f32 v16, v17  }
0x27d: {  	v5 =	vadd.f32 $-3.000000000e+00, v5;
	v45 =	vmul.f32 $6.000000000e+00, v8;
	v8 =	vadd.f32 v8, v10  }
0x27e: {  	v2 =	vsel vm1, v4, v2;
	v18 =	vmul.f32 v16, v42  }
0x27f: {  	v6 =	vadd.f32 $-3.000000000e+00, v6;
	v2 =	vsel vm0, v5, v2;
	v8 =	vmul.f32 $6.000000000e+00, v8  }
0x280: {  	v46 =	vadd.f32 $-3.000000000e+00, v45;
	v17 =	vsel vm1, v3, v47;
	v48 =	vmul.f32 v18, v16  }
0x281: {  	v2 =	vsel vm2, v6, v2;
	v8 =	vadd.f32 $-3.000000000e+00, v8;
	v3 =	vsel vm0, v4, v17  }
0x282: {  	v2 =	vsel vm3, v46, v2;
	v3 =	vsel vm2, v5, v3;
	v4 =	vsub.f32 $1.500000000e+00, v48  }
0x283: {  	v2 =	vsel vm5, v8, v2;
	v3 =	vsel vm3, v6, v3  }
0x284: {  	v49 =	vmul.f32 $9.499999880e-01, v38;
	v3 =	vsel vm5, v46, v3;
	v4 =	vmul.f32 v4, v16  }
0x285: {  	v2 =	vsel vm4, $0x40400000, v2;
	v3 =	vsel vm4, v8, v3  }
0x286: {  	v5 =	vadd.f32 $2.500000040e-02, v49;
	v50 =	vsub.f32 v2, v3;
	v4 =	vmul.f32 v4, v15;
	_ =	sdelay $0x1  }
0x287: {  	(erf) = vrcp.f32 v50;
	v51 =	vmul.f32 v4, v5;
	_ =	sdelay $0x1  }
0x288: {  	v52 =	vsub.f32 v4, v51;
	_ =	sdelay $0x1  }
0x289: {  	v9 =	vmul.f32 v9, v5;
	v53 =	vmul.f32 v52, v11;
	_ =	sdelay $0x1  }
0x28a: {  	v54 =	vsub.f32 $1.000000000e+00, v5;
	v9 =	vadd.f32 v53, v9  }
0x28b: {  	v12 =	vsub.f32 v1, v33  }
0x28c: {  	v56 =	vadd.f32 v51, v54;
	v7 =	vmul.f32 v9, v7  }
0x28d: {  	v57 =	vmul.f32 v39, v12;
	v55 =	vpop (erf)  }
0x28e: {  	(erf) = vrcp.f32 v56;
	v7 =	vmul.f32 v7, v55;
	_ =	sdelay $0x1  }
0x28f: {  	v58 =	vsub.f32 v5, v57;
	v12 =	vmul.f32 v7, v57;
	_ =	sdelay $0x1  }
0x290: {  	v15 =	vmul.f32 v4, v58;
	v59 =	vsub.f32 v7, v12  }
0x291: {  	v10 =	vmul.f32 v54, v3  }
0x292: {  	v8 =	vmul.f32 v51, v2;
	v12 =	vadd.f32 v12, v58;
	v13 =	vsub.f32 v59, v15  }
0x293: {  	vm10 =	vle.f32 v57, v5  }
0x294: {  	v8 =	vadd.f32 v8, v10;
	v60 =	vsel vm10, v12, v13  }
0x295: {  	v61 =	vpop (erf);
	v13 =	vmul.f32 v60, v60  }
0x296: {  	v8 =	vmul.f32 v61, v8;
	(erf) = vrcp.f32 v60  }
0x297: {  	(erf) = vrcp.f32 v13  }
0x298: {  	v62 =	vsub.f32 v8, v3;
	v12 =	vsub.f32 v2, v8;
	_ =	sdelay $0x1  }
0x299: {  	v5 =	vmul.f32 v62, v5;
	v6 =	vmul.f32 v12, v52;
	_ =	sdelay $0x1  }
0x29a: {  	v5 =	vsel vm10, v5, v6  }
0x29b: {  	v5 =	vmul.f32 v5, v7;
	_ =	sdelay $0x1  }
0x29c: {  	v5 =	vmul.f32 v5, v39;
	v63 =	vpop (erf)  }
0x29d: {  	v16 =	vpop (erf)  }
0x29e: {  	v5 =	vmul.f32 v16, v5;
	_ =	sdelay $0x1  }
0x29f: {  	v10 =	vand.u32 $0x7FFFFF, v5  }
0x2a0: {  	v10 =	vor.u32 $0x3F800000, v10  }
0x2a1: {  	v17 =	vmul.f32 $5.000000000e-01, v10  }
0x2a2: {  	vm11 =	vgt.f32 v10, $1.414213540e+00  }
0x2a3: {  	v10 =	vsel vm11, v17, v10  }
0x2a4: {  	v12 =	vadd.f32 $1.000000000e+00, v10;
	_ =	sdelay $0x1  }
0x2a5: {  	(erf) = vrcp.f32 v12;
	_ =	sdelay $0x7  }
0x2a6: {  	v10 =	vadd.f32 $-1.000000000e+00, v10  }
0x2a7: {  	v12 =	vpop (erf)  }
0x2a8: {  	v10 =	vmul.f32 v12, v10;
	_ =	sdelay $0x1  }
0x2a9: {  	v12 =	vmul.f32 v10, v10;
	_ =	sdelay $0x1  }
0x2aa: {  	v18 =	vmul.f32 $1.111111120e-01, v12;
	_ =	sdelay $0x1  }
0x2ab: {  	v13 =	vadd.f32 $1.428571490e-01, v18;
	_ =	sdelay $0x1  }
0x2ac: {  	v13 =	vmul.f32 v13, v12;
	_ =	sdelay $0x1  }
0x2ad: {  	v13 =	vadd.f32 $2.000000030e-01, v13  }
0x2ae: {  	v7 =	vmul.f32 v7, v8  }
0x2af: {  	v19 =	vmul.f32 v13, v12  }
0x2b0: {  	v2 =	vmul.f32 v4, v2;
	v9 =	vmul.f32 v7, v57  }
0x2b1: {  	v3 =	vmul.f32 v58, v3;
	v20 =	vadd.f32 $3.333333430e-01, v19  }
0x2b2: {  	v2 =	vmul.f32 v2, v58;
	v7 =	vsub.f32 v7, v9;
	v5 =	vshrl.u32 v5, $0x17  }
0x2b3: {  	v5 =	vand.u32 $0xFF, v5;
	v21 =	vsel vm11, $0xFFFFFF82, v0;
	v4 =	vmul.f32 v20, v12  }
0x2b4: {  	v3 =	vadd.f32 v9, v3;
	v2 =	vsub.f32 v7, v2;
	v5 =	vadd.s32 v5, v21  }
0x2b5: {  	v5 =	vcvt.s32.f32 v5;
	v22 =	vadd.f32 v10, v10;
	v4 =	vadd.f32 $1.000000000e+00, v4;
	_ =	sdelay $0x1  }
0x2b6: {  	v2 =	vsel vm10, v3, v2;
	v3 =	vmul.f32 $6.931471820e-01, v5;
	v4 =	vmul.f32 v4, v22  }
0x2b7: {  	v23 =	vand.u32 $0x7FFFFFFF, v1;
	v2 =	vmul.f32 v63, v2  }
0x2b8: {  	vm12 =	vgt.f32 v23, $3.000000000e+00;
	v3 =	vadd.f32 v4, v3  }
0x2b9: {  	v1 =	vsel vm12, v1, v2  }
0x2ba: {  	s21 =	sor.u32 $0x10, s21;
	[tilespmem:s0+$0x0] =	vst v1;
	v2 =	vsel vm12, $0x0, v3  }
0x2bb: {  	s1 =	sor.u32 s1, s21;
	s16 =	rddreg [dreg:$0x13];
	[tilespmem:s30+$0x0] =	vst v2  }
0x2bc: {  	s16 =	sor.u32 s21, s16;
	v1 =	vld [tilespmem:s1+$0x7C00]  }
0x2bd: {  	v2 =	vld [tilespmem:s16+$0x0];
	s16 =	rddreg [dreg:$0x15]  }
0x2be: {  	s16 =	sor.u32 s21, s16  }
0x2bf: {  	v3 =	vld [tilespmem:s16+$0x0];
	s16 =	rddreg [dreg:$0x17]  }
0x2c0: {  	s16 =	sor.u32 s21, s16  }
0x2c1: {  	v24 =	vld [tilespmem:s16+$0x0];
	s16 =	rddreg [dreg:$0x19];
	v1 =	vmul.f32 $1.442695020e+00, v1  }
0x2c2: {  	s16 =	sor.u32 s21, s16;
	v2 =	vmul.f32 $1.442695020e+00, v2  }
0x2c3: {  	v25 =	vld [tilespmem:s16+$0x0];
	s16 =	rddreg [dreg:$0x1b];
	(erf) = vpow2.f32 v1  }
0x2c4: {  	s16 =	sor.u32 s21, s16;
	v1 =	vmul.f32 $1.442695020e+00, v3;
	(erf) = vpow2.f32 v2  }
0x2c5: {  	v2 =	vld [tilespmem:s16+$0x0];
	s16 =	rddreg [dreg:$0x1d]  }
0x2c6: {  	s16 =	sor.u32 s21, s16;
	(erf) = vpow2.f32 v1;
	v1 =	vmul.f32 $1.442695020e+00, v24  }
0x2c7: {  	v3 =	vld [tilespmem:s16+$0x0];
	s16 =	rddreg [dreg:$0x1f]  }
0x2c8: {  	s16 =	sor.u32 s21, s16;
	(erf) = vpow2.f32 v1;
	v1 =	vmul.f32 $1.442695020e+00, v25  }
0x2c9: {  	v26 =	vld [tilespmem:s16+$0x0]  }
0x2ca: {  	(erf) = vpow2.f32 v1;
	v1 =	vmul.f32 $1.442695020e+00, v2;
	_ =	sdelay $0x1  }
0x2cb: {  	v2 =	vpop (erf);
	(erf) = vpow2.f32 v1;
	v1 =	vmul.f32 $1.442695020e+00, v3  }
0x2cc: {  	v3 =	vpop (erf)  }
0x2cd: {  	(erf) = vpow2.f32 v1;
	v1 =	vmul.f32 $1.442695020e+00, v26;
	v27 =	vadd.f32 v3, v2  }
0x2ce: {  	v28 =	vpop (erf)  }
0x2cf: {  	(erf) = vpow2.f32 v1;
	v1 =	vadd.f32 v28, v27  }
0x2d0: {  	v29 =	vpop (erf)  }
0x2d1: {  	v1 =	vadd.f32 v29, v1  }
0x2d2: {  	v30 =	vpop (erf)  }
0x2d3: {  	v1 =	vadd.f32 v30, v1  }
0x2d4: {  	v31 =	vpop (erf)  }
0x2d5: {  	v1 =	vadd.f32 v31, v1  }
0x2d6: {  	v32 =	vpop (erf)  }
0x2d7: {  	v1 =	vadd.f32 v32, v1  }
0x2d8: {  	v33 =	vpop (erf)  }
0x2d9: {  	v1 =	vadd.f32 v33, v1;
	_ =	sdelay $0x1  }
0x2da: {  	(erf) = vrcp.f32 v1;
	_ =	sdelay $0x3  }
0x2db: {  	s12 =	sor.u32 s21, s12  }
0x2dc: {  	s25 =	sor.u32 s21, s25;
	v43 =	vld [tilespmem:s12+$0x0]  }
0x2dd: {  	v1 =	vld [tilespmem:s25+$0x0];
	_ =	sdelay $0x2  }
0x2de: {  	s29 =	sor.u32 s21, s29;
	v35 =	vpop (erf)  }
0x2df: {  	v34 =	vld [tilespmem:s29+$0x0];
	v10 =	vmul.f32 $9.919999830e-01, v35  }
0x2e0: {  	s24 =	sor.u32 s21, s24;
	v51 =	vmul.f32 $1.442695020e+00, v43;
	v1 =	vmul.f32 $1.442695020e+00, v1  }
0x2e1: {  	v36 =	vld [tilespmem:s24+$0x0];
	v2 =	vmul.f32 v10, v2;
	v3 =	vmul.f32 v10, v3  }
0x2e2: {  	s25 =	sor.u32 s21, s17;
	(erf) = vpow2.f32 v1;
	v5 =	vmul.f32 v10, v28  }
0x2e3: {  	v37 =	vld [tilespmem:s25+$0x0];
	v4 =	vmul.f32 v10, v29;
	v38 =	vadd.f32 $1.000000050e-03, v2;
	v2 =	vadd.f32 $1.000000050e-03, v3  }
0x2e4: {  	s29 =	sor.u32 s21, s20;
	v40 =	vmul.f32 v10, v30;
	v3 =	vmul.f32 $1.442695020e+00, v34  }
0x2e5: {  	v39 =	vld [tilespmem:s29+$0x0];
	s17 =	sor.u32 s21, s18;
	v41 =	vmul.f32 v10, v31;
	v5 =	vadd.f32 $1.000000050e-03, v5;
	v1 =	vadd.f32 v2, v38  }
0x2e6: {  	v42 =	vld [tilespmem:s17+$0x0];
	(erf) = vpow2.f32 v3;
	v2 =	vmul.f32 $1.442695020e+00, v36  }
0x2e7: {  	v8 =	vmul.f32 v10, v32;
	v3 =	vadd.f32 $1.000000050e-03, v4;
	v5 =	vadd.f32 v1, v5  }
0x2e8: {  	(erf) = vpow2.f32 v2;
	v2 =	vmul.f32 $1.442695020e+00, v37  }
0x2e9: {  	v4 =	vadd.f32 $1.000000050e-03, v40;
	v1 =	vmul.f32 $6.000000000e+00, v1;
	v3 =	vadd.f32 v5, v3  }
0x2ea: {  	s18 =	sor.u32 s21, s14;
	(erf) = vpow2.f32 v2;
	v2 =	vmul.f32 $1.442695020e+00, v39  }
0x2eb: {  	v44 =	vld [tilespmem:s18+$0x0];
	v47 =	vmul.f32 $1.442695020e+00, v42;
	v6 =	vadd.f32 $1.000000050e-03, v41;
	v4 =	vadd.f32 v3, v4  }
0x2ec: {  	v8 =	vadd.f32 $1.000000050e-03, v8;
	v5 =	vmul.f32 $6.000000000e+00, v5;
	v9 =	vadd.f32 $-3.000000000e+00, v1  }
0x2ed: {  	s22 =	sor.u32 s21, s22;
	(erf) = vpow2.f32 v2;
	v45 =	vmul.f32 $6.000000000e+00, v3;
	v1 =	vadd.f32 v4, v6  }
0x2ee: {  	v52 =	vld [tilespmem:s22+$0x0];
	v10 =	vadd.f32 $-3.000000000e+00, v5;
	v56 =	vadd.f32 $9.999999970e-07, v9;
	v2 =	vpop (erf);
	v46 =	vmul.f32 $6.000000000e+00, v4  }
0x2ef: {  	s20 =	sor.u32 s21, s13;
	(erf) = vpow2.f32 v47;
	v3 =	vpop (erf);
	v49 =	vmul.f32 $6.000000000e+00, v1;
	v8 =	vadd.f32 v1, v8;
	v1 =	vld [tilespmem:s1+$0xFC00]  }
0x2f0: {  	s24 =	sor.u32 s21, s15;
	v48 =	vld [tilespmem:s20+$0x0];
	v54 =	vmul.f32 $1.442695020e+00, v44;
	v14 =	vadd.f32 $-3.000000000e+00, v45;
	v50 =	vadd.f32 v3, v2  }
0x2f1: {  	v53 =	vld [tilespmem:s24+$0x0];
	s25 =	sor.u32 s21, s23;
	v58 =	vadd.f32 $9.999999970e-07, v10;
	(erf) = vpow2.f32 v51;
	v17 =	vadd.f32 $-3.000000000e+00, v46;
	v4 =	vpop (erf)  }
0x2f2: {  	s26 =	sor.u32 s21, s26;
	v55 =	vld [tilespmem:s25+$0x0];
	v61 =	vadd.f32 $9.999999970e-07, v14;
	v8 =	vmul.f32 $6.000000000e+00, v8;
	v16 =	vadd.f32 v4, v50  }
0x2f3: {  	s11 =	sor.u32 s21, s11;
	v57 =	vld [tilespmem:s26+$0x0];
	(erf) = vpow2.f32 v54;
	v19 =	vadd.f32 $-3.000000000e+00, v49;
	v63 =	vadd.f32 $9.999999970e-07, v17;
	v5 =	vpop (erf)  }
0x2f4: {  	v59 =	vld [tilespmem:s11+$0x0];
	s29 =	sor.u32 s21, s28;
	v16 =	vadd.f32 v5, v16;
	v22 =	vadd.f32 $-3.000000000e+00, v8;
	vm13 =	vle.f32 v56, v1  }
0x2f5: {  	v62 =	vld [tilespmem:s29+$0x0];
	v29 =	vadd.f32 $9.999999970e-07, v19;
	vm14 =	vle.f32 v58, v1;
	v28 =	vsel vm13, v52, v48  }
0x2f6: {  	v6 =	vpop (erf);
	vm15 =	vle.f32 v61, v1;
	vm9 =	vle.f32 v63, v1;
	v24 =	vsel vm14, v53, v28  }
0x2f7: {  	v60 =	vadd.f32 v6, v16;
	v30 =	vadd.f32 $9.999999970e-07, v22;
	v24 =	vsel vm15, v55, v24  }
0x2f8: {  	vm10 =	vle.f32 v29, v1;
	v7 =	vpop (erf);
	v31 =	vsel vm9, v57, v24  }
0x2f9: {  	v32 =	vadd.f32 v7, v60;
	vm11 =	vle.f32 v30, v1;
	v16 =	vsel vm10, v59, v31  }
0x2fa: {  	v33 =	vpop (erf);
	v16 =	vsel vm11, v62, v16  }
0x2fb: {  	v13 =	vmul.f32 $6.000000000e+00, v38;
	v24 =	vadd.f32 v33, v32;
	v34 =	vand.u32 $0x7FFFFFFF, v16  }
0x2fc: {  	v35 =	vpop (erf);
	v25 =	vsub.f32 $0.0e+00, v34  }
0x2fd: {  	v13 =	vadd.f32 $-3.000000000e+00, v13;
	v24 =	vadd.f32 v35, v24  }
0x2fe: {  	v25 =	vmul.f32 $1.442695020e+00, v25  }
0x2ff: {  	v36 =	vadd.f32 $9.999999970e-07, v13;
	(erf) = vrcp.f32 v24  }
0x300: {  	(erf) = vpow2.f32 v25  }
0x301: {  	vm12 =	vle.f32 v36, v1  }
0x302: {  	v11 =	vsel vm12, v52, v48  }
0x303: {  	v11 =	vsel vm13, v53, v11  }
0x304: {  	v11 =	vsel vm14, v55, v11  }
0x305: {  	v11 =	vsel vm15, v57, v11  }
0x306: {  	v11 =	vsel vm9, v59, v11  }
0x307: {  	v11 =	vsel vm10, v62, v11  }
0x308: {  	v38 =	vand.u32 $0x7FFFFFFF, v11;
	v37 =	vpop (erf)  }
0x309: {  	v15 =	vsub.f32 $0.0e+00, v38;
	v39 =	vpop (erf)  }
0x30a: {  	v40 =	vadd.f32 $2.000000000e+00, v39  }
0x30b: {  	v15 =	vmul.f32 $1.442695020e+00, v15  }
0x30c: {  	(erf) = vrcp.f32 v40  }
0x30d: {  	(erf) = vpow2.f32 v15;
	_ =	sdelay $0x7  }
0x30e: {  	v41 =	vpop (erf)  }
0x30f: {  	v42 =	vpop (erf)  }
0x310: {  	v43 =	vadd.f32 $2.000000000e+00, v42;
	_ =	sdelay $0x1  }
0x311: {  	(erf) = vrcp.f32 v43;
	_ =	sdelay $0x4  }
0x312: {  	s10 =	sor.u32 s21, s10  }
0x313: {  	s31 =	sor.u32 s21, s31;
	v44 =	vld [tilespmem:s10+$0x0]  }
0x314: {  	s9 =	sor.u32 s21, s9;
	v45 =	vld [tilespmem:s31+$0x0]  }
0x315: {  	s7 =	sor.u32 s21, s7;
	v46 =	vld [tilespmem:s9+$0x0]  }
0x316: {  	s6 =	sor.u32 s21, s6;
	v47 =	vld [tilespmem:s7+$0x0];
	v48 =	vpop (erf)  }
0x317: {  	s5 =	sor.u32 s21, s5;
	v49 =	vld [tilespmem:s6+$0x0];
	v20 =	vmul.f32 v48, v42  }
0x318: {  	s4 =	sor.u32 s21, s4;
	v50 =	vld [tilespmem:s5+$0x0]  }
0x319: {  	s2 =	sor.u32 s21, s2;
	v51 =	vld [tilespmem:s4+$0x0];
	v21 =	vsel vm12, v45, v44;
	v52 =	vmul.f32 v20, v20  }
0x31a: {  	v53 =	vld [tilespmem:s2+$0x0];
	v21 =	vsel vm13, v46, v21  }
0x31b: {  	v21 =	vsel vm14, v47, v21;
	v54 =	vmul.f32 $1.111111120e-01, v52  }
0x31c: {  	v21 =	vsel vm15, v49, v21  }
0x31d: {  	v21 =	vsel vm9, v50, v21;
	v24 =	vadd.f32 $1.428571490e-01, v54  }
0x31e: {  	v21 =	vsel vm10, v51, v21  }
0x31f: {  	v21 =	vsel vm11, v53, v21;
	v24 =	vmul.f32 v24, v52  }
0x320: {  	v21 =	vsub.f32 $0.0e+00, v21;
	v15 =	vmul.f32 v41, v39  }
0x321: {  	v55 =	vadd.f32 $2.000000030e-01, v24  }
0x322: {  	v21 =	vmul.f32 $1.442695020e+00, v21;
	v57 =	vmul.f32 v15, v15  }
0x323: {  	v18 =	vmul.f32 v55, v52  }
0x324: {  	(erf) = vpow2.f32 v21;
	v59 =	vmul.f32 $1.111111120e-01, v57  }
0x325: {  	v56 =	vnsel vm12, $0xC0400000, v13;
	v18 =	vadd.f32 $3.333333430e-01, v18  }
0x326: {  	v23 =	vsel vm13, v9, v56;
	v9 =	vsel vm12, v9, v13;
	v60 =	vadd.f32 $1.428571490e-01, v59  }
0x327: {  	v9 =	vsel vm13, v10, v9;
	v61 =	vmul.f32 v18, v52  }
0x328: {  	v58 =	vsel vm14, v10, v23;
	v9 =	vsel vm14, v14, v9;
	v10 =	vmul.f32 v60, v57  }
0x329: {  	v9 =	vsel vm15, v17, v9;
	v63 =	vadd.f32 v20, v20;
	v13 =	vadd.f32 $1.000000000e+00, v61  }
0x32a: {  	v9 =	vsel vm9, v19, v9;
	v10 =	vadd.f32 $2.000000030e-01, v10  }
0x32b: {  	v9 =	vsel vm10, v22, v9;
	v21 =	vsel vm15, v14, v58;
	v13 =	vmul.f32 v13, v63  }
0x32c: {  	v11 =	vmax.f32 v11, $0.0e+00;
	v62 =	vsel vm9, v17, v21;
	v10 =	vmul.f32 v10, v57  }
0x32d: {  	v9 =	vsel vm11, $0x40400000, v9;
	v23 =	vpop (erf);
	v18 =	vsel vm10, v19, v62;
	v11 =	vadd.f32 v13, v11  }
0x32e: {  	v10 =	vadd.f32 $3.333333430e-01, v10;
	v21 =	vsel vm11, v22, v18;
	v13 =	vadd.f32 $1.000000000e+00, v23  }
0x32f: {  	v9 =	vsub.f32 v9, v21;
	v11 =	vadd.f32 $1.000000050e-03, v11  }
0x330: {  	(erf) = vrcp.f32 v13  }
0x331: {  	v10 =	vmul.f32 v10, v57;
	(erf) = vrcp.f32 v9;
	v11 =	vsel vm11, $0x3F7FBE77, v11  }
0x332: {  	(erf) = vrcp.f32 v11  }
0x333: {  	v25 =	vadd.f32 v15, v15;
	v10 =	vadd.f32 $1.000000000e+00, v10;
	_ =	sdelay $0x1  }
0x334: {  	v10 =	vmul.f32 v10, v25  }
0x335: {  	v26 =	vmax.f32 v16, $0.0e+00  }
0x336: {  	v10 =	vadd.f32 v10, v26;
	_ =	sdelay $0x1  }
0x337: {  	v10 =	vadd.f32 $1.000000050e-03, v10;
	v27 =	vpop (erf)  }
0x338: {  	v28 =	vpop (erf)  }
0x339: {  	v10 =	vnsel vm12, $0x3F7FBE77, v10;
	v29 =	vpop (erf)  }
0x33a: {  	v16 =	vmul.f32 v29, v10;
	_ =	sdelay $0x1  }
0x33b: {  	v30 =	vshra.s32 v16, $0x1;
	v31 =	vmul.f32 $5.000000000e-01, v16  }
0x33c: {  	v12 =	vmul.f32 $9.919999830e-01, v37;
	v17 =	vsub.s32 $0x5F3759DF, v30  }
0x33d: {  	v32 =	vmul.f32 v17, v31  }
0x33e: {  	v2 =	vmul.f32 v12, v2;
	v3 =	vmul.f32 v12, v3  }
0x33f: {  	v19 =	vmul.f32 v17, v32  }
0x340: {  	v4 =	vmul.f32 v12, v4;
	v2 =	vadd.f32 $1.000000050e-03, v2;
	v3 =	vadd.f32 $1.000000050e-03, v3  }
0x341: {  	v5 =	vmul.f32 v12, v5;
	v19 =	vsub.f32 $1.500000000e+00, v19  }
0x342: {  	v6 =	vmul.f32 v12, v6;
	v4 =	vadd.f32 $1.000000050e-03, v4;
	v3 =	vadd.f32 v3, v2  }
0x343: {  	v7 =	vmul.f32 v12, v7;
	v17 =	vmul.f32 v17, v19  }
0x344: {  	v8 =	vmul.f32 v12, v33;
	v5 =	vadd.f32 $1.000000050e-03, v5;
	v4 =	vadd.f32 v3, v4  }
0x345: {  	v6 =	vadd.f32 $1.000000050e-03, v6;
	v2 =	vmul.f32 $6.000000000e+00, v2;
	v33 =	vmul.f32 v17, v31  }
0x346: {  	v7 =	vadd.f32 $1.000000050e-03, v7;
	v5 =	vadd.f32 v4, v5  }
0x347: {  	v2 =	vadd.f32 $-3.000000000e+00, v2;
	v3 =	vmul.f32 $6.000000000e+00, v3;
	v12 =	vmul.f32 v33, v17  }
0x348: {  	v8 =	vadd.f32 $1.000000050e-03, v8;
	v4 =	vmul.f32 $6.000000000e+00, v4;
	v6 =	vadd.f32 v5, v6  }
0x349: {  	v3 =	vadd.f32 $-3.000000000e+00, v3;
	v36 =	vnsel vm12, $0xC0400000, v2;
	v12 =	vsub.f32 $1.500000000e+00, v12  }
0x34a: {  	v5 =	vmul.f32 $6.000000000e+00, v5;
	v4 =	vadd.f32 $-3.000000000e+00, v4;
	v7 =	vadd.f32 v6, v7  }
0x34b: {  	v2 =	vsel vm12, v3, v2;
	v6 =	vmul.f32 $6.000000000e+00, v6;
	v12 =	vmul.f32 v12, v17  }
0x34c: {  	v5 =	vadd.f32 $-3.000000000e+00, v5;
	v34 =	vmul.f32 $6.000000000e+00, v7;
	v7 =	vadd.f32 v7, v8  }
0x34d: {  	v2 =	vsel vm13, v4, v2;
	v18 =	vmul.f32 v12, v31  }
0x34e: {  	v6 =	vadd.f32 $-3.000000000e+00, v6;
	v2 =	vsel vm14, v5, v2;
	v7 =	vmul.f32 $6.000000000e+00, v7  }
0x34f: {  	v35 =	vadd.f32 $-3.000000000e+00, v34;
	v17 =	vsel vm13, v3, v36;
	v37 =	vmul.f32 v18, v12  }
0x350: {  	v2 =	vsel vm15, v6, v2;
	v7 =	vadd.f32 $-3.000000000e+00, v7;
	v3 =	vsel vm14, v4, v17  }
0x351: {  	v2 =	vsel vm9, v35, v2;
	v3 =	vsel vm15, v5, v3;
	v4 =	vsub.f32 $1.500000000e+00, v37  }
0x352: {  	v2 =	vsel vm10, v7, v2;
	v3 =	vsel vm9, v6, v3  }
0x353: {  	v38 =	vmul.f32 $9.499999880e-01, v27;
	v3 =	vsel vm10, v35, v3;
	v4 =	vmul.f32 v4, v12  }
0x354: {  	v2 =	vsel vm11, $0x40400000, v2;
	v3 =	vsel vm11, v7, v3  }
0x355: {  	v5 =	vadd.f32 $2.500000040e-02, v38;
	v39 =	vsub.f32 v2, v3;
	v4 =	vmul.f32 v4, v16;
	_ =	sdelay $0x1  }
0x356: {  	(erf) = vrcp.f32 v39;
	v40 =	vmul.f32 v4, v5;
	_ =	sdelay $0x1  }
0x357: {  	v41 =	vsub.f32 v4, v40;
	_ =	sdelay $0x1  }
0x358: {  	v42 =	vmul.f32 v10, v5;
	v43 =	vmul.f32 v41, v11;
	_ =	sdelay $0x1  }
0x359: {  	v44 =	vsub.f32 $1.000000000e+00, v5;
	v8 =	vadd.f32 v43, v42  }
0x35a: {  	v47 =	vsub.f32 v1, v21  }
0x35b: {  	v46 =	vadd.f32 v40, v44;
	v8 =	vmul.f32 v8, v9  }
0x35c: {  	v48 =	vmul.f32 v28, v47;
	v45 =	vpop (erf)  }
0x35d: {  	(erf) = vrcp.f32 v46;
	v8 =	vmul.f32 v8, v45;
	_ =	sdelay $0x1  }
0x35e: {  	v49 =	vsub.f32 v5, v48;
	v12 =	vmul.f32 v8, v48;
	_ =	sdelay $0x1  }
0x35f: {  	v51 =	vmul.f32 v4, v49;
	v50 =	vsub.f32 v8, v12  }
0x360: {  	v10 =	vmul.f32 v44, v3  }
0x361: {  	v7 =	vmul.f32 v40, v2;
	v12 =	vadd.f32 v12, v49;
	v13 =	vsub.f32 v50, v51  }
0x362: {  	vm13 =	vle.f32 v48, v5  }
0x363: {  	v7 =	vadd.f32 v7, v10;
	v52 =	vsel vm13, v12, v13  }
0x364: {  	v53 =	vpop (erf);
	v13 =	vmul.f32 v52, v52  }
0x365: {  	v7 =	vmul.f32 v53, v7;
	(erf) = vrcp.f32 v52  }
0x366: {  	(erf) = vrcp.f32 v13  }
0x367: {  	v54 =	vsub.f32 v7, v3;
	v12 =	vsub.f32 v2, v7;
	_ =	sdelay $0x1  }
0x368: {  	v5 =	vmul.f32 v54, v5;
	v6 =	vmul.f32 v12, v41;
	_ =	sdelay $0x1  }
0x369: {  	v5 =	vsel vm13, v5, v6  }
0x36a: {  	v5 =	vmul.f32 v5, v8;
	_ =	sdelay $0x1  }
0x36b: {  	v5 =	vmul.f32 v5, v28;
	v55 =	vpop (erf)  }
0x36c: {  	v56 =	vpop (erf)  }
0x36d: {  	v5 =	vmul.f32 v56, v5;
	_ =	sdelay $0x1  }
0x36e: {  	v10 =	vand.u32 $0x7FFFFF, v5  }
0x36f: {  	v10 =	vor.u32 $0x3F800000, v10  }
0x370: {  	v57 =	vmul.f32 $5.000000000e-01, v10  }
0x371: {  	vm14 =	vgt.f32 v10, $1.414213540e+00  }
0x372: {  	v10 =	vsel vm14, v57, v10  }
0x373: {  	v12 =	vadd.f32 $1.000000000e+00, v10;
	_ =	sdelay $0x1  }
0x374: {  	(erf) = vrcp.f32 v12;
	_ =	sdelay $0x7  }
0x375: {  	v10 =	vadd.f32 $-1.000000000e+00, v10  }
0x376: {  	v12 =	vpop (erf)  }
0x377: {  	v10 =	vmul.f32 v12, v10;
	_ =	sdelay $0x1  }
0x378: {  	v12 =	vmul.f32 v10, v10;
	_ =	sdelay $0x1  }
0x379: {  	v58 =	vmul.f32 $1.111111120e-01, v12;
	_ =	sdelay $0x1  }
0x37a: {  	v13 =	vadd.f32 $1.428571490e-01, v58;
	_ =	sdelay $0x1  }
0x37b: {  	v13 =	vmul.f32 v13, v12;
	_ =	sdelay $0x1  }
0x37c: {  	v13 =	vadd.f32 $2.000000030e-01, v13  }
0x37d: {  	v7 =	vmul.f32 v8, v7  }
0x37e: {  	v59 =	vmul.f32 v13, v12  }
0x37f: {  	v2 =	vmul.f32 v4, v2;
	v9 =	vmul.f32 v7, v48  }
0x380: {  	v3 =	vmul.f32 v49, v3;
	v60 =	vadd.f32 $3.333333430e-01, v59  }
0x381: {  	v2 =	vmul.f32 v2, v49;
	v7 =	vsub.f32 v7, v9;
	v5 =	vshrl.u32 v5, $0x17  }
0x382: {  	v5 =	vand.u32 $0xFF, v5;
	v61 =	vsel vm14, $0xFFFFFF82, v0;
	v4 =	vmul.f32 v60, v12  }
0x383: {  	v3 =	vadd.f32 v9, v3;
	v2 =	vsub.f32 v7, v2;
	v5 =	vadd.s32 v5, v61  }
0x384: {  	v5 =	vcvt.s32.f32 v5;
	v62 =	vadd.f32 v10, v10;
	v4 =	vadd.f32 $1.000000000e+00, v4;
	_ =	sdelay $0x1  }
0x385: {  	p1 =	sne.s32 s3, $0x3E0;
	v2 =	vsel vm13, v3, v2;
	v3 =	vmul.f32 $6.931471820e-01, v5;
	v4 =	vmul.f32 v4, v62  }
.Ltmp1:
0x386: {  	v63 =	vand.u32 $0x7FFFFFFF, v1;
	v2 =	vmul.f32 v55, v2;
	(pc) =	sbr.rel @p1 .LBB2_5-.Ltmp1, $4  }
0x387: {  	vm15 =	vgt.f32 v63, $3.000000000e+00;
	v3 =	vadd.f32 v4, v3  }
0x388: {  	v1 =	vsel vm15, v1, v2  }
0x389: {  	s8 =	sadd.s32 $0x20, s8;
	s3 =	sadd.s32 $0x20, s3;
	[tilespmem:s1+$0x10800] =	vst v1;
	v2 =	vsel vm15, $0x0, v3  }
0x38a: {  	s19 =	sadd.s32 $0x20, s19;
	s0 =	sadd.s32 $0x20, s0;
	s30 =	sadd.s32 $0x20, s30;
	[tilespmem:s1+$0x10C00] =	vst v2  }
0x38b: {  	s0 =	rddreg [dreg:$0xd]  }
0x38c: {  	s1 =	rddreg [dreg:$0x10]  }
0x38d: {  	s29 =	rddreg [dreg:$0x2]  }
0x38e: {  	s7 =	simm.s32 $0x0;
	s2 =	simm.s32 $0x10800;
	s0 =	sor.u32 s0, s1  }
.Ltmp2:
0x38f: {  	s30 =	rddreg [dreg:$0x3];
	s0 =	sshrl.u32 s0, $0x3;
	(pc) =	sbr.rel @p0 .LBB2_2-.Ltmp2, $4  }
0x390: {  	s31 =	simm.s32 $0x10C00;
	p2 =	por $0x0, $0x0;
	s1 =	sadd.s32 s29, s0  }
0x391: {  	[hbm4b:s1+s7] =	stream.linear.scatter [tilespmem:s2], [sflag:$0x6], $0x400, $0x38;
	[tilespmem:$0x11000] =	vst v63  }
0x392: {  	p1 =	por $0x1, $0x1;
	s0 =	sadd.s32 s30, s0;
	s1 =	simm.s32 $0x2  }
0x393: {  	[hbm4b:s0+s7] =	stream.linear.scatter [tilespmem:s31], [sflag:$0x8], $0x400, $0x38;
	[tilespmem:$0x11000] =	vst v63  }
0x394: {  	s0 =	simm.s32 $0x5  }
0x395: {  	_ =	swait.ge [sflag:s0], $0x400  }
0x396: {  	[sflag:s0] =	ssyncset.done $0x0  }
0x397: {  	s29 =	simm.s32 $0x7;
	[sflag:s0] =	ssyncadd.s32 $0xFFFFFC00  }
0x398: {  	_ =	swait.ge [sflag:s29], $0x400  }
0x399: {  	[sflag:s29] =	ssyncset.done $0x0  }
0x39a: {  	s30 =	simm.s32 $0x6;
	[sflag:s29] =	ssyncadd.s32 $0xFFFFFC00  }
0x39b: {  	_ =	swait.ge [sflag:s30], $0x400  }
0x39c: {  	[sflag:s30] =	ssyncset.done $0x0  }
0x39d: {  	s1 =	simm.s32 $0x8;
	[sflag:s30] =	ssyncadd.s32 $0xFFFFFC00  }
0x39e: {  	_ =	swait.ge [sflag:s1], $0x400  }
0x39f: {  	s2 =	rddreg [dreg:$0xf]  }
0x3a0: {  	s31 =	rddreg [dreg:$0xe];
	s2 =	sadd.s32 $0x1, s2  }
0x3a1: {  	p0 =	sne.s32 s2, s31  }
.Ltmp3:
0x3a2: {  	_ = 	snop;
	(pc) =	sbr.rel @p0 .LBB2_1-.Ltmp3, $3  }
0x3a3: {  	_ =	sdelay $0x1  }
0x3a4: {  	[sflag:s1] =	ssyncset.done $0x0  }
0x3a5: {  	[sflag:s1] =	ssyncadd.s32 $0xFFFFFC00  }
0x3a6: {  	_ =	sfence.sel $0x180000  }
0x3a7: {  	[bflag:$0x0] =	sbarrier.arrive $0xFFFF  }
0x3a8: {  	_ =	strace $0x90000047  }
0x3a9: {  	s0 =	stileid.u32;
	[bflag:$0x2] =	sbarrier.arrive $0xFFFF  }
0x3aa: {  	p0 =	sne.s32 s0, $0x0;
	s0 =	rddreg [dreg:$0x4]  }
0x3ab: {  	s0 =	sadd.s32 @!p0 $0x100000, s0  }
0x3ac: {  	[sflag:s0] =	ssyncadd.tile.s32 @!p0 $0x1;
	_ =	shalt  }
.Lfunc_end2:
_tile_overlayer_lowered:
.L_overlay_start_2:
0x3ad: {  	(tag) =	ssettag $0x2  }
0x3ae: {  	s0 =	rddreg [dreg:$0x0];
	s2 =	stileid.u32  }
0x3af: {  	s1 =	rddreg [dreg:$0x1];
	p0 =	sne.s32 s2, $0x0  }
0x3b0: {  	s3 =	rddreg [dreg:$0x2];
	[bflag:$0x3] =	sbarrier.arrive $0xFFFF;
	s2 =	simm.s32 @!p0 $0x1C09  }
0x3b1: {  	[timem:s3], [sflag:s2] =	dma.local @!p0 [hbm:s0], s1  }
0x3b2: {  	s0 =	simm.s32 @!p0 $0x9  }
0x3b3: {  	_ =	swait.ge @!p0 [sflag:s0], s1  }
0x3b4: {  	s1 =	ssub.s32 @!p0 $0x0, s1;
	[sflag:s0] =	ssyncset.done @!p0 $0x0  }
0x3b5: {  	[sflag:s0] =	ssyncadd.s32 @!p0 s1  }
0x3b6: {  	[bflag:$0x3] =	sbarrier.arrive $0xFFFF  }
0x3b7: {  	_ =	shalt  }

</sc_bundles>
